<compile_context>
chip_gen: v7x
topology: tpu7x:2x2x1
jax: 0.10.2.dev20260603
libtpu: 0.0.44.dev20260713+nightly
codegen_flags: <defaults>
</compile_context>

<pallas_src>
import functools

import jax
import jax.numpy as jnp
from jax import lax
from jax.experimental import pallas as pl
from jax.experimental.pallas import tpu as pltpu
from jax.experimental.pallas import tpu_sc as plsc

D = 256
N = 100000
NCORES, NSUB = 2, 16
NW = NCORES * NSUB
ROWS_W = 3200
CHUNK = 64
NCHUNK = ROWS_W // CHUNK

DIMS_A = (119, 2, 2)
DIMS_B = (4, 12, 12)
DIMS_C = (10, 6, 6)
PAD_A = 480
OFF_B = 480
OFF_C = 480 + 576
TROWS = 480 + 576 + 360


def _build_body(t0, t1, t2, t3, t4, t5, t6, t7, t8, out_ref):
    def combo(tabs, dims, n_pad):
        acc = jnp.zeros((n_pad, D), jnp.float32)
        st = 1
        for d in dims:
            st *= d
        for t, d in zip(tabs, dims):
            st //= d
            r = (lax.broadcasted_iota(jnp.int32, (n_pad, d), 0) // st) % d
            c = lax.broadcasted_iota(jnp.int32, (n_pad, d), 1)
            oh = (r == c).astype(jnp.float32)
            acc = acc + jnp.dot(oh, t, preferred_element_type=jnp.float32,
                                precision=lax.Precision.HIGHEST)
        return acc

    out_ref[0:PAD_A, :] = combo([t0[...], t7[...], t8[...]], DIMS_A, PAD_A)
    out_ref[OFF_B:OFF_C, :] = combo([t1[...], t2[...], t3[...]], DIMS_B, 576)
    out_ref[OFF_C:TROWS, :] = combo([t4[...], t5[...], t6[...]], DIMS_C, 360)


def _build_tables(tables):
    return pl.pallas_call(
        _build_body,
        out_shape=jax.ShapeDtypeStruct((TROWS, D), jnp.float32),
    )(*tables)


_MESH = plsc.VectorSubcoreMesh(core_axis_name="c", subcore_axis_name="s")


@functools.partial(
    pl.kernel,
    out_type=jax.ShapeDtypeStruct((N, D), jnp.float32),
    mesh=_MESH,
    scratch_types=[
        [pltpu.VMEM((ROWS_W,), jnp.int32) for _ in range(9)],
        pltpu.VMEM((CHUNK,), jnp.int32),
        pltpu.VMEM((CHUNK,), jnp.int32),
        pltpu.VMEM((CHUNK,), jnp.int32),
        pltpu.VMEM((CHUNK,), jnp.int32),
        pltpu.VMEM((CHUNK,), jnp.int32),
        pltpu.VMEM((CHUNK,), jnp.int32),
        pltpu.VMEM((CHUNK, D), jnp.float32),
        pltpu.VMEM((CHUNK, D), jnp.float32),
        pltpu.VMEM((CHUNK, D), jnp.float32),
        pltpu.VMEM((CHUNK, D), jnp.float32),
        pltpu.VMEM((CHUNK, D), jnp.float32),
        pltpu.VMEM((CHUNK, D), jnp.float32),
        pltpu.SemaphoreType.DMA,
        pltpu.SemaphoreType.DMA,
        pltpu.SemaphoreType.DMA,
        pltpu.SemaphoreType.DMA,
        pltpu.SemaphoreType.DMA,
    ],
)
def _sc_gather_sum(xT, btab, out, xv,
                   idA0, idB0, idC0, idA1, idB1, idC1,
                   rA0, rB0, rC0, rA1, rB1, rC1,
                   xsem, gsem0, gsem1, osem0, osem1):
    wid = lax.axis_index("s") * NCORES + lax.axis_index("c")
    base = jnp.minimum(wid * ROWS_W, N - ROWS_W)

    ids = ((idA0, idB0, idC0), (idA1, idB1, idC1))
    rbufs = ((rA0, rB0, rC0), (rA1, rB1, rC1))
    gsems = (gsem0, gsem1)
    osems = (osem0, osem1)

    def compute_ids(j, s):
        idA, idB, idC = ids[s]

        def id_body(t, _):
            o = pl.ds(j * CHUNK + t * 16, 16)
            sl = pl.ds(t * 16, 16)
            idA[sl] = xv[0][o] * 4 + xv[7][o] * 2 + xv[8][o]
            idB[sl] = xv[1][o] * 144 + xv[2][o] * 12 + xv[3][o] + OFF_B
            idC[sl] = xv[4][o] * 36 + xv[5][o] * 6 + xv[6][o] + OFF_C
            return 0

        lax.fori_loop(0, CHUNK // 16, id_body, 0)

    def fire_gathers(s):
        for ix, rb in zip(ids[s], rbufs[s]):
            pltpu.async_copy(btab.at[ix], rb, gsems[s])

    def wait_gathers(s):
        for ix, rb in zip(ids[s], rbufs[s]):
            pltpu.make_async_copy(btab.at[ix], rb, gsems[s]).wait()

    def accumulate(s):
        rA, rB, rC = rbufs[s]

        def acc_body(c, _):
            for g in range(D // 16):
                sl = pl.ds(g * 16, 16)
                rA[c, sl] = rA[c, sl] + rB[c, sl] + rC[c, sl]
            return 0

        lax.fori_loop(0, CHUNK, acc_body, 0)

    def fire_write(j, s):
        pltpu.async_copy(rbufs[s][0], out.at[pl.ds(base + j * CHUNK, CHUNK)],
                         osems[s])

    def wait_write(j, s):
        pltpu.make_async_copy(rbufs[s][0],
                              out.at[pl.ds(base + j * CHUNK, CHUNK)],
                              osems[s]).wait()

    xcopies = [
        pltpu.async_copy(xT.at[pl.ds(f * N + base, ROWS_W)], xv[f], xsem)
        for f in range(9)
    ]
    for h in xcopies:
        h.wait()
    compute_ids(0, 0)
    fire_gathers(0)

    compute_ids(1, 1)
    fire_gathers(1)
    wait_gathers(0)
    accumulate(0)
    fire_write(0, 0)

    def half(j, s):
        s2 = 1 - s
        wait_write(j - 1, s2)
        compute_ids(j + 1, s2)
        fire_gathers(s2)
        wait_gathers(s)
        accumulate(s)
        fire_write(j, s)

    def pair_body(k, _):
        j = 1 + 2 * k
        half(j, 1)
        half(j + 1, 0)
        return 0

    lax.fori_loop(0, (NCHUNK - 2) // 2, pair_body, 0)

    wait_write(NCHUNK - 2, 0)
    wait_gathers(1)
    accumulate(1)
    fire_write(NCHUNK - 1, 1)
    wait_write(NCHUNK - 1, 1)


def kernel(x, tables):
    btab = _build_tables(tables)
    xT = jnp.transpose(x).reshape(-1)
    return _sc_gather_sum(xT, btab)

# --- scband reference (transcript-rebuilt; emitter-appended) ---
"""Pipeline reference for scband-atom-encoder-4406636446095 (READ-ONLY COPY).

The authoritative reference and input builder live on the scoring server;
editing this copy changes nothing except your own understanding.
"""

import jax, jax.numpy as jnp
import numpy as np

ATOM_FEATURE_DIMS = [119, 4, 12, 12, 10, 6, 6, 2, 2]
EMB_DIM = 256
N = 100000


def setup_inputs(seed: int = 0) -> dict:
    key = jax.random.key(seed)
    # per-column indices in valid range for each atom feature vocabulary
    cols = []
    for i, d in enumerate(ATOM_FEATURE_DIMS):
        cols.append(jax.random.randint(jax.random.fold_in(key, i), (N,), 0, d))
    x = jnp.stack(cols, axis=1).astype(jnp.int32)
    # xavier-uniform initialized embedding tables (one per atom feature)
    tables = []
    for i, d in enumerate(ATOM_FEATURE_DIMS):
        a = float(np.sqrt(6.0 / (d + EMB_DIM)))
        t = jax.random.uniform(jax.random.fold_in(key, 100 + i), (d, EMB_DIM),
                               minval=-a, maxval=a, dtype=jnp.float32)
        tables.append(t)
    return {"x": x, "tables": tuple(tables)}


def reference(x, tables):
    node_h = jnp.zeros((x.shape[0], EMB_DIM), dtype=jnp.float32)
    for i, table in enumerate(tables):
        node_h = node_h + jnp.take(table, x[:, i], axis=0)
    return node_h

if __name__ == "__main__":
    import jax
    _d = setup_inputs()
    print(jax.jit(kernel)(*tuple(_d.values())))

</pallas_src>

<mosaic_0001>
#map = affine_map<(d0, d1) -> (0)>
#map1 = affine_map<(d0, d1) -> (0, 0)>
module attributes {stable_mosaic.version = 14 : i64} {
  func.func @_sc_gather_sum(%arg0: i32, %arg1: i32, %arg2: memref<900000xi32, #tpu.memory_space<hbm>>, %arg3: memref<1416x256xf32, #tpu.memory_space<hbm>>, %arg4: memref<100000x256xf32, #tpu.memory_space<hbm>>, %arg5: memref<3200xi32, #tpu.memory_space<vmem>>, %arg6: memref<3200xi32, #tpu.memory_space<vmem>>, %arg7: memref<3200xi32, #tpu.memory_space<vmem>>, %arg8: memref<3200xi32, #tpu.memory_space<vmem>>, %arg9: memref<3200xi32, #tpu.memory_space<vmem>>, %arg10: memref<3200xi32, #tpu.memory_space<vmem>>, %arg11: memref<3200xi32, #tpu.memory_space<vmem>>, %arg12: memref<3200xi32, #tpu.memory_space<vmem>>, %arg13: memref<3200xi32, #tpu.memory_space<vmem>>, %arg14: memref<64xi32, #tpu.memory_space<vmem>>, %arg15: memref<64xi32, #tpu.memory_space<vmem>>, %arg16: memref<64xi32, #tpu.memory_space<vmem>>, %arg17: memref<64xi32, #tpu.memory_space<vmem>>, %arg18: memref<64xi32, #tpu.memory_space<vmem>>, %arg19: memref<64xi32, #tpu.memory_space<vmem>>, %arg20: memref<64x256xf32, #tpu.memory_space<vmem>>, %arg21: memref<64x256xf32, #tpu.memory_space<vmem>>, %arg22: memref<64x256xf32, #tpu.memory_space<vmem>>, %arg23: memref<64x256xf32, #tpu.memory_space<vmem>>, %arg24: memref<64x256xf32, #tpu.memory_space<vmem>>, %arg25: memref<64x256xf32, #tpu.memory_space<vmem>>, %arg26: memref<!tpu.dma_semaphore, #tpu.memory_space<semaphore_mem>>, %arg27: memref<!tpu.dma_semaphore, #tpu.memory_space<semaphore_mem>>, %arg28: memref<!tpu.dma_semaphore, #tpu.memory_space<semaphore_mem>>, %arg29: memref<!tpu.dma_semaphore, #tpu.memory_space<semaphore_mem>>, %arg30: memref<!tpu.dma_semaphore, #tpu.memory_space<semaphore_mem>>) attributes {dimension_semantics = [#tpu.dimension_semantics<core_parallel>, #tpu.dimension_semantics<subcore_parallel>], iteration_bounds = array<i64: 2, 16>, scalar_prefetch = 0 : i64, scratch_operands = 26 : i64, tpu.core_type = #tpu.core_type<sc_vector_subcore>, window_params = [{transform_indices = #map}, {transform_indices = #map1}, {transform_indices = #map1}]} {
    %mul3A = arith.constant 2 : i32
    %mul3A_0 = arith.muli %arg1, %mul3A : i32
    %add3A = arith.addi %mul3A_0, %arg0 : i32
    %mul3A_1 = arith.constant 3200 : i32
    %mul3A_2 = arith.muli %add3A, %mul3A_1 : i32
    %min3A = arith.constant 96800 : i32
    %min3A_3 = arith.minsi %mul3A_2, %min3A : i32
    %add3A_4 = arith.constant 0 : i32
    %add3A_5 = arith.addi %add3A_4, %min3A_3 : i32
    %dma_start3A = tpu.memref_slice %arg2[%add3A_5] : memref<900000xi32, #tpu.memory_space<hbm>> -> memref<3200xi32, #tpu.memory_space<hbm>>
    %dma_start3A_6 = tpu.memref_slice %arg2[%add3A_5] : memref<900000xi32, #tpu.memory_space<hbm>> -> memref<3200xi32, #tpu.memory_space<hbm>>
    tpu.enqueue_dma source(%dma_start3A_6 : memref<3200xi32, #tpu.memory_space<hbm>>) target(%arg5 : memref<3200xi32, #tpu.memory_space<vmem>>) target_semaphore(%arg26 : memref<!tpu.dma_semaphore, #tpu.memory_space<semaphore_mem>>)
    %add3A_7 = arith.constant 100000 : i32
    %add3A_8 = arith.addi %add3A_7, %min3A_3 : i32
    %dma_start3A_9 = tpu.memref_slice %arg2[%add3A_8] : memref<900000xi32, #tpu.memory_space<hbm>> -> memref<3200xi32, #tpu.memory_space<hbm>>
    %dma_start3A_10 = tpu.memref_slice %arg2[%add3A_8] : memref<900000xi32, #tpu.memory_space<hbm>> -> memref<3200xi32, #tpu.memory_space<hbm>>
    tpu.enqueue_dma source(%dma_start3A_10 : memref<3200xi32, #tpu.memory_space<hbm>>) target(%arg6 : memref<3200xi32, #tpu.memory_space<vmem>>) target_semaphore(%arg26 : memref<!tpu.dma_semaphore, #tpu.memory_space<semaphore_mem>>)
    %add3A_11 = arith.constant 200000 : i32
    %add3A_12 = arith.addi %add3A_11, %min3A_3 : i32
    %dma_start3A_13 = tpu.memref_slice %arg2[%add3A_12] : memref<900000xi32, #tpu.memory_space<hbm>> -> memref<3200xi32, #tpu.memory_space<hbm>>
    %dma_start3A_14 = tpu.memref_slice %arg2[%add3A_12] : memref<900000xi32, #tpu.memory_space<hbm>> -> memref<3200xi32, #tpu.memory_space<hbm>>
    tpu.enqueue_dma source(%dma_start3A_14 : memref<3200xi32, #tpu.memory_space<hbm>>) target(%arg7 : memref<3200xi32, #tpu.memory_space<vmem>>) target_semaphore(%arg26 : memref<!tpu.dma_semaphore, #tpu.memory_space<semaphore_mem>>)
    %add3A_15 = arith.constant 300000 : i32
    %add3A_16 = arith.addi %add3A_15, %min3A_3 : i32
    %dma_start3A_17 = tpu.memref_slice %arg2[%add3A_16] : memref<900000xi32, #tpu.memory_space<hbm>> -> memref<3200xi32, #tpu.memory_space<hbm>>
    %dma_start3A_18 = tpu.memref_slice %arg2[%add3A_16] : memref<900000xi32, #tpu.memory_space<hbm>> -> memref<3200xi32, #tpu.memory_space<hbm>>
    tpu.enqueue_dma source(%dma_start3A_18 : memref<3200xi32, #tpu.memory_space<hbm>>) target(%arg8 : memref<3200xi32, #tpu.memory_space<vmem>>) target_semaphore(%arg26 : memref<!tpu.dma_semaphore, #tpu.memory_space<semaphore_mem>>)
    %add3A_19 = arith.constant 400000 : i32
    %add3A_20 = arith.addi %add3A_19, %min3A_3 : i32
    %dma_start3A_21 = tpu.memref_slice %arg2[%add3A_20] : memref<900000xi32, #tpu.memory_space<hbm>> -> memref<3200xi32, #tpu.memory_space<hbm>>
    %dma_start3A_22 = tpu.memref_slice %arg2[%add3A_20] : memref<900000xi32, #tpu.memory_space<hbm>> -> memref<3200xi32, #tpu.memory_space<hbm>>
    tpu.enqueue_dma source(%dma_start3A_22 : memref<3200xi32, #tpu.memory_space<hbm>>) target(%arg9 : memref<3200xi32, #tpu.memory_space<vmem>>) target_semaphore(%arg26 : memref<!tpu.dma_semaphore, #tpu.memory_space<semaphore_mem>>)
    %add3A_23 = arith.constant 500000 : i32
    %add3A_24 = arith.addi %add3A_23, %min3A_3 : i32
    %dma_start3A_25 = tpu.memref_slice %arg2[%add3A_24] : memref<900000xi32, #tpu.memory_space<hbm>> -> memref<3200xi32, #tpu.memory_space<hbm>>
    %dma_start3A_26 = tpu.memref_slice %arg2[%add3A_24] : memref<900000xi32, #tpu.memory_space<hbm>> -> memref<3200xi32, #tpu.memory_space<hbm>>
    tpu.enqueue_dma source(%dma_start3A_26 : memref<3200xi32, #tpu.memory_space<hbm>>) target(%arg10 : memref<3200xi32, #tpu.memory_space<vmem>>) target_semaphore(%arg26 : memref<!tpu.dma_semaphore, #tpu.memory_space<semaphore_mem>>)
    %add3A_27 = arith.constant 600000 : i32
    %add3A_28 = arith.addi %add3A_27, %min3A_3 : i32
    %dma_start3A_29 = tpu.memref_slice %arg2[%add3A_28] : memref<900000xi32, #tpu.memory_space<hbm>> -> memref<3200xi32, #tpu.memory_space<hbm>>
    %dma_start3A_30 = tpu.memref_slice %arg2[%add3A_28] : memref<900000xi32, #tpu.memory_space<hbm>> -> memref<3200xi32, #tpu.memory_space<hbm>>
    tpu.enqueue_dma source(%dma_start3A_30 : memref<3200xi32, #tpu.memory_space<hbm>>) target(%arg11 : memref<3200xi32, #tpu.memory_space<vmem>>) target_semaphore(%arg26 : memref<!tpu.dma_semaphore, #tpu.memory_space<semaphore_mem>>)
    %add3A_31 = arith.constant 700000 : i32
    %add3A_32 = arith.addi %add3A_31, %min3A_3 : i32
    %dma_start3A_33 = tpu.memref_slice %arg2[%add3A_32] : memref<900000xi32, #tpu.memory_space<hbm>> -> memref<3200xi32, #tpu.memory_space<hbm>>
    %dma_start3A_34 = tpu.memref_slice %arg2[%add3A_32] : memref<900000xi32, #tpu.memory_space<hbm>> -> memref<3200xi32, #tpu.memory_space<hbm>>
    tpu.enqueue_dma source(%dma_start3A_34 : memref<3200xi32, #tpu.memory_space<hbm>>) target(%arg12 : memref<3200xi32, #tpu.memory_space<vmem>>) target_semaphore(%arg26 : memref<!tpu.dma_semaphore, #tpu.memory_space<semaphore_mem>>)
    %add3A_35 = arith.constant 800000 : i32
    %add3A_36 = arith.addi %add3A_35, %min3A_3 : i32
    %dma_start3A_37 = tpu.memref_slice %arg2[%add3A_36] : memref<900000xi32, #tpu.memory_space<hbm>> -> memref<3200xi32, #tpu.memory_space<hbm>>
    %dma_start3A_38 = tpu.memref_slice %arg2[%add3A_36] : memref<900000xi32, #tpu.memory_space<hbm>> -> memref<3200xi32, #tpu.memory_space<hbm>>
    tpu.enqueue_dma source(%dma_start3A_38 : memref<3200xi32, #tpu.memory_space<hbm>>) target(%arg13 : memref<3200xi32, #tpu.memory_space<vmem>>) target_semaphore(%arg26 : memref<!tpu.dma_semaphore, #tpu.memory_space<semaphore_mem>>)
    %dma_wait3A = tpu.memref_slice %arg2[%add3A_5] : memref<900000xi32, #tpu.memory_space<hbm>> -> memref<3200xi32, #tpu.memory_space<hbm>>
    %dma_wait3A_39 = tpu.memref_slice %arg2[%add3A_5] : memref<900000xi32, #tpu.memory_space<hbm>> -> memref<3200xi32, #tpu.memory_space<hbm>>
    tpu.wait_dma2 semaphore(%arg26 : memref<!tpu.dma_semaphore, #tpu.memory_space<semaphore_mem>>) src(%dma_wait3A_39 : memref<3200xi32, #tpu.memory_space<hbm>>) dst(%arg5 : memref<3200xi32, #tpu.memory_space<vmem>>)
    %dma_wait3A_40 = tpu.memref_slice %arg2[%add3A_8] : memref<900000xi32, #tpu.memory_space<hbm>> -> memref<3200xi32, #tpu.memory_space<hbm>>
    %dma_wait3A_41 = tpu.memref_slice %arg2[%add3A_8] : memref<900000xi32, #tpu.memory_space<hbm>> -> memref<3200xi32, #tpu.memory_space<hbm>>
    tpu.wait_dma2 semaphore(%arg26 : memref<!tpu.dma_semaphore, #tpu.memory_space<semaphore_mem>>) src(%dma_wait3A_41 : memref<3200xi32, #tpu.memory_space<hbm>>) dst(%arg6 : memref<3200xi32, #tpu.memory_space<vmem>>)
    %dma_wait3A_42 = tpu.memref_slice %arg2[%add3A_12] : memref<900000xi32, #tpu.memory_space<hbm>> -> memref<3200xi32, #tpu.memory_space<hbm>>
    %dma_wait3A_43 = tpu.memref_slice %arg2[%add3A_12] : memref<900000xi32, #tpu.memory_space<hbm>> -> memref<3200xi32, #tpu.memory_space<hbm>>
    tpu.wait_dma2 semaphore(%arg26 : memref<!tpu.dma_semaphore, #tpu.memory_space<semaphore_mem>>) src(%dma_wait3A_43 : memref<3200xi32, #tpu.memory_space<hbm>>) dst(%arg7 : memref<3200xi32, #tpu.memory_space<vmem>>)
    %dma_wait3A_44 = tpu.memref_slice %arg2[%add3A_16] : memref<900000xi32, #tpu.memory_space<hbm>> -> memref<3200xi32, #tpu.memory_space<hbm>>
    %dma_wait3A_45 = tpu.memref_slice %arg2[%add3A_16] : memref<900000xi32, #tpu.memory_space<hbm>> -> memref<3200xi32, #tpu.memory_space<hbm>>
    tpu.wait_dma2 semaphore(%arg26 : memref<!tpu.dma_semaphore, #tpu.memory_space<semaphore_mem>>) src(%dma_wait3A_45 : memref<3200xi32, #tpu.memory_space<hbm>>) dst(%arg8 : memref<3200xi32, #tpu.memory_space<vmem>>)
    %dma_wait3A_46 = tpu.memref_slice %arg2[%add3A_20] : memref<900000xi32, #tpu.memory_space<hbm>> -> memref<3200xi32, #tpu.memory_space<hbm>>
    %dma_wait3A_47 = tpu.memref_slice %arg2[%add3A_20] : memref<900000xi32, #tpu.memory_space<hbm>> -> memref<3200xi32, #tpu.memory_space<hbm>>
    tpu.wait_dma2 semaphore(%arg26 : memref<!tpu.dma_semaphore, #tpu.memory_space<semaphore_mem>>) src(%dma_wait3A_47 : memref<3200xi32, #tpu.memory_space<hbm>>) dst(%arg9 : memref<3200xi32, #tpu.memory_space<vmem>>)
    %dma_wait3A_48 = tpu.memref_slice %arg2[%add3A_24] : memref<900000xi32, #tpu.memory_space<hbm>> -> memref<3200xi32, #tpu.memory_space<hbm>>
    %dma_wait3A_49 = tpu.memref_slice %arg2[%add3A_24] : memref<900000xi32, #tpu.memory_space<hbm>> -> memref<3200xi32, #tpu.memory_space<hbm>>
    tpu.wait_dma2 semaphore(%arg26 : memref<!tpu.dma_semaphore, #tpu.memory_space<semaphore_mem>>) src(%dma_wait3A_49 : memref<3200xi32, #tpu.memory_space<hbm>>) dst(%arg10 : memref<3200xi32, #tpu.memory_space<vmem>>)
    %dma_wait3A_50 = tpu.memref_slice %arg2[%add3A_28] : memref<900000xi32, #tpu.memory_space<hbm>> -> memref<3200xi32, #tpu.memory_space<hbm>>
    %dma_wait3A_51 = tpu.memref_slice %arg2[%add3A_28] : memref<900000xi32, #tpu.memory_space<hbm>> -> memref<3200xi32, #tpu.memory_space<hbm>>
    tpu.wait_dma2 semaphore(%arg26 : memref<!tpu.dma_semaphore, #tpu.memory_space<semaphore_mem>>) src(%dma_wait3A_51 : memref<3200xi32, #tpu.memory_space<hbm>>) dst(%arg11 : memref<3200xi32, #tpu.memory_space<vmem>>)
    %dma_wait3A_52 = tpu.memref_slice %arg2[%add3A_32] : memref<900000xi32, #tpu.memory_space<hbm>> -> memref<3200xi32, #tpu.memory_space<hbm>>
    %dma_wait3A_53 = tpu.memref_slice %arg2[%add3A_32] : memref<900000xi32, #tpu.memory_space<hbm>> -> memref<3200xi32, #tpu.memory_space<hbm>>
    tpu.wait_dma2 semaphore(%arg26 : memref<!tpu.dma_semaphore, #tpu.memory_space<semaphore_mem>>) src(%dma_wait3A_53 : memref<3200xi32, #tpu.memory_space<hbm>>) dst(%arg12 : memref<3200xi32, #tpu.memory_space<vmem>>)
    %dma_wait3A_54 = tpu.memref_slice %arg2[%add3A_36] : memref<900000xi32, #tpu.memory_space<hbm>> -> memref<3200xi32, #tpu.memory_space<hbm>>
    %dma_wait3A_55 = tpu.memref_slice %arg2[%add3A_36] : memref<900000xi32, #tpu.memory_space<hbm>> -> memref<3200xi32, #tpu.memory_space<hbm>>
    tpu.wait_dma2 semaphore(%arg26 : memref<!tpu.dma_semaphore, #tpu.memory_space<semaphore_mem>>) src(%dma_wait3A_55 : memref<3200xi32, #tpu.memory_space<hbm>>) dst(%arg13 : memref<3200xi32, #tpu.memory_space<vmem>>)
    %scan3A = arith.constant 0 : i32
    %scan3A_56 = arith.constant 0 : i32
    %scan3A_57 = arith.constant 4 : i32
    %scan3A_58 = arith.addi %scan3A_56, %scan3A_57 : i32
    %scan3A_59 = arith.constant 1 : i32
    %scan3A_60 = scf.for %scan3A_150 = %scan3A_56 to %scan3A_58 step %scan3A_59 iter_args(%scan3A_151 = %scan3A) -> (i32)  : i32 {
      %mul3A_152 = arith.constant 16 : i32
      %mul3A_153 = arith.muli %scan3A_150, %mul3A_152 : i32
      %add3A_154 = arith.constant 0 : i32
      %add3A_155 = arith.addi %add3A_154, %mul3A_153 : i32
      %mul3A_156 = arith.constant 16 : i32
      %mul3A_157 = arith.muli %scan3A_150, %mul3A_156 : i32
      %get3A = arith.index_cast %add3A_155 : i32 to index
      %get3A_158 = tpu.vector_load %arg5[%get3A] {strides = array<i32>} : memref<3200xi32, #tpu.memory_space<vmem>>, vector<16xi32>,
      %get3A_159 = vector.shape_cast %get3A_158 : vector<16xi32> to vector<16xi32>
      %mul3A_160 = arith.constant 4 : i32
      %mul3A_161 = vector.broadcast %mul3A_160 : i32 to vector<16xi32>
      %mul3A_162 = arith.muli %get3A_159, %mul3A_161 : vector<16xi32>
      %get3A_163 = arith.index_cast %add3A_155 : i32 to index
      %get3A_164 = tpu.vector_load %arg12[%get3A_163] {strides = array<i32>} : memref<3200xi32, #tpu.memory_space<vmem>>, vector<16xi32>,
      %get3A_165 = vector.shape_cast %get3A_164 : vector<16xi32> to vector<16xi32>
      %mul3A_166 = arith.constant 2 : i32
      %mul3A_167 = vector.broadcast %mul3A_166 : i32 to vector<16xi32>
      %mul3A_168 = arith.muli %get3A_165, %mul3A_167 : vector<16xi32>
      %add3A_169 = arith.addi %mul3A_162, %mul3A_168 : vector<16xi32>
      %get3A_170 = arith.index_cast %add3A_155 : i32 to index
      %get3A_171 = tpu.vector_load %arg13[%get3A_170] {strides = array<i32>} : memref<3200xi32, #tpu.memory_space<vmem>>, vector<16xi32>,
      %get3A_172 = vector.shape_cast %get3A_171 : vector<16xi32> to vector<16xi32>
      %add3A_173 = arith.addi %add3A_169, %get3A_172 : vector<16xi32>
      %swap3A = arith.index_cast %mul3A_157 : i32 to index
      %swap3A_174 = tpu.vector_load %arg14[%swap3A] {strides = array<i32>} : memref<64xi32, #tpu.memory_space<vmem>>, vector<16xi32>,
      %swap3A_175 = vector.shape_cast %swap3A_174 : vector<16xi32> to vector<16xi32>
      %swap3A_176 = vector.shape_cast %add3A_173 : vector<16xi32> to vector<16xi32>
      tpu.vector_store %arg14[%swap3A], %swap3A_176 {strides = array<i32>} : memref<64xi32, #tpu.memory_space<vmem>>, vector<16xi32>,
      %get3A_177 = arith.index_cast %add3A_155 : i32 to index
      %get3A_178 = tpu.vector_load %arg6[%get3A_177] {strides = array<i32>} : memref<3200xi32, #tpu.memory_space<vmem>>, vector<16xi32>,
      %get3A_179 = vector.shape_cast %get3A_178 : vector<16xi32> to vector<16xi32>
      %mul3A_180 = arith.constant 144 : i32
      %mul3A_181 = vector.broadcast %mul3A_180 : i32 to vector<16xi32>
      %mul3A_182 = arith.muli %get3A_179, %mul3A_181 : vector<16xi32>
      %get3A_183 = arith.index_cast %add3A_155 : i32 to index
      %get3A_184 = tpu.vector_load %arg7[%get3A_183] {strides = array<i32>} : memref<3200xi32, #tpu.memory_space<vmem>>, vector<16xi32>,
      %get3A_185 = vector.shape_cast %get3A_184 : vector<16xi32> to vector<16xi32>
      %mul3A_186 = arith.constant 12 : i32
      %mul3A_187 = vector.broadcast %mul3A_186 : i32 to vector<16xi32>
      %mul3A_188 = arith.muli %get3A_185, %mul3A_187 : vector<16xi32>
      %add3A_189 = arith.addi %mul3A_182, %mul3A_188 : vector<16xi32>
      %get3A_190 = arith.index_cast %add3A_155 : i32 to index
      %get3A_191 = tpu.vector_load %arg8[%get3A_190] {strides = array<i32>} : memref<3200xi32, #tpu.memory_space<vmem>>, vector<16xi32>,
      %get3A_192 = vector.shape_cast %get3A_191 : vector<16xi32> to vector<16xi32>
      %add3A_193 = arith.addi %add3A_189, %get3A_192 : vector<16xi32>
      %add3A_194 = arith.constant 480 : i32
      %add3A_195 = vector.broadcast %add3A_194 : i32 to vector<16xi32>
      %add3A_196 = arith.addi %add3A_193, %add3A_195 : vector<16xi32>
      %swap3A_197 = arith.index_cast %mul3A_157 : i32 to index
      %swap3A_198 = tpu.vector_load %arg15[%swap3A_197] {strides = array<i32>} : memref<64xi32, #tpu.memory_space<vmem>>, vector<16xi32>,
      %swap3A_199 = vector.shape_cast %swap3A_198 : vector<16xi32> to vector<16xi32>
      %swap3A_200 = vector.shape_cast %add3A_196 : vector<16xi32> to vector<16xi32>
      tpu.vector_store %arg15[%swap3A_197], %swap3A_200 {strides = array<i32>} : memref<64xi32, #tpu.memory_space<vmem>>, vector<16xi32>,
      %get3A_201 = arith.index_cast %add3A_155 : i32 to index
      %get3A_202 = tpu.vector_load %arg9[%get3A_201] {strides = array<i32>} : memref<3200xi32, #tpu.memory_space<vmem>>, vector<16xi32>,
      %get3A_203 = vector.shape_cast %get3A_202 : vector<16xi32> to vector<16xi32>
      %mul3A_204 = arith.constant 36 : i32
      %mul3A_205 = vector.broadcast %mul3A_204 : i32 to vector<16xi32>
      %mul3A_206 = arith.muli %get3A_203, %mul3A_205 : vector<16xi32>
      %get3A_207 = arith.index_cast %add3A_155 : i32 to index
      %get3A_208 = tpu.vector_load %arg10[%get3A_207] {strides = array<i32>} : memref<3200xi32, #tpu.memory_space<vmem>>, vector<16xi32>,
      %get3A_209 = vector.shape_cast %get3A_208 : vector<16xi32> to vector<16xi32>
      %mul3A_210 = arith.constant 6 : i32
      %mul3A_211 = vector.broadcast %mul3A_210 : i32 to vector<16xi32>
      %mul3A_212 = arith.muli %get3A_209, %mul3A_211 : vector<16xi32>
      %add3A_213 = arith.addi %mul3A_206, %mul3A_212 : vector<16xi32>
      %get3A_214 = arith.index_cast %add3A_155 : i32 to index
      %get3A_215 = tpu.vector_load %arg11[%get3A_214] {strides = array<i32>} : memref<3200xi32, #tpu.memory_space<vmem>>, vector<16xi32>,
      %get3A_216 = vector.shape_cast %get3A_215 : vector<16xi32> to vector<16xi32>
      %add3A_217 = arith.addi %add3A_213, %get3A_216 : vector<16xi32>
      %add3A_218 = arith.constant 1056 : i32
      %add3A_219 = vector.broadcast %add3A_218 : i32 to vector<16xi32>
      %add3A_220 = arith.addi %add3A_217, %add3A_219 : vector<16xi32>
      %swap3A_221 = arith.index_cast %mul3A_157 : i32 to index
      %swap3A_222 = tpu.vector_load %arg16[%swap3A_221] {strides = array<i32>} : memref<64xi32, #tpu.memory_space<vmem>>, vector<16xi32>,
      %swap3A_223 = vector.shape_cast %swap3A_222 : vector<16xi32> to vector<16xi32>
      %swap3A_224 = vector.shape_cast %add3A_220 : vector<16xi32> to vector<16xi32>
      tpu.vector_store %arg16[%swap3A_221], %swap3A_224 {strides = array<i32>} : memref<64xi32, #tpu.memory_space<vmem>>, vector<16xi32>,
      %scan3A_225 = arith.constant 0 : i32
      scf.yield %scan3A_225 : i32
    }
    %scan3A_61 = arith.constant 4 : i32
    %dma_start3A_62 = arith.constant 0 : i32
    %dma_start3A_63 = arith.constant 0 : i32
    %dma_start3A_64 = tpu.memref_slice %arg3[%dma_start3A_62, %dma_start3A_63] : memref<1416x256xf32, #tpu.memory_space<hbm>> -> memref<1416x256xf32, #tpu.memory_space<hbm>>
    tpu.enqueue_indirect_dma source(%dma_start3A_64 : memref<1416x256xf32, #tpu.memory_space<hbm>>) target(%arg20 : memref<64x256xf32, #tpu.memory_space<vmem>>) offsets(%arg14 : memref<64xi32, #tpu.memory_space<vmem>>) semaphore(%arg27 : memref<!tpu.dma_semaphore, #tpu.memory_space<semaphore_mem>>)
    %dma_start3A_65 = arith.constant 0 : i32
    %dma_start3A_66 = arith.constant 0 : i32
    %dma_start3A_67 = tpu.memref_slice %arg3[%dma_start3A_65, %dma_start3A_66] : memref<1416x256xf32, #tpu.memory_space<hbm>> -> memref<1416x256xf32, #tpu.memory_space<hbm>>
    tpu.enqueue_indirect_dma source(%dma_start3A_67 : memref<1416x256xf32, #tpu.memory_space<hbm>>) target(%arg21 : memref<64x256xf32, #tpu.memory_space<vmem>>) offsets(%arg15 : memref<64xi32, #tpu.memory_space<vmem>>) semaphore(%arg27 : memref<!tpu.dma_semaphore, #tpu.memory_space<semaphore_mem>>)
    %dma_start3A_68 = arith.constant 0 : i32
    %dma_start3A_69 = arith.constant 0 : i32
    %dma_start3A_70 = tpu.memref_slice %arg3[%dma_start3A_68, %dma_start3A_69] : memref<1416x256xf32, #tpu.memory_space<hbm>> -> memref<1416x256xf32, #tpu.memory_space<hbm>>
    tpu.enqueue_indirect_dma source(%dma_start3A_70 : memref<1416x256xf32, #tpu.memory_space<hbm>>) target(%arg22 : memref<64x256xf32, #tpu.memory_space<vmem>>) offsets(%arg16 : memref<64xi32, #tpu.memory_space<vmem>>) semaphore(%arg27 : memref<!tpu.dma_semaphore, #tpu.memory_space<semaphore_mem>>)
    %scan3A_71 = arith.constant 0 : i32
    %scan3A_72 = arith.constant 0 : i32
    %scan3A_73 = arith.constant 4 : i32
    %scan3A_74 = arith.addi %scan3A_72, %scan3A_73 : i32
    %scan3A_75 = arith.constant 1 : i32
    %scan3A_76 = scf.for %scan3A_150 = %scan3A_72 to %scan3A_74 step %scan3A_75 iter_args(%scan3A_151 = %scan3A_71) -> (i32)  : i32 {
      %mul3A_152 = arith.constant 16 : i32
      %mul3A_153 = arith.muli %scan3A_150, %mul3A_152 : i32
      %add3A_154 = arith.constant 64 : i32
      %add3A_155 = arith.addi %add3A_154, %mul3A_153 : i32
      %mul3A_156 = arith.constant 16 : i32
      %mul3A_157 = arith.muli %scan3A_150, %mul3A_156 : i32
      %get3A = arith.index_cast %add3A_155 : i32 to index
      %get3A_158 = tpu.vector_load %arg5[%get3A] {strides = array<i32>} : memref<3200xi32, #tpu.memory_space<vmem>>, vector<16xi32>,
      %get3A_159 = vector.shape_cast %get3A_158 : vector<16xi32> to vector<16xi32>
      %mul3A_160 = arith.constant 4 : i32
      %mul3A_161 = vector.broadcast %mul3A_160 : i32 to vector<16xi32>
      %mul3A_162 = arith.muli %get3A_159, %mul3A_161 : vector<16xi32>
      %get3A_163 = arith.index_cast %add3A_155 : i32 to index
      %get3A_164 = tpu.vector_load %arg12[%get3A_163] {strides = array<i32>} : memref<3200xi32, #tpu.memory_space<vmem>>, vector<16xi32>,
      %get3A_165 = vector.shape_cast %get3A_164 : vector<16xi32> to vector<16xi32>
      %mul3A_166 = arith.constant 2 : i32
      %mul3A_167 = vector.broadcast %mul3A_166 : i32 to vector<16xi32>
      %mul3A_168 = arith.muli %get3A_165, %mul3A_167 : vector<16xi32>
      %add3A_169 = arith.addi %mul3A_162, %mul3A_168 : vector<16xi32>
      %get3A_170 = arith.index_cast %add3A_155 : i32 to index
      %get3A_171 = tpu.vector_load %arg13[%get3A_170] {strides = array<i32>} : memref<3200xi32, #tpu.memory_space<vmem>>, vector<16xi32>,
      %get3A_172 = vector.shape_cast %get3A_171 : vector<16xi32> to vector<16xi32>
      %add3A_173 = arith.addi %add3A_169, %get3A_172 : vector<16xi32>
      %swap3A = arith.index_cast %mul3A_157 : i32 to index
      %swap3A_174 = tpu.vector_load %arg17[%swap3A] {strides = array<i32>} : memref<64xi32, #tpu.memory_space<vmem>>, vector<16xi32>,
      %swap3A_175 = vector.shape_cast %swap3A_174 : vector<16xi32> to vector<16xi32>
      %swap3A_176 = vector.shape_cast %add3A_173 : vector<16xi32> to vector<16xi32>
      tpu.vector_store %arg17[%swap3A], %swap3A_176 {strides = array<i32>} : memref<64xi32, #tpu.memory_space<vmem>>, vector<16xi32>,
      %get3A_177 = arith.index_cast %add3A_155 : i32 to index
      %get3A_178 = tpu.vector_load %arg6[%get3A_177] {strides = array<i32>} : memref<3200xi32, #tpu.memory_space<vmem>>, vector<16xi32>,
      %get3A_179 = vector.shape_cast %get3A_178 : vector<16xi32> to vector<16xi32>
      %mul3A_180 = arith.constant 144 : i32
      %mul3A_181 = vector.broadcast %mul3A_180 : i32 to vector<16xi32>
      %mul3A_182 = arith.muli %get3A_179, %mul3A_181 : vector<16xi32>
      %get3A_183 = arith.index_cast %add3A_155 : i32 to index
      %get3A_184 = tpu.vector_load %arg7[%get3A_183] {strides = array<i32>} : memref<3200xi32, #tpu.memory_space<vmem>>, vector<16xi32>,
      %get3A_185 = vector.shape_cast %get3A_184 : vector<16xi32> to vector<16xi32>
      %mul3A_186 = arith.constant 12 : i32
      %mul3A_187 = vector.broadcast %mul3A_186 : i32 to vector<16xi32>
      %mul3A_188 = arith.muli %get3A_185, %mul3A_187 : vector<16xi32>
      %add3A_189 = arith.addi %mul3A_182, %mul3A_188 : vector<16xi32>
      %get3A_190 = arith.index_cast %add3A_155 : i32 to index
      %get3A_191 = tpu.vector_load %arg8[%get3A_190] {strides = array<i32>} : memref<3200xi32, #tpu.memory_space<vmem>>, vector<16xi32>,
      %get3A_192 = vector.shape_cast %get3A_191 : vector<16xi32> to vector<16xi32>
      %add3A_193 = arith.addi %add3A_189, %get3A_192 : vector<16xi32>
      %add3A_194 = arith.constant 480 : i32
      %add3A_195 = vector.broadcast %add3A_194 : i32 to vector<16xi32>
      %add3A_196 = arith.addi %add3A_193, %add3A_195 : vector<16xi32>
      %swap3A_197 = arith.index_cast %mul3A_157 : i32 to index
      %swap3A_198 = tpu.vector_load %arg18[%swap3A_197] {strides = array<i32>} : memref<64xi32, #tpu.memory_space<vmem>>, vector<16xi32>,
      %swap3A_199 = vector.shape_cast %swap3A_198 : vector<16xi32> to vector<16xi32>
      %swap3A_200 = vector.shape_cast %add3A_196 : vector<16xi32> to vector<16xi32>
      tpu.vector_store %arg18[%swap3A_197], %swap3A_200 {strides = array<i32>} : memref<64xi32, #tpu.memory_space<vmem>>, vector<16xi32>,
      %get3A_201 = arith.index_cast %add3A_155 : i32 to index
      %get3A_202 = tpu.vector_load %arg9[%get3A_201] {strides = array<i32>} : memref<3200xi32, #tpu.memory_space<vmem>>, vector<16xi32>,
      %get3A_203 = vector.shape_cast %get3A_202 : vector<16xi32> to vector<16xi32>
      %mul3A_204 = arith.constant 36 : i32
      %mul3A_205 = vector.broadcast %mul3A_204 : i32 to vector<16xi32>
      %mul3A_206 = arith.muli %get3A_203, %mul3A_205 : vector<16xi32>
      %get3A_207 = arith.index_cast %add3A_155 : i32 to index
      %get3A_208 = tpu.vector_load %arg10[%get3A_207] {strides = array<i32>} : memref<3200xi32, #tpu.memory_space<vmem>>, vector<16xi32>,
      %get3A_209 = vector.shape_cast %get3A_208 : vector<16xi32> to vector<16xi32>
      %mul3A_210 = arith.constant 6 : i32
      %mul3A_211 = vector.broadcast %mul3A_210 : i32 to vector<16xi32>
      %mul3A_212 = arith.muli %get3A_209, %mul3A_211 : vector<16xi32>
      %add3A_213 = arith.addi %mul3A_206, %mul3A_212 : vector<16xi32>
      %get3A_214 = arith.index_cast %add3A_155 : i32 to index
      %get3A_215 = tpu.vector_load %arg11[%get3A_214] {strides = array<i32>} : memref<3200xi32, #tpu.memory_space<vmem>>, vector<16xi32>,
      %get3A_216 = vector.shape_cast %get3A_215 : vector<16xi32> to vector<16xi32>
      %add3A_217 = arith.addi %add3A_213, %get3A_216 : vector<16xi32>
      %add3A_218 = arith.constant 1056 : i32
      %add3A_219 = vector.broadcast %add3A_218 : i32 to vector<16xi32>
      %add3A_220 = arith.addi %add3A_217, %add3A_219 : vector<16xi32>
      %swap3A_221 = arith.index_cast %mul3A_157 : i32 to index
      %swap3A_222 = tpu.vector_load %arg19[%swap3A_221] {strides = array<i32>} : memref<64xi32, #tpu.memory_space<vmem>>, vector<16xi32>,
      %swap3A_223 = vector.shape_cast %swap3A_222 : vector<16xi32> to vector<16xi32>
      %swap3A_224 = vector.shape_cast %add3A_220 : vector<16xi32> to vector<16xi32>
      tpu.vector_store %arg19[%swap3A_221], %swap3A_224 {strides = array<i32>} : memref<64xi32, #tpu.memory_space<vmem>>, vector<16xi32>,
      %scan3A_225 = arith.constant 0 : i32
      scf.yield %scan3A_225 : i32
    }
    %scan3A_77 = arith.constant 4 : i32
    %dma_start3A_78 = arith.constant 0 : i32
    %dma_start3A_79 = arith.constant 0 : i32
    %dma_start3A_80 = tpu.memref_slice %arg3[%dma_start3A_78, %dma_start3A_79] : memref<1416x256xf32, #tpu.memory_space<hbm>> -> memref<1416x256xf32, #tpu.memory_space<hbm>>
    tpu.enqueue_indirect_dma source(%dma_start3A_80 : memref<1416x256xf32, #tpu.memory_space<hbm>>) target(%arg23 : memref<64x256xf32, #tpu.memory_space<vmem>>) offsets(%arg17 : memref<64xi32, #tpu.memory_space<vmem>>) semaphore(%arg28 : memref<!tpu.dma_semaphore, #tpu.memory_space<semaphore_mem>>)
    %dma_start3A_81 = arith.constant 0 : i32
    %dma_start3A_82 = arith.constant 0 : i32
    %dma_start3A_83 = tpu.memref_slice %arg3[%dma_start3A_81, %dma_start3A_82] : memref<1416x256xf32, #tpu.memory_space<hbm>> -> memref<1416x256xf32, #tpu.memory_space<hbm>>
    tpu.enqueue_indirect_dma source(%dma_start3A_83 : memref<1416x256xf32, #tpu.memory_space<hbm>>) target(%arg24 : memref<64x256xf32, #tpu.memory_space<vmem>>) offsets(%arg18 : memref<64xi32, #tpu.memory_space<vmem>>) semaphore(%arg28 : memref<!tpu.dma_semaphore, #tpu.memory_space<semaphore_mem>>)
    %dma_start3A_84 = arith.constant 0 : i32
    %dma_start3A_85 = arith.constant 0 : i32
    %dma_start3A_86 = tpu.memref_slice %arg3[%dma_start3A_84, %dma_start3A_85] : memref<1416x256xf32, #tpu.memory_space<hbm>> -> memref<1416x256xf32, #tpu.memory_space<hbm>>
    tpu.enqueue_indirect_dma source(%dma_start3A_86 : memref<1416x256xf32, #tpu.memory_space<hbm>>) target(%arg25 : memref<64x256xf32, #tpu.memory_space<vmem>>) offsets(%arg19 : memref<64xi32, #tpu.memory_space<vmem>>) semaphore(%arg28 : memref<!tpu.dma_semaphore, #tpu.memory_space<semaphore_mem>>)
    %dma_wait3A_87 = arith.constant 0 : i32
    %dma_wait3A_88 = arith.constant 0 : i32
    %dma_wait3A_89 = tpu.memref_slice %arg3[%dma_wait3A_87, %dma_wait3A_88] : memref<1416x256xf32, #tpu.memory_space<hbm>> -> memref<1416x256xf32, #tpu.memory_space<hbm>>
    tpu.wait_indirect_dma semaphore(%arg27 : memref<!tpu.dma_semaphore, #tpu.memory_space<semaphore_mem>>) src(%dma_wait3A_89 : memref<1416x256xf32, #tpu.memory_space<hbm>>) dst(%arg20 : memref<64x256xf32, #tpu.memory_space<vmem>>)
    %dma_wait3A_90 = arith.constant 0 : i32
    %dma_wait3A_91 = arith.constant 0 : i32
    %dma_wait3A_92 = tpu.memref_slice %arg3[%dma_wait3A_90, %dma_wait3A_91] : memref<1416x256xf32, #tpu.memory_space<hbm>> -> memref<1416x256xf32, #tpu.memory_space<hbm>>
    tpu.wait_indirect_dma semaphore(%arg27 : memref<!tpu.dma_semaphore, #tpu.memory_space<semaphore_mem>>) src(%dma_wait3A_92 : memref<1416x256xf32, #tpu.memory_space<hbm>>) dst(%arg21 : memref<64x256xf32, #tpu.memory_space<vmem>>)
    %dma_wait3A_93 = arith.constant 0 : i32
    %dma_wait3A_94 = arith.constant 0 : i32
    %dma_wait3A_95 = tpu.memref_slice %arg3[%dma_wait3A_93, %dma_wait3A_94] : memref<1416x256xf32, #tpu.memory_space<hbm>> -> memref<1416x256xf32, #tpu.memory_space<hbm>>
    tpu.wait_indirect_dma semaphore(%arg27 : memref<!tpu.dma_semaphore, #tpu.memory_space<semaphore_mem>>) src(%dma_wait3A_95 : memref<1416x256xf32, #tpu.memory_space<hbm>>) dst(%arg22 : memref<64x256xf32, #tpu.memory_space<vmem>>)
    %scan3A_96 = arith.constant 0 : i32
    %scan3A_97 = arith.constant 0 : i32
    %scan3A_98 = arith.constant 64 : i32
    %scan3A_99 = arith.addi %scan3A_97, %scan3A_98 : i32
    %scan3A_100 = arith.constant 1 : i32
    %scan3A_101 = scf.for %scan3A_150 = %scan3A_97 to %scan3A_99 step %scan3A_100 iter_args(%scan3A_151 = %scan3A_96) -> (i32)  : i32 {
      %get3A = arith.index_cast %scan3A_150 : i32 to index
      %get3A_152 = arith.constant 0 : index
      %get3A_153 = tpu.vector_load %arg20[%get3A, %get3A_152] {strides = array<i32>} : memref<64x256xf32, #tpu.memory_space<vmem>>, vector<1x16xf32>,
      %get3A_154 = vector.shape_cast %get3A_153 : vector<1x16xf32> to vector<16xf32>
      %get3A_155 = arith.index_cast %scan3A_150 : i32 to index
      %get3A_156 = arith.constant 0 : index
      %get3A_157 = tpu.vector_load %arg21[%get3A_155, %get3A_156] {strides = array<i32>} : memref<64x256xf32, #tpu.memory_space<vmem>>, vector<1x16xf32>,
      %get3A_158 = vector.shape_cast %get3A_157 : vector<1x16xf32> to vector<16xf32>
      %add3A_159 = arith.addf %get3A_154, %get3A_158 : vector<16xf32>
      %get3A_160 = arith.index_cast %scan3A_150 : i32 to index
      %get3A_161 = arith.constant 0 : index
      %get3A_162 = tpu.vector_load %arg22[%get3A_160, %get3A_161] {strides = array<i32>} : memref<64x256xf32, #tpu.memory_space<vmem>>, vector<1x16xf32>,
      %get3A_163 = vector.shape_cast %get3A_162 : vector<1x16xf32> to vector<16xf32>
      %add3A_164 = arith.addf %add3A_159, %get3A_163 : vector<16xf32>
      %swap3A = arith.index_cast %scan3A_150 : i32 to index
      %swap3A_165 = arith.constant 0 : index
      %swap3A_166 = tpu.vector_load %arg20[%swap3A, %swap3A_165] {strides = array<i32>} : memref<64x256xf32, #tpu.memory_space<vmem>>, vector<1x16xf32>,
      %swap3A_167 = vector.shape_cast %swap3A_166 : vector<1x16xf32> to vector<16xf32>
      %swap3A_168 = vector.shape_cast %add3A_164 : vector<16xf32> to vector<1x16xf32>
      tpu.vector_store %arg20[%swap3A, %swap3A_165], %swap3A_168 {strides = array<i32>} : memref<64x256xf32, #tpu.memory_space<vmem>>, vector<1x16xf32>,
      %get3A_169 = arith.index_cast %scan3A_150 : i32 to index
      %get3A_170 = arith.constant 16 : index
      %get3A_171 = tpu.vector_load %arg20[%get3A_169, %get3A_170] {strides = array<i32>} : memref<64x256xf32, #tpu.memory_space<vmem>>, vector<1x16xf32>,
      %get3A_172 = vector.shape_cast %get3A_171 : vector<1x16xf32> to vector<16xf32>
      %get3A_173 = arith.index_cast %scan3A_150 : i32 to index
      %get3A_174 = arith.constant 16 : index
      %get3A_175 = tpu.vector_load %arg21[%get3A_173, %get3A_174] {strides = array<i32>} : memref<64x256xf32, #tpu.memory_space<vmem>>, vector<1x16xf32>,
      %get3A_176 = vector.shape_cast %get3A_175 : vector<1x16xf32> to vector<16xf32>
      %add3A_177 = arith.addf %get3A_172, %get3A_176 : vector<16xf32>
      %get3A_178 = arith.index_cast %scan3A_150 : i32 to index
      %get3A_179 = arith.constant 16 : index
      %get3A_180 = tpu.vector_load %arg22[%get3A_178, %get3A_179] {strides = array<i32>} : memref<64x256xf32, #tpu.memory_space<vmem>>, vector<1x16xf32>,
      %get3A_181 = vector.shape_cast %get3A_180 : vector<1x16xf32> to vector<16xf32>
      %add3A_182 = arith.addf %add3A_177, %get3A_181 : vector<16xf32>
      %swap3A_183 = arith.index_cast %scan3A_150 : i32 to index
      %swap3A_184 = arith.constant 16 : index
      %swap3A_185 = tpu.vector_load %arg20[%swap3A_183, %swap3A_184] {strides = array<i32>} : memref<64x256xf32, #tpu.memory_space<vmem>>, vector<1x16xf32>,
      %swap3A_186 = vector.shape_cast %swap3A_185 : vector<1x16xf32> to vector<16xf32>
      %swap3A_187 = vector.shape_cast %add3A_182 : vector<16xf32> to vector<1x16xf32>
      tpu.vector_store %arg20[%swap3A_183, %swap3A_184], %swap3A_187 {strides = array<i32>} : memref<64x256xf32, #tpu.memory_space<vmem>>, vector<1x16xf32>,
      %get3A_188 = arith.index_cast %scan3A_150 : i32 to index
      %get3A_189 = arith.constant 32 : index
      %get3A_190 = tpu.vector_load %arg20[%get3A_188, %get3A_189] {strides = array<i32>} : memref<64x256xf32, #tpu.memory_space<vmem>>, vector<1x16xf32>,
      %get3A_191 = vector.shape_cast %get3A_190 : vector<1x16xf32> to vector<16xf32>
      %get3A_192 = arith.index_cast %scan3A_150 : i32 to index
      %get3A_193 = arith.constant 32 : index
      %get3A_194 = tpu.vector_load %arg21[%get3A_192, %get3A_193] {strides = array<i32>} : memref<64x256xf32, #tpu.memory_space<vmem>>, vector<1x16xf32>,
      %get3A_195 = vector.shape_cast %get3A_194 : vector<1x16xf32> to vector<16xf32>
      %add3A_196 = arith.addf %get3A_191, %get3A_195 : vector<16xf32>
      %get3A_197 = arith.index_cast %scan3A_150 : i32 to index
      %get3A_198 = arith.constant 32 : index
      %get3A_199 = tpu.vector_load %arg22[%get3A_197, %get3A_198] {strides = array<i32>} : memref<64x256xf32, #tpu.memory_space<vmem>>, vector<1x16xf32>,
      %get3A_200 = vector.shape_cast %get3A_199 : vector<1x16xf32> to vector<16xf32>
      %add3A_201 = arith.addf %add3A_196, %get3A_200 : vector<16xf32>
      %swap3A_202 = arith.index_cast %scan3A_150 : i32 to index
      %swap3A_203 = arith.constant 32 : index
      %swap3A_204 = tpu.vector_load %arg20[%swap3A_202, %swap3A_203] {strides = array<i32>} : memref<64x256xf32, #tpu.memory_space<vmem>>, vector<1x16xf32>,
      %swap3A_205 = vector.shape_cast %swap3A_204 : vector<1x16xf32> to vector<16xf32>
      %swap3A_206 = vector.shape_cast %add3A_201 : vector<16xf32> to vector<1x16xf32>
      tpu.vector_store %arg20[%swap3A_202, %swap3A_203], %swap3A_206 {strides = array<i32>} : memref<64x256xf32, #tpu.memory_space<vmem>>, vector<1x16xf32>,
      %get3A_207 = arith.index_cast %scan3A_150 : i32 to index
      %get3A_208 = arith.constant 48 : index
      %get3A_209 = tpu.vector_load %arg20[%get3A_207, %get3A_208] {strides = array<i32>} : memref<64x256xf32, #tpu.memory_space<vmem>>, vector<1x16xf32>,
      %get3A_210 = vector.shape_cast %get3A_209 : vector<1x16xf32> to vector<16xf32>
      %get3A_211 = arith.index_cast %scan3A_150 : i32 to index
      %get3A_212 = arith.constant 48 : index
      %get3A_213 = tpu.vector_load %arg21[%get3A_211, %get3A_212] {strides = array<i32>} : memref<64x256xf32, #tpu.memory_space<vmem>>, vector<1x16xf32>,
      %get3A_214 = vector.shape_cast %get3A_213 : vector<1x16xf32> to vector<16xf32>
      %add3A_215 = arith.addf %get3A_210, %get3A_214 : vector<16xf32>
      %get3A_216 = arith.index_cast %scan3A_150 : i32 to index
      %get3A_217 = arith.constant 48 : index
      %get3A_218 = tpu.vector_load %arg22[%get3A_216, %get3A_217] {strides = array<i32>} : memref<64x256xf32, #tpu.memory_space<vmem>>, vector<1x16xf32>,
      %get3A_219 = vector.shape_cast %get3A_218 : vector<1x16xf32> to vector<16xf32>
      %add3A_220 = arith.addf %add3A_215, %get3A_219 : vector<16xf32>
      %swap3A_221 = arith.index_cast %scan3A_150 : i32 to index
      %swap3A_222 = arith.constant 48 : index
      %swap3A_223 = tpu.vector_load %arg20[%swap3A_221, %swap3A_222] {strides = array<i32>} : memref<64x256xf32, #tpu.memory_space<vmem>>, vector<1x16xf32>,
      %swap3A_224 = vector.shape_cast %swap3A_223 : vector<1x16xf32> to vector<16xf32>
      %swap3A_225 = vector.shape_cast %add3A_220 : vector<16xf32> to vector<1x16xf32>
      tpu.vector_store %arg20[%swap3A_221, %swap3A_222], %swap3A_225 {strides = array<i32>} : memref<64x256xf32, #tpu.memory_space<vmem>>, vector<1x16xf32>,
      %get3A_226 = arith.index_cast %scan3A_150 : i32 to index
      %get3A_227 = arith.constant 64 : index
      %get3A_228 = tpu.vector_load %arg20[%get3A_226, %get3A_227] {strides = array<i32>} : memref<64x256xf32, #tpu.memory_space<vmem>>, vector<1x16xf32>,
      %get3A_229 = vector.shape_cast %get3A_228 : vector<1x16xf32> to vector<16xf32>
      %get3A_230 = arith.index_cast %scan3A_150 : i32 to index
      %get3A_231 = arith.constant 64 : index
      %get3A_232 = tpu.vector_load %arg21[%get3A_230, %get3A_231] {strides = array<i32>} : memref<64x256xf32, #tpu.memory_space<vmem>>, vector<1x16xf32>,
      %get3A_233 = vector.shape_cast %get3A_232 : vector<1x16xf32> to vector<16xf32>
      %add3A_234 = arith.addf %get3A_229, %get3A_233 : vector<16xf32>
      %get3A_235 = arith.index_cast %scan3A_150 : i32 to index
      %get3A_236 = arith.constant 64 : index
      %get3A_237 = tpu.vector_load %arg22[%get3A_235, %get3A_236] {strides = array<i32>} : memref<64x256xf32, #tpu.memory_space<vmem>>, vector<1x16xf32>,
      %get3A_238 = vector.shape_cast %get3A_237 : vector<1x16xf32> to vector<16xf32>
      %add3A_239 = arith.addf %add3A_234, %get3A_238 : vector<16xf32>
      %swap3A_240 = arith.index_cast %scan3A_150 : i32 to index
      %swap3A_241 = arith.constant 64 : index
      %swap3A_242 = tpu.vector_load %arg20[%swap3A_240, %swap3A_241] {strides = array<i32>} : memref<64x256xf32, #tpu.memory_space<vmem>>, vector<1x16xf32>,
      %swap3A_243 = vector.shape_cast %swap3A_242 : vector<1x16xf32> to vector<16xf32>
      %swap3A_244 = vector.shape_cast %add3A_239 : vector<16xf32> to vector<1x16xf32>
      tpu.vector_store %arg20[%swap3A_240, %swap3A_241], %swap3A_244 {strides = array<i32>} : memref<64x256xf32, #tpu.memory_space<vmem>>, vector<1x16xf32>,
      %get3A_245 = arith.index_cast %scan3A_150 : i32 to index
      %get3A_246 = arith.constant 80 : index
      %get3A_247 = tpu.vector_load %arg20[%get3A_245, %get3A_246] {strides = array<i32>} : memref<64x256xf32, #tpu.memory_space<vmem>>, vector<1x16xf32>,
      %get3A_248 = vector.shape_cast %get3A_247 : vector<1x16xf32> to vector<16xf32>
      %get3A_249 = arith.index_cast %scan3A_150 : i32 to index
      %get3A_250 = arith.constant 80 : index
      %get3A_251 = tpu.vector_load %arg21[%get3A_249, %get3A_250] {strides = array<i32>} : memref<64x256xf32, #tpu.memory_space<vmem>>, vector<1x16xf32>,
      %get3A_252 = vector.shape_cast %get3A_251 : vector<1x16xf32> to vector<16xf32>
      %add3A_253 = arith.addf %get3A_248, %get3A_252 : vector<16xf32>
      %get3A_254 = arith.index_cast %scan3A_150 : i32 to index
      %get3A_255 = arith.constant 80 : index
      %get3A_256 = tpu.vector_load %arg22[%get3A_254, %get3A_255] {strides = array<i32>} : memref<64x256xf32, #tpu.memory_space<vmem>>, vector<1x16xf32>,
      %get3A_257 = vector.shape_cast %get3A_256 : vector<1x16xf32> to vector<16xf32>
      %add3A_258 = arith.addf %add3A_253, %get3A_257 : vector<16xf32>
      %swap3A_259 = arith.index_cast %scan3A_150 : i32 to index
      %swap3A_260 = arith.constant 80 : index
      %swap3A_261 = tpu.vector_load %arg20[%swap3A_259, %swap3A_260] {strides = array<i32>} : memref<64x256xf32, #tpu.memory_space<vmem>>, vector<1x16xf32>,
      %swap3A_262 = vector.shape_cast %swap3A_261 : vector<1x16xf32> to vector<16xf32>
      %swap3A_263 = vector.shape_cast %add3A_258 : vector<16xf32> to vector<1x16xf32>
      tpu.vector_store %arg20[%swap3A_259, %swap3A_260], %swap3A_263 {strides = array<i32>} : memref<64x256xf32, #tpu.memory_space<vmem>>, vector<1x16xf32>,
      %get3A_264 = arith.index_cast %scan3A_150 : i32 to index
      %get3A_265 = arith.constant 96 : index
      %get3A_266 = tpu.vector_load %arg20[%get3A_264, %get3A_265] {strides = array<i32>} : memref<64x256xf32, #tpu.memory_space<vmem>>, vector<1x16xf32>,
      %get3A_267 = vector.shape_cast %get3A_266 : vector<1x16xf32> to vector<16xf32>
      %get3A_268 = arith.index_cast %scan3A_150 : i32 to index
      %get3A_269 = arith.constant 96 : index
      %get3A_270 = tpu.vector_load %arg21[%get3A_268, %get3A_269] {strides = array<i32>} : memref<64x256xf32, #tpu.memory_space<vmem>>, vector<1x16xf32>,
      %get3A_271 = vector.shape_cast %get3A_270 : vector<1x16xf32> to vector<16xf32>
      %add3A_272 = arith.addf %get3A_267, %get3A_271 : vector<16xf32>
      %get3A_273 = arith.index_cast %scan3A_150 : i32 to index
      %get3A_274 = arith.constant 96 : index
      %get3A_275 = tpu.vector_load %arg22[%get3A_273, %get3A_274] {strides = array<i32>} : memref<64x256xf32, #tpu.memory_space<vmem>>, vector<1x16xf32>,
      %get3A_276 = vector.shape_cast %get3A_275 : vector<1x16xf32> to vector<16xf32>
      %add3A_277 = arith.addf %add3A_272, %get3A_276 : vector<16xf32>
      %swap3A_278 = arith.index_cast %scan3A_150 : i32 to index
      %swap3A_279 = arith.constant 96 : index
      %swap3A_280 = tpu.vector_load %arg20[%swap3A_278, %swap3A_279] {strides = array<i32>} : memref<64x256xf32, #tpu.memory_space<vmem>>, vector<1x16xf32>,
      %swap3A_281 = vector.shape_cast %swap3A_280 : vector<1x16xf32> to vector<16xf32>
      %swap3A_282 = vector.shape_cast %add3A_277 : vector<16xf32> to vector<1x16xf32>
      tpu.vector_store %arg20[%swap3A_278, %swap3A_279], %swap3A_282 {strides = array<i32>} : memref<64x256xf32, #tpu.memory_space<vmem>>, vector<1x16xf32>,
      %get3A_283 = arith.index_cast %scan3A_150 : i32 to index
      %get3A_284 = arith.constant 112 : index
      %get3A_285 = tpu.vector_load %arg20[%get3A_283, %get3A_284] {strides = array<i32>} : memref<64x256xf32, #tpu.memory_space<vmem>>, vector<1x16xf32>,
      %get3A_286 = vector.shape_cast %get3A_285 : vector<1x16xf32> to vector<16xf32>
      %get3A_287 = arith.index_cast %scan3A_150 : i32 to index
      %get3A_288 = arith.constant 112 : index
      %get3A_289 = tpu.vector_load %arg21[%get3A_287, %get3A_288] {strides = array<i32>} : memref<64x256xf32, #tpu.memory_space<vmem>>, vector<1x16xf32>,
      %get3A_290 = vector.shape_cast %get3A_289 : vector<1x16xf32> to vector<16xf32>
      %add3A_291 = arith.addf %get3A_286, %get3A_290 : vector<16xf32>
      %get3A_292 = arith.index_cast %scan3A_150 : i32 to index
      %get3A_293 = arith.constant 112 : index
      %get3A_294 = tpu.vector_load %arg22[%get3A_292, %get3A_293] {strides = array<i32>} : memref<64x256xf32, #tpu.memory_space<vmem>>, vector<1x16xf32>,
      %get3A_295 = vector.shape_cast %get3A_294 : vector<1x16xf32> to vector<16xf32>
      %add3A_296 = arith.addf %add3A_291, %get3A_295 : vector<16xf32>
      %swap3A_297 = arith.index_cast %scan3A_150 : i32 to index
      %swap3A_298 = arith.constant 112 : index
      %swap3A_299 = tpu.vector_load %arg20[%swap3A_297, %swap3A_298] {strides = array<i32>} : memref<64x256xf32, #tpu.memory_space<vmem>>, vector<1x16xf32>,
      %swap3A_300 = vector.shape_cast %swap3A_299 : vector<1x16xf32> to vector<16xf32>
      %swap3A_301 = vector.shape_cast %add3A_296 : vector<16xf32> to vector<1x16xf32>
      tpu.vector_store %arg20[%swap3A_297, %swap3A_298], %swap3A_301 {strides = array<i32>} : memref<64x256xf32, #tpu.memory_space<vmem>>, vector<1x16xf32>,
      %get3A_302 = arith.index_cast %scan3A_150 : i32 to index
      %get3A_303 = arith.constant 128 : index
      %get3A_304 = tpu.vector_load %arg20[%get3A_302, %get3A_303] {strides = array<i32>} : memref<64x256xf32, #tpu.memory_space<vmem>>, vector<1x16xf32>,
      %get3A_305 = vector.shape_cast %get3A_304 : vector<1x16xf32> to vector<16xf32>
      %get3A_306 = arith.index_cast %scan3A_150 : i32 to index
      %get3A_307 = arith.constant 128 : index
      %get3A_308 = tpu.vector_load %arg21[%get3A_306, %get3A_307] {strides = array<i32>} : memref<64x256xf32, #tpu.memory_space<vmem>>, vector<1x16xf32>,
      %get3A_309 = vector.shape_cast %get3A_308 : vector<1x16xf32> to vector<16xf32>
      %add3A_310 = arith.addf %get3A_305, %get3A_309 : vector<16xf32>
      %get3A_311 = arith.index_cast %scan3A_150 : i32 to index
      %get3A_312 = arith.constant 128 : index
      %get3A_313 = tpu.vector_load %arg22[%get3A_311, %get3A_312] {strides = array<i32>} : memref<64x256xf32, #tpu.memory_space<vmem>>, vector<1x16xf32>,
      %get3A_314 = vector.shape_cast %get3A_313 : vector<1x16xf32> to vector<16xf32>
      %add3A_315 = arith.addf %add3A_310, %get3A_314 : vector<16xf32>
      %swap3A_316 = arith.index_cast %scan3A_150 : i32 to index
      %swap3A_317 = arith.constant 128 : index
      %swap3A_318 = tpu.vector_load %arg20[%swap3A_316, %swap3A_317] {strides = array<i32>} : memref<64x256xf32, #tpu.memory_space<vmem>>, vector<1x16xf32>,
      %swap3A_319 = vector.shape_cast %swap3A_318 : vector<1x16xf32> to vector<16xf32>
      %swap3A_320 = vector.shape_cast %add3A_315 : vector<16xf32> to vector<1x16xf32>
      tpu.vector_store %arg20[%swap3A_316, %swap3A_317], %swap3A_320 {strides = array<i32>} : memref<64x256xf32, #tpu.memory_space<vmem>>, vector<1x16xf32>,
      %get3A_321 = arith.index_cast %scan3A_150 : i32 to index
      %get3A_322 = arith.constant 144 : index
      %get3A_323 = tpu.vector_load %arg20[%get3A_321, %get3A_322] {strides = array<i32>} : memref<64x256xf32, #tpu.memory_space<vmem>>, vector<1x16xf32>,
      %get3A_324 = vector.shape_cast %get3A_323 : vector<1x16xf32> to vector<16xf32>
      %get3A_325 = arith.index_cast %scan3A_150 : i32 to index
      %get3A_326 = arith.constant 144 : index
      %get3A_327 = tpu.vector_load %arg21[%get3A_325, %get3A_326] {strides = array<i32>} : memref<64x256xf32, #tpu.memory_space<vmem>>, vector<1x16xf32>,
      %get3A_328 = vector.shape_cast %get3A_327 : vector<1x16xf32> to vector<16xf32>
      %add3A_329 = arith.addf %get3A_324, %get3A_328 : vector<16xf32>
      %get3A_330 = arith.index_cast %scan3A_150 : i32 to index
      %get3A_331 = arith.constant 144 : index
      %get3A_332 = tpu.vector_load %arg22[%get3A_330, %get3A_331] {strides = array<i32>} : memref<64x256xf32, #tpu.memory_space<vmem>>, vector<1x16xf32>,
      %get3A_333 = vector.shape_cast %get3A_332 : vector<1x16xf32> to vector<16xf32>
      %add3A_334 = arith.addf %add3A_329, %get3A_333 : vector<16xf32>
      %swap3A_335 = arith.index_cast %scan3A_150 : i32 to index
      %swap3A_336 = arith.constant 144 : index
      %swap3A_337 = tpu.vector_load %arg20[%swap3A_335, %swap3A_336] {strides = array<i32>} : memref<64x256xf32, #tpu.memory_space<vmem>>, vector<1x16xf32>,
      %swap3A_338 = vector.shape_cast %swap3A_337 : vector<1x16xf32> to vector<16xf32>
      %swap3A_339 = vector.shape_cast %add3A_334 : vector<16xf32> to vector<1x16xf32>
      tpu.vector_store %arg20[%swap3A_335, %swap3A_336], %swap3A_339 {strides = array<i32>} : memref<64x256xf32, #tpu.memory_space<vmem>>, vector<1x16xf32>,
      %get3A_340 = arith.index_cast %scan3A_150 : i32 to index
      %get3A_341 = arith.constant 160 : index
      %get3A_342 = tpu.vector_load %arg20[%get3A_340, %get3A_341] {strides = array<i32>} : memref<64x256xf32, #tpu.memory_space<vmem>>, vector<1x16xf32>,
      %get3A_343 = vector.shape_cast %get3A_342 : vector<1x16xf32> to vector<16xf32>
      %get3A_344 = arith.index_cast %scan3A_150 : i32 to index
      %get3A_345 = arith.constant 160 : index
      %get3A_346 = tpu.vector_load %arg21[%get3A_344, %get3A_345] {strides = array<i32>} : memref<64x256xf32, #tpu.memory_space<vmem>>, vector<1x16xf32>,
      %get3A_347 = vector.shape_cast %get3A_346 : vector<1x16xf32> to vector<16xf32>
      %add3A_348 = arith.addf %get3A_343, %get3A_347 : vector<16xf32>
      %get3A_349 = arith.index_cast %scan3A_150 : i32 to index
      %get3A_350 = arith.constant 160 : index
      %get3A_351 = tpu.vector_load %arg22[%get3A_349, %get3A_350] {strides = array<i32>} : memref<64x256xf32, #tpu.memory_space<vmem>>, vector<1x16xf32>,
      %get3A_352 = vector.shape_cast %get3A_351 : vector<1x16xf32> to vector<16xf32>
      %add3A_353 = arith.addf %add3A_348, %get3A_352 : vector<16xf32>
      %swap3A_354 = arith.index_cast %scan3A_150 : i32 to index
      %swap3A_355 = arith.constant 160 : index
      %swap3A_356 = tpu.vector_load %arg20[%swap3A_354, %swap3A_355] {strides = array<i32>} : memref<64x256xf32, #tpu.memory_space<vmem>>, vector<1x16xf32>,
      %swap3A_357 = vector.shape_cast %swap3A_356 : vector<1x16xf32> to vector<16xf32>
      %swap3A_358 = vector.shape_cast %add3A_353 : vector<16xf32> to vector<1x16xf32>
      tpu.vector_store %arg20[%swap3A_354, %swap3A_355], %swap3A_358 {strides = array<i32>} : memref<64x256xf32, #tpu.memory_space<vmem>>, vector<1x16xf32>,
      %get3A_359 = arith.index_cast %scan3A_150 : i32 to index
      %get3A_360 = arith.constant 176 : index
      %get3A_361 = tpu.vector_load %arg20[%get3A_359, %get3A_360] {strides = array<i32>} : memref<64x256xf32, #tpu.memory_space<vmem>>, vector<1x16xf32>,
      %get3A_362 = vector.shape_cast %get3A_361 : vector<1x16xf32> to vector<16xf32>
      %get3A_363 = arith.index_cast %scan3A_150 : i32 to index
      %get3A_364 = arith.constant 176 : index
      %get3A_365 = tpu.vector_load %arg21[%get3A_363, %get3A_364] {strides = array<i32>} : memref<64x256xf32, #tpu.memory_space<vmem>>, vector<1x16xf32>,
      %get3A_366 = vector.shape_cast %get3A_365 : vector<1x16xf32> to vector<16xf32>
      %add3A_367 = arith.addf %get3A_362, %get3A_366 : vector<16xf32>
      %get3A_368 = arith.index_cast %scan3A_150 : i32 to index
      %get3A_369 = arith.constant 176 : index
      %get3A_370 = tpu.vector_load %arg22[%get3A_368, %get3A_369] {strides = array<i32>} : memref<64x256xf32, #tpu.memory_space<vmem>>, vector<1x16xf32>,
      %get3A_371 = vector.shape_cast %get3A_370 : vector<1x16xf32> to vector<16xf32>
      %add3A_372 = arith.addf %add3A_367, %get3A_371 : vector<16xf32>
      %swap3A_373 = arith.index_cast %scan3A_150 : i32 to index
      %swap3A_374 = arith.constant 176 : index
      %swap3A_375 = tpu.vector_load %arg20[%swap3A_373, %swap3A_374] {strides = array<i32>} : memref<64x256xf32, #tpu.memory_space<vmem>>, vector<1x16xf32>,
      %swap3A_376 = vector.shape_cast %swap3A_375 : vector<1x16xf32> to vector<16xf32>
      %swap3A_377 = vector.shape_cast %add3A_372 : vector<16xf32> to vector<1x16xf32>
      tpu.vector_store %arg20[%swap3A_373, %swap3A_374], %swap3A_377 {strides = array<i32>} : memref<64x256xf32, #tpu.memory_space<vmem>>, vector<1x16xf32>,
      %get3A_378 = arith.index_cast %scan3A_150 : i32 to index
      %get3A_379 = arith.constant 192 : index
      %get3A_380 = tpu.vector_load %arg20[%get3A_378, %get3A_379] {strides = array<i32>} : memref<64x256xf32, #tpu.memory_space<vmem>>, vector<1x16xf32>,
      %get3A_381 = vector.shape_cast %get3A_380 : vector<1x16xf32> to vector<16xf32>
      %get3A_382 = arith.index_cast %scan3A_150 : i32 to index
      %get3A_383 = arith.constant 192 : index
      %get3A_384 = tpu.vector_load %arg21[%get3A_382, %get3A_383] {strides = array<i32>} : memref<64x256xf32, #tpu.memory_space<vmem>>, vector<1x16xf32>,
      %get3A_385 = vector.shape_cast %get3A_384 : vector<1x16xf32> to vector<16xf32>
      %add3A_386 = arith.addf %get3A_381, %get3A_385 : vector<16xf32>
      %get3A_387 = arith.index_cast %scan3A_150 : i32 to index
      %get3A_388 = arith.constant 192 : index
      %get3A_389 = tpu.vector_load %arg22[%get3A_387, %get3A_388] {strides = array<i32>} : memref<64x256xf32, #tpu.memory_space<vmem>>, vector<1x16xf32>,
      %get3A_390 = vector.shape_cast %get3A_389 : vector<1x16xf32> to vector<16xf32>
      %add3A_391 = arith.addf %add3A_386, %get3A_390 : vector<16xf32>
      %swap3A_392 = arith.index_cast %scan3A_150 : i32 to index
      %swap3A_393 = arith.constant 192 : index
      %swap3A_394 = tpu.vector_load %arg20[%swap3A_392, %swap3A_393] {strides = array<i32>} : memref<64x256xf32, #tpu.memory_space<vmem>>, vector<1x16xf32>,
      %swap3A_395 = vector.shape_cast %swap3A_394 : vector<1x16xf32> to vector<16xf32>
      %swap3A_396 = vector.shape_cast %add3A_391 : vector<16xf32> to vector<1x16xf32>
      tpu.vector_store %arg20[%swap3A_392, %swap3A_393], %swap3A_396 {strides = array<i32>} : memref<64x256xf32, #tpu.memory_space<vmem>>, vector<1x16xf32>,
      %get3A_397 = arith.index_cast %scan3A_150 : i32 to index
      %get3A_398 = arith.constant 208 : index
      %get3A_399 = tpu.vector_load %arg20[%get3A_397, %get3A_398] {strides = array<i32>} : memref<64x256xf32, #tpu.memory_space<vmem>>, vector<1x16xf32>,
      %get3A_400 = vector.shape_cast %get3A_399 : vector<1x16xf32> to vector<16xf32>
      %get3A_401 = arith.index_cast %scan3A_150 : i32 to index
      %get3A_402 = arith.constant 208 : index
      %get3A_403 = tpu.vector_load %arg21[%get3A_401, %get3A_402] {strides = array<i32>} : memref<64x256xf32, #tpu.memory_space<vmem>>, vector<1x16xf32>,
      %get3A_404 = vector.shape_cast %get3A_403 : vector<1x16xf32> to vector<16xf32>
      %add3A_405 = arith.addf %get3A_400, %get3A_404 : vector<16xf32>
      %get3A_406 = arith.index_cast %scan3A_150 : i32 to index
      %get3A_407 = arith.constant 208 : index
      %get3A_408 = tpu.vector_load %arg22[%get3A_406, %get3A_407] {strides = array<i32>} : memref<64x256xf32, #tpu.memory_space<vmem>>, vector<1x16xf32>,
      %get3A_409 = vector.shape_cast %get3A_408 : vector<1x16xf32> to vector<16xf32>
      %add3A_410 = arith.addf %add3A_405, %get3A_409 : vector<16xf32>
      %swap3A_411 = arith.index_cast %scan3A_150 : i32 to index
      %swap3A_412 = arith.constant 208 : index
      %swap3A_413 = tpu.vector_load %arg20[%swap3A_411, %swap3A_412] {strides = array<i32>} : memref<64x256xf32, #tpu.memory_space<vmem>>, vector<1x16xf32>,
      %swap3A_414 = vector.shape_cast %swap3A_413 : vector<1x16xf32> to vector<16xf32>
      %swap3A_415 = vector.shape_cast %add3A_410 : vector<16xf32> to vector<1x16xf32>
      tpu.vector_store %arg20[%swap3A_411, %swap3A_412], %swap3A_415 {strides = array<i32>} : memref<64x256xf32, #tpu.memory_space<vmem>>, vector<1x16xf32>,
      %get3A_416 = arith.index_cast %scan3A_150 : i32 to index
      %get3A_417 = arith.constant 224 : index
      %get3A_418 = tpu.vector_load %arg20[%get3A_416, %get3A_417] {strides = array<i32>} : memref<64x256xf32, #tpu.memory_space<vmem>>, vector<1x16xf32>,
      %get3A_419 = vector.shape_cast %get3A_418 : vector<1x16xf32> to vector<16xf32>
      %get3A_420 = arith.index_cast %scan3A_150 : i32 to index
      %get3A_421 = arith.constant 224 : index
      %get3A_422 = tpu.vector_load %arg21[%get3A_420, %get3A_421] {strides = array<i32>} : memref<64x256xf32, #tpu.memory_space<vmem>>, vector<1x16xf32>,
      %get3A_423 = vector.shape_cast %get3A_422 : vector<1x16xf32> to vector<16xf32>
      %add3A_424 = arith.addf %get3A_419, %get3A_423 : vector<16xf32>
      %get3A_425 = arith.index_cast %scan3A_150 : i32 to index
      %get3A_426 = arith.constant 224 : index
      %get3A_427 = tpu.vector_load %arg22[%get3A_425, %get3A_426] {strides = array<i32>} : memref<64x256xf32, #tpu.memory_space<vmem>>, vector<1x16xf32>,
      %get3A_428 = vector.shape_cast %get3A_427 : vector<1x16xf32> to vector<16xf32>
      %add3A_429 = arith.addf %add3A_424, %get3A_428 : vector<16xf32>
      %swap3A_430 = arith.index_cast %scan3A_150 : i32 to index
      %swap3A_431 = arith.constant 224 : index
      %swap3A_432 = tpu.vector_load %arg20[%swap3A_430, %swap3A_431] {strides = array<i32>} : memref<64x256xf32, #tpu.memory_space<vmem>>, vector<1x16xf32>,
      %swap3A_433 = vector.shape_cast %swap3A_432 : vector<1x16xf32> to vector<16xf32>
      %swap3A_434 = vector.shape_cast %add3A_429 : vector<16xf32> to vector<1x16xf32>
      tpu.vector_store %arg20[%swap3A_430, %swap3A_431], %swap3A_434 {strides = array<i32>} : memref<64x256xf32, #tpu.memory_space<vmem>>, vector<1x16xf32>,
      %get3A_435 = arith.index_cast %scan3A_150 : i32 to index
      %get3A_436 = arith.constant 240 : index
      %get3A_437 = tpu.vector_load %arg20[%get3A_435, %get3A_436] {strides = array<i32>} : memref<64x256xf32, #tpu.memory_space<vmem>>, vector<1x16xf32>,
      %get3A_438 = vector.shape_cast %get3A_437 : vector<1x16xf32> to vector<16xf32>
      %get3A_439 = arith.index_cast %scan3A_150 : i32 to index
      %get3A_440 = arith.constant 240 : index
      %get3A_441 = tpu.vector_load %arg21[%get3A_439, %get3A_440] {strides = array<i32>} : memref<64x256xf32, #tpu.memory_space<vmem>>, vector<1x16xf32>,
      %get3A_442 = vector.shape_cast %get3A_441 : vector<1x16xf32> to vector<16xf32>
      %add3A_443 = arith.addf %get3A_438, %get3A_442 : vector<16xf32>
      %get3A_444 = arith.index_cast %scan3A_150 : i32 to index
      %get3A_445 = arith.constant 240 : index
      %get3A_446 = tpu.vector_load %arg22[%get3A_444, %get3A_445] {strides = array<i32>} : memref<64x256xf32, #tpu.memory_space<vmem>>, vector<1x16xf32>,
      %get3A_447 = vector.shape_cast %get3A_446 : vector<1x16xf32> to vector<16xf32>
      %add3A_448 = arith.addf %add3A_443, %get3A_447 : vector<16xf32>
      %swap3A_449 = arith.index_cast %scan3A_150 : i32 to index
      %swap3A_450 = arith.constant 240 : index
      %swap3A_451 = tpu.vector_load %arg20[%swap3A_449, %swap3A_450] {strides = array<i32>} : memref<64x256xf32, #tpu.memory_space<vmem>>, vector<1x16xf32>,
      %swap3A_452 = vector.shape_cast %swap3A_451 : vector<1x16xf32> to vector<16xf32>
      %swap3A_453 = vector.shape_cast %add3A_448 : vector<16xf32> to vector<1x16xf32>
      tpu.vector_store %arg20[%swap3A_449, %swap3A_450], %swap3A_453 {strides = array<i32>} : memref<64x256xf32, #tpu.memory_space<vmem>>, vector<1x16xf32>,
      %scan3A_454 = arith.constant 0 : i32
      scf.yield %scan3A_454 : i32
    }
    %scan3A_102 = arith.constant 64 : i32
    %add3A_103 = arith.constant 0 : i32
    %add3A_104 = arith.addi %min3A_3, %add3A_103 : i32
    %dma_start3A_105 = arith.constant 0 : i32
    %dma_start3A_106 = tpu.memref_slice %arg4[%add3A_104, %dma_start3A_105] : memref<100000x256xf32, #tpu.memory_space<hbm>> -> memref<64x256xf32, #tpu.memory_space<hbm>>
    %dma_start3A_107 = arith.constant 0 : i32
    %dma_start3A_108 = tpu.memref_slice %arg4[%add3A_104, %dma_start3A_107] : memref<100000x256xf32, #tpu.memory_space<hbm>> -> memref<64x256xf32, #tpu.memory_space<hbm>>
    tpu.enqueue_dma source(%arg20 : memref<64x256xf32, #tpu.memory_space<vmem>>) target(%dma_start3A_108 : memref<64x256xf32, #tpu.memory_space<hbm>>) target_semaphore(%arg29 : memref<!tpu.dma_semaphore, #tpu.memory_space<semaphore_mem>>)
    %scan3A_109 = arith.constant 0 : i32
    %scan3A_110 = arith.constant 0 : i32
    %scan3A_111 = arith.constant 24 : i32
    %scan3A_112 = arith.addi %scan3A_110, %scan3A_111 : i32
    %scan3A_113 = arith.constant 1 : i32
    %scan3A_114 = scf.for %scan3A_150 = %scan3A_110 to %scan3A_112 step %scan3A_113 iter_args(%scan3A_151 = %scan3A_109) -> (i32)  : i32 {
      %mul3A_152 = arith.constant 2 : i32
      %mul3A_153 = arith.muli %mul3A_152, %scan3A_150 : i32
      %add3A_154 = arith.constant 1 : i32
      %add3A_155 = arith.addi %add3A_154, %mul3A_153 : i32
      %sub3A = arith.constant 1 : i32
      %sub3A_156 = arith.subi %add3A_155, %sub3A : i32
      %mul3A_157 = arith.constant 64 : i32
      %mul3A_158 = arith.muli %sub3A_156, %mul3A_157 : i32
      %add3A_159 = arith.addi %min3A_3, %mul3A_158 : i32
      %dma_wait3A_160 = arith.constant 0 : i32
      %dma_wait3A_161 = tpu.memref_slice %arg4[%add3A_159, %dma_wait3A_160] : memref<100000x256xf32, #tpu.memory_space<hbm>> -> memref<64x256xf32, #tpu.memory_space<hbm>>
      %dma_wait3A_162 = arith.constant 0 : i32
      %dma_wait3A_163 = tpu.memref_slice %arg4[%add3A_159, %dma_wait3A_162] : memref<100000x256xf32, #tpu.memory_space<hbm>> -> memref<64x256xf32, #tpu.memory_space<hbm>>
      tpu.wait_dma2 semaphore(%arg29 : memref<!tpu.dma_semaphore, #tpu.memory_space<semaphore_mem>>) src(%arg20 : memref<64x256xf32, #tpu.memory_space<vmem>>) dst(%dma_wait3A_163 : memref<64x256xf32, #tpu.memory_space<hbm>>)
      %add3A_164 = arith.constant 1 : i32
      %add3A_165 = arith.addi %add3A_155, %add3A_164 : i32
      %scan3A_166 = arith.constant 0 : i32
      %scan3A_167 = arith.constant 0 : i32
      %scan3A_168 = arith.constant 4 : i32
      %scan3A_169 = arith.addi %scan3A_167, %scan3A_168 : i32
      %scan3A_170 = arith.constant 1 : i32
      %scan3A_171 = scf.for %scan3A_258 = %scan3A_167 to %scan3A_169 step %scan3A_170 iter_args(%scan3A_259 = %scan3A_166) -> (i32)  : i32 {
        %mul3A_260 = arith.constant 64 : i32
        %mul3A_261 = arith.muli %add3A_165, %mul3A_260 : i32
        %mul3A_262 = arith.constant 16 : i32
        %mul3A_263 = arith.muli %scan3A_258, %mul3A_262 : i32
        %add3A_264 = arith.addi %mul3A_261, %mul3A_263 : i32
        %mul3A_265 = arith.constant 16 : i32
        %mul3A_266 = arith.muli %scan3A_258, %mul3A_265 : i32
        %get3A = arith.index_cast %add3A_264 : i32 to index
        %get3A_267 = tpu.vector_load %arg5[%get3A] {strides = array<i32>} : memref<3200xi32, #tpu.memory_space<vmem>>, vector<16xi32>,
        %get3A_268 = vector.shape_cast %get3A_267 : vector<16xi32> to vector<16xi32>
        %mul3A_269 = arith.constant 4 : i32
        %mul3A_270 = vector.broadcast %mul3A_269 : i32 to vector<16xi32>
        %mul3A_271 = arith.muli %get3A_268, %mul3A_270 : vector<16xi32>
        %get3A_272 = arith.index_cast %add3A_264 : i32 to index
        %get3A_273 = tpu.vector_load %arg12[%get3A_272] {strides = array<i32>} : memref<3200xi32, #tpu.memory_space<vmem>>, vector<16xi32>,
        %get3A_274 = vector.shape_cast %get3A_273 : vector<16xi32> to vector<16xi32>
        %mul3A_275 = arith.constant 2 : i32
        %mul3A_276 = vector.broadcast %mul3A_275 : i32 to vector<16xi32>
        %mul3A_277 = arith.muli %get3A_274, %mul3A_276 : vector<16xi32>
        %add3A_278 = arith.addi %mul3A_271, %mul3A_277 : vector<16xi32>
        %get3A_279 = arith.index_cast %add3A_264 : i32 to index
        %get3A_280 = tpu.vector_load %arg13[%get3A_279] {strides = array<i32>} : memref<3200xi32, #tpu.memory_space<vmem>>, vector<16xi32>,
        %get3A_281 = vector.shape_cast %get3A_280 : vector<16xi32> to vector<16xi32>
        %add3A_282 = arith.addi %add3A_278, %get3A_281 : vector<16xi32>
        %swap3A = arith.index_cast %mul3A_266 : i32 to index
        %swap3A_283 = tpu.vector_load %arg14[%swap3A] {strides = array<i32>} : memref<64xi32, #tpu.memory_space<vmem>>, vector<16xi32>,
        %swap3A_284 = vector.shape_cast %swap3A_283 : vector<16xi32> to vector<16xi32>
        %swap3A_285 = vector.shape_cast %add3A_282 : vector<16xi32> to vector<16xi32>
        tpu.vector_store %arg14[%swap3A], %swap3A_285 {strides = array<i32>} : memref<64xi32, #tpu.memory_space<vmem>>, vector<16xi32>,
        %get3A_286 = arith.index_cast %add3A_264 : i32 to index
        %get3A_287 = tpu.vector_load %arg6[%get3A_286] {strides = array<i32>} : memref<3200xi32, #tpu.memory_space<vmem>>, vector<16xi32>,
        %get3A_288 = vector.shape_cast %get3A_287 : vector<16xi32> to vector<16xi32>
        %mul3A_289 = arith.constant 144 : i32
        %mul3A_290 = vector.broadcast %mul3A_289 : i32 to vector<16xi32>
        %mul3A_291 = arith.muli %get3A_288, %mul3A_290 : vector<16xi32>
        %get3A_292 = arith.index_cast %add3A_264 : i32 to index
        %get3A_293 = tpu.vector_load %arg7[%get3A_292] {strides = array<i32>} : memref<3200xi32, #tpu.memory_space<vmem>>, vector<16xi32>,
        %get3A_294 = vector.shape_cast %get3A_293 : vector<16xi32> to vector<16xi32>
        %mul3A_295 = arith.constant 12 : i32
        %mul3A_296 = vector.broadcast %mul3A_295 : i32 to vector<16xi32>
        %mul3A_297 = arith.muli %get3A_294, %mul3A_296 : vector<16xi32>
        %add3A_298 = arith.addi %mul3A_291, %mul3A_297 : vector<16xi32>
        %get3A_299 = arith.index_cast %add3A_264 : i32 to index
        %get3A_300 = tpu.vector_load %arg8[%get3A_299] {strides = array<i32>} : memref<3200xi32, #tpu.memory_space<vmem>>, vector<16xi32>,
        %get3A_301 = vector.shape_cast %get3A_300 : vector<16xi32> to vector<16xi32>
        %add3A_302 = arith.addi %add3A_298, %get3A_301 : vector<16xi32>
        %add3A_303 = arith.constant 480 : i32
        %add3A_304 = vector.broadcast %add3A_303 : i32 to vector<16xi32>
        %add3A_305 = arith.addi %add3A_302, %add3A_304 : vector<16xi32>
        %swap3A_306 = arith.index_cast %mul3A_266 : i32 to index
        %swap3A_307 = tpu.vector_load %arg15[%swap3A_306] {strides = array<i32>} : memref<64xi32, #tpu.memory_space<vmem>>, vector<16xi32>,
        %swap3A_308 = vector.shape_cast %swap3A_307 : vector<16xi32> to vector<16xi32>
        %swap3A_309 = vector.shape_cast %add3A_305 : vector<16xi32> to vector<16xi32>
        tpu.vector_store %arg15[%swap3A_306], %swap3A_309 {strides = array<i32>} : memref<64xi32, #tpu.memory_space<vmem>>, vector<16xi32>,
        %get3A_310 = arith.index_cast %add3A_264 : i32 to index
        %get3A_311 = tpu.vector_load %arg9[%get3A_310] {strides = array<i32>} : memref<3200xi32, #tpu.memory_space<vmem>>, vector<16xi32>,
        %get3A_312 = vector.shape_cast %get3A_311 : vector<16xi32> to vector<16xi32>
        %mul3A_313 = arith.constant 36 : i32
        %mul3A_314 = vector.broadcast %mul3A_313 : i32 to vector<16xi32>
        %mul3A_315 = arith.muli %get3A_312, %mul3A_314 : vector<16xi32>
        %get3A_316 = arith.index_cast %add3A_264 : i32 to index
        %get3A_317 = tpu.vector_load %arg10[%get3A_316] {strides = array<i32>} : memref<3200xi32, #tpu.memory_space<vmem>>, vector<16xi32>,
        %get3A_318 = vector.shape_cast %get3A_317 : vector<16xi32> to vector<16xi32>
        %mul3A_319 = arith.constant 6 : i32
        %mul3A_320 = vector.broadcast %mul3A_319 : i32 to vector<16xi32>
        %mul3A_321 = arith.muli %get3A_318, %mul3A_320 : vector<16xi32>
        %add3A_322 = arith.addi %mul3A_315, %mul3A_321 : vector<16xi32>
        %get3A_323 = arith.index_cast %add3A_264 : i32 to index
        %get3A_324 = tpu.vector_load %arg11[%get3A_323] {strides = array<i32>} : memref<3200xi32, #tpu.memory_space<vmem>>, vector<16xi32>,
        %get3A_325 = vector.shape_cast %get3A_324 : vector<16xi32> to vector<16xi32>
        %add3A_326 = arith.addi %add3A_322, %get3A_325 : vector<16xi32>
        %add3A_327 = arith.constant 1056 : i32
        %add3A_328 = vector.broadcast %add3A_327 : i32 to vector<16xi32>
        %add3A_329 = arith.addi %add3A_326, %add3A_328 : vector<16xi32>
        %swap3A_330 = arith.index_cast %mul3A_266 : i32 to index
        %swap3A_331 = tpu.vector_load %arg16[%swap3A_330] {strides = array<i32>} : memref<64xi32, #tpu.memory_space<vmem>>, vector<16xi32>,
        %swap3A_332 = vector.shape_cast %swap3A_331 : vector<16xi32> to vector<16xi32>
        %swap3A_333 = vector.shape_cast %add3A_329 : vector<16xi32> to vector<16xi32>
        tpu.vector_store %arg16[%swap3A_330], %swap3A_333 {strides = array<i32>} : memref<64xi32, #tpu.memory_space<vmem>>, vector<16xi32>,
        %scan3A_334 = arith.constant 0 : i32
        scf.yield %scan3A_334 : i32
      }
      %scan3A_172 = arith.constant 4 : i32
      %dma_start3A_173 = arith.constant 0 : i32
      %dma_start3A_174 = arith.constant 0 : i32
      %dma_start3A_175 = tpu.memref_slice %arg3[%dma_start3A_173, %dma_start3A_174] : memref<1416x256xf32, #tpu.memory_space<hbm>> -> memref<1416x256xf32, #tpu.memory_space<hbm>>
      tpu.enqueue_indirect_dma source(%dma_start3A_175 : memref<1416x256xf32, #tpu.memory_space<hbm>>) target(%arg20 : memref<64x256xf32, #tpu.memory_space<vmem>>) offsets(%arg14 : memref<64xi32, #tpu.memory_space<vmem>>) semaphore(%arg27 : memref<!tpu.dma_semaphore, #tpu.memory_space<semaphore_mem>>)
      %dma_start3A_176 = arith.constant 0 : i32
      %dma_start3A_177 = arith.constant 0 : i32
      %dma_start3A_178 = tpu.memref_slice %arg3[%dma_start3A_176, %dma_start3A_177] : memref<1416x256xf32, #tpu.memory_space<hbm>> -> memref<1416x256xf32, #tpu.memory_space<hbm>>
      tpu.enqueue_indirect_dma source(%dma_start3A_178 : memref<1416x256xf32, #tpu.memory_space<hbm>>) target(%arg21 : memref<64x256xf32, #tpu.memory_space<vmem>>) offsets(%arg15 : memref<64xi32, #tpu.memory_space<vmem>>) semaphore(%arg27 : memref<!tpu.dma_semaphore, #tpu.memory_space<semaphore_mem>>)
      %dma_start3A_179 = arith.constant 0 : i32
      %dma_start3A_180 = arith.constant 0 : i32
      %dma_start3A_181 = tpu.memref_slice %arg3[%dma_start3A_179, %dma_start3A_180] : memref<1416x256xf32, #tpu.memory_space<hbm>> -> memref<1416x256xf32, #tpu.memory_space<hbm>>
      tpu.enqueue_indirect_dma source(%dma_start3A_181 : memref<1416x256xf32, #tpu.memory_space<hbm>>) target(%arg22 : memref<64x256xf32, #tpu.memory_space<vmem>>) offsets(%arg16 : memref<64xi32, #tpu.memory_space<vmem>>) semaphore(%arg27 : memref<!tpu.dma_semaphore, #tpu.memory_space<semaphore_mem>>)
      %dma_wait3A_182 = arith.constant 0 : i32
      %dma_wait3A_183 = arith.constant 0 : i32
      %dma_wait3A_184 = tpu.memref_slice %arg3[%dma_wait3A_182, %dma_wait3A_183] : memref<1416x256xf32, #tpu.memory_space<hbm>> -> memref<1416x256xf32, #tpu.memory_space<hbm>>
      tpu.wait_indirect_dma semaphore(%arg28 : memref<!tpu.dma_semaphore, #tpu.memory_space<semaphore_mem>>) src(%dma_wait3A_184 : memref<1416x256xf32, #tpu.memory_space<hbm>>) dst(%arg23 : memref<64x256xf32, #tpu.memory_space<vmem>>)
      %dma_wait3A_185 = arith.constant 0 : i32
      %dma_wait3A_186 = arith.constant 0 : i32
      %dma_wait3A_187 = tpu.memref_slice %arg3[%dma_wait3A_185, %dma_wait3A_186] : memref<1416x256xf32, #tpu.memory_space<hbm>> -> memref<1416x256xf32, #tpu.memory_space<hbm>>
      tpu.wait_indirect_dma semaphore(%arg28 : memref<!tpu.dma_semaphore, #tpu.memory_space<semaphore_mem>>) src(%dma_wait3A_187 : memref<1416x256xf32, #tpu.memory_space<hbm>>) dst(%arg24 : memref<64x256xf32, #tpu.memory_space<vmem>>)
      %dma_wait3A_188 = arith.constant 0 : i32
      %dma_wait3A_189 = arith.constant 0 : i32
      %dma_wait3A_190 = tpu.memref_slice %arg3[%dma_wait3A_188, %dma_wait3A_189] : memref<1416x256xf32, #tpu.memory_space<hbm>> -> memref<1416x256xf32, #tpu.memory_space<hbm>>
      tpu.wait_indirect_dma semaphore(%arg28 : memref<!tpu.dma_semaphore, #tpu.memory_space<semaphore_mem>>) src(%dma_wait3A_190 : memref<1416x256xf32, #tpu.memory_space<hbm>>) dst(%arg25 : memref<64x256xf32, #tpu.memory_space<vmem>>)
      %scan3A_191 = arith.constant 0 : i32
      %scan3A_192 = arith.constant 0 : i32
      %scan3A_193 = arith.constant 64 : i32
      %scan3A_194 = arith.addi %scan3A_192, %scan3A_193 : i32
      %scan3A_195 = arith.constant 1 : i32
      %scan3A_196 = scf.for %scan3A_258 = %scan3A_192 to %scan3A_194 step %scan3A_195 iter_args(%scan3A_259 = %scan3A_191) -> (i32)  : i32 {
        %get3A = arith.index_cast %scan3A_258 : i32 to index
        %get3A_260 = arith.constant 0 : index
        %get3A_261 = tpu.vector_load %arg23[%get3A, %get3A_260] {strides = array<i32>} : memref<64x256xf32, #tpu.memory_space<vmem>>, vector<1x16xf32>,
        %get3A_262 = vector.shape_cast %get3A_261 : vector<1x16xf32> to vector<16xf32>
        %get3A_263 = arith.index_cast %scan3A_258 : i32 to index
        %get3A_264 = arith.constant 0 : index
        %get3A_265 = tpu.vector_load %arg24[%get3A_263, %get3A_264] {strides = array<i32>} : memref<64x256xf32, #tpu.memory_space<vmem>>, vector<1x16xf32>,
        %get3A_266 = vector.shape_cast %get3A_265 : vector<1x16xf32> to vector<16xf32>
        %add3A_267 = arith.addf %get3A_262, %get3A_266 : vector<16xf32>
        %get3A_268 = arith.index_cast %scan3A_258 : i32 to index
        %get3A_269 = arith.constant 0 : index
        %get3A_270 = tpu.vector_load %arg25[%get3A_268, %get3A_269] {strides = array<i32>} : memref<64x256xf32, #tpu.memory_space<vmem>>, vector<1x16xf32>,
        %get3A_271 = vector.shape_cast %get3A_270 : vector<1x16xf32> to vector<16xf32>
        %add3A_272 = arith.addf %add3A_267, %get3A_271 : vector<16xf32>
        %swap3A = arith.index_cast %scan3A_258 : i32 to index
        %swap3A_273 = arith.constant 0 : index
        %swap3A_274 = tpu.vector_load %arg23[%swap3A, %swap3A_273] {strides = array<i32>} : memref<64x256xf32, #tpu.memory_space<vmem>>, vector<1x16xf32>,
        %swap3A_275 = vector.shape_cast %swap3A_274 : vector<1x16xf32> to vector<16xf32>
        %swap3A_276 = vector.shape_cast %add3A_272 : vector<16xf32> to vector<1x16xf32>
        tpu.vector_store %arg23[%swap3A, %swap3A_273], %swap3A_276 {strides = array<i32>} : memref<64x256xf32, #tpu.memory_space<vmem>>, vector<1x16xf32>,
        %get3A_277 = arith.index_cast %scan3A_258 : i32 to index
        %get3A_278 = arith.constant 16 : index
        %get3A_279 = tpu.vector_load %arg23[%get3A_277, %get3A_278] {strides = array<i32>} : memref<64x256xf32, #tpu.memory_space<vmem>>, vector<1x16xf32>,
        %get3A_280 = vector.shape_cast %get3A_279 : vector<1x16xf32> to vector<16xf32>
        %get3A_281 = arith.index_cast %scan3A_258 : i32 to index
        %get3A_282 = arith.constant 16 : index
        %get3A_283 = tpu.vector_load %arg24[%get3A_281, %get3A_282] {strides = array<i32>} : memref<64x256xf32, #tpu.memory_space<vmem>>, vector<1x16xf32>,
        %get3A_284 = vector.shape_cast %get3A_283 : vector<1x16xf32> to vector<16xf32>
        %add3A_285 = arith.addf %get3A_280, %get3A_284 : vector<16xf32>
        %get3A_286 = arith.index_cast %scan3A_258 : i32 to index
        %get3A_287 = arith.constant 16 : index
        %get3A_288 = tpu.vector_load %arg25[%get3A_286, %get3A_287] {strides = array<i32>} : memref<64x256xf32, #tpu.memory_space<vmem>>, vector<1x16xf32>,
        %get3A_289 = vector.shape_cast %get3A_288 : vector<1x16xf32> to vector<16xf32>
        %add3A_290 = arith.addf %add3A_285, %get3A_289 : vector<16xf32>
        %swap3A_291 = arith.index_cast %scan3A_258 : i32 to index
        %swap3A_292 = arith.constant 16 : index
        %swap3A_293 = tpu.vector_load %arg23[%swap3A_291, %swap3A_292] {strides = array<i32>} : memref<64x256xf32, #tpu.memory_space<vmem>>, vector<1x16xf32>,
        %swap3A_294 = vector.shape_cast %swap3A_293 : vector<1x16xf32> to vector<16xf32>
        %swap3A_295 = vector.shape_cast %add3A_290 : vector<16xf32> to vector<1x16xf32>
        tpu.vector_store %arg23[%swap3A_291, %swap3A_292], %swap3A_295 {strides = array<i32>} : memref<64x256xf32, #tpu.memory_space<vmem>>, vector<1x16xf32>,
        %get3A_296 = arith.index_cast %scan3A_258 : i32 to index
        %get3A_297 = arith.constant 32 : index
        %get3A_298 = tpu.vector_load %arg23[%get3A_296, %get3A_297] {strides = array<i32>} : memref<64x256xf32, #tpu.memory_space<vmem>>, vector<1x16xf32>,
        %get3A_299 = vector.shape_cast %get3A_298 : vector<1x16xf32> to vector<16xf32>
        %get3A_300 = arith.index_cast %scan3A_258 : i32 to index
        %get3A_301 = arith.constant 32 : index
        %get3A_302 = tpu.vector_load %arg24[%get3A_300, %get3A_301] {strides = array<i32>} : memref<64x256xf32, #tpu.memory_space<vmem>>, vector<1x16xf32>,
        %get3A_303 = vector.shape_cast %get3A_302 : vector<1x16xf32> to vector<16xf32>
        %add3A_304 = arith.addf %get3A_299, %get3A_303 : vector<16xf32>
        %get3A_305 = arith.index_cast %scan3A_258 : i32 to index
        %get3A_306 = arith.constant 32 : index
        %get3A_307 = tpu.vector_load %arg25[%get3A_305, %get3A_306] {strides = array<i32>} : memref<64x256xf32, #tpu.memory_space<vmem>>, vector<1x16xf32>,
        %get3A_308 = vector.shape_cast %get3A_307 : vector<1x16xf32> to vector<16xf32>
        %add3A_309 = arith.addf %add3A_304, %get3A_308 : vector<16xf32>
        %swap3A_310 = arith.index_cast %scan3A_258 : i32 to index
        %swap3A_311 = arith.constant 32 : index
        %swap3A_312 = tpu.vector_load %arg23[%swap3A_310, %swap3A_311] {strides = array<i32>} : memref<64x256xf32, #tpu.memory_space<vmem>>, vector<1x16xf32>,
        %swap3A_313 = vector.shape_cast %swap3A_312 : vector<1x16xf32> to vector<16xf32>
        %swap3A_314 = vector.shape_cast %add3A_309 : vector<16xf32> to vector<1x16xf32>
        tpu.vector_store %arg23[%swap3A_310, %swap3A_311], %swap3A_314 {strides = array<i32>} : memref<64x256xf32, #tpu.memory_space<vmem>>, vector<1x16xf32>,
        %get3A_315 = arith.index_cast %scan3A_258 : i32 to index
        %get3A_316 = arith.constant 48 : index
        %get3A_317 = tpu.vector_load %arg23[%get3A_315, %get3A_316] {strides = array<i32>} : memref<64x256xf32, #tpu.memory_space<vmem>>, vector<1x16xf32>,
        %get3A_318 = vector.shape_cast %get3A_317 : vector<1x16xf32> to vector<16xf32>
        %get3A_319 = arith.index_cast %scan3A_258 : i32 to index
        %get3A_320 = arith.constant 48 : index
        %get3A_321 = tpu.vector_load %arg24[%get3A_319, %get3A_320] {strides = array<i32>} : memref<64x256xf32, #tpu.memory_space<vmem>>, vector<1x16xf32>,
        %get3A_322 = vector.shape_cast %get3A_321 : vector<1x16xf32> to vector<16xf32>
        %add3A_323 = arith.addf %get3A_318, %get3A_322 : vector<16xf32>
        %get3A_324 = arith.index_cast %scan3A_258 : i32 to index
        %get3A_325 = arith.constant 48 : index
        %get3A_326 = tpu.vector_load %arg25[%get3A_324, %get3A_325] {strides = array<i32>} : memref<64x256xf32, #tpu.memory_space<vmem>>, vector<1x16xf32>,
        %get3A_327 = vector.shape_cast %get3A_326 : vector<1x16xf32> to vector<16xf32>
        %add3A_328 = arith.addf %add3A_323, %get3A_327 : vector<16xf32>
        %swap3A_329 = arith.index_cast %scan3A_258 : i32 to index
        %swap3A_330 = arith.constant 48 : index
        %swap3A_331 = tpu.vector_load %arg23[%swap3A_329, %swap3A_330] {strides = array<i32>} : memref<64x256xf32, #tpu.memory_space<vmem>>, vector<1x16xf32>,
        %swap3A_332 = vector.shape_cast %swap3A_331 : vector<1x16xf32> to vector<16xf32>
        %swap3A_333 = vector.shape_cast %add3A_328 : vector<16xf32> to vector<1x16xf32>
        tpu.vector_store %arg23[%swap3A_329, %swap3A_330], %swap3A_333 {strides = array<i32>} : memref<64x256xf32, #tpu.memory_space<vmem>>, vector<1x16xf32>,
        %get3A_334 = arith.index_cast %scan3A_258 : i32 to index
        %get3A_335 = arith.constant 64 : index
        %get3A_336 = tpu.vector_load %arg23[%get3A_334, %get3A_335] {strides = array<i32>} : memref<64x256xf32, #tpu.memory_space<vmem>>, vector<1x16xf32>,
        %get3A_337 = vector.shape_cast %get3A_336 : vector<1x16xf32> to vector<16xf32>
        %get3A_338 = arith.index_cast %scan3A_258 : i32 to index
        %get3A_339 = arith.constant 64 : index
        %get3A_340 = tpu.vector_load %arg24[%get3A_338, %get3A_339] {strides = array<i32>} : memref<64x256xf32, #tpu.memory_space<vmem>>, vector<1x16xf32>,
        %get3A_341 = vector.shape_cast %get3A_340 : vector<1x16xf32> to vector<16xf32>
        %add3A_342 = arith.addf %get3A_337, %get3A_341 : vector<16xf32>
        %get3A_343 = arith.index_cast %scan3A_258 : i32 to index
        %get3A_344 = arith.constant 64 : index
        %get3A_345 = tpu.vector_load %arg25[%get3A_343, %get3A_344] {strides = array<i32>} : memref<64x256xf32, #tpu.memory_space<vmem>>, vector<1x16xf32>,
        %get3A_346 = vector.shape_cast %get3A_345 : vector<1x16xf32> to vector<16xf32>
        %add3A_347 = arith.addf %add3A_342, %get3A_346 : vector<16xf32>
        %swap3A_348 = arith.index_cast %scan3A_258 : i32 to index
        %swap3A_349 = arith.constant 64 : index
        %swap3A_350 = tpu.vector_load %arg23[%swap3A_348, %swap3A_349] {strides = array<i32>} : memref<64x256xf32, #tpu.memory_space<vmem>>, vector<1x16xf32>,
        %swap3A_351 = vector.shape_cast %swap3A_350 : vector<1x16xf32> to vector<16xf32>
        %swap3A_352 = vector.shape_cast %add3A_347 : vector<16xf32> to vector<1x16xf32>
        tpu.vector_store %arg23[%swap3A_348, %swap3A_349], %swap3A_352 {strides = array<i32>} : memref<64x256xf32, #tpu.memory_space<vmem>>, vector<1x16xf32>,
        %get3A_353 = arith.index_cast %scan3A_258 : i32 to index
        %get3A_354 = arith.constant 80 : index
        %get3A_355 = tpu.vector_load %arg23[%get3A_353, %get3A_354] {strides = array<i32>} : memref<64x256xf32, #tpu.memory_space<vmem>>, vector<1x16xf32>,
        %get3A_356 = vector.shape_cast %get3A_355 : vector<1x16xf32> to vector<16xf32>
        %get3A_357 = arith.index_cast %scan3A_258 : i32 to index
        %get3A_358 = arith.constant 80 : index
        %get3A_359 = tpu.vector_load %arg24[%get3A_357, %get3A_358] {strides = array<i32>} : memref<64x256xf32, #tpu.memory_space<vmem>>, vector<1x16xf32>,
        %get3A_360 = vector.shape_cast %get3A_359 : vector<1x16xf32> to vector<16xf32>
        %add3A_361 = arith.addf %get3A_356, %get3A_360 : vector<16xf32>
        %get3A_362 = arith.index_cast %scan3A_258 : i32 to index
        %get3A_363 = arith.constant 80 : index
        %get3A_364 = tpu.vector_load %arg25[%get3A_362, %get3A_363] {strides = array<i32>} : memref<64x256xf32, #tpu.memory_space<vmem>>, vector<1x16xf32>,
        %get3A_365 = vector.shape_cast %get3A_364 : vector<1x16xf32> to vector<16xf32>
        %add3A_366 = arith.addf %add3A_361, %get3A_365 : vector<16xf32>
        %swap3A_367 = arith.index_cast %scan3A_258 : i32 to index
        %swap3A_368 = arith.constant 80 : index
        %swap3A_369 = tpu.vector_load %arg23[%swap3A_367, %swap3A_368] {strides = array<i32>} : memref<64x256xf32, #tpu.memory_space<vmem>>, vector<1x16xf32>,
        %swap3A_370 = vector.shape_cast %swap3A_369 : vector<1x16xf32> to vector<16xf32>
        %swap3A_371 = vector.shape_cast %add3A_366 : vector<16xf32> to vector<1x16xf32>
        tpu.vector_store %arg23[%swap3A_367, %swap3A_368], %swap3A_371 {strides = array<i32>} : memref<64x256xf32, #tpu.memory_space<vmem>>, vector<1x16xf32>,
        %get3A_372 = arith.index_cast %scan3A_258 : i32 to index
        %get3A_373 = arith.constant 96 : index
        %get3A_374 = tpu.vector_load %arg23[%get3A_372, %get3A_373] {strides = array<i32>} : memref<64x256xf32, #tpu.memory_space<vmem>>, vector<1x16xf32>,
        %get3A_375 = vector.shape_cast %get3A_374 : vector<1x16xf32> to vector<16xf32>
        %get3A_376 = arith.index_cast %scan3A_258 : i32 to index
        %get3A_377 = arith.constant 96 : index
        %get3A_378 = tpu.vector_load %arg24[%get3A_376, %get3A_377] {strides = array<i32>} : memref<64x256xf32, #tpu.memory_space<vmem>>, vector<1x16xf32>,
        %get3A_379 = vector.shape_cast %get3A_378 : vector<1x16xf32> to vector<16xf32>
        %add3A_380 = arith.addf %get3A_375, %get3A_379 : vector<16xf32>
        %get3A_381 = arith.index_cast %scan3A_258 : i32 to index
        %get3A_382 = arith.constant 96 : index
        %get3A_383 = tpu.vector_load %arg25[%get3A_381, %get3A_382] {strides = array<i32>} : memref<64x256xf32, #tpu.memory_space<vmem>>, vector<1x16xf32>,
        %get3A_384 = vector.shape_cast %get3A_383 : vector<1x16xf32> to vector<16xf32>
        %add3A_385 = arith.addf %add3A_380, %get3A_384 : vector<16xf32>
        %swap3A_386 = arith.index_cast %scan3A_258 : i32 to index
        %swap3A_387 = arith.constant 96 : index
        %swap3A_388 = tpu.vector_load %arg23[%swap3A_386, %swap3A_387] {strides = array<i32>} : memref<64x256xf32, #tpu.memory_space<vmem>>, vector<1x16xf32>,
        %swap3A_389 = vector.shape_cast %swap3A_388 : vector<1x16xf32> to vector<16xf32>
        %swap3A_390 = vector.shape_cast %add3A_385 : vector<16xf32> to vector<1x16xf32>
        tpu.vector_store %arg23[%swap3A_386, %swap3A_387], %swap3A_390 {strides = array<i32>} : memref<64x256xf32, #tpu.memory_space<vmem>>, vector<1x16xf32>,
        %get3A_391 = arith.index_cast %scan3A_258 : i32 to index
        %get3A_392 = arith.constant 112 : index
        %get3A_393 = tpu.vector_load %arg23[%get3A_391, %get3A_392] {strides = array<i32>} : memref<64x256xf32, #tpu.memory_space<vmem>>, vector<1x16xf32>,
        %get3A_394 = vector.shape_cast %get3A_393 : vector<1x16xf32> to vector<16xf32>
        %get3A_395 = arith.index_cast %scan3A_258 : i32 to index
        %get3A_396 = arith.constant 112 : index
        %get3A_397 = tpu.vector_load %arg24[%get3A_395, %get3A_396] {strides = array<i32>} : memref<64x256xf32, #tpu.memory_space<vmem>>, vector<1x16xf32>,
        %get3A_398 = vector.shape_cast %get3A_397 : vector<1x16xf32> to vector<16xf32>
        %add3A_399 = arith.addf %get3A_394, %get3A_398 : vector<16xf32>
        %get3A_400 = arith.index_cast %scan3A_258 : i32 to index
        %get3A_401 = arith.constant 112 : index
        %get3A_402 = tpu.vector_load %arg25[%get3A_400, %get3A_401] {strides = array<i32>} : memref<64x256xf32, #tpu.memory_space<vmem>>, vector<1x16xf32>,
        %get3A_403 = vector.shape_cast %get3A_402 : vector<1x16xf32> to vector<16xf32>
        %add3A_404 = arith.addf %add3A_399, %get3A_403 : vector<16xf32>
        %swap3A_405 = arith.index_cast %scan3A_258 : i32 to index
        %swap3A_406 = arith.constant 112 : index
        %swap3A_407 = tpu.vector_load %arg23[%swap3A_405, %swap3A_406] {strides = array<i32>} : memref<64x256xf32, #tpu.memory_space<vmem>>, vector<1x16xf32>,
        %swap3A_408 = vector.shape_cast %swap3A_407 : vector<1x16xf32> to vector<16xf32>
        %swap3A_409 = vector.shape_cast %add3A_404 : vector<16xf32> to vector<1x16xf32>
        tpu.vector_store %arg23[%swap3A_405, %swap3A_406], %swap3A_409 {strides = array<i32>} : memref<64x256xf32, #tpu.memory_space<vmem>>, vector<1x16xf32>,
        %get3A_410 = arith.index_cast %scan3A_258 : i32 to index
        %get3A_411 = arith.constant 128 : index
        %get3A_412 = tpu.vector_load %arg23[%get3A_410, %get3A_411] {strides = array<i32>} : memref<64x256xf32, #tpu.memory_space<vmem>>, vector<1x16xf32>,
        %get3A_413 = vector.shape_cast %get3A_412 : vector<1x16xf32> to vector<16xf32>
        %get3A_414 = arith.index_cast %scan3A_258 : i32 to index
        %get3A_415 = arith.constant 128 : index
        %get3A_416 = tpu.vector_load %arg24[%get3A_414, %get3A_415] {strides = array<i32>} : memref<64x256xf32, #tpu.memory_space<vmem>>, vector<1x16xf32>,
        %get3A_417 = vector.shape_cast %get3A_416 : vector<1x16xf32> to vector<16xf32>
        %add3A_418 = arith.addf %get3A_413, %get3A_417 : vector<16xf32>
        %get3A_419 = arith.index_cast %scan3A_258 : i32 to index
        %get3A_420 = arith.constant 128 : index
        %get3A_421 = tpu.vector_load %arg25[%get3A_419, %get3A_420] {strides = array<i32>} : memref<64x256xf32, #tpu.memory_space<vmem>>, vector<1x16xf32>,
        %get3A_422 = vector.shape_cast %get3A_421 : vector<1x16xf32> to vector<16xf32>
        %add3A_423 = arith.addf %add3A_418, %get3A_422 : vector<16xf32>
        %swap3A_424 = arith.index_cast %scan3A_258 : i32 to index
        %swap3A_425 = arith.constant 128 : index
        %swap3A_426 = tpu.vector_load %arg23[%swap3A_424, %swap3A_425] {strides = array<i32>} : memref<64x256xf32, #tpu.memory_space<vmem>>, vector<1x16xf32>,
        %swap3A_427 = vector.shape_cast %swap3A_426 : vector<1x16xf32> to vector<16xf32>
        %swap3A_428 = vector.shape_cast %add3A_423 : vector<16xf32> to vector<1x16xf32>
        tpu.vector_store %arg23[%swap3A_424, %swap3A_425], %swap3A_428 {strides = array<i32>} : memref<64x256xf32, #tpu.memory_space<vmem>>, vector<1x16xf32>,
        %get3A_429 = arith.index_cast %scan3A_258 : i32 to index
        %get3A_430 = arith.constant 144 : index
        %get3A_431 = tpu.vector_load %arg23[%get3A_429, %get3A_430] {strides = array<i32>} : memref<64x256xf32, #tpu.memory_space<vmem>>, vector<1x16xf32>,
        %get3A_432 = vector.shape_cast %get3A_431 : vector<1x16xf32> to vector<16xf32>
        %get3A_433 = arith.index_cast %scan3A_258 : i32 to index
        %get3A_434 = arith.constant 144 : index
        %get3A_435 = tpu.vector_load %arg24[%get3A_433, %get3A_434] {strides = array<i32>} : memref<64x256xf32, #tpu.memory_space<vmem>>, vector<1x16xf32>,
        %get3A_436 = vector.shape_cast %get3A_435 : vector<1x16xf32> to vector<16xf32>
        %add3A_437 = arith.addf %get3A_432, %get3A_436 : vector<16xf32>
        %get3A_438 = arith.index_cast %scan3A_258 : i32 to index
        %get3A_439 = arith.constant 144 : index
        %get3A_440 = tpu.vector_load %arg25[%get3A_438, %get3A_439] {strides = array<i32>} : memref<64x256xf32, #tpu.memory_space<vmem>>, vector<1x16xf32>,
        %get3A_441 = vector.shape_cast %get3A_440 : vector<1x16xf32> to vector<16xf32>
        %add3A_442 = arith.addf %add3A_437, %get3A_441 : vector<16xf32>
        %swap3A_443 = arith.index_cast %scan3A_258 : i32 to index
        %swap3A_444 = arith.constant 144 : index
        %swap3A_445 = tpu.vector_load %arg23[%swap3A_443, %swap3A_444] {strides = array<i32>} : memref<64x256xf32, #tpu.memory_space<vmem>>, vector<1x16xf32>,
        %swap3A_446 = vector.shape_cast %swap3A_445 : vector<1x16xf32> to vector<16xf32>
        %swap3A_447 = vector.shape_cast %add3A_442 : vector<16xf32> to vector<1x16xf32>
        tpu.vector_store %arg23[%swap3A_443, %swap3A_444], %swap3A_447 {strides = array<i32>} : memref<64x256xf32, #tpu.memory_space<vmem>>, vector<1x16xf32>,
        %get3A_448 = arith.index_cast %scan3A_258 : i32 to index
        %get3A_449 = arith.constant 160 : index
        %get3A_450 = tpu.vector_load %arg23[%get3A_448, %get3A_449] {strides = array<i32>} : memref<64x256xf32, #tpu.memory_space<vmem>>, vector<1x16xf32>,
        %get3A_451 = vector.shape_cast %get3A_450 : vector<1x16xf32> to vector<16xf32>
        %get3A_452 = arith.index_cast %scan3A_258 : i32 to index
        %get3A_453 = arith.constant 160 : index
        %get3A_454 = tpu.vector_load %arg24[%get3A_452, %get3A_453] {strides = array<i32>} : memref<64x256xf32, #tpu.memory_space<vmem>>, vector<1x16xf32>,
        %get3A_455 = vector.shape_cast %get3A_454 : vector<1x16xf32> to vector<16xf32>
        %add3A_456 = arith.addf %get3A_451, %get3A_455 : vector<16xf32>
        %get3A_457 = arith.index_cast %scan3A_258 : i32 to index
        %get3A_458 = arith.constant 160 : index
        %get3A_459 = tpu.vector_load %arg25[%get3A_457, %get3A_458] {strides = array<i32>} : memref<64x256xf32, #tpu.memory_space<vmem>>, vector<1x16xf32>,
        %get3A_460 = vector.shape_cast %get3A_459 : vector<1x16xf32> to vector<16xf32>
        %add3A_461 = arith.addf %add3A_456, %get3A_460 : vector<16xf32>
        %swap3A_462 = arith.index_cast %scan3A_258 : i32 to index
        %swap3A_463 = arith.constant 160 : index
        %swap3A_464 = tpu.vector_load %arg23[%swap3A_462, %swap3A_463] {strides = array<i32>} : memref<64x256xf32, #tpu.memory_space<vmem>>, vector<1x16xf32>,
        %swap3A_465 = vector.shape_cast %swap3A_464 : vector<1x16xf32> to vector<16xf32>
        %swap3A_466 = vector.shape_cast %add3A_461 : vector<16xf32> to vector<1x16xf32>
        tpu.vector_store %arg23[%swap3A_462, %swap3A_463], %swap3A_466 {strides = array<i32>} : memref<64x256xf32, #tpu.memory_space<vmem>>, vector<1x16xf32>,
        %get3A_467 = arith.index_cast %scan3A_258 : i32 to index
        %get3A_468 = arith.constant 176 : index
        %get3A_469 = tpu.vector_load %arg23[%get3A_467, %get3A_468] {strides = array<i32>} : memref<64x256xf32, #tpu.memory_space<vmem>>, vector<1x16xf32>,
        %get3A_470 = vector.shape_cast %get3A_469 : vector<1x16xf32> to vector<16xf32>
        %get3A_471 = arith.index_cast %scan3A_258 : i32 to index
        %get3A_472 = arith.constant 176 : index
        %get3A_473 = tpu.vector_load %arg24[%get3A_471, %get3A_472] {strides = array<i32>} : memref<64x256xf32, #tpu.memory_space<vmem>>, vector<1x16xf32>,
        %get3A_474 = vector.shape_cast %get3A_473 : vector<1x16xf32> to vector<16xf32>
        %add3A_475 = arith.addf %get3A_470, %get3A_474 : vector<16xf32>
        %get3A_476 = arith.index_cast %scan3A_258 : i32 to index
        %get3A_477 = arith.constant 176 : index
        %get3A_478 = tpu.vector_load %arg25[%get3A_476, %get3A_477] {strides = array<i32>} : memref<64x256xf32, #tpu.memory_space<vmem>>, vector<1x16xf32>,
        %get3A_479 = vector.shape_cast %get3A_478 : vector<1x16xf32> to vector<16xf32>
        %add3A_480 = arith.addf %add3A_475, %get3A_479 : vector<16xf32>
        %swap3A_481 = arith.index_cast %scan3A_258 : i32 to index
        %swap3A_482 = arith.constant 176 : index
        %swap3A_483 = tpu.vector_load %arg23[%swap3A_481, %swap3A_482] {strides = array<i32>} : memref<64x256xf32, #tpu.memory_space<vmem>>, vector<1x16xf32>,
        %swap3A_484 = vector.shape_cast %swap3A_483 : vector<1x16xf32> to vector<16xf32>
        %swap3A_485 = vector.shape_cast %add3A_480 : vector<16xf32> to vector<1x16xf32>
        tpu.vector_store %arg23[%swap3A_481, %swap3A_482], %swap3A_485 {strides = array<i32>} : memref<64x256xf32, #tpu.memory_space<vmem>>, vector<1x16xf32>,
        %get3A_486 = arith.index_cast %scan3A_258 : i32 to index
        %get3A_487 = arith.constant 192 : index
        %get3A_488 = tpu.vector_load %arg23[%get3A_486, %get3A_487] {strides = array<i32>} : memref<64x256xf32, #tpu.memory_space<vmem>>, vector<1x16xf32>,
        %get3A_489 = vector.shape_cast %get3A_488 : vector<1x16xf32> to vector<16xf32>
        %get3A_490 = arith.index_cast %scan3A_258 : i32 to index
        %get3A_491 = arith.constant 192 : index
        %get3A_492 = tpu.vector_load %arg24[%get3A_490, %get3A_491] {strides = array<i32>} : memref<64x256xf32, #tpu.memory_space<vmem>>, vector<1x16xf32>,
        %get3A_493 = vector.shape_cast %get3A_492 : vector<1x16xf32> to vector<16xf32>
        %add3A_494 = arith.addf %get3A_489, %get3A_493 : vector<16xf32>
        %get3A_495 = arith.index_cast %scan3A_258 : i32 to index
        %get3A_496 = arith.constant 192 : index
        %get3A_497 = tpu.vector_load %arg25[%get3A_495, %get3A_496] {strides = array<i32>} : memref<64x256xf32, #tpu.memory_space<vmem>>, vector<1x16xf32>,
        %get3A_498 = vector.shape_cast %get3A_497 : vector<1x16xf32> to vector<16xf32>
        %add3A_499 = arith.addf %add3A_494, %get3A_498 : vector<16xf32>
        %swap3A_500 = arith.index_cast %scan3A_258 : i32 to index
        %swap3A_501 = arith.constant 192 : index
        %swap3A_502 = tpu.vector_load %arg23[%swap3A_500, %swap3A_501] {strides = array<i32>} : memref<64x256xf32, #tpu.memory_space<vmem>>, vector<1x16xf32>,
        %swap3A_503 = vector.shape_cast %swap3A_502 : vector<1x16xf32> to vector<16xf32>
        %swap3A_504 = vector.shape_cast %add3A_499 : vector<16xf32> to vector<1x16xf32>
        tpu.vector_store %arg23[%swap3A_500, %swap3A_501], %swap3A_504 {strides = array<i32>} : memref<64x256xf32, #tpu.memory_space<vmem>>, vector<1x16xf32>,
        %get3A_505 = arith.index_cast %scan3A_258 : i32 to index
        %get3A_506 = arith.constant 208 : index
        %get3A_507 = tpu.vector_load %arg23[%get3A_505, %get3A_506] {strides = array<i32>} : memref<64x256xf32, #tpu.memory_space<vmem>>, vector<1x16xf32>,
        %get3A_508 = vector.shape_cast %get3A_507 : vector<1x16xf32> to vector<16xf32>
        %get3A_509 = arith.index_cast %scan3A_258 : i32 to index
        %get3A_510 = arith.constant 208 : index
        %get3A_511 = tpu.vector_load %arg24[%get3A_509, %get3A_510] {strides = array<i32>} : memref<64x256xf32, #tpu.memory_space<vmem>>, vector<1x16xf32>,
        %get3A_512 = vector.shape_cast %get3A_511 : vector<1x16xf32> to vector<16xf32>
        %add3A_513 = arith.addf %get3A_508, %get3A_512 : vector<16xf32>
        %get3A_514 = arith.index_cast %scan3A_258 : i32 to index
        %get3A_515 = arith.constant 208 : index
        %get3A_516 = tpu.vector_load %arg25[%get3A_514, %get3A_515] {strides = array<i32>} : memref<64x256xf32, #tpu.memory_space<vmem>>, vector<1x16xf32>,
        %get3A_517 = vector.shape_cast %get3A_516 : vector<1x16xf32> to vector<16xf32>
        %add3A_518 = arith.addf %add3A_513, %get3A_517 : vector<16xf32>
        %swap3A_519 = arith.index_cast %scan3A_258 : i32 to index
        %swap3A_520 = arith.constant 208 : index
        %swap3A_521 = tpu.vector_load %arg23[%swap3A_519, %swap3A_520] {strides = array<i32>} : memref<64x256xf32, #tpu.memory_space<vmem>>, vector<1x16xf32>,
        %swap3A_522 = vector.shape_cast %swap3A_521 : vector<1x16xf32> to vector<16xf32>
        %swap3A_523 = vector.shape_cast %add3A_518 : vector<16xf32> to vector<1x16xf32>
        tpu.vector_store %arg23[%swap3A_519, %swap3A_520], %swap3A_523 {strides = array<i32>} : memref<64x256xf32, #tpu.memory_space<vmem>>, vector<1x16xf32>,
        %get3A_524 = arith.index_cast %scan3A_258 : i32 to index
        %get3A_525 = arith.constant 224 : index
        %get3A_526 = tpu.vector_load %arg23[%get3A_524, %get3A_525] {strides = array<i32>} : memref<64x256xf32, #tpu.memory_space<vmem>>, vector<1x16xf32>,
        %get3A_527 = vector.shape_cast %get3A_526 : vector<1x16xf32> to vector<16xf32>
        %get3A_528 = arith.index_cast %scan3A_258 : i32 to index
        %get3A_529 = arith.constant 224 : index
        %get3A_530 = tpu.vector_load %arg24[%get3A_528, %get3A_529] {strides = array<i32>} : memref<64x256xf32, #tpu.memory_space<vmem>>, vector<1x16xf32>,
        %get3A_531 = vector.shape_cast %get3A_530 : vector<1x16xf32> to vector<16xf32>
        %add3A_532 = arith.addf %get3A_527, %get3A_531 : vector<16xf32>
        %get3A_533 = arith.index_cast %scan3A_258 : i32 to index
        %get3A_534 = arith.constant 224 : index
        %get3A_535 = tpu.vector_load %arg25[%get3A_533, %get3A_534] {strides = array<i32>} : memref<64x256xf32, #tpu.memory_space<vmem>>, vector<1x16xf32>,
        %get3A_536 = vector.shape_cast %get3A_535 : vector<1x16xf32> to vector<16xf32>
        %add3A_537 = arith.addf %add3A_532, %get3A_536 : vector<16xf32>
        %swap3A_538 = arith.index_cast %scan3A_258 : i32 to index
        %swap3A_539 = arith.constant 224 : index
        %swap3A_540 = tpu.vector_load %arg23[%swap3A_538, %swap3A_539] {strides = array<i32>} : memref<64x256xf32, #tpu.memory_space<vmem>>, vector<1x16xf32>,
        %swap3A_541 = vector.shape_cast %swap3A_540 : vector<1x16xf32> to vector<16xf32>
        %swap3A_542 = vector.shape_cast %add3A_537 : vector<16xf32> to vector<1x16xf32>
        tpu.vector_store %arg23[%swap3A_538, %swap3A_539], %swap3A_542 {strides = array<i32>} : memref<64x256xf32, #tpu.memory_space<vmem>>, vector<1x16xf32>,
        %get3A_543 = arith.index_cast %scan3A_258 : i32 to index
        %get3A_544 = arith.constant 240 : index
        %get3A_545 = tpu.vector_load %arg23[%get3A_543, %get3A_544] {strides = array<i32>} : memref<64x256xf32, #tpu.memory_space<vmem>>, vector<1x16xf32>,
        %get3A_546 = vector.shape_cast %get3A_545 : vector<1x16xf32> to vector<16xf32>
        %get3A_547 = arith.index_cast %scan3A_258 : i32 to index
        %get3A_548 = arith.constant 240 : index
        %get3A_549 = tpu.vector_load %arg24[%get3A_547, %get3A_548] {strides = array<i32>} : memref<64x256xf32, #tpu.memory_space<vmem>>, vector<1x16xf32>,
        %get3A_550 = vector.shape_cast %get3A_549 : vector<1x16xf32> to vector<16xf32>
        %add3A_551 = arith.addf %get3A_546, %get3A_550 : vector<16xf32>
        %get3A_552 = arith.index_cast %scan3A_258 : i32 to index
        %get3A_553 = arith.constant 240 : index
        %get3A_554 = tpu.vector_load %arg25[%get3A_552, %get3A_553] {strides = array<i32>} : memref<64x256xf32, #tpu.memory_space<vmem>>, vector<1x16xf32>,
        %get3A_555 = vector.shape_cast %get3A_554 : vector<1x16xf32> to vector<16xf32>
        %add3A_556 = arith.addf %add3A_551, %get3A_555 : vector<16xf32>
        %swap3A_557 = arith.index_cast %scan3A_258 : i32 to index
        %swap3A_558 = arith.constant 240 : index
        %swap3A_559 = tpu.vector_load %arg23[%swap3A_557, %swap3A_558] {strides = array<i32>} : memref<64x256xf32, #tpu.memory_space<vmem>>, vector<1x16xf32>,
        %swap3A_560 = vector.shape_cast %swap3A_559 : vector<1x16xf32> to vector<16xf32>
        %swap3A_561 = vector.shape_cast %add3A_556 : vector<16xf32> to vector<1x16xf32>
        tpu.vector_store %arg23[%swap3A_557, %swap3A_558], %swap3A_561 {strides = array<i32>} : memref<64x256xf32, #tpu.memory_space<vmem>>, vector<1x16xf32>,
        %scan3A_562 = arith.constant 0 : i32
        scf.yield %scan3A_562 : i32
      }
      %scan3A_197 = arith.constant 64 : i32
      %mul3A_198 = arith.constant 64 : i32
      %mul3A_199 = arith.muli %add3A_155, %mul3A_198 : i32
      %add3A_200 = arith.addi %min3A_3, %mul3A_199 : i32
      %dma_start3A_201 = arith.constant 0 : i32
      %dma_start3A_202 = tpu.memref_slice %arg4[%add3A_200, %dma_start3A_201] : memref<100000x256xf32, #tpu.memory_space<hbm>> -> memref<64x256xf32, #tpu.memory_space<hbm>>
      %dma_start3A_203 = arith.constant 0 : i32
      %dma_start3A_204 = tpu.memref_slice %arg4[%add3A_200, %dma_start3A_203] : memref<100000x256xf32, #tpu.memory_space<hbm>> -> memref<64x256xf32, #tpu.memory_space<hbm>>
      tpu.enqueue_dma source(%arg23 : memref<64x256xf32, #tpu.memory_space<vmem>>) target(%dma_start3A_204 : memref<64x256xf32, #tpu.memory_space<hbm>>) target_semaphore(%arg30 : memref<!tpu.dma_semaphore, #tpu.memory_space<semaphore_mem>>)
      %add3A_205 = arith.constant 1 : i32
      %add3A_206 = arith.addi %add3A_155, %add3A_205 : i32
      %sub3A_207 = arith.constant 1 : i32
      %sub3A_208 = arith.subi %add3A_206, %sub3A_207 : i32
      %mul3A_209 = arith.constant 64 : i32
      %mul3A_210 = arith.muli %sub3A_208, %mul3A_209 : i32
      %add3A_211 = arith.addi %min3A_3, %mul3A_210 : i32
      %dma_wait3A_212 = arith.constant 0 : i32
      %dma_wait3A_213 = tpu.memref_slice %arg4[%add3A_211, %dma_wait3A_212] : memref<100000x256xf32, #tpu.memory_space<hbm>> -> memref<64x256xf32, #tpu.memory_space<hbm>>
      %dma_wait3A_214 = arith.constant 0 : i32
      %dma_wait3A_215 = tpu.memref_slice %arg4[%add3A_211, %dma_wait3A_214] : memref<100000x256xf32, #tpu.memory_space<hbm>> -> memref<64x256xf32, #tpu.memory_space<hbm>>
      tpu.wait_dma2 semaphore(%arg30 : memref<!tpu.dma_semaphore, #tpu.memory_space<semaphore_mem>>) src(%arg23 : memref<64x256xf32, #tpu.memory_space<vmem>>) dst(%dma_wait3A_215 : memref<64x256xf32, #tpu.memory_space<hbm>>)
      %add3A_216 = arith.constant 1 : i32
      %add3A_217 = arith.addi %add3A_206, %add3A_216 : i32
      %scan3A_218 = arith.constant 0 : i32
      %scan3A_219 = arith.constant 0 : i32
      %scan3A_220 = arith.constant 4 : i32
      %scan3A_221 = arith.addi %scan3A_219, %scan3A_220 : i32
      %scan3A_222 = arith.constant 1 : i32
      %scan3A_223 = scf.for %scan3A_258 = %scan3A_219 to %scan3A_221 step %scan3A_222 iter_args(%scan3A_259 = %scan3A_218) -> (i32)  : i32 {
        %mul3A_260 = arith.constant 64 : i32
        %mul3A_261 = arith.muli %add3A_217, %mul3A_260 : i32
        %mul3A_262 = arith.constant 16 : i32
        %mul3A_263 = arith.muli %scan3A_258, %mul3A_262 : i32
        %add3A_264 = arith.addi %mul3A_261, %mul3A_263 : i32
        %mul3A_265 = arith.constant 16 : i32
        %mul3A_266 = arith.muli %scan3A_258, %mul3A_265 : i32
        %get3A = arith.index_cast %add3A_264 : i32 to index
        %get3A_267 = tpu.vector_load %arg5[%get3A] {strides = array<i32>} : memref<3200xi32, #tpu.memory_space<vmem>>, vector<16xi32>,
        %get3A_268 = vector.shape_cast %get3A_267 : vector<16xi32> to vector<16xi32>
        %mul3A_269 = arith.constant 4 : i32
        %mul3A_270 = vector.broadcast %mul3A_269 : i32 to vector<16xi32>
        %mul3A_271 = arith.muli %get3A_268, %mul3A_270 : vector<16xi32>
        %get3A_272 = arith.index_cast %add3A_264 : i32 to index
        %get3A_273 = tpu.vector_load %arg12[%get3A_272] {strides = array<i32>} : memref<3200xi32, #tpu.memory_space<vmem>>, vector<16xi32>,
        %get3A_274 = vector.shape_cast %get3A_273 : vector<16xi32> to vector<16xi32>
        %mul3A_275 = arith.constant 2 : i32
        %mul3A_276 = vector.broadcast %mul3A_275 : i32 to vector<16xi32>
        %mul3A_277 = arith.muli %get3A_274, %mul3A_276 : vector<16xi32>
        %add3A_278 = arith.addi %mul3A_271, %mul3A_277 : vector<16xi32>
        %get3A_279 = arith.index_cast %add3A_264 : i32 to index
        %get3A_280 = tpu.vector_load %arg13[%get3A_279] {strides = array<i32>} : memref<3200xi32, #tpu.memory_space<vmem>>, vector<16xi32>,
        %get3A_281 = vector.shape_cast %get3A_280 : vector<16xi32> to vector<16xi32>
        %add3A_282 = arith.addi %add3A_278, %get3A_281 : vector<16xi32>
        %swap3A = arith.index_cast %mul3A_266 : i32 to index
        %swap3A_283 = tpu.vector_load %arg17[%swap3A] {strides = array<i32>} : memref<64xi32, #tpu.memory_space<vmem>>, vector<16xi32>,
        %swap3A_284 = vector.shape_cast %swap3A_283 : vector<16xi32> to vector<16xi32>
        %swap3A_285 = vector.shape_cast %add3A_282 : vector<16xi32> to vector<16xi32>
        tpu.vector_store %arg17[%swap3A], %swap3A_285 {strides = array<i32>} : memref<64xi32, #tpu.memory_space<vmem>>, vector<16xi32>,
        %get3A_286 = arith.index_cast %add3A_264 : i32 to index
        %get3A_287 = tpu.vector_load %arg6[%get3A_286] {strides = array<i32>} : memref<3200xi32, #tpu.memory_space<vmem>>, vector<16xi32>,
        %get3A_288 = vector.shape_cast %get3A_287 : vector<16xi32> to vector<16xi32>
        %mul3A_289 = arith.constant 144 : i32
        %mul3A_290 = vector.broadcast %mul3A_289 : i32 to vector<16xi32>
        %mul3A_291 = arith.muli %get3A_288, %mul3A_290 : vector<16xi32>
        %get3A_292 = arith.index_cast %add3A_264 : i32 to index
        %get3A_293 = tpu.vector_load %arg7[%get3A_292] {strides = array<i32>} : memref<3200xi32, #tpu.memory_space<vmem>>, vector<16xi32>,
        %get3A_294 = vector.shape_cast %get3A_293 : vector<16xi32> to vector<16xi32>
        %mul3A_295 = arith.constant 12 : i32
        %mul3A_296 = vector.broadcast %mul3A_295 : i32 to vector<16xi32>
        %mul3A_297 = arith.muli %get3A_294, %mul3A_296 : vector<16xi32>
        %add3A_298 = arith.addi %mul3A_291, %mul3A_297 : vector<16xi32>
        %get3A_299 = arith.index_cast %add3A_264 : i32 to index
        %get3A_300 = tpu.vector_load %arg8[%get3A_299] {strides = array<i32>} : memref<3200xi32, #tpu.memory_space<vmem>>, vector<16xi32>,
        %get3A_301 = vector.shape_cast %get3A_300 : vector<16xi32> to vector<16xi32>
        %add3A_302 = arith.addi %add3A_298, %get3A_301 : vector<16xi32>
        %add3A_303 = arith.constant 480 : i32
        %add3A_304 = vector.broadcast %add3A_303 : i32 to vector<16xi32>
        %add3A_305 = arith.addi %add3A_302, %add3A_304 : vector<16xi32>
        %swap3A_306 = arith.index_cast %mul3A_266 : i32 to index
        %swap3A_307 = tpu.vector_load %arg18[%swap3A_306] {strides = array<i32>} : memref<64xi32, #tpu.memory_space<vmem>>, vector<16xi32>,
        %swap3A_308 = vector.shape_cast %swap3A_307 : vector<16xi32> to vector<16xi32>
        %swap3A_309 = vector.shape_cast %add3A_305 : vector<16xi32> to vector<16xi32>
        tpu.vector_store %arg18[%swap3A_306], %swap3A_309 {strides = array<i32>} : memref<64xi32, #tpu.memory_space<vmem>>, vector<16xi32>,
        %get3A_310 = arith.index_cast %add3A_264 : i32 to index
        %get3A_311 = tpu.vector_load %arg9[%get3A_310] {strides = array<i32>} : memref<3200xi32, #tpu.memory_space<vmem>>, vector<16xi32>,
        %get3A_312 = vector.shape_cast %get3A_311 : vector<16xi32> to vector<16xi32>
        %mul3A_313 = arith.constant 36 : i32
        %mul3A_314 = vector.broadcast %mul3A_313 : i32 to vector<16xi32>
        %mul3A_315 = arith.muli %get3A_312, %mul3A_314 : vector<16xi32>
        %get3A_316 = arith.index_cast %add3A_264 : i32 to index
        %get3A_317 = tpu.vector_load %arg10[%get3A_316] {strides = array<i32>} : memref<3200xi32, #tpu.memory_space<vmem>>, vector<16xi32>,
        %get3A_318 = vector.shape_cast %get3A_317 : vector<16xi32> to vector<16xi32>
        %mul3A_319 = arith.constant 6 : i32
        %mul3A_320 = vector.broadcast %mul3A_319 : i32 to vector<16xi32>
        %mul3A_321 = arith.muli %get3A_318, %mul3A_320 : vector<16xi32>
        %add3A_322 = arith.addi %mul3A_315, %mul3A_321 : vector<16xi32>
        %get3A_323 = arith.index_cast %add3A_264 : i32 to index
        %get3A_324 = tpu.vector_load %arg11[%get3A_323] {strides = array<i32>} : memref<3200xi32, #tpu.memory_space<vmem>>, vector<16xi32>,
        %get3A_325 = vector.shape_cast %get3A_324 : vector<16xi32> to vector<16xi32>
        %add3A_326 = arith.addi %add3A_322, %get3A_325 : vector<16xi32>
        %add3A_327 = arith.constant 1056 : i32
        %add3A_328 = vector.broadcast %add3A_327 : i32 to vector<16xi32>
        %add3A_329 = arith.addi %add3A_326, %add3A_328 : vector<16xi32>
        %swap3A_330 = arith.index_cast %mul3A_266 : i32 to index
        %swap3A_331 = tpu.vector_load %arg19[%swap3A_330] {strides = array<i32>} : memref<64xi32, #tpu.memory_space<vmem>>, vector<16xi32>,
        %swap3A_332 = vector.shape_cast %swap3A_331 : vector<16xi32> to vector<16xi32>
        %swap3A_333 = vector.shape_cast %add3A_329 : vector<16xi32> to vector<16xi32>
        tpu.vector_store %arg19[%swap3A_330], %swap3A_333 {strides = array<i32>} : memref<64xi32, #tpu.memory_space<vmem>>, vector<16xi32>,
        %scan3A_334 = arith.constant 0 : i32
        scf.yield %scan3A_334 : i32
      }
      %scan3A_224 = arith.constant 4 : i32
      %dma_start3A_225 = arith.constant 0 : i32
      %dma_start3A_226 = arith.constant 0 : i32
      %dma_start3A_227 = tpu.memref_slice %arg3[%dma_start3A_225, %dma_start3A_226] : memref<1416x256xf32, #tpu.memory_space<hbm>> -> memref<1416x256xf32, #tpu.memory_space<hbm>>
      tpu.enqueue_indirect_dma source(%dma_start3A_227 : memref<1416x256xf32, #tpu.memory_space<hbm>>) target(%arg23 : memref<64x256xf32, #tpu.memory_space<vmem>>) offsets(%arg17 : memref<64xi32, #tpu.memory_space<vmem>>) semaphore(%arg28 : memref<!tpu.dma_semaphore, #tpu.memory_space<semaphore_mem>>)
      %dma_start3A_228 = arith.constant 0 : i32
      %dma_start3A_229 = arith.constant 0 : i32
      %dma_start3A_230 = tpu.memref_slice %arg3[%dma_start3A_228, %dma_start3A_229] : memref<1416x256xf32, #tpu.memory_space<hbm>> -> memref<1416x256xf32, #tpu.memory_space<hbm>>
      tpu.enqueue_indirect_dma source(%dma_start3A_230 : memref<1416x256xf32, #tpu.memory_space<hbm>>) target(%arg24 : memref<64x256xf32, #tpu.memory_space<vmem>>) offsets(%arg18 : memref<64xi32, #tpu.memory_space<vmem>>) semaphore(%arg28 : memref<!tpu.dma_semaphore, #tpu.memory_space<semaphore_mem>>)
      %dma_start3A_231 = arith.constant 0 : i32
      %dma_start3A_232 = arith.constant 0 : i32
      %dma_start3A_233 = tpu.memref_slice %arg3[%dma_start3A_231, %dma_start3A_232] : memref<1416x256xf32, #tpu.memory_space<hbm>> -> memref<1416x256xf32, #tpu.memory_space<hbm>>
      tpu.enqueue_indirect_dma source(%dma_start3A_233 : memref<1416x256xf32, #tpu.memory_space<hbm>>) target(%arg25 : memref<64x256xf32, #tpu.memory_space<vmem>>) offsets(%arg19 : memref<64xi32, #tpu.memory_space<vmem>>) semaphore(%arg28 : memref<!tpu.dma_semaphore, #tpu.memory_space<semaphore_mem>>)
      %dma_wait3A_234 = arith.constant 0 : i32
      %dma_wait3A_235 = arith.constant 0 : i32
      %dma_wait3A_236 = tpu.memref_slice %arg3[%dma_wait3A_234, %dma_wait3A_235] : memref<1416x256xf32, #tpu.memory_space<hbm>> -> memref<1416x256xf32, #tpu.memory_space<hbm>>
      tpu.wait_indirect_dma semaphore(%arg27 : memref<!tpu.dma_semaphore, #tpu.memory_space<semaphore_mem>>) src(%dma_wait3A_236 : memref<1416x256xf32, #tpu.memory_space<hbm>>) dst(%arg20 : memref<64x256xf32, #tpu.memory_space<vmem>>)
      %dma_wait3A_237 = arith.constant 0 : i32
      %dma_wait3A_238 = arith.constant 0 : i32
      %dma_wait3A_239 = tpu.memref_slice %arg3[%dma_wait3A_237, %dma_wait3A_238] : memref<1416x256xf32, #tpu.memory_space<hbm>> -> memref<1416x256xf32, #tpu.memory_space<hbm>>
      tpu.wait_indirect_dma semaphore(%arg27 : memref<!tpu.dma_semaphore, #tpu.memory_space<semaphore_mem>>) src(%dma_wait3A_239 : memref<1416x256xf32, #tpu.memory_space<hbm>>) dst(%arg21 : memref<64x256xf32, #tpu.memory_space<vmem>>)
      %dma_wait3A_240 = arith.constant 0 : i32
      %dma_wait3A_241 = arith.constant 0 : i32
      %dma_wait3A_242 = tpu.memref_slice %arg3[%dma_wait3A_240, %dma_wait3A_241] : memref<1416x256xf32, #tpu.memory_space<hbm>> -> memref<1416x256xf32, #tpu.memory_space<hbm>>
      tpu.wait_indirect_dma semaphore(%arg27 : memref<!tpu.dma_semaphore, #tpu.memory_space<semaphore_mem>>) src(%dma_wait3A_242 : memref<1416x256xf32, #tpu.memory_space<hbm>>) dst(%arg22 : memref<64x256xf32, #tpu.memory_space<vmem>>)
      %scan3A_243 = arith.constant 0 : i32
      %scan3A_244 = arith.constant 0 : i32
      %scan3A_245 = arith.constant 64 : i32
      %scan3A_246 = arith.addi %scan3A_244, %scan3A_245 : i32
      %scan3A_247 = arith.constant 1 : i32
      %scan3A_248 = scf.for %scan3A_258 = %scan3A_244 to %scan3A_246 step %scan3A_247 iter_args(%scan3A_259 = %scan3A_243) -> (i32)  : i32 {
        %get3A = arith.index_cast %scan3A_258 : i32 to index
        %get3A_260 = arith.constant 0 : index
        %get3A_261 = tpu.vector_load %arg20[%get3A, %get3A_260] {strides = array<i32>} : memref<64x256xf32, #tpu.memory_space<vmem>>, vector<1x16xf32>,
        %get3A_262 = vector.shape_cast %get3A_261 : vector<1x16xf32> to vector<16xf32>
        %get3A_263 = arith.index_cast %scan3A_258 : i32 to index
        %get3A_264 = arith.constant 0 : index
        %get3A_265 = tpu.vector_load %arg21[%get3A_263, %get3A_264] {strides = array<i32>} : memref<64x256xf32, #tpu.memory_space<vmem>>, vector<1x16xf32>,
        %get3A_266 = vector.shape_cast %get3A_265 : vector<1x16xf32> to vector<16xf32>
        %add3A_267 = arith.addf %get3A_262, %get3A_266 : vector<16xf32>
        %get3A_268 = arith.index_cast %scan3A_258 : i32 to index
        %get3A_269 = arith.constant 0 : index
        %get3A_270 = tpu.vector_load %arg22[%get3A_268, %get3A_269] {strides = array<i32>} : memref<64x256xf32, #tpu.memory_space<vmem>>, vector<1x16xf32>,
        %get3A_271 = vector.shape_cast %get3A_270 : vector<1x16xf32> to vector<16xf32>
        %add3A_272 = arith.addf %add3A_267, %get3A_271 : vector<16xf32>
        %swap3A = arith.index_cast %scan3A_258 : i32 to index
        %swap3A_273 = arith.constant 0 : index
        %swap3A_274 = tpu.vector_load %arg20[%swap3A, %swap3A_273] {strides = array<i32>} : memref<64x256xf32, #tpu.memory_space<vmem>>, vector<1x16xf32>,
        %swap3A_275 = vector.shape_cast %swap3A_274 : vector<1x16xf32> to vector<16xf32>
        %swap3A_276 = vector.shape_cast %add3A_272 : vector<16xf32> to vector<1x16xf32>
        tpu.vector_store %arg20[%swap3A, %swap3A_273], %swap3A_276 {strides = array<i32>} : memref<64x256xf32, #tpu.memory_space<vmem>>, vector<1x16xf32>,
        %get3A_277 = arith.index_cast %scan3A_258 : i32 to index
        %get3A_278 = arith.constant 16 : index
        %get3A_279 = tpu.vector_load %arg20[%get3A_277, %get3A_278] {strides = array<i32>} : memref<64x256xf32, #tpu.memory_space<vmem>>, vector<1x16xf32>,
        %get3A_280 = vector.shape_cast %get3A_279 : vector<1x16xf32> to vector<16xf32>
        %get3A_281 = arith.index_cast %scan3A_258 : i32 to index
        %get3A_282 = arith.constant 16 : index
        %get3A_283 = tpu.vector_load %arg21[%get3A_281, %get3A_282] {strides = array<i32>} : memref<64x256xf32, #tpu.memory_space<vmem>>, vector<1x16xf32>,
        %get3A_284 = vector.shape_cast %get3A_283 : vector<1x16xf32> to vector<16xf32>
        %add3A_285 = arith.addf %get3A_280, %get3A_284 : vector<16xf32>
        %get3A_286 = arith.index_cast %scan3A_258 : i32 to index
        %get3A_287 = arith.constant 16 : index
        %get3A_288 = tpu.vector_load %arg22[%get3A_286, %get3A_287] {strides = array<i32>} : memref<64x256xf32, #tpu.memory_space<vmem>>, vector<1x16xf32>,
        %get3A_289 = vector.shape_cast %get3A_288 : vector<1x16xf32> to vector<16xf32>
        %add3A_290 = arith.addf %add3A_285, %get3A_289 : vector<16xf32>
        %swap3A_291 = arith.index_cast %scan3A_258 : i32 to index
        %swap3A_292 = arith.constant 16 : index
        %swap3A_293 = tpu.vector_load %arg20[%swap3A_291, %swap3A_292] {strides = array<i32>} : memref<64x256xf32, #tpu.memory_space<vmem>>, vector<1x16xf32>,
        %swap3A_294 = vector.shape_cast %swap3A_293 : vector<1x16xf32> to vector<16xf32>
        %swap3A_295 = vector.shape_cast %add3A_290 : vector<16xf32> to vector<1x16xf32>
        tpu.vector_store %arg20[%swap3A_291, %swap3A_292], %swap3A_295 {strides = array<i32>} : memref<64x256xf32, #tpu.memory_space<vmem>>, vector<1x16xf32>,
        %get3A_296 = arith.index_cast %scan3A_258 : i32 to index
        %get3A_297 = arith.constant 32 : index
        %get3A_298 = tpu.vector_load %arg20[%get3A_296, %get3A_297] {strides = array<i32>} : memref<64x256xf32, #tpu.memory_space<vmem>>, vector<1x16xf32>,
        %get3A_299 = vector.shape_cast %get3A_298 : vector<1x16xf32> to vector<16xf32>
        %get3A_300 = arith.index_cast %scan3A_258 : i32 to index
        %get3A_301 = arith.constant 32 : index
        %get3A_302 = tpu.vector_load %arg21[%get3A_300, %get3A_301] {strides = array<i32>} : memref<64x256xf32, #tpu.memory_space<vmem>>, vector<1x16xf32>,
        %get3A_303 = vector.shape_cast %get3A_302 : vector<1x16xf32> to vector<16xf32>
        %add3A_304 = arith.addf %get3A_299, %get3A_303 : vector<16xf32>
        %get3A_305 = arith.index_cast %scan3A_258 : i32 to index
        %get3A_306 = arith.constant 32 : index
        %get3A_307 = tpu.vector_load %arg22[%get3A_305, %get3A_306] {strides = array<i32>} : memref<64x256xf32, #tpu.memory_space<vmem>>, vector<1x16xf32>,
        %get3A_308 = vector.shape_cast %get3A_307 : vector<1x16xf32> to vector<16xf32>
        %add3A_309 = arith.addf %add3A_304, %get3A_308 : vector<16xf32>
        %swap3A_310 = arith.index_cast %scan3A_258 : i32 to index
        %swap3A_311 = arith.constant 32 : index
        %swap3A_312 = tpu.vector_load %arg20[%swap3A_310, %swap3A_311] {strides = array<i32>} : memref<64x256xf32, #tpu.memory_space<vmem>>, vector<1x16xf32>,
        %swap3A_313 = vector.shape_cast %swap3A_312 : vector<1x16xf32> to vector<16xf32>
        %swap3A_314 = vector.shape_cast %add3A_309 : vector<16xf32> to vector<1x16xf32>
        tpu.vector_store %arg20[%swap3A_310, %swap3A_311], %swap3A_314 {strides = array<i32>} : memref<64x256xf32, #tpu.memory_space<vmem>>, vector<1x16xf32>,
        %get3A_315 = arith.index_cast %scan3A_258 : i32 to index
        %get3A_316 = arith.constant 48 : index
        %get3A_317 = tpu.vector_load %arg20[%get3A_315, %get3A_316] {strides = array<i32>} : memref<64x256xf32, #tpu.memory_space<vmem>>, vector<1x16xf32>,
        %get3A_318 = vector.shape_cast %get3A_317 : vector<1x16xf32> to vector<16xf32>
        %get3A_319 = arith.index_cast %scan3A_258 : i32 to index
        %get3A_320 = arith.constant 48 : index
        %get3A_321 = tpu.vector_load %arg21[%get3A_319, %get3A_320] {strides = array<i32>} : memref<64x256xf32, #tpu.memory_space<vmem>>, vector<1x16xf32>,
        %get3A_322 = vector.shape_cast %get3A_321 : vector<1x16xf32> to vector<16xf32>
        %add3A_323 = arith.addf %get3A_318, %get3A_322 : vector<16xf32>
        %get3A_324 = arith.index_cast %scan3A_258 : i32 to index
        %get3A_325 = arith.constant 48 : index
        %get3A_326 = tpu.vector_load %arg22[%get3A_324, %get3A_325] {strides = array<i32>} : memref<64x256xf32, #tpu.memory_space<vmem>>, vector<1x16xf32>,
        %get3A_327 = vector.shape_cast %get3A_326 : vector<1x16xf32> to vector<16xf32>
        %add3A_328 = arith.addf %add3A_323, %get3A_327 : vector<16xf32>
        %swap3A_329 = arith.index_cast %scan3A_258 : i32 to index
        %swap3A_330 = arith.constant 48 : index
        %swap3A_331 = tpu.vector_load %arg20[%swap3A_329, %swap3A_330] {strides = array<i32>} : memref<64x256xf32, #tpu.memory_space<vmem>>, vector<1x16xf32>,
        %swap3A_332 = vector.shape_cast %swap3A_331 : vector<1x16xf32> to vector<16xf32>
        %swap3A_333 = vector.shape_cast %add3A_328 : vector<16xf32> to vector<1x16xf32>
        tpu.vector_store %arg20[%swap3A_329, %swap3A_330], %swap3A_333 {strides = array<i32>} : memref<64x256xf32, #tpu.memory_space<vmem>>, vector<1x16xf32>,
        %get3A_334 = arith.index_cast %scan3A_258 : i32 to index
        %get3A_335 = arith.constant 64 : index
        %get3A_336 = tpu.vector_load %arg20[%get3A_334, %get3A_335] {strides = array<i32>} : memref<64x256xf32, #tpu.memory_space<vmem>>, vector<1x16xf32>,
        %get3A_337 = vector.shape_cast %get3A_336 : vector<1x16xf32> to vector<16xf32>
        %get3A_338 = arith.index_cast %scan3A_258 : i32 to index
        %get3A_339 = arith.constant 64 : index
        %get3A_340 = tpu.vector_load %arg21[%get3A_338, %get3A_339] {strides = array<i32>} : memref<64x256xf32, #tpu.memory_space<vmem>>, vector<1x16xf32>,
        %get3A_341 = vector.shape_cast %get3A_340 : vector<1x16xf32> to vector<16xf32>
        %add3A_342 = arith.addf %get3A_337, %get3A_341 : vector<16xf32>
        %get3A_343 = arith.index_cast %scan3A_258 : i32 to index
        %get3A_344 = arith.constant 64 : index
        %get3A_345 = tpu.vector_load %arg22[%get3A_343, %get3A_344] {strides = array<i32>} : memref<64x256xf32, #tpu.memory_space<vmem>>, vector<1x16xf32>,
        %get3A_346 = vector.shape_cast %get3A_345 : vector<1x16xf32> to vector<16xf32>
        %add3A_347 = arith.addf %add3A_342, %get3A_346 : vector<16xf32>
        %swap3A_348 = arith.index_cast %scan3A_258 : i32 to index
        %swap3A_349 = arith.constant 64 : index
        %swap3A_350 = tpu.vector_load %arg20[%swap3A_348, %swap3A_349] {strides = array<i32>} : memref<64x256xf32, #tpu.memory_space<vmem>>, vector<1x16xf32>,
        %swap3A_351 = vector.shape_cast %swap3A_350 : vector<1x16xf32> to vector<16xf32>
        %swap3A_352 = vector.shape_cast %add3A_347 : vector<16xf32> to vector<1x16xf32>
        tpu.vector_store %arg20[%swap3A_348, %swap3A_349], %swap3A_352 {strides = array<i32>} : memref<64x256xf32, #tpu.memory_space<vmem>>, vector<1x16xf32>,
        %get3A_353 = arith.index_cast %scan3A_258 : i32 to index
        %get3A_354 = arith.constant 80 : index
        %get3A_355 = tpu.vector_load %arg20[%get3A_353, %get3A_354] {strides = array<i32>} : memref<64x256xf32, #tpu.memory_space<vmem>>, vector<1x16xf32>,
        %get3A_356 = vector.shape_cast %get3A_355 : vector<1x16xf32> to vector<16xf32>
        %get3A_357 = arith.index_cast %scan3A_258 : i32 to index
        %get3A_358 = arith.constant 80 : index
        %get3A_359 = tpu.vector_load %arg21[%get3A_357, %get3A_358] {strides = array<i32>} : memref<64x256xf32, #tpu.memory_space<vmem>>, vector<1x16xf32>,
        %get3A_360 = vector.shape_cast %get3A_359 : vector<1x16xf32> to vector<16xf32>
        %add3A_361 = arith.addf %get3A_356, %get3A_360 : vector<16xf32>
        %get3A_362 = arith.index_cast %scan3A_258 : i32 to index
        %get3A_363 = arith.constant 80 : index
        %get3A_364 = tpu.vector_load %arg22[%get3A_362, %get3A_363] {strides = array<i32>} : memref<64x256xf32, #tpu.memory_space<vmem>>, vector<1x16xf32>,
        %get3A_365 = vector.shape_cast %get3A_364 : vector<1x16xf32> to vector<16xf32>
        %add3A_366 = arith.addf %add3A_361, %get3A_365 : vector<16xf32>
        %swap3A_367 = arith.index_cast %scan3A_258 : i32 to index
        %swap3A_368 = arith.constant 80 : index
        %swap3A_369 = tpu.vector_load %arg20[%swap3A_367, %swap3A_368] {strides = array<i32>} : memref<64x256xf32, #tpu.memory_space<vmem>>, vector<1x16xf32>,
        %swap3A_370 = vector.shape_cast %swap3A_369 : vector<1x16xf32> to vector<16xf32>
        %swap3A_371 = vector.shape_cast %add3A_366 : vector<16xf32> to vector<1x16xf32>
        tpu.vector_store %arg20[%swap3A_367, %swap3A_368], %swap3A_371 {strides = array<i32>} : memref<64x256xf32, #tpu.memory_space<vmem>>, vector<1x16xf32>,
        %get3A_372 = arith.index_cast %scan3A_258 : i32 to index
        %get3A_373 = arith.constant 96 : index
        %get3A_374 = tpu.vector_load %arg20[%get3A_372, %get3A_373] {strides = array<i32>} : memref<64x256xf32, #tpu.memory_space<vmem>>, vector<1x16xf32>,
        %get3A_375 = vector.shape_cast %get3A_374 : vector<1x16xf32> to vector<16xf32>
        %get3A_376 = arith.index_cast %scan3A_258 : i32 to index
        %get3A_377 = arith.constant 96 : index
        %get3A_378 = tpu.vector_load %arg21[%get3A_376, %get3A_377] {strides = array<i32>} : memref<64x256xf32, #tpu.memory_space<vmem>>, vector<1x16xf32>,
        %get3A_379 = vector.shape_cast %get3A_378 : vector<1x16xf32> to vector<16xf32>
        %add3A_380 = arith.addf %get3A_375, %get3A_379 : vector<16xf32>
        %get3A_381 = arith.index_cast %scan3A_258 : i32 to index
        %get3A_382 = arith.constant 96 : index
        %get3A_383 = tpu.vector_load %arg22[%get3A_381, %get3A_382] {strides = array<i32>} : memref<64x256xf32, #tpu.memory_space<vmem>>, vector<1x16xf32>,
        %get3A_384 = vector.shape_cast %get3A_383 : vector<1x16xf32> to vector<16xf32>
        %add3A_385 = arith.addf %add3A_380, %get3A_384 : vector<16xf32>
        %swap3A_386 = arith.index_cast %scan3A_258 : i32 to index
        %swap3A_387 = arith.constant 96 : index
        %swap3A_388 = tpu.vector_load %arg20[%swap3A_386, %swap3A_387] {strides = array<i32>} : memref<64x256xf32, #tpu.memory_space<vmem>>, vector<1x16xf32>,
        %swap3A_389 = vector.shape_cast %swap3A_388 : vector<1x16xf32> to vector<16xf32>
        %swap3A_390 = vector.shape_cast %add3A_385 : vector<16xf32> to vector<1x16xf32>
        tpu.vector_store %arg20[%swap3A_386, %swap3A_387], %swap3A_390 {strides = array<i32>} : memref<64x256xf32, #tpu.memory_space<vmem>>, vector<1x16xf32>,
        %get3A_391 = arith.index_cast %scan3A_258 : i32 to index
        %get3A_392 = arith.constant 112 : index
        %get3A_393 = tpu.vector_load %arg20[%get3A_391, %get3A_392] {strides = array<i32>} : memref<64x256xf32, #tpu.memory_space<vmem>>, vector<1x16xf32>,
        %get3A_394 = vector.shape_cast %get3A_393 : vector<1x16xf32> to vector<16xf32>
        %get3A_395 = arith.index_cast %scan3A_258 : i32 to index
        %get3A_396 = arith.constant 112 : index
        %get3A_397 = tpu.vector_load %arg21[%get3A_395, %get3A_396] {strides = array<i32>} : memref<64x256xf32, #tpu.memory_space<vmem>>, vector<1x16xf32>,
        %get3A_398 = vector.shape_cast %get3A_397 : vector<1x16xf32> to vector<16xf32>
        %add3A_399 = arith.addf %get3A_394, %get3A_398 : vector<16xf32>
        %get3A_400 = arith.index_cast %scan3A_258 : i32 to index
        %get3A_401 = arith.constant 112 : index
        %get3A_402 = tpu.vector_load %arg22[%get3A_400, %get3A_401] {strides = array<i32>} : memref<64x256xf32, #tpu.memory_space<vmem>>, vector<1x16xf32>,
        %get3A_403 = vector.shape_cast %get3A_402 : vector<1x16xf32> to vector<16xf32>
        %add3A_404 = arith.addf %add3A_399, %get3A_403 : vector<16xf32>
        %swap3A_405 = arith.index_cast %scan3A_258 : i32 to index
        %swap3A_406 = arith.constant 112 : index
        %swap3A_407 = tpu.vector_load %arg20[%swap3A_405, %swap3A_406] {strides = array<i32>} : memref<64x256xf32, #tpu.memory_space<vmem>>, vector<1x16xf32>,
        %swap3A_408 = vector.shape_cast %swap3A_407 : vector<1x16xf32> to vector<16xf32>
        %swap3A_409 = vector.shape_cast %add3A_404 : vector<16xf32> to vector<1x16xf32>
        tpu.vector_store %arg20[%swap3A_405, %swap3A_406], %swap3A_409 {strides = array<i32>} : memref<64x256xf32, #tpu.memory_space<vmem>>, vector<1x16xf32>,
        %get3A_410 = arith.index_cast %scan3A_258 : i32 to index
        %get3A_411 = arith.constant 128 : index
        %get3A_412 = tpu.vector_load %arg20[%get3A_410, %get3A_411] {strides = array<i32>} : memref<64x256xf32, #tpu.memory_space<vmem>>, vector<1x16xf32>,
        %get3A_413 = vector.shape_cast %get3A_412 : vector<1x16xf32> to vector<16xf32>
        %get3A_414 = arith.index_cast %scan3A_258 : i32 to index
        %get3A_415 = arith.constant 128 : index
        %get3A_416 = tpu.vector_load %arg21[%get3A_414, %get3A_415] {strides = array<i32>} : memref<64x256xf32, #tpu.memory_space<vmem>>, vector<1x16xf32>,
        %get3A_417 = vector.shape_cast %get3A_416 : vector<1x16xf32> to vector<16xf32>
        %add3A_418 = arith.addf %get3A_413, %get3A_417 : vector<16xf32>
        %get3A_419 = arith.index_cast %scan3A_258 : i32 to index
        %get3A_420 = arith.constant 128 : index
        %get3A_421 = tpu.vector_load %arg22[%get3A_419, %get3A_420] {strides = array<i32>} : memref<64x256xf32, #tpu.memory_space<vmem>>, vector<1x16xf32>,
        %get3A_422 = vector.shape_cast %get3A_421 : vector<1x16xf32> to vector<16xf32>
        %add3A_423 = arith.addf %add3A_418, %get3A_422 : vector<16xf32>
        %swap3A_424 = arith.index_cast %scan3A_258 : i32 to index
        %swap3A_425 = arith.constant 128 : index
        %swap3A_426 = tpu.vector_load %arg20[%swap3A_424, %swap3A_425] {strides = array<i32>} : memref<64x256xf32, #tpu.memory_space<vmem>>, vector<1x16xf32>,
        %swap3A_427 = vector.shape_cast %swap3A_426 : vector<1x16xf32> to vector<16xf32>
        %swap3A_428 = vector.shape_cast %add3A_423 : vector<16xf32> to vector<1x16xf32>
        tpu.vector_store %arg20[%swap3A_424, %swap3A_425], %swap3A_428 {strides = array<i32>} : memref<64x256xf32, #tpu.memory_space<vmem>>, vector<1x16xf32>,
        %get3A_429 = arith.index_cast %scan3A_258 : i32 to index
        %get3A_430 = arith.constant 144 : index
        %get3A_431 = tpu.vector_load %arg20[%get3A_429, %get3A_430] {strides = array<i32>} : memref<64x256xf32, #tpu.memory_space<vmem>>, vector<1x16xf32>,
        %get3A_432 = vector.shape_cast %get3A_431 : vector<1x16xf32> to vector<16xf32>
        %get3A_433 = arith.index_cast %scan3A_258 : i32 to index
        %get3A_434 = arith.constant 144 : index
        %get3A_435 = tpu.vector_load %arg21[%get3A_433, %get3A_434] {strides = array<i32>} : memref<64x256xf32, #tpu.memory_space<vmem>>, vector<1x16xf32>,
        %get3A_436 = vector.shape_cast %get3A_435 : vector<1x16xf32> to vector<16xf32>
        %add3A_437 = arith.addf %get3A_432, %get3A_436 : vector<16xf32>
        %get3A_438 = arith.index_cast %scan3A_258 : i32 to index
        %get3A_439 = arith.constant 144 : index
        %get3A_440 = tpu.vector_load %arg22[%get3A_438, %get3A_439] {strides = array<i32>} : memref<64x256xf32, #tpu.memory_space<vmem>>, vector<1x16xf32>,
        %get3A_441 = vector.shape_cast %get3A_440 : vector<1x16xf32> to vector<16xf32>
        %add3A_442 = arith.addf %add3A_437, %get3A_441 : vector<16xf32>
        %swap3A_443 = arith.index_cast %scan3A_258 : i32 to index
        %swap3A_444 = arith.constant 144 : index
        %swap3A_445 = tpu.vector_load %arg20[%swap3A_443, %swap3A_444] {strides = array<i32>} : memref<64x256xf32, #tpu.memory_space<vmem>>, vector<1x16xf32>,
        %swap3A_446 = vector.shape_cast %swap3A_445 : vector<1x16xf32> to vector<16xf32>
        %swap3A_447 = vector.shape_cast %add3A_442 : vector<16xf32> to vector<1x16xf32>
        tpu.vector_store %arg20[%swap3A_443, %swap3A_444], %swap3A_447 {strides = array<i32>} : memref<64x256xf32, #tpu.memory_space<vmem>>, vector<1x16xf32>,
        %get3A_448 = arith.index_cast %scan3A_258 : i32 to index
        %get3A_449 = arith.constant 160 : index
        %get3A_450 = tpu.vector_load %arg20[%get3A_448, %get3A_449] {strides = array<i32>} : memref<64x256xf32, #tpu.memory_space<vmem>>, vector<1x16xf32>,
        %get3A_451 = vector.shape_cast %get3A_450 : vector<1x16xf32> to vector<16xf32>
        %get3A_452 = arith.index_cast %scan3A_258 : i32 to index
        %get3A_453 = arith.constant 160 : index
        %get3A_454 = tpu.vector_load %arg21[%get3A_452, %get3A_453] {strides = array<i32>} : memref<64x256xf32, #tpu.memory_space<vmem>>, vector<1x16xf32>,
        %get3A_455 = vector.shape_cast %get3A_454 : vector<1x16xf32> to vector<16xf32>
        %add3A_456 = arith.addf %get3A_451, %get3A_455 : vector<16xf32>
        %get3A_457 = arith.index_cast %scan3A_258 : i32 to index
        %get3A_458 = arith.constant 160 : index
        %get3A_459 = tpu.vector_load %arg22[%get3A_457, %get3A_458] {strides = array<i32>} : memref<64x256xf32, #tpu.memory_space<vmem>>, vector<1x16xf32>,
        %get3A_460 = vector.shape_cast %get3A_459 : vector<1x16xf32> to vector<16xf32>
        %add3A_461 = arith.addf %add3A_456, %get3A_460 : vector<16xf32>
        %swap3A_462 = arith.index_cast %scan3A_258 : i32 to index
        %swap3A_463 = arith.constant 160 : index
        %swap3A_464 = tpu.vector_load %arg20[%swap3A_462, %swap3A_463] {strides = array<i32>} : memref<64x256xf32, #tpu.memory_space<vmem>>, vector<1x16xf32>,
        %swap3A_465 = vector.shape_cast %swap3A_464 : vector<1x16xf32> to vector<16xf32>
        %swap3A_466 = vector.shape_cast %add3A_461 : vector<16xf32> to vector<1x16xf32>
        tpu.vector_store %arg20[%swap3A_462, %swap3A_463], %swap3A_466 {strides = array<i32>} : memref<64x256xf32, #tpu.memory_space<vmem>>, vector<1x16xf32>,
        %get3A_467 = arith.index_cast %scan3A_258 : i32 to index
        %get3A_468 = arith.constant 176 : index
        %get3A_469 = tpu.vector_load %arg20[%get3A_467, %get3A_468] {strides = array<i32>} : memref<64x256xf32, #tpu.memory_space<vmem>>, vector<1x16xf32>,
        %get3A_470 = vector.shape_cast %get3A_469 : vector<1x16xf32> to vector<16xf32>
        %get3A_471 = arith.index_cast %scan3A_258 : i32 to index
        %get3A_472 = arith.constant 176 : index
        %get3A_473 = tpu.vector_load %arg21[%get3A_471, %get3A_472] {strides = array<i32>} : memref<64x256xf32, #tpu.memory_space<vmem>>, vector<1x16xf32>,
        %get3A_474 = vector.shape_cast %get3A_473 : vector<1x16xf32> to vector<16xf32>
        %add3A_475 = arith.addf %get3A_470, %get3A_474 : vector<16xf32>
        %get3A_476 = arith.index_cast %scan3A_258 : i32 to index
        %get3A_477 = arith.constant 176 : index
        %get3A_478 = tpu.vector_load %arg22[%get3A_476, %get3A_477] {strides = array<i32>} : memref<64x256xf32, #tpu.memory_space<vmem>>, vector<1x16xf32>,
        %get3A_479 = vector.shape_cast %get3A_478 : vector<1x16xf32> to vector<16xf32>
        %add3A_480 = arith.addf %add3A_475, %get3A_479 : vector<16xf32>
        %swap3A_481 = arith.index_cast %scan3A_258 : i32 to index
        %swap3A_482 = arith.constant 176 : index
        %swap3A_483 = tpu.vector_load %arg20[%swap3A_481, %swap3A_482] {strides = array<i32>} : memref<64x256xf32, #tpu.memory_space<vmem>>, vector<1x16xf32>,
        %swap3A_484 = vector.shape_cast %swap3A_483 : vector<1x16xf32> to vector<16xf32>
        %swap3A_485 = vector.shape_cast %add3A_480 : vector<16xf32> to vector<1x16xf32>
        tpu.vector_store %arg20[%swap3A_481, %swap3A_482], %swap3A_485 {strides = array<i32>} : memref<64x256xf32, #tpu.memory_space<vmem>>, vector<1x16xf32>,
        %get3A_486 = arith.index_cast %scan3A_258 : i32 to index
        %get3A_487 = arith.constant 192 : index
        %get3A_488 = tpu.vector_load %arg20[%get3A_486, %get3A_487] {strides = array<i32>} : memref<64x256xf32, #tpu.memory_space<vmem>>, vector<1x16xf32>,
        %get3A_489 = vector.shape_cast %get3A_488 : vector<1x16xf32> to vector<16xf32>
        %get3A_490 = arith.index_cast %scan3A_258 : i32 to index
        %get3A_491 = arith.constant 192 : index
        %get3A_492 = tpu.vector_load %arg21[%get3A_490, %get3A_491] {strides = array<i32>} : memref<64x256xf32, #tpu.memory_space<vmem>>, vector<1x16xf32>,
        %get3A_493 = vector.shape_cast %get3A_492 : vector<1x16xf32> to vector<16xf32>
        %add3A_494 = arith.addf %get3A_489, %get3A_493 : vector<16xf32>
        %get3A_495 = arith.index_cast %scan3A_258 : i32 to index
        %get3A_496 = arith.constant 192 : index
        %get3A_497 = tpu.vector_load %arg22[%get3A_495, %get3A_496] {strides = array<i32>} : memref<64x256xf32, #tpu.memory_space<vmem>>, vector<1x16xf32>,
        %get3A_498 = vector.shape_cast %get3A_497 : vector<1x16xf32> to vector<16xf32>
        %add3A_499 = arith.addf %add3A_494, %get3A_498 : vector<16xf32>
        %swap3A_500 = arith.index_cast %scan3A_258 : i32 to index
        %swap3A_501 = arith.constant 192 : index
        %swap3A_502 = tpu.vector_load %arg20[%swap3A_500, %swap3A_501] {strides = array<i32>} : memref<64x256xf32, #tpu.memory_space<vmem>>, vector<1x16xf32>,
        %swap3A_503 = vector.shape_cast %swap3A_502 : vector<1x16xf32> to vector<16xf32>
        %swap3A_504 = vector.shape_cast %add3A_499 : vector<16xf32> to vector<1x16xf32>
        tpu.vector_store %arg20[%swap3A_500, %swap3A_501], %swap3A_504 {strides = array<i32>} : memref<64x256xf32, #tpu.memory_space<vmem>>, vector<1x16xf32>,
        %get3A_505 = arith.index_cast %scan3A_258 : i32 to index
        %get3A_506 = arith.constant 208 : index
        %get3A_507 = tpu.vector_load %arg20[%get3A_505, %get3A_506] {strides = array<i32>} : memref<64x256xf32, #tpu.memory_space<vmem>>, vector<1x16xf32>,
        %get3A_508 = vector.shape_cast %get3A_507 : vector<1x16xf32> to vector<16xf32>
        %get3A_509 = arith.index_cast %scan3A_258 : i32 to index
        %get3A_510 = arith.constant 208 : index
        %get3A_511 = tpu.vector_load %arg21[%get3A_509, %get3A_510] {strides = array<i32>} : memref<64x256xf32, #tpu.memory_space<vmem>>, vector<1x16xf32>,
        %get3A_512 = vector.shape_cast %get3A_511 : vector<1x16xf32> to vector<16xf32>
        %add3A_513 = arith.addf %get3A_508, %get3A_512 : vector<16xf32>
        %get3A_514 = arith.index_cast %scan3A_258 : i32 to index
        %get3A_515 = arith.constant 208 : index
        %get3A_516 = tpu.vector_load %arg22[%get3A_514, %get3A_515] {strides = array<i32>} : memref<64x256xf32, #tpu.memory_space<vmem>>, vector<1x16xf32>,
        %get3A_517 = vector.shape_cast %get3A_516 : vector<1x16xf32> to vector<16xf32>
        %add3A_518 = arith.addf %add3A_513, %get3A_517 : vector<16xf32>
        %swap3A_519 = arith.index_cast %scan3A_258 : i32 to index
        %swap3A_520 = arith.constant 208 : index
        %swap3A_521 = tpu.vector_load %arg20[%swap3A_519, %swap3A_520] {strides = array<i32>} : memref<64x256xf32, #tpu.memory_space<vmem>>, vector<1x16xf32>,
        %swap3A_522 = vector.shape_cast %swap3A_521 : vector<1x16xf32> to vector<16xf32>
        %swap3A_523 = vector.shape_cast %add3A_518 : vector<16xf32> to vector<1x16xf32>
        tpu.vector_store %arg20[%swap3A_519, %swap3A_520], %swap3A_523 {strides = array<i32>} : memref<64x256xf32, #tpu.memory_space<vmem>>, vector<1x16xf32>,
        %get3A_524 = arith.index_cast %scan3A_258 : i32 to index
        %get3A_525 = arith.constant 224 : index
        %get3A_526 = tpu.vector_load %arg20[%get3A_524, %get3A_525] {strides = array<i32>} : memref<64x256xf32, #tpu.memory_space<vmem>>, vector<1x16xf32>,
        %get3A_527 = vector.shape_cast %get3A_526 : vector<1x16xf32> to vector<16xf32>
        %get3A_528 = arith.index_cast %scan3A_258 : i32 to index
        %get3A_529 = arith.constant 224 : index
        %get3A_530 = tpu.vector_load %arg21[%get3A_528, %get3A_529] {strides = array<i32>} : memref<64x256xf32, #tpu.memory_space<vmem>>, vector<1x16xf32>,
        %get3A_531 = vector.shape_cast %get3A_530 : vector<1x16xf32> to vector<16xf32>
        %add3A_532 = arith.addf %get3A_527, %get3A_531 : vector<16xf32>
        %get3A_533 = arith.index_cast %scan3A_258 : i32 to index
        %get3A_534 = arith.constant 224 : index
        %get3A_535 = tpu.vector_load %arg22[%get3A_533, %get3A_534] {strides = array<i32>} : memref<64x256xf32, #tpu.memory_space<vmem>>, vector<1x16xf32>,
        %get3A_536 = vector.shape_cast %get3A_535 : vector<1x16xf32> to vector<16xf32>
        %add3A_537 = arith.addf %add3A_532, %get3A_536 : vector<16xf32>
        %swap3A_538 = arith.index_cast %scan3A_258 : i32 to index
        %swap3A_539 = arith.constant 224 : index
        %swap3A_540 = tpu.vector_load %arg20[%swap3A_538, %swap3A_539] {strides = array<i32>} : memref<64x256xf32, #tpu.memory_space<vmem>>, vector<1x16xf32>,
        %swap3A_541 = vector.shape_cast %swap3A_540 : vector<1x16xf32> to vector<16xf32>
        %swap3A_542 = vector.shape_cast %add3A_537 : vector<16xf32> to vector<1x16xf32>
        tpu.vector_store %arg20[%swap3A_538, %swap3A_539], %swap3A_542 {strides = array<i32>} : memref<64x256xf32, #tpu.memory_space<vmem>>, vector<1x16xf32>,
        %get3A_543 = arith.index_cast %scan3A_258 : i32 to index
        %get3A_544 = arith.constant 240 : index
        %get3A_545 = tpu.vector_load %arg20[%get3A_543, %get3A_544] {strides = array<i32>} : memref<64x256xf32, #tpu.memory_space<vmem>>, vector<1x16xf32>,
        %get3A_546 = vector.shape_cast %get3A_545 : vector<1x16xf32> to vector<16xf32>
        %get3A_547 = arith.index_cast %scan3A_258 : i32 to index
        %get3A_548 = arith.constant 240 : index
        %get3A_549 = tpu.vector_load %arg21[%get3A_547, %get3A_548] {strides = array<i32>} : memref<64x256xf32, #tpu.memory_space<vmem>>, vector<1x16xf32>,
        %get3A_550 = vector.shape_cast %get3A_549 : vector<1x16xf32> to vector<16xf32>
        %add3A_551 = arith.addf %get3A_546, %get3A_550 : vector<16xf32>
        %get3A_552 = arith.index_cast %scan3A_258 : i32 to index
        %get3A_553 = arith.constant 240 : index
        %get3A_554 = tpu.vector_load %arg22[%get3A_552, %get3A_553] {strides = array<i32>} : memref<64x256xf32, #tpu.memory_space<vmem>>, vector<1x16xf32>,
        %get3A_555 = vector.shape_cast %get3A_554 : vector<1x16xf32> to vector<16xf32>
        %add3A_556 = arith.addf %add3A_551, %get3A_555 : vector<16xf32>
        %swap3A_557 = arith.index_cast %scan3A_258 : i32 to index
        %swap3A_558 = arith.constant 240 : index
        %swap3A_559 = tpu.vector_load %arg20[%swap3A_557, %swap3A_558] {strides = array<i32>} : memref<64x256xf32, #tpu.memory_space<vmem>>, vector<1x16xf32>,
        %swap3A_560 = vector.shape_cast %swap3A_559 : vector<1x16xf32> to vector<16xf32>
        %swap3A_561 = vector.shape_cast %add3A_556 : vector<16xf32> to vector<1x16xf32>
        tpu.vector_store %arg20[%swap3A_557, %swap3A_558], %swap3A_561 {strides = array<i32>} : memref<64x256xf32, #tpu.memory_space<vmem>>, vector<1x16xf32>,
        %scan3A_562 = arith.constant 0 : i32
        scf.yield %scan3A_562 : i32
      }
      %scan3A_249 = arith.constant 64 : i32
      %mul3A_250 = arith.constant 64 : i32
      %mul3A_251 = arith.muli %add3A_206, %mul3A_250 : i32
      %add3A_252 = arith.addi %min3A_3, %mul3A_251 : i32
      %dma_start3A_253 = arith.constant 0 : i32
      %dma_start3A_254 = tpu.memref_slice %arg4[%add3A_252, %dma_start3A_253] : memref<100000x256xf32, #tpu.memory_space<hbm>> -> memref<64x256xf32, #tpu.memory_space<hbm>>
      %dma_start3A_255 = arith.constant 0 : i32
      %dma_start3A_256 = tpu.memref_slice %arg4[%add3A_252, %dma_start3A_255] : memref<100000x256xf32, #tpu.memory_space<hbm>> -> memref<64x256xf32, #tpu.memory_space<hbm>>
      tpu.enqueue_dma source(%arg20 : memref<64x256xf32, #tpu.memory_space<vmem>>) target(%dma_start3A_256 : memref<64x256xf32, #tpu.memory_space<hbm>>) target_semaphore(%arg29 : memref<!tpu.dma_semaphore, #tpu.memory_space<semaphore_mem>>)
      %scan3A_257 = arith.constant 0 : i32
      scf.yield %scan3A_257 : i32
    }
    %scan3A_115 = arith.constant 24 : i32
    %add3A_116 = arith.constant 3072 : i32
    %add3A_117 = arith.addi %min3A_3, %add3A_116 : i32
    %dma_wait3A_118 = arith.constant 0 : i32
    %dma_wait3A_119 = tpu.memref_slice %arg4[%add3A_117, %dma_wait3A_118] : memref<100000x256xf32, #tpu.memory_space<hbm>> -> memref<64x256xf32, #tpu.memory_space<hbm>>
    %dma_wait3A_120 = arith.constant 0 : i32
    %dma_wait3A_121 = tpu.memref_slice %arg4[%add3A_117, %dma_wait3A_120] : memref<100000x256xf32, #tpu.memory_space<hbm>> -> memref<64x256xf32, #tpu.memory_space<hbm>>
    tpu.wait_dma2 semaphore(%arg29 : memref<!tpu.dma_semaphore, #tpu.memory_space<semaphore_mem>>) src(%arg20 : memref<64x256xf32, #tpu.memory_space<vmem>>) dst(%dma_wait3A_121 : memref<64x256xf32, #tpu.memory_space<hbm>>)
    %dma_wait3A_122 = arith.constant 0 : i32
    %dma_wait3A_123 = arith.constant 0 : i32
    %dma_wait3A_124 = tpu.memref_slice %arg3[%dma_wait3A_122, %dma_wait3A_123] : memref<1416x256xf32, #tpu.memory_space<hbm>> -> memref<1416x256xf32, #tpu.memory_space<hbm>>
    tpu.wait_indirect_dma semaphore(%arg28 : memref<!tpu.dma_semaphore, #tpu.memory_space<semaphore_mem>>) src(%dma_wait3A_124 : memref<1416x256xf32, #tpu.memory_space<hbm>>) dst(%arg23 : memref<64x256xf32, #tpu.memory_space<vmem>>)
    %dma_wait3A_125 = arith.constant 0 : i32
    %dma_wait3A_126 = arith.constant 0 : i32
    %dma_wait3A_127 = tpu.memref_slice %arg3[%dma_wait3A_125, %dma_wait3A_126] : memref<1416x256xf32, #tpu.memory_space<hbm>> -> memref<1416x256xf32, #tpu.memory_space<hbm>>
    tpu.wait_indirect_dma semaphore(%arg28 : memref<!tpu.dma_semaphore, #tpu.memory_space<semaphore_mem>>) src(%dma_wait3A_127 : memref<1416x256xf32, #tpu.memory_space<hbm>>) dst(%arg24 : memref<64x256xf32, #tpu.memory_space<vmem>>)
    %dma_wait3A_128 = arith.constant 0 : i32
    %dma_wait3A_129 = arith.constant 0 : i32
    %dma_wait3A_130 = tpu.memref_slice %arg3[%dma_wait3A_128, %dma_wait3A_129] : memref<1416x256xf32, #tpu.memory_space<hbm>> -> memref<1416x256xf32, #tpu.memory_space<hbm>>
    tpu.wait_indirect_dma semaphore(%arg28 : memref<!tpu.dma_semaphore, #tpu.memory_space<semaphore_mem>>) src(%dma_wait3A_130 : memref<1416x256xf32, #tpu.memory_space<hbm>>) dst(%arg25 : memref<64x256xf32, #tpu.memory_space<vmem>>)
    %scan3A_131 = arith.constant 0 : i32
    %scan3A_132 = arith.constant 0 : i32
    %scan3A_133 = arith.constant 64 : i32
    %scan3A_134 = arith.addi %scan3A_132, %scan3A_133 : i32
    %scan3A_135 = arith.constant 1 : i32
    %scan3A_136 = scf.for %scan3A_150 = %scan3A_132 to %scan3A_134 step %scan3A_135 iter_args(%scan3A_151 = %scan3A_131) -> (i32)  : i32 {
      %get3A = arith.index_cast %scan3A_150 : i32 to index
      %get3A_152 = arith.constant 0 : index
      %get3A_153 = tpu.vector_load %arg23[%get3A, %get3A_152] {strides = array<i32>} : memref<64x256xf32, #tpu.memory_space<vmem>>, vector<1x16xf32>,
      %get3A_154 = vector.shape_cast %get3A_153 : vector<1x16xf32> to vector<16xf32>
      %get3A_155 = arith.index_cast %scan3A_150 : i32 to index
      %get3A_156 = arith.constant 0 : index
      %get3A_157 = tpu.vector_load %arg24[%get3A_155, %get3A_156] {strides = array<i32>} : memref<64x256xf32, #tpu.memory_space<vmem>>, vector<1x16xf32>,
      %get3A_158 = vector.shape_cast %get3A_157 : vector<1x16xf32> to vector<16xf32>
      %add3A_159 = arith.addf %get3A_154, %get3A_158 : vector<16xf32>
      %get3A_160 = arith.index_cast %scan3A_150 : i32 to index
      %get3A_161 = arith.constant 0 : index
      %get3A_162 = tpu.vector_load %arg25[%get3A_160, %get3A_161] {strides = array<i32>} : memref<64x256xf32, #tpu.memory_space<vmem>>, vector<1x16xf32>,
      %get3A_163 = vector.shape_cast %get3A_162 : vector<1x16xf32> to vector<16xf32>
      %add3A_164 = arith.addf %add3A_159, %get3A_163 : vector<16xf32>
      %swap3A = arith.index_cast %scan3A_150 : i32 to index
      %swap3A_165 = arith.constant 0 : index
      %swap3A_166 = tpu.vector_load %arg23[%swap3A, %swap3A_165] {strides = array<i32>} : memref<64x256xf32, #tpu.memory_space<vmem>>, vector<1x16xf32>,
      %swap3A_167 = vector.shape_cast %swap3A_166 : vector<1x16xf32> to vector<16xf32>
      %swap3A_168 = vector.shape_cast %add3A_164 : vector<16xf32> to vector<1x16xf32>
      tpu.vector_store %arg23[%swap3A, %swap3A_165], %swap3A_168 {strides = array<i32>} : memref<64x256xf32, #tpu.memory_space<vmem>>, vector<1x16xf32>,
      %get3A_169 = arith.index_cast %scan3A_150 : i32 to index
      %get3A_170 = arith.constant 16 : index
      %get3A_171 = tpu.vector_load %arg23[%get3A_169, %get3A_170] {strides = array<i32>} : memref<64x256xf32, #tpu.memory_space<vmem>>, vector<1x16xf32>,
      %get3A_172 = vector.shape_cast %get3A_171 : vector<1x16xf32> to vector<16xf32>
      %get3A_173 = arith.index_cast %scan3A_150 : i32 to index
      %get3A_174 = arith.constant 16 : index
      %get3A_175 = tpu.vector_load %arg24[%get3A_173, %get3A_174] {strides = array<i32>} : memref<64x256xf32, #tpu.memory_space<vmem>>, vector<1x16xf32>,
      %get3A_176 = vector.shape_cast %get3A_175 : vector<1x16xf32> to vector<16xf32>
      %add3A_177 = arith.addf %get3A_172, %get3A_176 : vector<16xf32>
      %get3A_178 = arith.index_cast %scan3A_150 : i32 to index
      %get3A_179 = arith.constant 16 : index
      %get3A_180 = tpu.vector_load %arg25[%get3A_178, %get3A_179] {strides = array<i32>} : memref<64x256xf32, #tpu.memory_space<vmem>>, vector<1x16xf32>,
      %get3A_181 = vector.shape_cast %get3A_180 : vector<1x16xf32> to vector<16xf32>
      %add3A_182 = arith.addf %add3A_177, %get3A_181 : vector<16xf32>
      %swap3A_183 = arith.index_cast %scan3A_150 : i32 to index
      %swap3A_184 = arith.constant 16 : index
      %swap3A_185 = tpu.vector_load %arg23[%swap3A_183, %swap3A_184] {strides = array<i32>} : memref<64x256xf32, #tpu.memory_space<vmem>>, vector<1x16xf32>,
      %swap3A_186 = vector.shape_cast %swap3A_185 : vector<1x16xf32> to vector<16xf32>
      %swap3A_187 = vector.shape_cast %add3A_182 : vector<16xf32> to vector<1x16xf32>
      tpu.vector_store %arg23[%swap3A_183, %swap3A_184], %swap3A_187 {strides = array<i32>} : memref<64x256xf32, #tpu.memory_space<vmem>>, vector<1x16xf32>,
      %get3A_188 = arith.index_cast %scan3A_150 : i32 to index
      %get3A_189 = arith.constant 32 : index
      %get3A_190 = tpu.vector_load %arg23[%get3A_188, %get3A_189] {strides = array<i32>} : memref<64x256xf32, #tpu.memory_space<vmem>>, vector<1x16xf32>,
      %get3A_191 = vector.shape_cast %get3A_190 : vector<1x16xf32> to vector<16xf32>
      %get3A_192 = arith.index_cast %scan3A_150 : i32 to index
      %get3A_193 = arith.constant 32 : index
      %get3A_194 = tpu.vector_load %arg24[%get3A_192, %get3A_193] {strides = array<i32>} : memref<64x256xf32, #tpu.memory_space<vmem>>, vector<1x16xf32>,
      %get3A_195 = vector.shape_cast %get3A_194 : vector<1x16xf32> to vector<16xf32>
      %add3A_196 = arith.addf %get3A_191, %get3A_195 : vector<16xf32>
      %get3A_197 = arith.index_cast %scan3A_150 : i32 to index
      %get3A_198 = arith.constant 32 : index
      %get3A_199 = tpu.vector_load %arg25[%get3A_197, %get3A_198] {strides = array<i32>} : memref<64x256xf32, #tpu.memory_space<vmem>>, vector<1x16xf32>,
      %get3A_200 = vector.shape_cast %get3A_199 : vector<1x16xf32> to vector<16xf32>
      %add3A_201 = arith.addf %add3A_196, %get3A_200 : vector<16xf32>
      %swap3A_202 = arith.index_cast %scan3A_150 : i32 to index
      %swap3A_203 = arith.constant 32 : index
      %swap3A_204 = tpu.vector_load %arg23[%swap3A_202, %swap3A_203] {strides = array<i32>} : memref<64x256xf32, #tpu.memory_space<vmem>>, vector<1x16xf32>,
      %swap3A_205 = vector.shape_cast %swap3A_204 : vector<1x16xf32> to vector<16xf32>
      %swap3A_206 = vector.shape_cast %add3A_201 : vector<16xf32> to vector<1x16xf32>
      tpu.vector_store %arg23[%swap3A_202, %swap3A_203], %swap3A_206 {strides = array<i32>} : memref<64x256xf32, #tpu.memory_space<vmem>>, vector<1x16xf32>,
      %get3A_207 = arith.index_cast %scan3A_150 : i32 to index
      %get3A_208 = arith.constant 48 : index
      %get3A_209 = tpu.vector_load %arg23[%get3A_207, %get3A_208] {strides = array<i32>} : memref<64x256xf32, #tpu.memory_space<vmem>>, vector<1x16xf32>,
      %get3A_210 = vector.shape_cast %get3A_209 : vector<1x16xf32> to vector<16xf32>
      %get3A_211 = arith.index_cast %scan3A_150 : i32 to index
      %get3A_212 = arith.constant 48 : index
      %get3A_213 = tpu.vector_load %arg24[%get3A_211, %get3A_212] {strides = array<i32>} : memref<64x256xf32, #tpu.memory_space<vmem>>, vector<1x16xf32>,
      %get3A_214 = vector.shape_cast %get3A_213 : vector<1x16xf32> to vector<16xf32>
      %add3A_215 = arith.addf %get3A_210, %get3A_214 : vector<16xf32>
      %get3A_216 = arith.index_cast %scan3A_150 : i32 to index
      %get3A_217 = arith.constant 48 : index
      %get3A_218 = tpu.vector_load %arg25[%get3A_216, %get3A_217] {strides = array<i32>} : memref<64x256xf32, #tpu.memory_space<vmem>>, vector<1x16xf32>,
      %get3A_219 = vector.shape_cast %get3A_218 : vector<1x16xf32> to vector<16xf32>
      %add3A_220 = arith.addf %add3A_215, %get3A_219 : vector<16xf32>
      %swap3A_221 = arith.index_cast %scan3A_150 : i32 to index
      %swap3A_222 = arith.constant 48 : index
      %swap3A_223 = tpu.vector_load %arg23[%swap3A_221, %swap3A_222] {strides = array<i32>} : memref<64x256xf32, #tpu.memory_space<vmem>>, vector<1x16xf32>,
      %swap3A_224 = vector.shape_cast %swap3A_223 : vector<1x16xf32> to vector<16xf32>
      %swap3A_225 = vector.shape_cast %add3A_220 : vector<16xf32> to vector<1x16xf32>
      tpu.vector_store %arg23[%swap3A_221, %swap3A_222], %swap3A_225 {strides = array<i32>} : memref<64x256xf32, #tpu.memory_space<vmem>>, vector<1x16xf32>,
      %get3A_226 = arith.index_cast %scan3A_150 : i32 to index
      %get3A_227 = arith.constant 64 : index
      %get3A_228 = tpu.vector_load %arg23[%get3A_226, %get3A_227] {strides = array<i32>} : memref<64x256xf32, #tpu.memory_space<vmem>>, vector<1x16xf32>,
      %get3A_229 = vector.shape_cast %get3A_228 : vector<1x16xf32> to vector<16xf32>
      %get3A_230 = arith.index_cast %scan3A_150 : i32 to index
      %get3A_231 = arith.constant 64 : index
      %get3A_232 = tpu.vector_load %arg24[%get3A_230, %get3A_231] {strides = array<i32>} : memref<64x256xf32, #tpu.memory_space<vmem>>, vector<1x16xf32>,
      %get3A_233 = vector.shape_cast %get3A_232 : vector<1x16xf32> to vector<16xf32>
      %add3A_234 = arith.addf %get3A_229, %get3A_233 : vector<16xf32>
      %get3A_235 = arith.index_cast %scan3A_150 : i32 to index
      %get3A_236 = arith.constant 64 : index
      %get3A_237 = tpu.vector_load %arg25[%get3A_235, %get3A_236] {strides = array<i32>} : memref<64x256xf32, #tpu.memory_space<vmem>>, vector<1x16xf32>,
      %get3A_238 = vector.shape_cast %get3A_237 : vector<1x16xf32> to vector<16xf32>
      %add3A_239 = arith.addf %add3A_234, %get3A_238 : vector<16xf32>
      %swap3A_240 = arith.index_cast %scan3A_150 : i32 to index
      %swap3A_241 = arith.constant 64 : index
      %swap3A_242 = tpu.vector_load %arg23[%swap3A_240, %swap3A_241] {strides = array<i32>} : memref<64x256xf32, #tpu.memory_space<vmem>>, vector<1x16xf32>,
      %swap3A_243 = vector.shape_cast %swap3A_242 : vector<1x16xf32> to vector<16xf32>
      %swap3A_244 = vector.shape_cast %add3A_239 : vector<16xf32> to vector<1x16xf32>
      tpu.vector_store %arg23[%swap3A_240, %swap3A_241], %swap3A_244 {strides = array<i32>} : memref<64x256xf32, #tpu.memory_space<vmem>>, vector<1x16xf32>,
      %get3A_245 = arith.index_cast %scan3A_150 : i32 to index
      %get3A_246 = arith.constant 80 : index
      %get3A_247 = tpu.vector_load %arg23[%get3A_245, %get3A_246] {strides = array<i32>} : memref<64x256xf32, #tpu.memory_space<vmem>>, vector<1x16xf32>,
      %get3A_248 = vector.shape_cast %get3A_247 : vector<1x16xf32> to vector<16xf32>
      %get3A_249 = arith.index_cast %scan3A_150 : i32 to index
      %get3A_250 = arith.constant 80 : index
      %get3A_251 = tpu.vector_load %arg24[%get3A_249, %get3A_250] {strides = array<i32>} : memref<64x256xf32, #tpu.memory_space<vmem>>, vector<1x16xf32>,
      %get3A_252 = vector.shape_cast %get3A_251 : vector<1x16xf32> to vector<16xf32>
      %add3A_253 = arith.addf %get3A_248, %get3A_252 : vector<16xf32>
      %get3A_254 = arith.index_cast %scan3A_150 : i32 to index
      %get3A_255 = arith.constant 80 : index
      %get3A_256 = tpu.vector_load %arg25[%get3A_254, %get3A_255] {strides = array<i32>} : memref<64x256xf32, #tpu.memory_space<vmem>>, vector<1x16xf32>,
      %get3A_257 = vector.shape_cast %get3A_256 : vector<1x16xf32> to vector<16xf32>
      %add3A_258 = arith.addf %add3A_253, %get3A_257 : vector<16xf32>
      %swap3A_259 = arith.index_cast %scan3A_150 : i32 to index
      %swap3A_260 = arith.constant 80 : index
      %swap3A_261 = tpu.vector_load %arg23[%swap3A_259, %swap3A_260] {strides = array<i32>} : memref<64x256xf32, #tpu.memory_space<vmem>>, vector<1x16xf32>,
      %swap3A_262 = vector.shape_cast %swap3A_261 : vector<1x16xf32> to vector<16xf32>
      %swap3A_263 = vector.shape_cast %add3A_258 : vector<16xf32> to vector<1x16xf32>
      tpu.vector_store %arg23[%swap3A_259, %swap3A_260], %swap3A_263 {strides = array<i32>} : memref<64x256xf32, #tpu.memory_space<vmem>>, vector<1x16xf32>,
      %get3A_264 = arith.index_cast %scan3A_150 : i32 to index
      %get3A_265 = arith.constant 96 : index
      %get3A_266 = tpu.vector_load %arg23[%get3A_264, %get3A_265] {strides = array<i32>} : memref<64x256xf32, #tpu.memory_space<vmem>>, vector<1x16xf32>,
      %get3A_267 = vector.shape_cast %get3A_266 : vector<1x16xf32> to vector<16xf32>
      %get3A_268 = arith.index_cast %scan3A_150 : i32 to index
      %get3A_269 = arith.constant 96 : index
      %get3A_270 = tpu.vector_load %arg24[%get3A_268, %get3A_269] {strides = array<i32>} : memref<64x256xf32, #tpu.memory_space<vmem>>, vector<1x16xf32>,
      %get3A_271 = vector.shape_cast %get3A_270 : vector<1x16xf32> to vector<16xf32>
      %add3A_272 = arith.addf %get3A_267, %get3A_271 : vector<16xf32>
      %get3A_273 = arith.index_cast %scan3A_150 : i32 to index
      %get3A_274 = arith.constant 96 : index
      %get3A_275 = tpu.vector_load %arg25[%get3A_273, %get3A_274] {strides = array<i32>} : memref<64x256xf32, #tpu.memory_space<vmem>>, vector<1x16xf32>,
      %get3A_276 = vector.shape_cast %get3A_275 : vector<1x16xf32> to vector<16xf32>
      %add3A_277 = arith.addf %add3A_272, %get3A_276 : vector<16xf32>
      %swap3A_278 = arith.index_cast %scan3A_150 : i32 to index
      %swap3A_279 = arith.constant 96 : index
      %swap3A_280 = tpu.vector_load %arg23[%swap3A_278, %swap3A_279] {strides = array<i32>} : memref<64x256xf32, #tpu.memory_space<vmem>>, vector<1x16xf32>,
      %swap3A_281 = vector.shape_cast %swap3A_280 : vector<1x16xf32> to vector<16xf32>
      %swap3A_282 = vector.shape_cast %add3A_277 : vector<16xf32> to vector<1x16xf32>
      tpu.vector_store %arg23[%swap3A_278, %swap3A_279], %swap3A_282 {strides = array<i32>} : memref<64x256xf32, #tpu.memory_space<vmem>>, vector<1x16xf32>,
      %get3A_283 = arith.index_cast %scan3A_150 : i32 to index
      %get3A_284 = arith.constant 112 : index
      %get3A_285 = tpu.vector_load %arg23[%get3A_283, %get3A_284] {strides = array<i32>} : memref<64x256xf32, #tpu.memory_space<vmem>>, vector<1x16xf32>,
      %get3A_286 = vector.shape_cast %get3A_285 : vector<1x16xf32> to vector<16xf32>
      %get3A_287 = arith.index_cast %scan3A_150 : i32 to index
      %get3A_288 = arith.constant 112 : index
      %get3A_289 = tpu.vector_load %arg24[%get3A_287, %get3A_288] {strides = array<i32>} : memref<64x256xf32, #tpu.memory_space<vmem>>, vector<1x16xf32>,
      %get3A_290 = vector.shape_cast %get3A_289 : vector<1x16xf32> to vector<16xf32>
      %add3A_291 = arith.addf %get3A_286, %get3A_290 : vector<16xf32>
      %get3A_292 = arith.index_cast %scan3A_150 : i32 to index
      %get3A_293 = arith.constant 112 : index
      %get3A_294 = tpu.vector_load %arg25[%get3A_292, %get3A_293] {strides = array<i32>} : memref<64x256xf32, #tpu.memory_space<vmem>>, vector<1x16xf32>,
      %get3A_295 = vector.shape_cast %get3A_294 : vector<1x16xf32> to vector<16xf32>
      %add3A_296 = arith.addf %add3A_291, %get3A_295 : vector<16xf32>
      %swap3A_297 = arith.index_cast %scan3A_150 : i32 to index
      %swap3A_298 = arith.constant 112 : index
      %swap3A_299 = tpu.vector_load %arg23[%swap3A_297, %swap3A_298] {strides = array<i32>} : memref<64x256xf32, #tpu.memory_space<vmem>>, vector<1x16xf32>,
      %swap3A_300 = vector.shape_cast %swap3A_299 : vector<1x16xf32> to vector<16xf32>
      %swap3A_301 = vector.shape_cast %add3A_296 : vector<16xf32> to vector<1x16xf32>
      tpu.vector_store %arg23[%swap3A_297, %swap3A_298], %swap3A_301 {strides = array<i32>} : memref<64x256xf32, #tpu.memory_space<vmem>>, vector<1x16xf32>,
      %get3A_302 = arith.index_cast %scan3A_150 : i32 to index
      %get3A_303 = arith.constant 128 : index
      %get3A_304 = tpu.vector_load %arg23[%get3A_302, %get3A_303] {strides = array<i32>} : memref<64x256xf32, #tpu.memory_space<vmem>>, vector<1x16xf32>,
      %get3A_305 = vector.shape_cast %get3A_304 : vector<1x16xf32> to vector<16xf32>
      %get3A_306 = arith.index_cast %scan3A_150 : i32 to index
      %get3A_307 = arith.constant 128 : index
      %get3A_308 = tpu.vector_load %arg24[%get3A_306, %get3A_307] {strides = array<i32>} : memref<64x256xf32, #tpu.memory_space<vmem>>, vector<1x16xf32>,
      %get3A_309 = vector.shape_cast %get3A_308 : vector<1x16xf32> to vector<16xf32>
      %add3A_310 = arith.addf %get3A_305, %get3A_309 : vector<16xf32>
      %get3A_311 = arith.index_cast %scan3A_150 : i32 to index
      %get3A_312 = arith.constant 128 : index
      %get3A_313 = tpu.vector_load %arg25[%get3A_311, %get3A_312] {strides = array<i32>} : memref<64x256xf32, #tpu.memory_space<vmem>>, vector<1x16xf32>,
      %get3A_314 = vector.shape_cast %get3A_313 : vector<1x16xf32> to vector<16xf32>
      %add3A_315 = arith.addf %add3A_310, %get3A_314 : vector<16xf32>
      %swap3A_316 = arith.index_cast %scan3A_150 : i32 to index
      %swap3A_317 = arith.constant 128 : index
      %swap3A_318 = tpu.vector_load %arg23[%swap3A_316, %swap3A_317] {strides = array<i32>} : memref<64x256xf32, #tpu.memory_space<vmem>>, vector<1x16xf32>,
      %swap3A_319 = vector.shape_cast %swap3A_318 : vector<1x16xf32> to vector<16xf32>
      %swap3A_320 = vector.shape_cast %add3A_315 : vector<16xf32> to vector<1x16xf32>
      tpu.vector_store %arg23[%swap3A_316, %swap3A_317], %swap3A_320 {strides = array<i32>} : memref<64x256xf32, #tpu.memory_space<vmem>>, vector<1x16xf32>,
      %get3A_321 = arith.index_cast %scan3A_150 : i32 to index
      %get3A_322 = arith.constant 144 : index
      %get3A_323 = tpu.vector_load %arg23[%get3A_321, %get3A_322] {strides = array<i32>} : memref<64x256xf32, #tpu.memory_space<vmem>>, vector<1x16xf32>,
      %get3A_324 = vector.shape_cast %get3A_323 : vector<1x16xf32> to vector<16xf32>
      %get3A_325 = arith.index_cast %scan3A_150 : i32 to index
      %get3A_326 = arith.constant 144 : index
      %get3A_327 = tpu.vector_load %arg24[%get3A_325, %get3A_326] {strides = array<i32>} : memref<64x256xf32, #tpu.memory_space<vmem>>, vector<1x16xf32>,
      %get3A_328 = vector.shape_cast %get3A_327 : vector<1x16xf32> to vector<16xf32>
      %add3A_329 = arith.addf %get3A_324, %get3A_328 : vector<16xf32>
      %get3A_330 = arith.index_cast %scan3A_150 : i32 to index
      %get3A_331 = arith.constant 144 : index
      %get3A_332 = tpu.vector_load %arg25[%get3A_330, %get3A_331] {strides = array<i32>} : memref<64x256xf32, #tpu.memory_space<vmem>>, vector<1x16xf32>,
      %get3A_333 = vector.shape_cast %get3A_332 : vector<1x16xf32> to vector<16xf32>
      %add3A_334 = arith.addf %add3A_329, %get3A_333 : vector<16xf32>
      %swap3A_335 = arith.index_cast %scan3A_150 : i32 to index
      %swap3A_336 = arith.constant 144 : index
      %swap3A_337 = tpu.vector_load %arg23[%swap3A_335, %swap3A_336] {strides = array<i32>} : memref<64x256xf32, #tpu.memory_space<vmem>>, vector<1x16xf32>,
      %swap3A_338 = vector.shape_cast %swap3A_337 : vector<1x16xf32> to vector<16xf32>
      %swap3A_339 = vector.shape_cast %add3A_334 : vector<16xf32> to vector<1x16xf32>
      tpu.vector_store %arg23[%swap3A_335, %swap3A_336], %swap3A_339 {strides = array<i32>} : memref<64x256xf32, #tpu.memory_space<vmem>>, vector<1x16xf32>,
      %get3A_340 = arith.index_cast %scan3A_150 : i32 to index
      %get3A_341 = arith.constant 160 : index
      %get3A_342 = tpu.vector_load %arg23[%get3A_340, %get3A_341] {strides = array<i32>} : memref<64x256xf32, #tpu.memory_space<vmem>>, vector<1x16xf32>,
      %get3A_343 = vector.shape_cast %get3A_342 : vector<1x16xf32> to vector<16xf32>
      %get3A_344 = arith.index_cast %scan3A_150 : i32 to index
      %get3A_345 = arith.constant 160 : index
      %get3A_346 = tpu.vector_load %arg24[%get3A_344, %get3A_345] {strides = array<i32>} : memref<64x256xf32, #tpu.memory_space<vmem>>, vector<1x16xf32>,
      %get3A_347 = vector.shape_cast %get3A_346 : vector<1x16xf32> to vector<16xf32>
      %add3A_348 = arith.addf %get3A_343, %get3A_347 : vector<16xf32>
      %get3A_349 = arith.index_cast %scan3A_150 : i32 to index
      %get3A_350 = arith.constant 160 : index
      %get3A_351 = tpu.vector_load %arg25[%get3A_349, %get3A_350] {strides = array<i32>} : memref<64x256xf32, #tpu.memory_space<vmem>>, vector<1x16xf32>,
      %get3A_352 = vector.shape_cast %get3A_351 : vector<1x16xf32> to vector<16xf32>
      %add3A_353 = arith.addf %add3A_348, %get3A_352 : vector<16xf32>
      %swap3A_354 = arith.index_cast %scan3A_150 : i32 to index
      %swap3A_355 = arith.constant 160 : index
      %swap3A_356 = tpu.vector_load %arg23[%swap3A_354, %swap3A_355] {strides = array<i32>} : memref<64x256xf32, #tpu.memory_space<vmem>>, vector<1x16xf32>,
      %swap3A_357 = vector.shape_cast %swap3A_356 : vector<1x16xf32> to vector<16xf32>
      %swap3A_358 = vector.shape_cast %add3A_353 : vector<16xf32> to vector<1x16xf32>
      tpu.vector_store %arg23[%swap3A_354, %swap3A_355], %swap3A_358 {strides = array<i32>} : memref<64x256xf32, #tpu.memory_space<vmem>>, vector<1x16xf32>,
      %get3A_359 = arith.index_cast %scan3A_150 : i32 to index
      %get3A_360 = arith.constant 176 : index
      %get3A_361 = tpu.vector_load %arg23[%get3A_359, %get3A_360] {strides = array<i32>} : memref<64x256xf32, #tpu.memory_space<vmem>>, vector<1x16xf32>,
      %get3A_362 = vector.shape_cast %get3A_361 : vector<1x16xf32> to vector<16xf32>
      %get3A_363 = arith.index_cast %scan3A_150 : i32 to index
      %get3A_364 = arith.constant 176 : index
      %get3A_365 = tpu.vector_load %arg24[%get3A_363, %get3A_364] {strides = array<i32>} : memref<64x256xf32, #tpu.memory_space<vmem>>, vector<1x16xf32>,
      %get3A_366 = vector.shape_cast %get3A_365 : vector<1x16xf32> to vector<16xf32>
      %add3A_367 = arith.addf %get3A_362, %get3A_366 : vector<16xf32>
      %get3A_368 = arith.index_cast %scan3A_150 : i32 to index
      %get3A_369 = arith.constant 176 : index
      %get3A_370 = tpu.vector_load %arg25[%get3A_368, %get3A_369] {strides = array<i32>} : memref<64x256xf32, #tpu.memory_space<vmem>>, vector<1x16xf32>,
      %get3A_371 = vector.shape_cast %get3A_370 : vector<1x16xf32> to vector<16xf32>
      %add3A_372 = arith.addf %add3A_367, %get3A_371 : vector<16xf32>
      %swap3A_373 = arith.index_cast %scan3A_150 : i32 to index
      %swap3A_374 = arith.constant 176 : index
      %swap3A_375 = tpu.vector_load %arg23[%swap3A_373, %swap3A_374] {strides = array<i32>} : memref<64x256xf32, #tpu.memory_space<vmem>>, vector<1x16xf32>,
      %swap3A_376 = vector.shape_cast %swap3A_375 : vector<1x16xf32> to vector<16xf32>
      %swap3A_377 = vector.shape_cast %add3A_372 : vector<16xf32> to vector<1x16xf32>
      tpu.vector_store %arg23[%swap3A_373, %swap3A_374], %swap3A_377 {strides = array<i32>} : memref<64x256xf32, #tpu.memory_space<vmem>>, vector<1x16xf32>,
      %get3A_378 = arith.index_cast %scan3A_150 : i32 to index
      %get3A_379 = arith.constant 192 : index
      %get3A_380 = tpu.vector_load %arg23[%get3A_378, %get3A_379] {strides = array<i32>} : memref<64x256xf32, #tpu.memory_space<vmem>>, vector<1x16xf32>,
      %get3A_381 = vector.shape_cast %get3A_380 : vector<1x16xf32> to vector<16xf32>
      %get3A_382 = arith.index_cast %scan3A_150 : i32 to index
      %get3A_383 = arith.constant 192 : index
      %get3A_384 = tpu.vector_load %arg24[%get3A_382, %get3A_383] {strides = array<i32>} : memref<64x256xf32, #tpu.memory_space<vmem>>, vector<1x16xf32>,
      %get3A_385 = vector.shape_cast %get3A_384 : vector<1x16xf32> to vector<16xf32>
      %add3A_386 = arith.addf %get3A_381, %get3A_385 : vector<16xf32>
      %get3A_387 = arith.index_cast %scan3A_150 : i32 to index
      %get3A_388 = arith.constant 192 : index
      %get3A_389 = tpu.vector_load %arg25[%get3A_387, %get3A_388] {strides = array<i32>} : memref<64x256xf32, #tpu.memory_space<vmem>>, vector<1x16xf32>,
      %get3A_390 = vector.shape_cast %get3A_389 : vector<1x16xf32> to vector<16xf32>
      %add3A_391 = arith.addf %add3A_386, %get3A_390 : vector<16xf32>
      %swap3A_392 = arith.index_cast %scan3A_150 : i32 to index
      %swap3A_393 = arith.constant 192 : index
      %swap3A_394 = tpu.vector_load %arg23[%swap3A_392, %swap3A_393] {strides = array<i32>} : memref<64x256xf32, #tpu.memory_space<vmem>>, vector<1x16xf32>,
      %swap3A_395 = vector.shape_cast %swap3A_394 : vector<1x16xf32> to vector<16xf32>
      %swap3A_396 = vector.shape_cast %add3A_391 : vector<16xf32> to vector<1x16xf32>
      tpu.vector_store %arg23[%swap3A_392, %swap3A_393], %swap3A_396 {strides = array<i32>} : memref<64x256xf32, #tpu.memory_space<vmem>>, vector<1x16xf32>,
      %get3A_397 = arith.index_cast %scan3A_150 : i32 to index
      %get3A_398 = arith.constant 208 : index
      %get3A_399 = tpu.vector_load %arg23[%get3A_397, %get3A_398] {strides = array<i32>} : memref<64x256xf32, #tpu.memory_space<vmem>>, vector<1x16xf32>,
      %get3A_400 = vector.shape_cast %get3A_399 : vector<1x16xf32> to vector<16xf32>
      %get3A_401 = arith.index_cast %scan3A_150 : i32 to index
      %get3A_402 = arith.constant 208 : index
      %get3A_403 = tpu.vector_load %arg24[%get3A_401, %get3A_402] {strides = array<i32>} : memref<64x256xf32, #tpu.memory_space<vmem>>, vector<1x16xf32>,
      %get3A_404 = vector.shape_cast %get3A_403 : vector<1x16xf32> to vector<16xf32>
      %add3A_405 = arith.addf %get3A_400, %get3A_404 : vector<16xf32>
      %get3A_406 = arith.index_cast %scan3A_150 : i32 to index
      %get3A_407 = arith.constant 208 : index
      %get3A_408 = tpu.vector_load %arg25[%get3A_406, %get3A_407] {strides = array<i32>} : memref<64x256xf32, #tpu.memory_space<vmem>>, vector<1x16xf32>,
      %get3A_409 = vector.shape_cast %get3A_408 : vector<1x16xf32> to vector<16xf32>
      %add3A_410 = arith.addf %add3A_405, %get3A_409 : vector<16xf32>
      %swap3A_411 = arith.index_cast %scan3A_150 : i32 to index
      %swap3A_412 = arith.constant 208 : index
      %swap3A_413 = tpu.vector_load %arg23[%swap3A_411, %swap3A_412] {strides = array<i32>} : memref<64x256xf32, #tpu.memory_space<vmem>>, vector<1x16xf32>,
      %swap3A_414 = vector.shape_cast %swap3A_413 : vector<1x16xf32> to vector<16xf32>
      %swap3A_415 = vector.shape_cast %add3A_410 : vector<16xf32> to vector<1x16xf32>
      tpu.vector_store %arg23[%swap3A_411, %swap3A_412], %swap3A_415 {strides = array<i32>} : memref<64x256xf32, #tpu.memory_space<vmem>>, vector<1x16xf32>,
      %get3A_416 = arith.index_cast %scan3A_150 : i32 to index
      %get3A_417 = arith.constant 224 : index
      %get3A_418 = tpu.vector_load %arg23[%get3A_416, %get3A_417] {strides = array<i32>} : memref<64x256xf32, #tpu.memory_space<vmem>>, vector<1x16xf32>,
      %get3A_419 = vector.shape_cast %get3A_418 : vector<1x16xf32> to vector<16xf32>
      %get3A_420 = arith.index_cast %scan3A_150 : i32 to index
      %get3A_421 = arith.constant 224 : index
      %get3A_422 = tpu.vector_load %arg24[%get3A_420, %get3A_421] {strides = array<i32>} : memref<64x256xf32, #tpu.memory_space<vmem>>, vector<1x16xf32>,
      %get3A_423 = vector.shape_cast %get3A_422 : vector<1x16xf32> to vector<16xf32>
      %add3A_424 = arith.addf %get3A_419, %get3A_423 : vector<16xf32>
      %get3A_425 = arith.index_cast %scan3A_150 : i32 to index
      %get3A_426 = arith.constant 224 : index
      %get3A_427 = tpu.vector_load %arg25[%get3A_425, %get3A_426] {strides = array<i32>} : memref<64x256xf32, #tpu.memory_space<vmem>>, vector<1x16xf32>,
      %get3A_428 = vector.shape_cast %get3A_427 : vector<1x16xf32> to vector<16xf32>
      %add3A_429 = arith.addf %add3A_424, %get3A_428 : vector<16xf32>
      %swap3A_430 = arith.index_cast %scan3A_150 : i32 to index
      %swap3A_431 = arith.constant 224 : index
      %swap3A_432 = tpu.vector_load %arg23[%swap3A_430, %swap3A_431] {strides = array<i32>} : memref<64x256xf32, #tpu.memory_space<vmem>>, vector<1x16xf32>,
      %swap3A_433 = vector.shape_cast %swap3A_432 : vector<1x16xf32> to vector<16xf32>
      %swap3A_434 = vector.shape_cast %add3A_429 : vector<16xf32> to vector<1x16xf32>
      tpu.vector_store %arg23[%swap3A_430, %swap3A_431], %swap3A_434 {strides = array<i32>} : memref<64x256xf32, #tpu.memory_space<vmem>>, vector<1x16xf32>,
      %get3A_435 = arith.index_cast %scan3A_150 : i32 to index
      %get3A_436 = arith.constant 240 : index
      %get3A_437 = tpu.vector_load %arg23[%get3A_435, %get3A_436] {strides = array<i32>} : memref<64x256xf32, #tpu.memory_space<vmem>>, vector<1x16xf32>,
      %get3A_438 = vector.shape_cast %get3A_437 : vector<1x16xf32> to vector<16xf32>
      %get3A_439 = arith.index_cast %scan3A_150 : i32 to index
      %get3A_440 = arith.constant 240 : index
      %get3A_441 = tpu.vector_load %arg24[%get3A_439, %get3A_440] {strides = array<i32>} : memref<64x256xf32, #tpu.memory_space<vmem>>, vector<1x16xf32>,
      %get3A_442 = vector.shape_cast %get3A_441 : vector<1x16xf32> to vector<16xf32>
      %add3A_443 = arith.addf %get3A_438, %get3A_442 : vector<16xf32>
      %get3A_444 = arith.index_cast %scan3A_150 : i32 to index
      %get3A_445 = arith.constant 240 : index
      %get3A_446 = tpu.vector_load %arg25[%get3A_444, %get3A_445] {strides = array<i32>} : memref<64x256xf32, #tpu.memory_space<vmem>>, vector<1x16xf32>,
      %get3A_447 = vector.shape_cast %get3A_446 : vector<1x16xf32> to vector<16xf32>
      %add3A_448 = arith.addf %add3A_443, %get3A_447 : vector<16xf32>
      %swap3A_449 = arith.index_cast %scan3A_150 : i32 to index
      %swap3A_450 = arith.constant 240 : index
      %swap3A_451 = tpu.vector_load %arg23[%swap3A_449, %swap3A_450] {strides = array<i32>} : memref<64x256xf32, #tpu.memory_space<vmem>>, vector<1x16xf32>,
      %swap3A_452 = vector.shape_cast %swap3A_451 : vector<1x16xf32> to vector<16xf32>
      %swap3A_453 = vector.shape_cast %add3A_448 : vector<16xf32> to vector<1x16xf32>
      tpu.vector_store %arg23[%swap3A_449, %swap3A_450], %swap3A_453 {strides = array<i32>} : memref<64x256xf32, #tpu.memory_space<vmem>>, vector<1x16xf32>,
      %scan3A_454 = arith.constant 0 : i32
      scf.yield %scan3A_454 : i32
    }
    %scan3A_137 = arith.constant 64 : i32
    %add3A_138 = arith.constant 3136 : i32
    %add3A_139 = arith.addi %min3A_3, %add3A_138 : i32
    %dma_start3A_140 = arith.constant 0 : i32
    %dma_start3A_141 = tpu.memref_slice %arg4[%add3A_139, %dma_start3A_140] : memref<100000x256xf32, #tpu.memory_space<hbm>> -> memref<64x256xf32, #tpu.memory_space<hbm>>
    %dma_start3A_142 = arith.constant 0 : i32
    %dma_start3A_143 = tpu.memref_slice %arg4[%add3A_139, %dma_start3A_142] : memref<100000x256xf32, #tpu.memory_space<hbm>> -> memref<64x256xf32, #tpu.memory_space<hbm>>
    tpu.enqueue_dma source(%arg23 : memref<64x256xf32, #tpu.memory_space<vmem>>) target(%dma_start3A_143 : memref<64x256xf32, #tpu.memory_space<hbm>>) target_semaphore(%arg30 : memref<!tpu.dma_semaphore, #tpu.memory_space<semaphore_mem>>)
    %add3A_144 = arith.constant 3136 : i32
    %add3A_145 = arith.addi %min3A_3, %add3A_144 : i32
    %dma_wait3A_146 = arith.constant 0 : i32
    %dma_wait3A_147 = tpu.memref_slice %arg4[%add3A_145, %dma_wait3A_146] : memref<100000x256xf32, #tpu.memory_space<hbm>> -> memref<64x256xf32, #tpu.memory_space<hbm>>
    %dma_wait3A_148 = arith.constant 0 : i32
    %dma_wait3A_149 = tpu.memref_slice %arg4[%add3A_145, %dma_wait3A_148] : memref<100000x256xf32, #tpu.memory_space<hbm>> -> memref<64x256xf32, #tpu.memory_space<hbm>>
    tpu.wait_dma2 semaphore(%arg30 : memref<!tpu.dma_semaphore, #tpu.memory_space<semaphore_mem>>) src(%arg23 : memref<64x256xf32, #tpu.memory_space<vmem>>) dst(%dma_wait3A_149 : memref<64x256xf32, #tpu.memory_space<hbm>>)
    return
  }
}

module attributes {stable_mosaic.version = 14 : i64} {
  func.func @_build_body(%arg0: memref<119x256xf32, #tpu.memory_space<vmem>>, %arg1: memref<4x256xf32, #tpu.memory_space<vmem>>, %arg2: memref<12x256xf32, #tpu.memory_space<vmem>>, %arg3: memref<12x256xf32, #tpu.memory_space<vmem>>, %arg4: memref<10x256xf32, #tpu.memory_space<vmem>>, %arg5: memref<6x256xf32, #tpu.memory_space<vmem>>, %arg6: memref<6x256xf32, #tpu.memory_space<vmem>>, %arg7: memref<2x256xf32, #tpu.memory_space<vmem>>, %arg8: memref<2x256xf32, #tpu.memory_space<vmem>>, %arg9: memref<1416x256xf32, #tpu.memory_space<vmem>>) attributes {dimension_semantics = [], scalar_prefetch = 0 : i64, scratch_operands = 0 : i64, tpu.core_type = #tpu.core_type<tc>} {
    %get3A = arith.constant 0 : index
    %get3A_0 = arith.constant 0 : index
    %get3A_1 = vector.load %arg0[%get3A, %get3A_0] : memref<119x256xf32, #tpu.memory_space<vmem>>, vector<119x256xf32>
    %get3A_2 = arith.constant 0 : index
    %get3A_3 = arith.constant 0 : index
    %get3A_4 = vector.load %arg7[%get3A_2, %get3A_3] : memref<2x256xf32, #tpu.memory_space<vmem>>, vector<2x256xf32>
    %get3A_5 = arith.constant 0 : index
    %get3A_6 = arith.constant 0 : index
    %get3A_7 = vector.load %arg8[%get3A_5, %get3A_6] : memref<2x256xf32, #tpu.memory_space<vmem>>, vector<2x256xf32>
    %broadcast_in_dim3A = arith.constant 0.000000e+00 : f32
    %broadcast_in_dim3A_8 = vector.broadcast %broadcast_in_dim3A : f32 to vector<480x256xf32>
    %iota3A = tpu.iota {dimensions = array<i32: 0>} : vector<480x119xi32>
    %jit3A = arith.constant 4 : i32
    %div3A = vector.broadcast %jit3A : i32 to vector<480x119xi32>
    %div3A_9 = arith.divsi %iota3A, %div3A : vector<480x119xi32>
    %sign3A = arith.constant 0 : i32
    %sign3A_10 = vector.broadcast %sign3A : i32 to vector<480x119xi32>
    %sign3A_11 = arith.cmpi sgt, %iota3A, %sign3A_10 : vector<480x119xi32>
    %sign3A_12 = arith.extui %sign3A_11 : vector<480x119xi1> to vector<480x119xi32>
    %sign3A_13 = arith.constant 0 : i32
    %sign3A_14 = vector.broadcast %sign3A_13 : i32 to vector<480x119xi32>
    %sign3A_15 = arith.cmpi slt, %iota3A, %sign3A_14 : vector<480x119xi32>
    %sign3A_16 = arith.extui %sign3A_15 : vector<480x119xi1> to vector<480x119xi32>
    %sign3A_17 = arith.subi %sign3A_12, %sign3A_16 : vector<480x119xi32>
    %sign3A_18 = arith.constant 0 : i32
    %sign3A_19 = arith.cmpi sgt, %jit3A, %sign3A_18 : i32
    %sign3A_20 = arith.extui %sign3A_19 : i1 to i32
    %sign3A_21 = arith.constant 0 : i32
    %sign3A_22 = arith.cmpi slt, %jit3A, %sign3A_21 : i32
    %sign3A_23 = arith.extui %sign3A_22 : i1 to i32
    %sign3A_24 = arith.subi %sign3A_20, %sign3A_23 : i32
    %ne3A = vector.broadcast %sign3A_24 : i32 to vector<480x119xi32>
    %ne3A_25 = arith.cmpi ne, %sign3A_17, %ne3A : vector<480x119xi32>
    %rem3A = vector.broadcast %jit3A : i32 to vector<480x119xi32>
    %rem3A_26 = arith.remsi %iota3A, %rem3A : vector<480x119xi32>
    %ne3A_27 = arith.constant 0 : i32
    %ne3A_28 = vector.broadcast %ne3A_27 : i32 to vector<480x119xi32>
    %ne3A_29 = arith.cmpi ne, %rem3A_26, %ne3A_28 : vector<480x119xi32>
    %and3A = arith.andi %ne3A_25, %ne3A_29 : vector<480x119xi1>
    %sub3A = arith.constant 1 : i32
    %sub3A_30 = vector.broadcast %sub3A : i32 to vector<480x119xi32>
    %sub3A_31 = arith.subi %div3A_9, %sub3A_30 : vector<480x119xi32>
    %select_n3A = arith.select %and3A, %sub3A_31, %div3A_9 : vector<480x119xi1>, vector<480x119xi32>
    %jit3A_32 = arith.constant 119 : i32
    %eq3A = arith.constant 0 : i32
    %eq3A_33 = arith.cmpi eq, %jit3A_32, %eq3A : i32
    %jit3A_34 = arith.constant 1 : i32
    %select_n3A_35 = arith.select %eq3A_33, %jit3A_34, %jit3A_32 : i32
    %rem3A_36 = vector.broadcast %select_n3A_35 : i32 to vector<480x119xi32>
    %rem3A_37 = arith.remsi %select_n3A, %rem3A_36 : vector<480x119xi32>
    %ne3A_38 = arith.constant 0 : i32
    %ne3A_39 = vector.broadcast %ne3A_38 : i32 to vector<480x119xi32>
    %ne3A_40 = arith.cmpi ne, %rem3A_37, %ne3A_39 : vector<480x119xi32>
    %lt3A = arith.constant 0 : i32
    %lt3A_41 = vector.broadcast %lt3A : i32 to vector<480x119xi32>
    %lt3A_42 = arith.cmpi slt, %rem3A_37, %lt3A_41 : vector<480x119xi32>
    %lt3A_43 = arith.constant 0 : i32
    %lt3A_44 = arith.cmpi slt, %select_n3A_35, %lt3A_43 : i32
    %ne3A_45 = vector.broadcast %lt3A_44 : i1 to vector<480x119xi1>
    %ne3A_46 = vector.broadcast %ne3A_45 : vector<480x119xi1> to vector<480x119xi1>
    %ne3A_47 = arith.xori %lt3A_42, %ne3A_46 : vector<480x119xi1>
    %and3A_48 = arith.andi %ne3A_47, %ne3A_40 : vector<480x119xi1>
    %add3A = vector.broadcast %select_n3A_35 : i32 to vector<480x119xi32>
    %add3A_49 = arith.addi %rem3A_37, %add3A : vector<480x119xi32>
    %select_n3A_50 = arith.select %and3A_48, %add3A_49, %rem3A_37 : vector<480x119xi1>, vector<480x119xi32>
    %iota3A_51 = tpu.iota {dimensions = array<i32: 1>} : vector<480x119xi32>
    %eq3A_52 = arith.cmpi eq, %select_n3A_50, %iota3A_51 : vector<480x119xi32>
    %convert_element_type3A = arith.extui %eq3A_52 : vector<480x119xi1> to vector<480x119xi32>
    %convert_element_type3A_53 = arith.sitofp %convert_element_type3A : vector<480x119xi32> to vector<480x119xf32>
    %dot_general3A = arith.constant dense<0.000000e+00> : vector<480x256xf32>
    %dot_general3A_54 = tpu.matmul %convert_element_type3A_53, %get3A_1, %dot_general3A {dimension_numbers = #tpu.dot_dimension_numbers<[1], [0], [0], [1], [0, 0, 1, 1], [], []>, precision = #tpu.contract_precision<fp32>, transpose_lhs_hint = false} : vector<480x119xf32>, vector<119x256xf32>, vector<480x256xf32> -> vector<480x256xf32>
    %add3A_55 = arith.addf %broadcast_in_dim3A_8, %dot_general3A_54 : vector<480x256xf32>
    %iota3A_56 = tpu.iota {dimensions = array<i32: 0>} : vector<480x2xi32>
    %jit3A_57 = arith.constant 2 : i32
    %div3A_58 = vector.broadcast %jit3A_57 : i32 to vector<480x2xi32>
    %div3A_59 = arith.divsi %iota3A_56, %div3A_58 : vector<480x2xi32>
    %sign3A_60 = arith.constant 0 : i32
    %sign3A_61 = vector.broadcast %sign3A_60 : i32 to vector<480x2xi32>
    %sign3A_62 = arith.cmpi sgt, %iota3A_56, %sign3A_61 : vector<480x2xi32>
    %sign3A_63 = arith.extui %sign3A_62 : vector<480x2xi1> to vector<480x2xi32>
    %sign3A_64 = arith.constant 0 : i32
    %sign3A_65 = vector.broadcast %sign3A_64 : i32 to vector<480x2xi32>
    %sign3A_66 = arith.cmpi slt, %iota3A_56, %sign3A_65 : vector<480x2xi32>
    %sign3A_67 = arith.extui %sign3A_66 : vector<480x2xi1> to vector<480x2xi32>
    %sign3A_68 = arith.subi %sign3A_63, %sign3A_67 : vector<480x2xi32>
    %sign3A_69 = arith.constant 0 : i32
    %sign3A_70 = arith.cmpi sgt, %jit3A_57, %sign3A_69 : i32
    %sign3A_71 = arith.extui %sign3A_70 : i1 to i32
    %sign3A_72 = arith.constant 0 : i32
    %sign3A_73 = arith.cmpi slt, %jit3A_57, %sign3A_72 : i32
    %sign3A_74 = arith.extui %sign3A_73 : i1 to i32
    %sign3A_75 = arith.subi %sign3A_71, %sign3A_74 : i32
    %ne3A_76 = vector.broadcast %sign3A_75 : i32 to vector<480x2xi32>
    %ne3A_77 = arith.cmpi ne, %sign3A_68, %ne3A_76 : vector<480x2xi32>
    %rem3A_78 = vector.broadcast %jit3A_57 : i32 to vector<480x2xi32>
    %rem3A_79 = arith.remsi %iota3A_56, %rem3A_78 : vector<480x2xi32>
    %ne3A_80 = arith.constant 0 : i32
    %ne3A_81 = vector.broadcast %ne3A_80 : i32 to vector<480x2xi32>
    %ne3A_82 = arith.cmpi ne, %rem3A_79, %ne3A_81 : vector<480x2xi32>
    %and3A_83 = arith.andi %ne3A_77, %ne3A_82 : vector<480x2xi1>
    %sub3A_84 = arith.constant 1 : i32
    %sub3A_85 = vector.broadcast %sub3A_84 : i32 to vector<480x2xi32>
    %sub3A_86 = arith.subi %div3A_59, %sub3A_85 : vector<480x2xi32>
    %select_n3A_87 = arith.select %and3A_83, %sub3A_86, %div3A_59 : vector<480x2xi1>, vector<480x2xi32>
    %jit3A_88 = arith.constant 2 : i32
    %eq3A_89 = arith.constant 0 : i32
    %eq3A_90 = arith.cmpi eq, %jit3A_88, %eq3A_89 : i32
    %jit3A_91 = arith.constant 1 : i32
    %select_n3A_92 = arith.select %eq3A_90, %jit3A_91, %jit3A_88 : i32
    %rem3A_93 = vector.broadcast %select_n3A_92 : i32 to vector<480x2xi32>
    %rem3A_94 = arith.remsi %select_n3A_87, %rem3A_93 : vector<480x2xi32>
    %ne3A_95 = arith.constant 0 : i32
    %ne3A_96 = vector.broadcast %ne3A_95 : i32 to vector<480x2xi32>
    %ne3A_97 = arith.cmpi ne, %rem3A_94, %ne3A_96 : vector<480x2xi32>
    %lt3A_98 = arith.constant 0 : i32
    %lt3A_99 = vector.broadcast %lt3A_98 : i32 to vector<480x2xi32>
    %lt3A_100 = arith.cmpi slt, %rem3A_94, %lt3A_99 : vector<480x2xi32>
    %lt3A_101 = arith.constant 0 : i32
    %lt3A_102 = arith.cmpi slt, %select_n3A_92, %lt3A_101 : i32
    %ne3A_103 = vector.broadcast %lt3A_102 : i1 to vector<480x2xi1>
    %ne3A_104 = vector.broadcast %ne3A_103 : vector<480x2xi1> to vector<480x2xi1>
    %ne3A_105 = arith.xori %lt3A_100, %ne3A_104 : vector<480x2xi1>
    %and3A_106 = arith.andi %ne3A_105, %ne3A_97 : vector<480x2xi1>
    %add3A_107 = vector.broadcast %select_n3A_92 : i32 to vector<480x2xi32>
    %add3A_108 = arith.addi %rem3A_94, %add3A_107 : vector<480x2xi32>
    %select_n3A_109 = arith.select %and3A_106, %add3A_108, %rem3A_94 : vector<480x2xi1>, vector<480x2xi32>
    %iota3A_110 = tpu.iota {dimensions = array<i32: 1>} : vector<480x2xi32>
    %eq3A_111 = arith.cmpi eq, %select_n3A_109, %iota3A_110 : vector<480x2xi32>
    %convert_element_type3A_112 = arith.extui %eq3A_111 : vector<480x2xi1> to vector<480x2xi32>
    %convert_element_type3A_113 = arith.sitofp %convert_element_type3A_112 : vector<480x2xi32> to vector<480x2xf32>
    %dot_general3A_114 = arith.constant dense<0.000000e+00> : vector<480x256xf32>
    %dot_general3A_115 = tpu.matmul %convert_element_type3A_113, %get3A_4, %dot_general3A_114 {dimension_numbers = #tpu.dot_dimension_numbers<[1], [0], [0], [1], [0, 0, 1, 1], [], []>, precision = #tpu.contract_precision<fp32>, transpose_lhs_hint = false} : vector<480x2xf32>, vector<2x256xf32>, vector<480x256xf32> -> vector<480x256xf32>
    %add3A_116 = arith.addf %add3A_55, %dot_general3A_115 : vector<480x256xf32>
    %iota3A_117 = tpu.iota {dimensions = array<i32: 0>} : vector<480x2xi32>
    %jit3A_118 = arith.constant 1 : i32
    %div3A_119 = vector.broadcast %jit3A_118 : i32 to vector<480x2xi32>
    %div3A_120 = arith.divsi %iota3A_117, %div3A_119 : vector<480x2xi32>
    %sign3A_121 = arith.constant 0 : i32
    %sign3A_122 = vector.broadcast %sign3A_121 : i32 to vector<480x2xi32>
    %sign3A_123 = arith.cmpi sgt, %iota3A_117, %sign3A_122 : vector<480x2xi32>
    %sign3A_124 = arith.extui %sign3A_123 : vector<480x2xi1> to vector<480x2xi32>
    %sign3A_125 = arith.constant 0 : i32
    %sign3A_126 = vector.broadcast %sign3A_125 : i32 to vector<480x2xi32>
    %sign3A_127 = arith.cmpi slt, %iota3A_117, %sign3A_126 : vector<480x2xi32>
    %sign3A_128 = arith.extui %sign3A_127 : vector<480x2xi1> to vector<480x2xi32>
    %sign3A_129 = arith.subi %sign3A_124, %sign3A_128 : vector<480x2xi32>
    %sign3A_130 = arith.constant 0 : i32
    %sign3A_131 = arith.cmpi sgt, %jit3A_118, %sign3A_130 : i32
    %sign3A_132 = arith.extui %sign3A_131 : i1 to i32
    %sign3A_133 = arith.constant 0 : i32
    %sign3A_134 = arith.cmpi slt, %jit3A_118, %sign3A_133 : i32
    %sign3A_135 = arith.extui %sign3A_134 : i1 to i32
    %sign3A_136 = arith.subi %sign3A_132, %sign3A_135 : i32
    %ne3A_137 = vector.broadcast %sign3A_136 : i32 to vector<480x2xi32>
    %ne3A_138 = arith.cmpi ne, %sign3A_129, %ne3A_137 : vector<480x2xi32>
    %rem3A_139 = vector.broadcast %jit3A_118 : i32 to vector<480x2xi32>
    %rem3A_140 = arith.remsi %iota3A_117, %rem3A_139 : vector<480x2xi32>
    %ne3A_141 = arith.constant 0 : i32
    %ne3A_142 = vector.broadcast %ne3A_141 : i32 to vector<480x2xi32>
    %ne3A_143 = arith.cmpi ne, %rem3A_140, %ne3A_142 : vector<480x2xi32>
    %and3A_144 = arith.andi %ne3A_138, %ne3A_143 : vector<480x2xi1>
    %sub3A_145 = arith.constant 1 : i32
    %sub3A_146 = vector.broadcast %sub3A_145 : i32 to vector<480x2xi32>
    %sub3A_147 = arith.subi %div3A_120, %sub3A_146 : vector<480x2xi32>
    %select_n3A_148 = arith.select %and3A_144, %sub3A_147, %div3A_120 : vector<480x2xi1>, vector<480x2xi32>
    %jit3A_149 = arith.constant 2 : i32
    %eq3A_150 = arith.constant 0 : i32
    %eq3A_151 = arith.cmpi eq, %jit3A_149, %eq3A_150 : i32
    %jit3A_152 = arith.constant 1 : i32
    %select_n3A_153 = arith.select %eq3A_151, %jit3A_152, %jit3A_149 : i32
    %rem3A_154 = vector.broadcast %select_n3A_153 : i32 to vector<480x2xi32>
    %rem3A_155 = arith.remsi %select_n3A_148, %rem3A_154 : vector<480x2xi32>
    %ne3A_156 = arith.constant 0 : i32
    %ne3A_157 = vector.broadcast %ne3A_156 : i32 to vector<480x2xi32>
    %ne3A_158 = arith.cmpi ne, %rem3A_155, %ne3A_157 : vector<480x2xi32>
    %lt3A_159 = arith.constant 0 : i32
    %lt3A_160 = vector.broadcast %lt3A_159 : i32 to vector<480x2xi32>
    %lt3A_161 = arith.cmpi slt, %rem3A_155, %lt3A_160 : vector<480x2xi32>
    %lt3A_162 = arith.constant 0 : i32
    %lt3A_163 = arith.cmpi slt, %select_n3A_153, %lt3A_162 : i32
    %ne3A_164 = vector.broadcast %lt3A_163 : i1 to vector<480x2xi1>
    %ne3A_165 = vector.broadcast %ne3A_164 : vector<480x2xi1> to vector<480x2xi1>
    %ne3A_166 = arith.xori %lt3A_161, %ne3A_165 : vector<480x2xi1>
    %and3A_167 = arith.andi %ne3A_166, %ne3A_158 : vector<480x2xi1>
    %add3A_168 = vector.broadcast %select_n3A_153 : i32 to vector<480x2xi32>
    %add3A_169 = arith.addi %rem3A_155, %add3A_168 : vector<480x2xi32>
    %select_n3A_170 = arith.select %and3A_167, %add3A_169, %rem3A_155 : vector<480x2xi1>, vector<480x2xi32>
    %iota3A_171 = tpu.iota {dimensions = array<i32: 1>} : vector<480x2xi32>
    %eq3A_172 = arith.cmpi eq, %select_n3A_170, %iota3A_171 : vector<480x2xi32>
    %convert_element_type3A_173 = arith.extui %eq3A_172 : vector<480x2xi1> to vector<480x2xi32>
    %convert_element_type3A_174 = arith.sitofp %convert_element_type3A_173 : vector<480x2xi32> to vector<480x2xf32>
    %dot_general3A_175 = arith.constant dense<0.000000e+00> : vector<480x256xf32>
    %dot_general3A_176 = tpu.matmul %convert_element_type3A_174, %get3A_7, %dot_general3A_175 {dimension_numbers = #tpu.dot_dimension_numbers<[1], [0], [0], [1], [0, 0, 1, 1], [], []>, precision = #tpu.contract_precision<fp32>, transpose_lhs_hint = false} : vector<480x2xf32>, vector<2x256xf32>, vector<480x256xf32> -> vector<480x256xf32>
    %add3A_177 = arith.addf %add3A_116, %dot_general3A_176 : vector<480x256xf32>
    %swap3A = arith.constant 0 : index
    %swap3A_178 = arith.constant 0 : index
    %swap3A_179 = vector.load %arg9[%swap3A, %swap3A_178] : memref<1416x256xf32, #tpu.memory_space<vmem>>, vector<480x256xf32>
    tpu.vector_store %arg9[%swap3A, %swap3A_178], %add3A_177 {strides = array<i32>} : memref<1416x256xf32, #tpu.memory_space<vmem>>, vector<480x256xf32>,
    %get3A_180 = arith.constant 0 : index
    %get3A_181 = arith.constant 0 : index
    %get3A_182 = vector.load %arg1[%get3A_180, %get3A_181] : memref<4x256xf32, #tpu.memory_space<vmem>>, vector<4x256xf32>
    %get3A_183 = arith.constant 0 : index
    %get3A_184 = arith.constant 0 : index
    %get3A_185 = vector.load %arg2[%get3A_183, %get3A_184] : memref<12x256xf32, #tpu.memory_space<vmem>>, vector<12x256xf32>
    %get3A_186 = arith.constant 0 : index
    %get3A_187 = arith.constant 0 : index
    %get3A_188 = vector.load %arg3[%get3A_186, %get3A_187] : memref<12x256xf32, #tpu.memory_space<vmem>>, vector<12x256xf32>
    %broadcast_in_dim3A_189 = arith.constant 0.000000e+00 : f32
    %broadcast_in_dim3A_190 = vector.broadcast %broadcast_in_dim3A_189 : f32 to vector<576x256xf32>
    %iota3A_191 = tpu.iota {dimensions = array<i32: 0>} : vector<576x4xi32>
    %jit3A_192 = arith.constant 144 : i32
    %div3A_193 = vector.broadcast %jit3A_192 : i32 to vector<576x4xi32>
    %div3A_194 = arith.divsi %iota3A_191, %div3A_193 : vector<576x4xi32>
    %sign3A_195 = arith.constant 0 : i32
    %sign3A_196 = vector.broadcast %sign3A_195 : i32 to vector<576x4xi32>
    %sign3A_197 = arith.cmpi sgt, %iota3A_191, %sign3A_196 : vector<576x4xi32>
    %sign3A_198 = arith.extui %sign3A_197 : vector<576x4xi1> to vector<576x4xi32>
    %sign3A_199 = arith.constant 0 : i32
    %sign3A_200 = vector.broadcast %sign3A_199 : i32 to vector<576x4xi32>
    %sign3A_201 = arith.cmpi slt, %iota3A_191, %sign3A_200 : vector<576x4xi32>
    %sign3A_202 = arith.extui %sign3A_201 : vector<576x4xi1> to vector<576x4xi32>
    %sign3A_203 = arith.subi %sign3A_198, %sign3A_202 : vector<576x4xi32>
    %sign3A_204 = arith.constant 0 : i32
    %sign3A_205 = arith.cmpi sgt, %jit3A_192, %sign3A_204 : i32
    %sign3A_206 = arith.extui %sign3A_205 : i1 to i32
    %sign3A_207 = arith.constant 0 : i32
    %sign3A_208 = arith.cmpi slt, %jit3A_192, %sign3A_207 : i32
    %sign3A_209 = arith.extui %sign3A_208 : i1 to i32
    %sign3A_210 = arith.subi %sign3A_206, %sign3A_209 : i32
    %ne3A_211 = vector.broadcast %sign3A_210 : i32 to vector<576x4xi32>
    %ne3A_212 = arith.cmpi ne, %sign3A_203, %ne3A_211 : vector<576x4xi32>
    %rem3A_213 = vector.broadcast %jit3A_192 : i32 to vector<576x4xi32>
    %rem3A_214 = arith.remsi %iota3A_191, %rem3A_213 : vector<576x4xi32>
    %ne3A_215 = arith.constant 0 : i32
    %ne3A_216 = vector.broadcast %ne3A_215 : i32 to vector<576x4xi32>
    %ne3A_217 = arith.cmpi ne, %rem3A_214, %ne3A_216 : vector<576x4xi32>
    %and3A_218 = arith.andi %ne3A_212, %ne3A_217 : vector<576x4xi1>
    %sub3A_219 = arith.constant 1 : i32
    %sub3A_220 = vector.broadcast %sub3A_219 : i32 to vector<576x4xi32>
    %sub3A_221 = arith.subi %div3A_194, %sub3A_220 : vector<576x4xi32>
    %select_n3A_222 = arith.select %and3A_218, %sub3A_221, %div3A_194 : vector<576x4xi1>, vector<576x4xi32>
    %jit3A_223 = arith.constant 4 : i32
    %eq3A_224 = arith.constant 0 : i32
    %eq3A_225 = arith.cmpi eq, %jit3A_223, %eq3A_224 : i32
    %jit3A_226 = arith.constant 1 : i32
    %select_n3A_227 = arith.select %eq3A_225, %jit3A_226, %jit3A_223 : i32
    %rem3A_228 = vector.broadcast %select_n3A_227 : i32 to vector<576x4xi32>
    %rem3A_229 = arith.remsi %select_n3A_222, %rem3A_228 : vector<576x4xi32>
    %ne3A_230 = arith.constant 0 : i32
    %ne3A_231 = vector.broadcast %ne3A_230 : i32 to vector<576x4xi32>
    %ne3A_232 = arith.cmpi ne, %rem3A_229, %ne3A_231 : vector<576x4xi32>
    %lt3A_233 = arith.constant 0 : i32
    %lt3A_234 = vector.broadcast %lt3A_233 : i32 to vector<576x4xi32>
    %lt3A_235 = arith.cmpi slt, %rem3A_229, %lt3A_234 : vector<576x4xi32>
    %lt3A_236 = arith.constant 0 : i32
    %lt3A_237 = arith.cmpi slt, %select_n3A_227, %lt3A_236 : i32
    %ne3A_238 = vector.broadcast %lt3A_237 : i1 to vector<576x4xi1>
    %ne3A_239 = vector.broadcast %ne3A_238 : vector<576x4xi1> to vector<576x4xi1>
    %ne3A_240 = arith.xori %lt3A_235, %ne3A_239 : vector<576x4xi1>
    %and3A_241 = arith.andi %ne3A_240, %ne3A_232 : vector<576x4xi1>
    %add3A_242 = vector.broadcast %select_n3A_227 : i32 to vector<576x4xi32>
    %add3A_243 = arith.addi %rem3A_229, %add3A_242 : vector<576x4xi32>
    %select_n3A_244 = arith.select %and3A_241, %add3A_243, %rem3A_229 : vector<576x4xi1>, vector<576x4xi32>
    %iota3A_245 = tpu.iota {dimensions = array<i32: 1>} : vector<576x4xi32>
    %eq3A_246 = arith.cmpi eq, %select_n3A_244, %iota3A_245 : vector<576x4xi32>
    %convert_element_type3A_247 = arith.extui %eq3A_246 : vector<576x4xi1> to vector<576x4xi32>
    %convert_element_type3A_248 = arith.sitofp %convert_element_type3A_247 : vector<576x4xi32> to vector<576x4xf32>
    %dot_general3A_249 = arith.constant dense<0.000000e+00> : vector<576x256xf32>
    %dot_general3A_250 = tpu.matmul %convert_element_type3A_248, %get3A_182, %dot_general3A_249 {dimension_numbers = #tpu.dot_dimension_numbers<[1], [0], [0], [1], [0, 0, 1, 1], [], []>, precision = #tpu.contract_precision<fp32>, transpose_lhs_hint = false} : vector<576x4xf32>, vector<4x256xf32>, vector<576x256xf32> -> vector<576x256xf32>
    %add3A_251 = arith.addf %broadcast_in_dim3A_190, %dot_general3A_250 : vector<576x256xf32>
    %iota3A_252 = tpu.iota {dimensions = array<i32: 0>} : vector<576x12xi32>
    %jit3A_253 = arith.constant 12 : i32
    %div3A_254 = vector.broadcast %jit3A_253 : i32 to vector<576x12xi32>
    %div3A_255 = arith.divsi %iota3A_252, %div3A_254 : vector<576x12xi32>
    %sign3A_256 = arith.constant 0 : i32
    %sign3A_257 = vector.broadcast %sign3A_256 : i32 to vector<576x12xi32>
    %sign3A_258 = arith.cmpi sgt, %iota3A_252, %sign3A_257 : vector<576x12xi32>
    %sign3A_259 = arith.extui %sign3A_258 : vector<576x12xi1> to vector<576x12xi32>
    %sign3A_260 = arith.constant 0 : i32
    %sign3A_261 = vector.broadcast %sign3A_260 : i32 to vector<576x12xi32>
    %sign3A_262 = arith.cmpi slt, %iota3A_252, %sign3A_261 : vector<576x12xi32>
    %sign3A_263 = arith.extui %sign3A_262 : vector<576x12xi1> to vector<576x12xi32>
    %sign3A_264 = arith.subi %sign3A_259, %sign3A_263 : vector<576x12xi32>
    %sign3A_265 = arith.constant 0 : i32
    %sign3A_266 = arith.cmpi sgt, %jit3A_253, %sign3A_265 : i32
    %sign3A_267 = arith.extui %sign3A_266 : i1 to i32
    %sign3A_268 = arith.constant 0 : i32
    %sign3A_269 = arith.cmpi slt, %jit3A_253, %sign3A_268 : i32
    %sign3A_270 = arith.extui %sign3A_269 : i1 to i32
    %sign3A_271 = arith.subi %sign3A_267, %sign3A_270 : i32
    %ne3A_272 = vector.broadcast %sign3A_271 : i32 to vector<576x12xi32>
    %ne3A_273 = arith.cmpi ne, %sign3A_264, %ne3A_272 : vector<576x12xi32>
    %rem3A_274 = vector.broadcast %jit3A_253 : i32 to vector<576x12xi32>
    %rem3A_275 = arith.remsi %iota3A_252, %rem3A_274 : vector<576x12xi32>
    %ne3A_276 = arith.constant 0 : i32
    %ne3A_277 = vector.broadcast %ne3A_276 : i32 to vector<576x12xi32>
    %ne3A_278 = arith.cmpi ne, %rem3A_275, %ne3A_277 : vector<576x12xi32>
    %and3A_279 = arith.andi %ne3A_273, %ne3A_278 : vector<576x12xi1>
    %sub3A_280 = arith.constant 1 : i32
    %sub3A_281 = vector.broadcast %sub3A_280 : i32 to vector<576x12xi32>
    %sub3A_282 = arith.subi %div3A_255, %sub3A_281 : vector<576x12xi32>
    %select_n3A_283 = arith.select %and3A_279, %sub3A_282, %div3A_255 : vector<576x12xi1>, vector<576x12xi32>
    %jit3A_284 = arith.constant 12 : i32
    %eq3A_285 = arith.constant 0 : i32
    %eq3A_286 = arith.cmpi eq, %jit3A_284, %eq3A_285 : i32
    %jit3A_287 = arith.constant 1 : i32
    %select_n3A_288 = arith.select %eq3A_286, %jit3A_287, %jit3A_284 : i32
    %rem3A_289 = vector.broadcast %select_n3A_288 : i32 to vector<576x12xi32>
    %rem3A_290 = arith.remsi %select_n3A_283, %rem3A_289 : vector<576x12xi32>
    %ne3A_291 = arith.constant 0 : i32
    %ne3A_292 = vector.broadcast %ne3A_291 : i32 to vector<576x12xi32>
    %ne3A_293 = arith.cmpi ne, %rem3A_290, %ne3A_292 : vector<576x12xi32>
    %lt3A_294 = arith.constant 0 : i32
    %lt3A_295 = vector.broadcast %lt3A_294 : i32 to vector<576x12xi32>
    %lt3A_296 = arith.cmpi slt, %rem3A_290, %lt3A_295 : vector<576x12xi32>
    %lt3A_297 = arith.constant 0 : i32
    %lt3A_298 = arith.cmpi slt, %select_n3A_288, %lt3A_297 : i32
    %ne3A_299 = vector.broadcast %lt3A_298 : i1 to vector<576x12xi1>
    %ne3A_300 = vector.broadcast %ne3A_299 : vector<576x12xi1> to vector<576x12xi1>
    %ne3A_301 = arith.xori %lt3A_296, %ne3A_300 : vector<576x12xi1>
    %and3A_302 = arith.andi %ne3A_301, %ne3A_293 : vector<576x12xi1>
    %add3A_303 = vector.broadcast %select_n3A_288 : i32 to vector<576x12xi32>
    %add3A_304 = arith.addi %rem3A_290, %add3A_303 : vector<576x12xi32>
    %select_n3A_305 = arith.select %and3A_302, %add3A_304, %rem3A_290 : vector<576x12xi1>, vector<576x12xi32>
    %iota3A_306 = tpu.iota {dimensions = array<i32: 1>} : vector<576x12xi32>
    %eq3A_307 = arith.cmpi eq, %select_n3A_305, %iota3A_306 : vector<576x12xi32>
    %convert_element_type3A_308 = arith.extui %eq3A_307 : vector<576x12xi1> to vector<576x12xi32>
    %convert_element_type3A_309 = arith.sitofp %convert_element_type3A_308 : vector<576x12xi32> to vector<576x12xf32>
    %dot_general3A_310 = arith.constant dense<0.000000e+00> : vector<576x256xf32>
    %dot_general3A_311 = tpu.matmul %convert_element_type3A_309, %get3A_185, %dot_general3A_310 {dimension_numbers = #tpu.dot_dimension_numbers<[1], [0], [0], [1], [0, 0, 1, 1], [], []>, precision = #tpu.contract_precision<fp32>, transpose_lhs_hint = false} : vector<576x12xf32>, vector<12x256xf32>, vector<576x256xf32> -> vector<576x256xf32>
    %add3A_312 = arith.addf %add3A_251, %dot_general3A_311 : vector<576x256xf32>
    %iota3A_313 = tpu.iota {dimensions = array<i32: 0>} : vector<576x12xi32>
    %jit3A_314 = arith.constant 1 : i32
    %div3A_315 = vector.broadcast %jit3A_314 : i32 to vector<576x12xi32>
    %div3A_316 = arith.divsi %iota3A_313, %div3A_315 : vector<576x12xi32>
    %sign3A_317 = arith.constant 0 : i32
    %sign3A_318 = vector.broadcast %sign3A_317 : i32 to vector<576x12xi32>
    %sign3A_319 = arith.cmpi sgt, %iota3A_313, %sign3A_318 : vector<576x12xi32>
    %sign3A_320 = arith.extui %sign3A_319 : vector<576x12xi1> to vector<576x12xi32>
    %sign3A_321 = arith.constant 0 : i32
    %sign3A_322 = vector.broadcast %sign3A_321 : i32 to vector<576x12xi32>
    %sign3A_323 = arith.cmpi slt, %iota3A_313, %sign3A_322 : vector<576x12xi32>
    %sign3A_324 = arith.extui %sign3A_323 : vector<576x12xi1> to vector<576x12xi32>
    %sign3A_325 = arith.subi %sign3A_320, %sign3A_324 : vector<576x12xi32>
    %sign3A_326 = arith.constant 0 : i32
    %sign3A_327 = arith.cmpi sgt, %jit3A_314, %sign3A_326 : i32
    %sign3A_328 = arith.extui %sign3A_327 : i1 to i32
    %sign3A_329 = arith.constant 0 : i32
    %sign3A_330 = arith.cmpi slt, %jit3A_314, %sign3A_329 : i32
    %sign3A_331 = arith.extui %sign3A_330 : i1 to i32
    %sign3A_332 = arith.subi %sign3A_328, %sign3A_331 : i32
    %ne3A_333 = vector.broadcast %sign3A_332 : i32 to vector<576x12xi32>
    %ne3A_334 = arith.cmpi ne, %sign3A_325, %ne3A_333 : vector<576x12xi32>
    %rem3A_335 = vector.broadcast %jit3A_314 : i32 to vector<576x12xi32>
    %rem3A_336 = arith.remsi %iota3A_313, %rem3A_335 : vector<576x12xi32>
    %ne3A_337 = arith.constant 0 : i32
    %ne3A_338 = vector.broadcast %ne3A_337 : i32 to vector<576x12xi32>
    %ne3A_339 = arith.cmpi ne, %rem3A_336, %ne3A_338 : vector<576x12xi32>
    %and3A_340 = arith.andi %ne3A_334, %ne3A_339 : vector<576x12xi1>
    %sub3A_341 = arith.constant 1 : i32
    %sub3A_342 = vector.broadcast %sub3A_341 : i32 to vector<576x12xi32>
    %sub3A_343 = arith.subi %div3A_316, %sub3A_342 : vector<576x12xi32>
    %select_n3A_344 = arith.select %and3A_340, %sub3A_343, %div3A_316 : vector<576x12xi1>, vector<576x12xi32>
    %jit3A_345 = arith.constant 12 : i32
    %eq3A_346 = arith.constant 0 : i32
    %eq3A_347 = arith.cmpi eq, %jit3A_345, %eq3A_346 : i32
    %jit3A_348 = arith.constant 1 : i32
    %select_n3A_349 = arith.select %eq3A_347, %jit3A_348, %jit3A_345 : i32
    %rem3A_350 = vector.broadcast %select_n3A_349 : i32 to vector<576x12xi32>
    %rem3A_351 = arith.remsi %select_n3A_344, %rem3A_350 : vector<576x12xi32>
    %ne3A_352 = arith.constant 0 : i32
    %ne3A_353 = vector.broadcast %ne3A_352 : i32 to vector<576x12xi32>
    %ne3A_354 = arith.cmpi ne, %rem3A_351, %ne3A_353 : vector<576x12xi32>
    %lt3A_355 = arith.constant 0 : i32
    %lt3A_356 = vector.broadcast %lt3A_355 : i32 to vector<576x12xi32>
    %lt3A_357 = arith.cmpi slt, %rem3A_351, %lt3A_356 : vector<576x12xi32>
    %lt3A_358 = arith.constant 0 : i32
    %lt3A_359 = arith.cmpi slt, %select_n3A_349, %lt3A_358 : i32
    %ne3A_360 = vector.broadcast %lt3A_359 : i1 to vector<576x12xi1>
    %ne3A_361 = vector.broadcast %ne3A_360 : vector<576x12xi1> to vector<576x12xi1>
    %ne3A_362 = arith.xori %lt3A_357, %ne3A_361 : vector<576x12xi1>
    %and3A_363 = arith.andi %ne3A_362, %ne3A_354 : vector<576x12xi1>
    %add3A_364 = vector.broadcast %select_n3A_349 : i32 to vector<576x12xi32>
    %add3A_365 = arith.addi %rem3A_351, %add3A_364 : vector<576x12xi32>
    %select_n3A_366 = arith.select %and3A_363, %add3A_365, %rem3A_351 : vector<576x12xi1>, vector<576x12xi32>
    %iota3A_367 = tpu.iota {dimensions = array<i32: 1>} : vector<576x12xi32>
    %eq3A_368 = arith.cmpi eq, %select_n3A_366, %iota3A_367 : vector<576x12xi32>
    %convert_element_type3A_369 = arith.extui %eq3A_368 : vector<576x12xi1> to vector<576x12xi32>
    %convert_element_type3A_370 = arith.sitofp %convert_element_type3A_369 : vector<576x12xi32> to vector<576x12xf32>
    %dot_general3A_371 = arith.constant dense<0.000000e+00> : vector<576x256xf32>
    %dot_general3A_372 = tpu.matmul %convert_element_type3A_370, %get3A_188, %dot_general3A_371 {dimension_numbers = #tpu.dot_dimension_numbers<[1], [0], [0], [1], [0, 0, 1, 1], [], []>, precision = #tpu.contract_precision<fp32>, transpose_lhs_hint = false} : vector<576x12xf32>, vector<12x256xf32>, vector<576x256xf32> -> vector<576x256xf32>
    %add3A_373 = arith.addf %add3A_312, %dot_general3A_372 : vector<576x256xf32>
    %swap3A_374 = arith.constant 480 : index
    %swap3A_375 = arith.constant 0 : index
    %swap3A_376 = vector.load %arg9[%swap3A_374, %swap3A_375] : memref<1416x256xf32, #tpu.memory_space<vmem>>, vector<576x256xf32>
    tpu.vector_store %arg9[%swap3A_374, %swap3A_375], %add3A_373 {strides = array<i32>} : memref<1416x256xf32, #tpu.memory_space<vmem>>, vector<576x256xf32>,
    %get3A_377 = arith.constant 0 : index
    %get3A_378 = arith.constant 0 : index
    %get3A_379 = vector.load %arg4[%get3A_377, %get3A_378] : memref<10x256xf32, #tpu.memory_space<vmem>>, vector<10x256xf32>
    %get3A_380 = arith.constant 0 : index
    %get3A_381 = arith.constant 0 : index
    %get3A_382 = vector.load %arg5[%get3A_380, %get3A_381] : memref<6x256xf32, #tpu.memory_space<vmem>>, vector<6x256xf32>
    %get3A_383 = arith.constant 0 : index
    %get3A_384 = arith.constant 0 : index
    %get3A_385 = vector.load %arg6[%get3A_383, %get3A_384] : memref<6x256xf32, #tpu.memory_space<vmem>>, vector<6x256xf32>
    %broadcast_in_dim3A_386 = arith.constant 0.000000e+00 : f32
    %broadcast_in_dim3A_387 = vector.broadcast %broadcast_in_dim3A_386 : f32 to vector<360x256xf32>
    %iota3A_388 = tpu.iota {dimensions = array<i32: 0>} : vector<360x10xi32>
    %jit3A_389 = arith.constant 36 : i32
    %div3A_390 = vector.broadcast %jit3A_389 : i32 to vector<360x10xi32>
    %div3A_391 = arith.divsi %iota3A_388, %div3A_390 : vector<360x10xi32>
    %sign3A_392 = arith.constant 0 : i32
    %sign3A_393 = vector.broadcast %sign3A_392 : i32 to vector<360x10xi32>
    %sign3A_394 = arith.cmpi sgt, %iota3A_388, %sign3A_393 : vector<360x10xi32>
    %sign3A_395 = arith.extui %sign3A_394 : vector<360x10xi1> to vector<360x10xi32>
    %sign3A_396 = arith.constant 0 : i32
    %sign3A_397 = vector.broadcast %sign3A_396 : i32 to vector<360x10xi32>
    %sign3A_398 = arith.cmpi slt, %iota3A_388, %sign3A_397 : vector<360x10xi32>
    %sign3A_399 = arith.extui %sign3A_398 : vector<360x10xi1> to vector<360x10xi32>
    %sign3A_400 = arith.subi %sign3A_395, %sign3A_399 : vector<360x10xi32>
    %sign3A_401 = arith.constant 0 : i32
    %sign3A_402 = arith.cmpi sgt, %jit3A_389, %sign3A_401 : i32
    %sign3A_403 = arith.extui %sign3A_402 : i1 to i32
    %sign3A_404 = arith.constant 0 : i32
    %sign3A_405 = arith.cmpi slt, %jit3A_389, %sign3A_404 : i32
    %sign3A_406 = arith.extui %sign3A_405 : i1 to i32
    %sign3A_407 = arith.subi %sign3A_403, %sign3A_406 : i32
    %ne3A_408 = vector.broadcast %sign3A_407 : i32 to vector<360x10xi32>
    %ne3A_409 = arith.cmpi ne, %sign3A_400, %ne3A_408 : vector<360x10xi32>
    %rem3A_410 = vector.broadcast %jit3A_389 : i32 to vector<360x10xi32>
    %rem3A_411 = arith.remsi %iota3A_388, %rem3A_410 : vector<360x10xi32>
    %ne3A_412 = arith.constant 0 : i32
    %ne3A_413 = vector.broadcast %ne3A_412 : i32 to vector<360x10xi32>
    %ne3A_414 = arith.cmpi ne, %rem3A_411, %ne3A_413 : vector<360x10xi32>
    %and3A_415 = arith.andi %ne3A_409, %ne3A_414 : vector<360x10xi1>
    %sub3A_416 = arith.constant 1 : i32
    %sub3A_417 = vector.broadcast %sub3A_416 : i32 to vector<360x10xi32>
    %sub3A_418 = arith.subi %div3A_391, %sub3A_417 : vector<360x10xi32>
    %select_n3A_419 = arith.select %and3A_415, %sub3A_418, %div3A_391 : vector<360x10xi1>, vector<360x10xi32>
    %jit3A_420 = arith.constant 10 : i32
    %eq3A_421 = arith.constant 0 : i32
    %eq3A_422 = arith.cmpi eq, %jit3A_420, %eq3A_421 : i32
    %jit3A_423 = arith.constant 1 : i32
    %select_n3A_424 = arith.select %eq3A_422, %jit3A_423, %jit3A_420 : i32
    %rem3A_425 = vector.broadcast %select_n3A_424 : i32 to vector<360x10xi32>
    %rem3A_426 = arith.remsi %select_n3A_419, %rem3A_425 : vector<360x10xi32>
    %ne3A_427 = arith.constant 0 : i32
    %ne3A_428 = vector.broadcast %ne3A_427 : i32 to vector<360x10xi32>
    %ne3A_429 = arith.cmpi ne, %rem3A_426, %ne3A_428 : vector<360x10xi32>
    %lt3A_430 = arith.constant 0 : i32
    %lt3A_431 = vector.broadcast %lt3A_430 : i32 to vector<360x10xi32>
    %lt3A_432 = arith.cmpi slt, %rem3A_426, %lt3A_431 : vector<360x10xi32>
    %lt3A_433 = arith.constant 0 : i32
    %lt3A_434 = arith.cmpi slt, %select_n3A_424, %lt3A_433 : i32
    %ne3A_435 = vector.broadcast %lt3A_434 : i1 to vector<360x10xi1>
    %ne3A_436 = vector.broadcast %ne3A_435 : vector<360x10xi1> to vector<360x10xi1>
    %ne3A_437 = arith.xori %lt3A_432, %ne3A_436 : vector<360x10xi1>
    %and3A_438 = arith.andi %ne3A_437, %ne3A_429 : vector<360x10xi1>
    %add3A_439 = vector.broadcast %select_n3A_424 : i32 to vector<360x10xi32>
    %add3A_440 = arith.addi %rem3A_426, %add3A_439 : vector<360x10xi32>
    %select_n3A_441 = arith.select %and3A_438, %add3A_440, %rem3A_426 : vector<360x10xi1>, vector<360x10xi32>
    %iota3A_442 = tpu.iota {dimensions = array<i32: 1>} : vector<360x10xi32>
    %eq3A_443 = arith.cmpi eq, %select_n3A_441, %iota3A_442 : vector<360x10xi32>
    %convert_element_type3A_444 = arith.extui %eq3A_443 : vector<360x10xi1> to vector<360x10xi32>
    %convert_element_type3A_445 = arith.sitofp %convert_element_type3A_444 : vector<360x10xi32> to vector<360x10xf32>
    %dot_general3A_446 = arith.constant dense<0.000000e+00> : vector<360x256xf32>
    %dot_general3A_447 = tpu.matmul %convert_element_type3A_445, %get3A_379, %dot_general3A_446 {dimension_numbers = #tpu.dot_dimension_numbers<[1], [0], [0], [1], [0, 0, 1, 1], [], []>, precision = #tpu.contract_precision<fp32>, transpose_lhs_hint = false} : vector<360x10xf32>, vector<10x256xf32>, vector<360x256xf32> -> vector<360x256xf32>
    %add3A_448 = arith.addf %broadcast_in_dim3A_387, %dot_general3A_447 : vector<360x256xf32>
    %iota3A_449 = tpu.iota {dimensions = array<i32: 0>} : vector<360x6xi32>
    %jit3A_450 = arith.constant 6 : i32
    %div3A_451 = vector.broadcast %jit3A_450 : i32 to vector<360x6xi32>
    %div3A_452 = arith.divsi %iota3A_449, %div3A_451 : vector<360x6xi32>
    %sign3A_453 = arith.constant 0 : i32
    %sign3A_454 = vector.broadcast %sign3A_453 : i32 to vector<360x6xi32>
    %sign3A_455 = arith.cmpi sgt, %iota3A_449, %sign3A_454 : vector<360x6xi32>
    %sign3A_456 = arith.extui %sign3A_455 : vector<360x6xi1> to vector<360x6xi32>
    %sign3A_457 = arith.constant 0 : i32
    %sign3A_458 = vector.broadcast %sign3A_457 : i32 to vector<360x6xi32>
    %sign3A_459 = arith.cmpi slt, %iota3A_449, %sign3A_458 : vector<360x6xi32>
    %sign3A_460 = arith.extui %sign3A_459 : vector<360x6xi1> to vector<360x6xi32>
    %sign3A_461 = arith.subi %sign3A_456, %sign3A_460 : vector<360x6xi32>
    %sign3A_462 = arith.constant 0 : i32
    %sign3A_463 = arith.cmpi sgt, %jit3A_450, %sign3A_462 : i32
    %sign3A_464 = arith.extui %sign3A_463 : i1 to i32
    %sign3A_465 = arith.constant 0 : i32
    %sign3A_466 = arith.cmpi slt, %jit3A_450, %sign3A_465 : i32
    %sign3A_467 = arith.extui %sign3A_466 : i1 to i32
    %sign3A_468 = arith.subi %sign3A_464, %sign3A_467 : i32
    %ne3A_469 = vector.broadcast %sign3A_468 : i32 to vector<360x6xi32>
    %ne3A_470 = arith.cmpi ne, %sign3A_461, %ne3A_469 : vector<360x6xi32>
    %rem3A_471 = vector.broadcast %jit3A_450 : i32 to vector<360x6xi32>
    %rem3A_472 = arith.remsi %iota3A_449, %rem3A_471 : vector<360x6xi32>
    %ne3A_473 = arith.constant 0 : i32
    %ne3A_474 = vector.broadcast %ne3A_473 : i32 to vector<360x6xi32>
    %ne3A_475 = arith.cmpi ne, %rem3A_472, %ne3A_474 : vector<360x6xi32>
    %and3A_476 = arith.andi %ne3A_470, %ne3A_475 : vector<360x6xi1>
    %sub3A_477 = arith.constant 1 : i32
    %sub3A_478 = vector.broadcast %sub3A_477 : i32 to vector<360x6xi32>
    %sub3A_479 = arith.subi %div3A_452, %sub3A_478 : vector<360x6xi32>
    %select_n3A_480 = arith.select %and3A_476, %sub3A_479, %div3A_452 : vector<360x6xi1>, vector<360x6xi32>
    %jit3A_481 = arith.constant 6 : i32
    %eq3A_482 = arith.constant 0 : i32
    %eq3A_483 = arith.cmpi eq, %jit3A_481, %eq3A_482 : i32
    %jit3A_484 = arith.constant 1 : i32
    %select_n3A_485 = arith.select %eq3A_483, %jit3A_484, %jit3A_481 : i32
    %rem3A_486 = vector.broadcast %select_n3A_485 : i32 to vector<360x6xi32>
    %rem3A_487 = arith.remsi %select_n3A_480, %rem3A_486 : vector<360x6xi32>
    %ne3A_488 = arith.constant 0 : i32
    %ne3A_489 = vector.broadcast %ne3A_488 : i32 to vector<360x6xi32>
    %ne3A_490 = arith.cmpi ne, %rem3A_487, %ne3A_489 : vector<360x6xi32>
    %lt3A_491 = arith.constant 0 : i32
    %lt3A_492 = vector.broadcast %lt3A_491 : i32 to vector<360x6xi32>
    %lt3A_493 = arith.cmpi slt, %rem3A_487, %lt3A_492 : vector<360x6xi32>
    %lt3A_494 = arith.constant 0 : i32
    %lt3A_495 = arith.cmpi slt, %select_n3A_485, %lt3A_494 : i32
    %ne3A_496 = vector.broadcast %lt3A_495 : i1 to vector<360x6xi1>
    %ne3A_497 = vector.broadcast %ne3A_496 : vector<360x6xi1> to vector<360x6xi1>
    %ne3A_498 = arith.xori %lt3A_493, %ne3A_497 : vector<360x6xi1>
    %and3A_499 = arith.andi %ne3A_498, %ne3A_490 : vector<360x6xi1>
    %add3A_500 = vector.broadcast %select_n3A_485 : i32 to vector<360x6xi32>
    %add3A_501 = arith.addi %rem3A_487, %add3A_500 : vector<360x6xi32>
    %select_n3A_502 = arith.select %and3A_499, %add3A_501, %rem3A_487 : vector<360x6xi1>, vector<360x6xi32>
    %iota3A_503 = tpu.iota {dimensions = array<i32: 1>} : vector<360x6xi32>
    %eq3A_504 = arith.cmpi eq, %select_n3A_502, %iota3A_503 : vector<360x6xi32>
    %convert_element_type3A_505 = arith.extui %eq3A_504 : vector<360x6xi1> to vector<360x6xi32>
    %convert_element_type3A_506 = arith.sitofp %convert_element_type3A_505 : vector<360x6xi32> to vector<360x6xf32>
    %dot_general3A_507 = arith.constant dense<0.000000e+00> : vector<360x256xf32>
    %dot_general3A_508 = tpu.matmul %convert_element_type3A_506, %get3A_382, %dot_general3A_507 {dimension_numbers = #tpu.dot_dimension_numbers<[1], [0], [0], [1], [0, 0, 1, 1], [], []>, precision = #tpu.contract_precision<fp32>, transpose_lhs_hint = false} : vector<360x6xf32>, vector<6x256xf32>, vector<360x256xf32> -> vector<360x256xf32>
    %add3A_509 = arith.addf %add3A_448, %dot_general3A_508 : vector<360x256xf32>
    %iota3A_510 = tpu.iota {dimensions = array<i32: 0>} : vector<360x6xi32>
    %jit3A_511 = arith.constant 1 : i32
    %div3A_512 = vector.broadcast %jit3A_511 : i32 to vector<360x6xi32>
    %div3A_513 = arith.divsi %iota3A_510, %div3A_512 : vector<360x6xi32>
    %sign3A_514 = arith.constant 0 : i32
    %sign3A_515 = vector.broadcast %sign3A_514 : i32 to vector<360x6xi32>
    %sign3A_516 = arith.cmpi sgt, %iota3A_510, %sign3A_515 : vector<360x6xi32>
    %sign3A_517 = arith.extui %sign3A_516 : vector<360x6xi1> to vector<360x6xi32>
    %sign3A_518 = arith.constant 0 : i32
    %sign3A_519 = vector.broadcast %sign3A_518 : i32 to vector<360x6xi32>
    %sign3A_520 = arith.cmpi slt, %iota3A_510, %sign3A_519 : vector<360x6xi32>
    %sign3A_521 = arith.extui %sign3A_520 : vector<360x6xi1> to vector<360x6xi32>
    %sign3A_522 = arith.subi %sign3A_517, %sign3A_521 : vector<360x6xi32>
    %sign3A_523 = arith.constant 0 : i32
    %sign3A_524 = arith.cmpi sgt, %jit3A_511, %sign3A_523 : i32
    %sign3A_525 = arith.extui %sign3A_524 : i1 to i32
    %sign3A_526 = arith.constant 0 : i32
    %sign3A_527 = arith.cmpi slt, %jit3A_511, %sign3A_526 : i32
    %sign3A_528 = arith.extui %sign3A_527 : i1 to i32
    %sign3A_529 = arith.subi %sign3A_525, %sign3A_528 : i32
    %ne3A_530 = vector.broadcast %sign3A_529 : i32 to vector<360x6xi32>
    %ne3A_531 = arith.cmpi ne, %sign3A_522, %ne3A_530 : vector<360x6xi32>
    %rem3A_532 = vector.broadcast %jit3A_511 : i32 to vector<360x6xi32>
    %rem3A_533 = arith.remsi %iota3A_510, %rem3A_532 : vector<360x6xi32>
    %ne3A_534 = arith.constant 0 : i32
    %ne3A_535 = vector.broadcast %ne3A_534 : i32 to vector<360x6xi32>
    %ne3A_536 = arith.cmpi ne, %rem3A_533, %ne3A_535 : vector<360x6xi32>
    %and3A_537 = arith.andi %ne3A_531, %ne3A_536 : vector<360x6xi1>
    %sub3A_538 = arith.constant 1 : i32
    %sub3A_539 = vector.broadcast %sub3A_538 : i32 to vector<360x6xi32>
    %sub3A_540 = arith.subi %div3A_513, %sub3A_539 : vector<360x6xi32>
    %select_n3A_541 = arith.select %and3A_537, %sub3A_540, %div3A_513 : vector<360x6xi1>, vector<360x6xi32>
    %jit3A_542 = arith.constant 6 : i32
    %eq3A_543 = arith.constant 0 : i32
    %eq3A_544 = arith.cmpi eq, %jit3A_542, %eq3A_543 : i32
    %jit3A_545 = arith.constant 1 : i32
    %select_n3A_546 = arith.select %eq3A_544, %jit3A_545, %jit3A_542 : i32
    %rem3A_547 = vector.broadcast %select_n3A_546 : i32 to vector<360x6xi32>
    %rem3A_548 = arith.remsi %select_n3A_541, %rem3A_547 : vector<360x6xi32>
    %ne3A_549 = arith.constant 0 : i32
    %ne3A_550 = vector.broadcast %ne3A_549 : i32 to vector<360x6xi32>
    %ne3A_551 = arith.cmpi ne, %rem3A_548, %ne3A_550 : vector<360x6xi32>
    %lt3A_552 = arith.constant 0 : i32
    %lt3A_553 = vector.broadcast %lt3A_552 : i32 to vector<360x6xi32>
    %lt3A_554 = arith.cmpi slt, %rem3A_548, %lt3A_553 : vector<360x6xi32>
    %lt3A_555 = arith.constant 0 : i32
    %lt3A_556 = arith.cmpi slt, %select_n3A_546, %lt3A_555 : i32
    %ne3A_557 = vector.broadcast %lt3A_556 : i1 to vector<360x6xi1>
    %ne3A_558 = vector.broadcast %ne3A_557 : vector<360x6xi1> to vector<360x6xi1>
    %ne3A_559 = arith.xori %lt3A_554, %ne3A_558 : vector<360x6xi1>
    %and3A_560 = arith.andi %ne3A_559, %ne3A_551 : vector<360x6xi1>
    %add3A_561 = vector.broadcast %select_n3A_546 : i32 to vector<360x6xi32>
    %add3A_562 = arith.addi %rem3A_548, %add3A_561 : vector<360x6xi32>
    %select_n3A_563 = arith.select %and3A_560, %add3A_562, %rem3A_548 : vector<360x6xi1>, vector<360x6xi32>
    %iota3A_564 = tpu.iota {dimensions = array<i32: 1>} : vector<360x6xi32>
    %eq3A_565 = arith.cmpi eq, %select_n3A_563, %iota3A_564 : vector<360x6xi32>
    %convert_element_type3A_566 = arith.extui %eq3A_565 : vector<360x6xi1> to vector<360x6xi32>
    %convert_element_type3A_567 = arith.sitofp %convert_element_type3A_566 : vector<360x6xi32> to vector<360x6xf32>
    %dot_general3A_568 = arith.constant dense<0.000000e+00> : vector<360x256xf32>
    %dot_general3A_569 = tpu.matmul %convert_element_type3A_567, %get3A_385, %dot_general3A_568 {dimension_numbers = #tpu.dot_dimension_numbers<[1], [0], [0], [1], [0, 0, 1, 1], [], []>, precision = #tpu.contract_precision<fp32>, transpose_lhs_hint = false} : vector<360x6xf32>, vector<6x256xf32>, vector<360x256xf32> -> vector<360x256xf32>
    %add3A_570 = arith.addf %add3A_509, %dot_general3A_569 : vector<360x256xf32>
    %swap3A_571 = arith.constant 1056 : index
    %swap3A_572 = arith.constant 0 : index
    %swap3A_573 = vector.load %arg9[%swap3A_571, %swap3A_572] : memref<1416x256xf32, #tpu.memory_space<vmem>>, vector<360x256xf32>
    tpu.vector_store %arg9[%swap3A_571, %swap3A_572], %add3A_570 {strides = array<i32>} : memref<1416x256xf32, #tpu.memory_space<vmem>>, vector<360x256xf32>,
    return
  }
}

</mosaic_0001>

<sc_bundles>
// kernel: kernel.4.cloned.1.call-start
scs
__scs_entry_jumppad:
0x0: {  	(pc) =	sbr.rel $0x88, $3  }
0x1: {  	(tag) =	ssettag $0x0;
	lr =	simm.s32 $0x1  }
0x2: {  	[smem:$0x3F97] =	sst lr;
	_ =	strace $0xD0000000  }
0x3: {  	_ = 	snop  }
0x4: {  	_ = 	snop  }
0x5: {  	_ = 	snop  }
0x6: {  	_ = 	snop  }
0x7: {  	_ = 	snop  }
__scs_overlays_trampoline_lowered:
0x8: {  	[smem:$0x3FA6] =	sst s0  }
0x9: {  	[smem:$0x3FA7] =	sst s1  }
0xa: {  	[smem:$0x3FA8] =	sst s2  }
0xb: {  	[smem:$0x3FA9] =	sst s3  }
0xc: {  	[smem:$0x3FAA] =	sst s4  }
0xd: {  	[smem:$0x3FAB] =	sst s5  }
0xe: {  	[smem:$0x3FAC] =	sst s6  }
0xf: {  	[smem:$0x3FAD] =	sst s7  }
0x10: {  	[smem:$0x3FAE] =	sst s8  }
0x11: {  	[smem:$0x3FAF] =	sst s9;
	s0 =	simm.s32 @!p0 $0x0  }
0x12: {  	s1 =	sld [smem:$0x3F95];
	s0 =	simm.s32 @p0 $0x1  }
0x13: {  	[smem:$0x3FB0] =	sst s0;
	s0 =	simm.s32 @!p1 $0x0  }
0x14: {  	s2 =	sld [smem:$0x3F94];
	s0 =	simm.s32 @p1 $0x1  }
0x15: {  	[smem:$0x3FB1] =	sst s0;
	s0 =	simm.s32 @!p2 $0x0  }
0x16: {  	s3 =	sld [smem:$0x3FDB];
	s0 =	simm.s32 @p2 $0x1  }
0x17: {  	s4 =	simm.s32 $0x1BF5;
	[smem:$0x3FB3] =	sst s0  }
0x18: {  	s0 =	sld [smem:$0x3F96];
	_ =	swait.ge [sflag:s4], $0x0  }
0x19: {  	s7 =	sld [smem:$0x3F97]  }
0x1a: {  	s8 =	sadd.s32 $0xFFFFE003, lr  }
0x1b: {  	s9 =	sadd.s32 $0xFFFFFEF7, lr;
	s5 =	simm.s32 $0xFFFFFFFF;
	p2 =	slt.u32 s8, $0xFFFFF086  }
0x1c: {  	p1 =	slt.u32 s9, $0xF7A;
	s5 =	simm.s32 @!p2 $0x0  }
0x1d: {  	s5 =	simm.s32 @p1 $0x1;
	p0 =	seq.s32 s7, s2  }
0x1e: {  	s7 =	smul.u32 @!p0 $0xF7A, s2;
	p2 =	seq.s32 @!p0 s5, $0x0  }
0x1f: {  	s9 =	smul.u32 $0xF7A, s1;
	s8 =	simm.s32 @!p0 $0x1BF5;
	p2 =	por !p2, p0  }
0x20: {  	[sflag:s8] =	ssyncset.s32 @!p0 $0xFFFFF086;
	s6 =	sadd.s32 @!p0 s3, s7;
	s7 =	simm.s32 @!p0 $0x108  }
0x21: {  	s3 =	sadd.s32 s3, s9;
	s6 =	sadd.s32 @!p0 $0x88, s6;
	s7 =	simm.s32 @p2 $0x1082  }
0x22: {  	[simem:s7], [sflag:s8] =	dma.local @!p0 [hbm:s6], $0xF7A  }
0x23: {  	s9 =	sor.u32 $0xD0000000, s2;
	s6 =	simm.s32 $0x108;
	_ =	swait.ge @!p0 [sflag:s8], $0x0  }
0x24: {  	s3 =	sadd.s32 $0x88, s3;
	s6 =	simm.s32 @!p1 $0x1082;
	[sflag:s4] =	ssyncset.s32 $0xFFFFF086  }
0x25: {  	[simem:s6], [sflag:s4] =	dma.local [hbm:s3], $0xF7A  }
0x26: {  	[smem:$0x3F97] =	sst s1;
	(tag) =	ssettag s2;
	_ =	strace s9  }
0x27: {  	s1 =	sld [smem:$0x3FA7]  }
0x28: {  	s2 =	sld [smem:$0x3FA8]  }
0x29: {  	s4 =	sld [smem:$0x3FAA]  }
0x2a: {  	p0 =	seq.s32 s5, $0x0;
	s5 =	sld [smem:$0x3FAB]  }
0x2b: {  	s6 =	sld [smem:$0x3FAC]  }
0x2c: {  	s7 =	sld [smem:$0x3FAD]  }
0x2d: {  	s3 =	simm.s32 $0x108;
	s8 =	sld [smem:$0x3FAE]  }
0x2e: {  	s3 =	simm.s32 @!p0 $0x1082;
	s9 =	sld [smem:$0x3FAF]  }
0x2f: {  	lr =	sadd.s32 s0, s3;
	s0 =	sld [smem:$0x3FA6]  }
0x30: {  	s3 =	sld [smem:$0x3FA9]  }
0x31: {  	[smem:$0x3FB2] =	sst s10  }
0x32: {  	s10 =	sld [smem:$0x3FB0];
	_ =	sdelay $0x3  }
0x33: {  	p0 =	seq.s32 s10, $0x1;
	s10 =	sld [smem:$0x3FB2];
	_ =	sdelay $0x3  }
0x34: {  	[smem:$0x3FB2] =	sst s10  }
0x35: {  	s10 =	sld [smem:$0x3FB1];
	_ =	sdelay $0x3  }
0x36: {  	p1 =	seq.s32 s10, $0x1;
	s10 =	sld [smem:$0x3FB2];
	_ =	sdelay $0x3  }
0x37: {  	[smem:$0x3FB2] =	sst s10  }
0x38: {  	s10 =	sld [smem:$0x3FB3]  }
0x39: {  	_ = 	snop;
	(pc) =	sbr.ind lr, $3  }
0x3a: {  	_ = 	snop  }
0x3b: {  	_ = 	snop  }
0x3c: {  	p2 =	seq.s32 s10, $0x1;
	s10 =	sld [smem:$0x3FB2]  }
0x3d: {  	_ =	shalt  }
0x3e: {  	_ =	shalt  }
0x3f: {  	_ =	shalt  }
0x40: {  	_ =	shalt  }
0x41: {  	_ =	shalt  }
0x42: {  	_ =	shalt  }
0x43: {  	_ =	shalt  }
0x44: {  	_ =	shalt  }
0x45: {  	_ =	shalt  }
0x46: {  	_ =	shalt  }
0x47: {  	_ =	shalt  }
0x48: {  	_ =	shalt  }
0x49: {  	_ =	shalt  }
0x4a: {  	_ =	shalt  }
0x4b: {  	_ =	shalt  }
0x4c: {  	_ =	shalt  }
0x4d: {  	_ =	shalt  }
0x4e: {  	_ =	shalt  }
0x4f: {  	_ =	shalt  }
0x50: {  	_ =	shalt  }
0x51: {  	_ =	shalt  }
0x52: {  	_ =	shalt  }
0x53: {  	_ =	shalt  }
0x54: {  	_ =	shalt  }
0x55: {  	_ =	shalt  }
0x56: {  	_ =	shalt  }
0x57: {  	_ =	shalt  }
0x58: {  	_ =	shalt  }
0x59: {  	_ =	shalt  }
0x5a: {  	_ =	shalt  }
0x5b: {  	_ =	shalt  }
0x5c: {  	_ =	shalt  }
0x5d: {  	_ =	shalt  }
0x5e: {  	_ =	shalt  }
0x5f: {  	_ =	shalt  }
0x60: {  	_ =	shalt  }
0x61: {  	_ =	shalt  }
0x62: {  	_ =	shalt  }
0x63: {  	_ =	shalt  }
0x64: {  	_ =	shalt  }
0x65: {  	_ =	shalt  }
0x66: {  	_ =	shalt  }
0x67: {  	_ =	shalt  }
0x68: {  	_ =	shalt  }
0x69: {  	_ =	shalt  }
0x6a: {  	_ =	shalt  }
0x6b: {  	_ =	shalt  }
0x6c: {  	_ =	shalt  }
0x6d: {  	_ =	shalt  }
0x6e: {  	_ =	shalt  }
0x6f: {  	_ =	shalt  }
0x70: {  	_ =	shalt  }
0x71: {  	_ =	shalt  }
0x72: {  	_ =	shalt  }
0x73: {  	_ =	shalt  }
0x74: {  	_ =	shalt  }
0x75: {  	_ =	shalt  }
0x76: {  	_ =	shalt  }
0x77: {  	_ =	shalt  }
0x78: {  	_ =	shalt  }
0x79: {  	_ =	shalt  }
0x7a: {  	_ =	shalt  }
0x7b: {  	_ =	shalt  }
0x7c: {  	_ =	shalt  }
0x7d: {  	_ =	shalt  }
0x7e: {  	_ =	shalt  }
0x7f: {  	_ =	shalt  }
0x80: {  	_ =	shalt  }
0x81: {  	_ =	shalt  }
0x82: {  	_ =	shalt  }
0x83: {  	_ =	shalt  }
0x84: {  	_ =	shalt  }
0x85: {  	_ =	shalt  }
0x86: {  	_ =	shalt  }
0x87: {  	_ =	shalt  }
.Lfunc_end0:
.L_simem_size_0:
called_computation_lowered:
.L_overlay_start_0:
0x88: {  	s2 =	sld [smem:$0x3FD9]  }
0x89: {  	s3 =	sld [smem:$0x3FFE];
	_ =	sdelay $0x1  }
0x8a: {  	s1 =	srdreg.scid  }
0x8b: {  	s0 =	sand.u32 $0x1, s1  }
0x8c: {  	s17 =	sshll.u32 s0, $0xA;
	s2 =	sadd.s32 s3, s2  }
0x8d: {  	s2 =	sadd.s32 s2, s17  }
0x8e: {  	[smem:$0x3FBE] =	sst s2  }
0x8f: {  	_ = 	snop  }
0x90: {  	s2 =	sld [smem:$0x3FD0];
	(tm) =	ssettm $0x1  }
0x91: {  	s18 =	sld [smem:$0x3FFB];
	_ =	sdelay $0x3  }
0x92: {  	_ =	strace s18  }
0x93: {  	s3 =	sld [smem:$0x3FFC];
	_ =	sdelay $0x3  }
0x94: {  	_ =	strace s3  }
0x95: {  	s3 =	sld [smem:$0x3FFD];
	_ =	sdelay $0x3  }
0x96: {  	_ =	strace s3  }
0x97: {  	_ =	strace $0x8FFFFFFF  }
0x98: {  	s19 =	sld [smem:$0x3FDB];
	_ =	sdelay $0x1  }
0x99: {  	s4 =	simm.s32 $_scs_section_size  }
0x9a: {  	s5 =	simm.s32 $_size__tile_overlayer_lowered;
	s6 =	simm.s32 $_tile_overlayer_lowered  }
0x9b: {  	s22 =	simm.s32 $0x1BFF;
	s21 =	sshll.u32 s6, $0x1;
	s3 =	sadd.s32 s4, s19  }
0x9c: {  	s7 =	simm.s32 $0x0;
	s20 =	sshll.u32 s5, $0x1;
	s5 =	sadd.s32 s21, s3  }
0x9d: {  	[timem:s7], [sflag:s22] =	dma.local [hbm:s5], s20  }
0x9e: {  	_ =	swait.ge [sflag:s22], s20  }
0x9f: {  	s4 =	ssub.s32 $0x0, s20;
	[sflag:s22] =	ssyncset.done $0x0  }
0xa0: {  	[sflag:s22] =	ssyncadd.s32 s4;
	_ =	sdelay $0x1  }
0xa1: {  	s23 =	simm.s32 $0x1B8B  }
0xa2: {  	_ =	swait.ge [sflag:s23], $0x1  }
0xa3: {  	[sflag:s23] =	ssyncset.done $0x0  }
0xa4: {  	s25 =	simm.s32 $0x1B8E;
	s24 =	sld [smem:$0x3FFE];
	[sflag:s23] =	ssyncadd.s32 $0xFFFFFFFF  }
0xa5: {  	s26 =	simm.s32 $execute0_lowered;
	[smem:$0x3FD2] =	sst s25  }
0xa6: {  	s5 =	sshll.u32 s26, $0x1;
	_ =	strace $0x80000046;
	[dreg:$0x1] =	wrdreg $0xFFFFFFFF  }
0xa7: {  	s28 =	simm.s32 $_size_execute0_lowered;
	s3 =	sadd.s32 s3, s5;
	[dreg:$0x0] =	wrdreg $0x0  }
0xa8: {  	s5 =	sshll.u32 s28, $0x1;
	[dreg:$0x2] =	wrdreg s3  }
0xa9: {  	[dreg:$0x3] =	wrdreg s5  }
0xaa: {  	[dreg:$0x4] =	wrdreg $0xC0  }
0xab: {  	_ =	task [dreg:s7], $0x5FFFF  }
0xac: {  	[dreg:$0x1] =	wrdreg $0xFFFFFFFF  }
0xad: {  	[dreg:$0x0] =	wrdreg $0x60  }
0xae: {  	[dreg:$0x2] =	wrdreg s24  }
0xaf: {  	[dreg:$0x3] =	wrdreg s2  }
0xb0: {  	[dreg:$0x4] =	wrdreg $0x9  }
0xb1: {  	_ =	task.clear_ibuf [dreg:s7], $0x5FFFF;
	_ =	strace $0x90000046  }
0xb2: {  	s29 =	simm.s32 $0x9;
	_ =	strace $0x80000048  }
0xb3: {  	_ =	swait.ge [sflag:s29], $0x1  }
0xb4: {  	[sflag:s29] =	ssyncadd.s32 $0xFFFFFFFF  }
0xb5: {  	_ =	strace $0x90000048  }
0xb6: {  	_ =	sfence  }
0xb7: {  	s30 =	sld [smem:$0x0];
	_ =	sdelay $0x2  }
0xb8: {  	s31 =	sshll.u32 s1, $0xD;
	s1 =	sshrl.u32 s1, $0x2  }
0xb9: {  	s3 =	sand.u32 $0x4000, s31;
	s1 =	sadd.s32 s1, s30  }
0xba: {  	s0 =	sor.u32 s3, s0;
	s1 =	sshll.u32 s1, $0x11  }
0xbb: {  	s0 =	sor.u32 s1, s0  }
0xbc: {  	s0 =	sadd.s32 $0x8F2B, s0  }
0xbd: {  	[sflag:s0] =	ssyncadd.remote.s32 $0x1  }
0xbe: {  	_ =	sfence.sel $0xFFFF  }
0xbf: {  	[dreg:$0x0] =	wrdreg $0xFFFFFFFF;
	(pc) =	sbr.abs _section_cstart, $3  }
0xc0: {  	[dreg:$0x1] =	wrdreg $0xFFFFFFFF  }
0xc1: {  	_ =	task.clear_ibuf [dreg:s7], $0x2FFFF;
	_ =	strace $0x9FFFFFFF  }
0xc2: {  	(tm) =	ssettm $0x7FFFFFFF  }
0xc3: {  	_ =	shalt  }
tec
execute0_lowered:
.L_overlay_start_1:
0x0: {  	(tag) =	ssettag $0x1  }
0x1: {  	s0 =	srdreg.scid  }
0x2: {  	s1 =	stileid.u32;
	s2 =	rddreg [dreg:$0x0]  }
0x3: {  	s7 =	rddreg [dreg:$0x1];
	s3 =	simm.s32 $0x0;
	s28 =	simm.s32 $0x7380  }
0x4: {  	s17 =	simm.s32 $0x13380;
	s0 =	sand.u32 $0x1, s0;
	s1 =	sshll.u32 s1, $0x1  }
0x5: {  	s8 =	simm.s32 $0x1CB80;
	s9 =	simm.s32 $0x1D380;
	s1 =	sor.u32 s0, s1  }
0x6: {  	s10 =	simm.s32 $0x1DB80;
	s11 =	simm.s32 $0x1E380;
	s1 =	smul.u32 $0xC80, s1  }
0x7: {  	s12 =	simm.s32 $0x1EB80;
	s14 =	simm.s32 $0x2;
	s0 =	ssub.s32 $0x2, s0  }
0x8: {  	s16 =	simm.s32 $0x4;
	s6 =	sshrl.u32 s0, $0x1;
	s1 =	smin.u32 s1, $0x17A20  }
0x9: {  	[smem:$0x7FF] =	sst s3;
	s0 =	ssub.s32 s0, s6;
	s4 =	sshrl.u32 s1, $0x3  }
0xa: {  	_ =	strace $0x80000047;
	s0 =	smax.u32 s0, $0x1;
	s5 =	sadd.s32 s4, s2  }
0xb: {  	s6 =	simm.s32 $0x1BB80;
	[dreg:$0xd] =	wrdreg s0;
	s19 =	sadd.s32 $0x1800, s5  }
0xc: {  	s25 =	sshll.u32 s1, $0x5;
	s20 =	sadd.s32 $0x48D4, s5;
	[dreg:$0x3] =	wrdreg s19  }
0xd: {  	s15 =	sor.u32 $0x40, s1;
	s21 =	sadd.s32 $0x79A8, s5;
	[dreg:$0x4] =	wrdreg s20  }
0xe: {  	s1 =	simm.s32 $0x0;
	s22 =	sadd.s32 $0xAA7C, s5;
	[dreg:$0x5] =	wrdreg s21  }
0xf: {  	s4 =	sadd.s32 $0x1D000, s2;
	s23 =	sadd.s32 $0xDB50, s5;
	[dreg:$0x6] =	wrdreg s22  }
0x10: {  	s13 =	sadd.s32 s7, s25;
	s24 =	sadd.s32 $0x10C24, s5;
	[dreg:$0x7] =	wrdreg s23  }
0x11: {  	s25 =	simm.s32 $0x1AB80;
	s26 =	sadd.s32 $0x13CF8, s5;
	[dreg:$0x8] =	wrdreg s24  }
0x12: {  	s7 =	simm.s32 $0x1C380;
	s29 =	sadd.s32 $0x16DCC, s5;
	[dreg:$0x9] =	wrdreg s26  }
0x13: {  	s2 =	simm.s32 $0x5;
	s30 =	sadd.s32 $0x19EA0, s5;
	[dreg:$0xa] =	wrdreg s29  }
0x14: {  	v2 =	vlaneseq.u32;
	s31 =	sadd.s32 $0x18800, s13;
	s5 =	simm.s32 $0x1B380;
	[dreg:$0xb] =	wrdreg s30  }
0x15: {  	vm0 =	vmmov $0xffff;
	v1 =	vshrl.u32 v2, $0x3;
	[dreg:$0xc] =	wrdreg s31;
	s21 =	simm.s32 $0x18B80;
	s22 =	simm.s32 $0x19380  }
0x16: {  	v0 =	vand.u32 $0x7, v2;
	v2 =	vor.u32 $0x8, v2;
	v1 =	vmul.u32 $0x8, v1;
	s23 =	simm.s32 $0x19B80;
	s24 =	simm.s32 $0x1A380;
	s26 =	simm.s32 $0x3  }
.LBB2_1:
0x17: {  	[dreg:$0xe] =	wrdreg s1  }
0x18: {  	s0 =	rddreg [dreg:$0x3]  }
0x19: {  	[tilespmem:s3], [sflag:$0x1] =	stream.linear.gather [hbm4b:s0+s3], $0xC80, $0x38;
	[tilespmem:$0x1F380] =	vst v63  }
0x1a: {  	s19 =	rddreg [dreg:$0x4];
	s20 =	simm.s32 $0xC80  }
0x1b: {  	[tilespmem:s20], [sflag:$0x1] =	stream.linear.gather [hbm4b:s19+s3], $0xC80, $0x38;
	[tilespmem:$0x1F380] =	vst v63  }
0x1c: {  	s30 =	rddreg [dreg:$0x5];
	s31 =	simm.s32 $0x1900  }
0x1d: {  	[tilespmem:s31], [sflag:$0x1] =	stream.linear.gather [hbm4b:s30+s3], $0xC80, $0x38;
	[tilespmem:$0x1F380] =	vst v63  }
0x1e: {  	s1 =	rddreg [dreg:$0x6];
	s18 =	simm.s32 $0x2580  }
0x1f: {  	[tilespmem:s18], [sflag:$0x1] =	stream.linear.gather [hbm4b:s1+s3], $0xC80, $0x38;
	[tilespmem:$0x1F380] =	vst v63  }
0x20: {  	s19 =	rddreg [dreg:$0x7];
	s20 =	simm.s32 $0x3200  }
0x21: {  	[tilespmem:s20], [sflag:$0x1] =	stream.linear.gather [hbm4b:s19+s3], $0xC80, $0x38;
	[tilespmem:$0x1F380] =	vst v63  }
0x22: {  	s30 =	rddreg [dreg:$0x8];
	s31 =	simm.s32 $0x3E80  }
0x23: {  	[tilespmem:s31], [sflag:$0x1] =	stream.linear.gather [hbm4b:s30+s3], $0xC80, $0x38;
	[tilespmem:$0x1F380] =	vst v63  }
0x24: {  	s1 =	rddreg [dreg:$0x9];
	s18 =	simm.s32 $0x4B00  }
0x25: {  	[tilespmem:s18], [sflag:$0x1] =	stream.linear.gather [hbm4b:s1+s3], $0xC80, $0x38;
	[tilespmem:$0x1F380] =	vst v63  }
0x26: {  	s19 =	rddreg [dreg:$0xa];
	s20 =	simm.s32 $0x5780  }
0x27: {  	[tilespmem:s20], [sflag:$0x1] =	stream.linear.gather [hbm4b:s19+s3], $0xC80, $0x38;
	[tilespmem:$0x1F380] =	vst v63  }
0x28: {  	s30 =	rddreg [dreg:$0xb];
	s31 =	simm.s32 $0x6400;
	s1 =	simm.s32 $0x1  }
0x29: {  	[tilespmem:s31], [sflag:$0x1] =	stream.linear.gather [hbm4b:s30+s3], $0xC80, $0x38;
	[tilespmem:$0x1F380] =	vst v63  }
0x2a: {  	_ =	swait.ge [sflag:s1], $0xC80  }
0x2b: {  	[sflag:s1] =	ssyncset.done $0x0  }
0x2c: {  	[sflag:s1] =	ssyncadd.s32 $0xFFFFF380  }
0x2d: {  	_ =	swait.ge [sflag:s1], $0xC80  }
0x2e: {  	[sflag:s1] =	ssyncset.done $0x0  }
0x2f: {  	[sflag:s1] =	ssyncadd.s32 $0xFFFFF380  }
0x30: {  	_ =	swait.ge [sflag:s1], $0xC80  }
0x31: {  	[sflag:s1] =	ssyncset.done $0x0  }
0x32: {  	[sflag:s1] =	ssyncadd.s32 $0xFFFFF380  }
0x33: {  	_ =	swait.ge [sflag:s1], $0xC80  }
0x34: {  	[sflag:s1] =	ssyncset.done $0x0  }
0x35: {  	[sflag:s1] =	ssyncadd.s32 $0xFFFFF380  }
0x36: {  	_ =	swait.ge [sflag:s1], $0xC80  }
0x37: {  	[sflag:s1] =	ssyncset.done $0x0  }
0x38: {  	[sflag:s1] =	ssyncadd.s32 $0xFFFFF380  }
0x39: {  	_ =	swait.ge [sflag:s1], $0xC80  }
0x3a: {  	[sflag:s1] =	ssyncset.done $0x0  }
0x3b: {  	[sflag:s1] =	ssyncadd.s32 $0xFFFFF380  }
0x3c: {  	_ =	swait.ge [sflag:s1], $0xC80  }
0x3d: {  	[sflag:s1] =	ssyncset.done $0x0  }
0x3e: {  	[sflag:s1] =	ssyncadd.s32 $0xFFFFF380  }
0x3f: {  	_ =	swait.ge [sflag:s1], $0xC80  }
0x40: {  	[sflag:s1] =	ssyncset.done $0x0  }
0x41: {  	[sflag:s1] =	ssyncadd.s32 $0xFFFFF380  }
0x42: {  	_ =	swait.ge [sflag:s1], $0xC80  }
0x43: {  	[sflag:s1] =	ssyncset.done $0x0  }
0x44: {  	[sflag:s1] =	ssyncadd.s32 $0xFFFFF380  }
0x45: {  	v3 =	vld [tilespmem:$0x0]  }
0x46: {  	v4 =	vld [tilespmem:$0x5780]  }
0x47: {  	v5 =	vld [tilespmem:$0x6400]  }
0x48: {  	v6 =	vld [tilespmem:$0xC80]  }
0x49: {  	v7 =	vld [tilespmem:$0x1900]  }
0x4a: {  	v8 =	vld [tilespmem:$0x2580]  }
0x4b: {  	v9 =	vld [tilespmem:$0x3200]  }
0x4c: {  	v10 =	vld [tilespmem:$0x3E80]  }
0x4d: {  	v11 =	vld [tilespmem:$0x4B00]  }
0x4e: {  	v12 =	vld [tilespmem:$0x10]  }
0x4f: {  	v13 =	vld [tilespmem:$0x5790]  }
0x50: {  	v14 =	vld [tilespmem:$0x6410]  }
0x51: {  	v15 =	vld [tilespmem:$0xC90]  }
0x52: {  	v16 =	vld [tilespmem:$0x1910]  }
0x53: {  	v17 =	vld [tilespmem:$0x2590]  }
0x54: {  	v18 =	vld [tilespmem:$0x3210]  }
0x55: {  	v19 =	vld [tilespmem:$0x3E90]  }
0x56: {  	v20 =	vld [tilespmem:$0x4B10]  }
0x57: {  	v21 =	vld [tilespmem:$0x20]  }
0x58: {  	v22 =	vld [tilespmem:$0x57A0]  }
0x59: {  	v23 =	vld [tilespmem:$0x6420];
	v6 =	vmul.u32 $0x90, v6;
	v7 =	vmul.u32 $0xC, v7  }
0x5a: {  	v24 =	vld [tilespmem:$0xCA0];
	v3 =	vshll.u32 v3, $0x2;
	v4 =	vshll.u32 v4, $0x1  }
0x5b: {  	v6 =	vadd.s32 v7, v6;
	v7 =	vmul.u32 $0x24, v9;
	v9 =	vmul.u32 $0x6, v10;
	v10 =	vld [tilespmem:$0x1920]  }
0x5c: {  	v3 =	vadd.s32 v3, v4;
	v4 =	vadd.s32 v8, v6;
	v6 =	vld [tilespmem:$0x25A0]  }
0x5d: {  	v12 =	vshll.u32 v12, $0x2;
	v8 =	vmul.u32 $0x90, v15;
	v15 =	vmul.u32 $0x24, v18;
	v18 =	vld [tilespmem:$0x4B20]  }
0x5e: {  	v13 =	vshll.u32 v13, $0x1;
	v3 =	vadd.s32 v5, v3;
	v5 =	vadd.s32 v9, v7;
	v7 =	vld [tilespmem:$0x3220]  }
0x5f: {  	[tilespmem:$0x7080] =	vst v3;
	v3 =	vadd.s32 v12, v13;
	v9 =	vmul.u32 $0xC, v16;
	v5 =	vadd.s32 v11, v5;
	v11 =	vld [tilespmem:$0x3EA0]  }
0x60: {  	v13 =	vld [tilespmem:$0x57B0];
	v4 =	vadd.s32 $0x1E0, v4;
	v16 =	vmul.u32 $0x6, v19;
	v3 =	vadd.s32 v14, v3  }
0x61: {  	v14 =	vld [tilespmem:$0x7080];
	v19 =	vshll.u32 v22, $0x1;
	v5 =	vadd.s32 $0x420, v5;
	v8 =	vadd.s32 v9, v8  }
0x62: {  	v9 =	vld [tilespmem:$0x30];
	v12 =	vadd.s32 v16, v15;
	v15 =	vshll.u32 v21, $0x2;
	v16 =	vmul.u32 $0x90, v24  }
0x63: {  	v8 =	vadd.s32 v17, v8;
	v12 =	vadd.s32 v20, v12;
	v10 =	vmul.u32 $0xC, v10;
	v17 =	vld [tilespmem:$0xCB0]  }
0x64: {  	v20 =	vld [tilespmem:$0x1930];
	v15 =	vadd.s32 v15, v19;
	v7 =	vmul.u32 $0x24, v7;
	v11 =	vmul.u32 $0x6, v11  }
0x65: {  	v8 =	vadd.s32 $0x1E0, v8;
	v12 =	vadd.s32 $0x420, v12;
	v10 =	vadd.s32 v10, v16;
	v16 =	vld [tilespmem:$0x3230]  }
0x66: {  	[tilespmem:$0x7100] =	vst v4;
	v4 =	vadd.s32 v23, v15;
	v6 =	vadd.s32 v6, v10;
	v10 =	vld [tilespmem:$0x3EB0];
	v7 =	vadd.s32 v11, v7  }
0x67: {  	[tilespmem:$0x7180] =	vst v5;
	v5 =	vadd.s32 $0x1E0, v6;
	v11 =	vshll.u32 v14, $0x1;
	v6 =	vadd.s32 v18, v7;
	v7 =	vld [tilespmem:$0x6430]  }
0x68: {  	[tilespmem:$0x7090] =	vst v3;
	v14 =	vand.u32 $0x7, v14;
	v11 =	vand.u32 $0xFFFFFFF0, v11;
	v3 =	vadd.s32 $0x420, v6;
	v6 =	vld [tilespmem:$0x25B0]  }
0x69: {  	[tilespmem:$0x7110] =	vst v8;
	v8 =	vshll.u32 v9, $0x2;
	v9 =	vshll.u32 v13, $0x1;
	v13 =	vld [tilespmem:$0x4B30];
	v11 =	vor.u32 v14, v11  }
0x6a: {  	[tilespmem:$0x7190] =	vst v12;
	v12 =	vmul.u32 $0x90, v17;
	v14 =	vmul.u32 $0xC, v20;
	v15 =	vperm.xlane v11, v0  }
0x6b: {  	[tilespmem:$0x70A0] =	vst v4;
	v4 =	vadd.s32 v8, v9;
	v8 =	vmul.u32 $0x24, v16;
	v9 =	vmul.u32 $0x6, v10  }
0x6c: {  	[tilespmem:$0x7120] =	vst v5;
	v11 =	vperm.xlane v11, v2;
	v5 =	vadd.s32 v14, v12;
	v10 =	vadd.s32 v1, v15  }
0x6d: {  	[tilespmem:$0x71A0] =	vst v3;
	v3 =	vadd.s32 v7, v4;
	v4 =	vadd.s32 v6, v5;
	v5 =	vadd.s32 v9, v8  }
0x6e: {  	[tilespmem:$0x70B0] =	vst v3;
	v3 =	vadd.s32 $0x1E0, v4;
	v4 =	vadd.s32 v13, v5;
	v5 =	vadd.s32 v1, v11  }
0x6f: {  	[tilespmem:$0x7130] =	vst v3;
	v3 =	vadd.s32 $0x420, v4  }
0x70: {  	[tilespmem:$0x71B0] =	vst v3  }
0x71: {  	[tilespmem:s28], [sflag:$0x2] =	stream.indirect_vreg.gather [hbm4b:s4+s3], $0x80, v10, vm0, $0xb8;
	[tilespmem:$0x1F380] =	vst v63  }
0x72: {  	s18 =	simm.s32 $0x7B80  }
0x73: {  	[tilespmem:s18], [sflag:$0x2] =	stream.indirect_vreg.gather [hbm4b:s4+s3], $0x80, v5, vm0, $0xb8;
	[tilespmem:$0x1F380] =	vst v63  }
0x74: {  	v3 =	vld [tilespmem:$0x7090];
	_ =	sdelay $0x4  }
0x75: {  	v4 =	vshll.u32 v3, $0x1  }
0x76: {  	v3 =	vand.u32 $0x7, v3;
	v4 =	vand.u32 $0xFFFFFFF0, v4  }
0x77: {  	v3 =	vor.u32 v3, v4  }
0x78: {  	v4 =	vperm.xlane v3, v0;
	_ =	sdelay $0x1  }
0x79: {  	v3 =	vperm.xlane v3, v2;
	v4 =	vadd.s32 v1, v4;
	_ =	sdelay $0x1  }
0x7a: {  	v3 =	vadd.s32 v1, v3;
	_ =	sdelay $0x1  }
0x7b: {  	s19 =	simm.s32 $0x8380  }
0x7c: {  	[tilespmem:s19], [sflag:$0x2] =	stream.indirect_vreg.gather [hbm4b:s4+s3], $0x80, v4, vm0, $0xb8;
	[tilespmem:$0x1F380] =	vst v63  }
0x7d: {  	s20 =	simm.s32 $0x8B80  }
0x7e: {  	[tilespmem:s20], [sflag:$0x2] =	stream.indirect_vreg.gather [hbm4b:s4+s3], $0x80, v3, vm0, $0xb8;
	[tilespmem:$0x1F380] =	vst v63  }
0x7f: {  	v3 =	vld [tilespmem:$0x70A0];
	_ =	sdelay $0x4  }
0x80: {  	v4 =	vshll.u32 v3, $0x1  }
0x81: {  	v3 =	vand.u32 $0x7, v3;
	v4 =	vand.u32 $0xFFFFFFF0, v4  }
0x82: {  	v3 =	vor.u32 v3, v4  }
0x83: {  	v4 =	vperm.xlane v3, v0;
	_ =	sdelay $0x1  }
0x84: {  	v3 =	vperm.xlane v3, v2;
	v4 =	vadd.s32 v1, v4;
	_ =	sdelay $0x1  }
0x85: {  	v3 =	vadd.s32 v1, v3;
	_ =	sdelay $0x1  }
0x86: {  	s30 =	simm.s32 $0x9380  }
0x87: {  	[tilespmem:s30], [sflag:$0x2] =	stream.indirect_vreg.gather [hbm4b:s4+s3], $0x80, v4, vm0, $0xb8;
	[tilespmem:$0x1F380] =	vst v63  }
0x88: {  	s31 =	simm.s32 $0x9B80  }
0x89: {  	[tilespmem:s31], [sflag:$0x2] =	stream.indirect_vreg.gather [hbm4b:s4+s3], $0x80, v3, vm0, $0xb8;
	[tilespmem:$0x1F380] =	vst v63  }
0x8a: {  	v3 =	vld [tilespmem:$0x70B0];
	_ =	sdelay $0x4  }
0x8b: {  	v4 =	vshll.u32 v3, $0x1  }
0x8c: {  	v3 =	vand.u32 $0x7, v3;
	v4 =	vand.u32 $0xFFFFFFF0, v4  }
0x8d: {  	v3 =	vor.u32 v3, v4  }
0x8e: {  	v4 =	vperm.xlane v3, v0;
	_ =	sdelay $0x1  }
0x8f: {  	v3 =	vperm.xlane v3, v2;
	v4 =	vadd.s32 v1, v4;
	_ =	sdelay $0x1  }
0x90: {  	v3 =	vadd.s32 v1, v3;
	_ =	sdelay $0x1  }
0x91: {  	s1 =	simm.s32 $0xA380  }
0x92: {  	[tilespmem:s1], [sflag:$0x2] =	stream.indirect_vreg.gather [hbm4b:s4+s3], $0x80, v4, vm0, $0xb8;
	[tilespmem:$0x1F380] =	vst v63  }
0x93: {  	s18 =	simm.s32 $0xAB80  }
0x94: {  	[tilespmem:s18], [sflag:$0x2] =	stream.indirect_vreg.gather [hbm4b:s4+s3], $0x80, v3, vm0, $0xb8;
	[tilespmem:$0x1F380] =	vst v63  }
0x95: {  	v3 =	vld [tilespmem:$0x7100];
	_ =	sdelay $0x4  }
0x96: {  	v4 =	vshll.u32 v3, $0x1  }
0x97: {  	v3 =	vand.u32 $0x7, v3;
	v4 =	vand.u32 $0xFFFFFFF0, v4  }
0x98: {  	v3 =	vor.u32 v3, v4  }
0x99: {  	v4 =	vperm.xlane v3, v0;
	_ =	sdelay $0x1  }
0x9a: {  	v3 =	vperm.xlane v3, v2;
	v4 =	vadd.s32 v1, v4;
	_ =	sdelay $0x1  }
0x9b: {  	v3 =	vadd.s32 v1, v3;
	_ =	sdelay $0x1  }
0x9c: {  	s19 =	simm.s32 $0xB380  }
0x9d: {  	[tilespmem:s19], [sflag:$0x2] =	stream.indirect_vreg.gather [hbm4b:s4+s3], $0x80, v4, vm0, $0xb8;
	[tilespmem:$0x1F380] =	vst v63  }
0x9e: {  	s20 =	simm.s32 $0xBB80  }
0x9f: {  	[tilespmem:s20], [sflag:$0x2] =	stream.indirect_vreg.gather [hbm4b:s4+s3], $0x80, v3, vm0, $0xb8;
	[tilespmem:$0x1F380] =	vst v63  }
0xa0: {  	v3 =	vld [tilespmem:$0x7110];
	_ =	sdelay $0x4  }
0xa1: {  	v4 =	vshll.u32 v3, $0x1  }
0xa2: {  	v3 =	vand.u32 $0x7, v3;
	v4 =	vand.u32 $0xFFFFFFF0, v4  }
0xa3: {  	v3 =	vor.u32 v3, v4  }
0xa4: {  	v4 =	vperm.xlane v3, v0;
	_ =	sdelay $0x1  }
0xa5: {  	v3 =	vperm.xlane v3, v2;
	v4 =	vadd.s32 v1, v4;
	_ =	sdelay $0x1  }
0xa6: {  	v3 =	vadd.s32 v1, v3;
	_ =	sdelay $0x1  }
0xa7: {  	s30 =	simm.s32 $0xC380  }
0xa8: {  	[tilespmem:s30], [sflag:$0x2] =	stream.indirect_vreg.gather [hbm4b:s4+s3], $0x80, v4, vm0, $0xb8;
	[tilespmem:$0x1F380] =	vst v63  }
0xa9: {  	s31 =	simm.s32 $0xCB80  }
0xaa: {  	[tilespmem:s31], [sflag:$0x2] =	stream.indirect_vreg.gather [hbm4b:s4+s3], $0x80, v3, vm0, $0xb8;
	[tilespmem:$0x1F380] =	vst v63  }
0xab: {  	v3 =	vld [tilespmem:$0x7120];
	_ =	sdelay $0x4  }
0xac: {  	v4 =	vshll.u32 v3, $0x1  }
0xad: {  	v3 =	vand.u32 $0x7, v3;
	v4 =	vand.u32 $0xFFFFFFF0, v4  }
0xae: {  	v3 =	vor.u32 v3, v4  }
0xaf: {  	v4 =	vperm.xlane v3, v0;
	_ =	sdelay $0x1  }
0xb0: {  	v3 =	vperm.xlane v3, v2;
	v4 =	vadd.s32 v1, v4;
	_ =	sdelay $0x1  }
0xb1: {  	v3 =	vadd.s32 v1, v3;
	_ =	sdelay $0x1  }
0xb2: {  	s1 =	simm.s32 $0xD380  }
0xb3: {  	[tilespmem:s1], [sflag:$0x2] =	stream.indirect_vreg.gather [hbm4b:s4+s3], $0x80, v4, vm0, $0xb8;
	[tilespmem:$0x1F380] =	vst v63  }
0xb4: {  	s18 =	simm.s32 $0xDB80  }
0xb5: {  	[tilespmem:s18], [sflag:$0x2] =	stream.indirect_vreg.gather [hbm4b:s4+s3], $0x80, v3, vm0, $0xb8;
	[tilespmem:$0x1F380] =	vst v63  }
0xb6: {  	v3 =	vld [tilespmem:$0x7130];
	_ =	sdelay $0x4  }
0xb7: {  	v4 =	vshll.u32 v3, $0x1  }
0xb8: {  	v3 =	vand.u32 $0x7, v3;
	v4 =	vand.u32 $0xFFFFFFF0, v4  }
0xb9: {  	v3 =	vor.u32 v3, v4  }
0xba: {  	v4 =	vperm.xlane v3, v0;
	_ =	sdelay $0x1  }
0xbb: {  	v3 =	vperm.xlane v3, v2;
	v4 =	vadd.s32 v1, v4;
	_ =	sdelay $0x1  }
0xbc: {  	v3 =	vadd.s32 v1, v3;
	_ =	sdelay $0x1  }
0xbd: {  	s19 =	simm.s32 $0xE380  }
0xbe: {  	[tilespmem:s19], [sflag:$0x2] =	stream.indirect_vreg.gather [hbm4b:s4+s3], $0x80, v4, vm0, $0xb8;
	[tilespmem:$0x1F380] =	vst v63  }
0xbf: {  	s20 =	simm.s32 $0xEB80  }
0xc0: {  	[tilespmem:s20], [sflag:$0x2] =	stream.indirect_vreg.gather [hbm4b:s4+s3], $0x80, v3, vm0, $0xb8;
	[tilespmem:$0x1F380] =	vst v63  }
0xc1: {  	v3 =	vld [tilespmem:$0x7180];
	_ =	sdelay $0x4  }
0xc2: {  	v4 =	vshll.u32 v3, $0x1  }
0xc3: {  	v3 =	vand.u32 $0x7, v3;
	v4 =	vand.u32 $0xFFFFFFF0, v4  }
0xc4: {  	v3 =	vor.u32 v3, v4  }
0xc5: {  	v4 =	vperm.xlane v3, v0;
	_ =	sdelay $0x1  }
0xc6: {  	v3 =	vperm.xlane v3, v2;
	v4 =	vadd.s32 v1, v4;
	_ =	sdelay $0x1  }
0xc7: {  	v3 =	vadd.s32 v1, v3;
	_ =	sdelay $0x1  }
0xc8: {  	s30 =	simm.s32 $0xF380  }
0xc9: {  	[tilespmem:s30], [sflag:$0x2] =	stream.indirect_vreg.gather [hbm4b:s4+s3], $0x80, v4, vm0, $0xb8;
	[tilespmem:$0x1F380] =	vst v63  }
0xca: {  	s31 =	simm.s32 $0xFB80  }
0xcb: {  	[tilespmem:s31], [sflag:$0x2] =	stream.indirect_vreg.gather [hbm4b:s4+s3], $0x80, v3, vm0, $0xb8;
	[tilespmem:$0x1F380] =	vst v63  }
0xcc: {  	v3 =	vld [tilespmem:$0x7190];
	_ =	sdelay $0x4  }
0xcd: {  	v4 =	vshll.u32 v3, $0x1  }
0xce: {  	v3 =	vand.u32 $0x7, v3;
	v4 =	vand.u32 $0xFFFFFFF0, v4  }
0xcf: {  	v3 =	vor.u32 v3, v4  }
0xd0: {  	v4 =	vperm.xlane v3, v0;
	_ =	sdelay $0x1  }
0xd1: {  	v3 =	vperm.xlane v3, v2;
	v4 =	vadd.s32 v1, v4;
	_ =	sdelay $0x1  }
0xd2: {  	v3 =	vadd.s32 v1, v3;
	_ =	sdelay $0x1  }
0xd3: {  	s1 =	simm.s32 $0x10380  }
0xd4: {  	[tilespmem:s1], [sflag:$0x2] =	stream.indirect_vreg.gather [hbm4b:s4+s3], $0x80, v4, vm0, $0xb8;
	[tilespmem:$0x1F380] =	vst v63  }
0xd5: {  	s18 =	simm.s32 $0x10B80  }
0xd6: {  	[tilespmem:s18], [sflag:$0x2] =	stream.indirect_vreg.gather [hbm4b:s4+s3], $0x80, v3, vm0, $0xb8;
	[tilespmem:$0x1F380] =	vst v63  }
0xd7: {  	v3 =	vld [tilespmem:$0x71A0];
	_ =	sdelay $0x4  }
0xd8: {  	v4 =	vshll.u32 v3, $0x1  }
0xd9: {  	v3 =	vand.u32 $0x7, v3;
	v4 =	vand.u32 $0xFFFFFFF0, v4  }
0xda: {  	v3 =	vor.u32 v3, v4  }
0xdb: {  	v4 =	vperm.xlane v3, v0;
	_ =	sdelay $0x1  }
0xdc: {  	v3 =	vperm.xlane v3, v2;
	v4 =	vadd.s32 v1, v4;
	_ =	sdelay $0x1  }
0xdd: {  	v3 =	vadd.s32 v1, v3;
	_ =	sdelay $0x1  }
0xde: {  	s19 =	simm.s32 $0x11380  }
0xdf: {  	[tilespmem:s19], [sflag:$0x2] =	stream.indirect_vreg.gather [hbm4b:s4+s3], $0x80, v4, vm0, $0xb8;
	[tilespmem:$0x1F380] =	vst v63  }
0xe0: {  	s20 =	simm.s32 $0x11B80  }
0xe1: {  	[tilespmem:s20], [sflag:$0x2] =	stream.indirect_vreg.gather [hbm4b:s4+s3], $0x80, v3, vm0, $0xb8;
	[tilespmem:$0x1F380] =	vst v63  }
0xe2: {  	v3 =	vld [tilespmem:$0x71B0];
	_ =	sdelay $0x4  }
0xe3: {  	v4 =	vshll.u32 v3, $0x1  }
0xe4: {  	v3 =	vand.u32 $0x7, v3;
	v4 =	vand.u32 $0xFFFFFFF0, v4  }
0xe5: {  	v3 =	vor.u32 v3, v4  }
0xe6: {  	v4 =	vperm.xlane v3, v0;
	_ =	sdelay $0x1  }
0xe7: {  	v3 =	vperm.xlane v3, v2;
	v4 =	vadd.s32 v1, v4;
	_ =	sdelay $0x1  }
0xe8: {  	v3 =	vadd.s32 v1, v3;
	_ =	sdelay $0x1  }
0xe9: {  	s30 =	simm.s32 $0x12380  }
0xea: {  	[tilespmem:s30], [sflag:$0x2] =	stream.indirect_vreg.gather [hbm4b:s4+s3], $0x80, v4, vm0, $0xb8;
	[tilespmem:$0x1F380] =	vst v63  }
0xeb: {  	s31 =	simm.s32 $0x12B80  }
0xec: {  	[tilespmem:s31], [sflag:$0x2] =	stream.indirect_vreg.gather [hbm4b:s4+s3], $0x80, v3, vm0, $0xb8;
	[tilespmem:$0x1F380] =	vst v63  }
0xed: {  	v3 =	vld [tilespmem:$0x40]  }
0xee: {  	v4 =	vld [tilespmem:$0x57C0]  }
0xef: {  	v5 =	vld [tilespmem:$0x6440]  }
0xf0: {  	v6 =	vld [tilespmem:$0xCC0]  }
0xf1: {  	v7 =	vld [tilespmem:$0x1940]  }
0xf2: {  	v8 =	vld [tilespmem:$0x25C0]  }
0xf3: {  	v9 =	vld [tilespmem:$0x3240]  }
0xf4: {  	v10 =	vld [tilespmem:$0x3EC0]  }
0xf5: {  	v11 =	vld [tilespmem:$0x4B40]  }
0xf6: {  	v12 =	vld [tilespmem:$0x50]  }
0xf7: {  	v13 =	vld [tilespmem:$0x57D0]  }
0xf8: {  	v14 =	vld [tilespmem:$0x6450]  }
0xf9: {  	v15 =	vld [tilespmem:$0xCD0]  }
0xfa: {  	v16 =	vld [tilespmem:$0x1950]  }
0xfb: {  	v17 =	vld [tilespmem:$0x25D0]  }
0xfc: {  	v18 =	vld [tilespmem:$0x3250]  }
0xfd: {  	v19 =	vld [tilespmem:$0x3ED0]  }
0xfe: {  	v20 =	vld [tilespmem:$0x4B50]  }
0xff: {  	v21 =	vld [tilespmem:$0x60]  }
0x100: {  	v22 =	vld [tilespmem:$0x57E0]  }
0x101: {  	v23 =	vld [tilespmem:$0x6460];
	v6 =	vmul.u32 $0x90, v6;
	v7 =	vmul.u32 $0xC, v7  }
0x102: {  	v24 =	vld [tilespmem:$0xCE0];
	v3 =	vshll.u32 v3, $0x2;
	v4 =	vshll.u32 v4, $0x1  }
0x103: {  	v6 =	vadd.s32 v7, v6;
	v7 =	vmul.u32 $0x24, v9;
	v9 =	vmul.u32 $0x6, v10;
	v10 =	vld [tilespmem:$0x1960]  }
0x104: {  	v3 =	vadd.s32 v3, v4;
	v4 =	vadd.s32 v8, v6;
	v6 =	vld [tilespmem:$0x25E0]  }
0x105: {  	v12 =	vshll.u32 v12, $0x2;
	v8 =	vmul.u32 $0x90, v15;
	v15 =	vmul.u32 $0x24, v18;
	v18 =	vld [tilespmem:$0x4B60]  }
0x106: {  	v13 =	vshll.u32 v13, $0x1;
	v3 =	vadd.s32 v5, v3;
	v5 =	vadd.s32 v9, v7;
	v7 =	vld [tilespmem:$0x3260]  }
0x107: {  	[tilespmem:$0x7200] =	vst v3;
	v3 =	vadd.s32 v12, v13;
	v9 =	vmul.u32 $0xC, v16;
	v5 =	vadd.s32 v11, v5;
	v11 =	vld [tilespmem:$0x3EE0]  }
0x108: {  	v13 =	vld [tilespmem:$0x57F0];
	v4 =	vadd.s32 $0x1E0, v4;
	v16 =	vmul.u32 $0x6, v19;
	v3 =	vadd.s32 v14, v3  }
0x109: {  	v14 =	vld [tilespmem:$0x7200];
	v19 =	vshll.u32 v22, $0x1;
	v5 =	vadd.s32 $0x420, v5;
	v8 =	vadd.s32 v9, v8  }
0x10a: {  	v9 =	vld [tilespmem:$0x70];
	v12 =	vadd.s32 v16, v15;
	v15 =	vshll.u32 v21, $0x2;
	v16 =	vmul.u32 $0x90, v24  }
0x10b: {  	v8 =	vadd.s32 v17, v8;
	v12 =	vadd.s32 v20, v12;
	v10 =	vmul.u32 $0xC, v10;
	v17 =	vld [tilespmem:$0xCF0]  }
0x10c: {  	v20 =	vld [tilespmem:$0x1970];
	v15 =	vadd.s32 v15, v19;
	v7 =	vmul.u32 $0x24, v7;
	v11 =	vmul.u32 $0x6, v11  }
0x10d: {  	v8 =	vadd.s32 $0x1E0, v8;
	v12 =	vadd.s32 $0x420, v12;
	v10 =	vadd.s32 v10, v16;
	v16 =	vld [tilespmem:$0x3270]  }
0x10e: {  	[tilespmem:$0x7280] =	vst v4;
	v4 =	vadd.s32 v23, v15;
	v6 =	vadd.s32 v6, v10;
	v10 =	vld [tilespmem:$0x3EF0];
	v7 =	vadd.s32 v11, v7  }
0x10f: {  	[tilespmem:$0x7300] =	vst v5;
	v5 =	vadd.s32 $0x1E0, v6;
	v11 =	vshll.u32 v14, $0x1;
	v6 =	vadd.s32 v18, v7;
	v7 =	vld [tilespmem:$0x6470]  }
0x110: {  	[tilespmem:$0x7210] =	vst v3;
	v14 =	vand.u32 $0x7, v14;
	v11 =	vand.u32 $0xFFFFFFF0, v11;
	v3 =	vadd.s32 $0x420, v6;
	v6 =	vld [tilespmem:$0x25F0]  }
0x111: {  	[tilespmem:$0x7290] =	vst v8;
	v8 =	vshll.u32 v9, $0x2;
	v9 =	vshll.u32 v13, $0x1;
	v13 =	vld [tilespmem:$0x4B70];
	v11 =	vor.u32 v14, v11  }
0x112: {  	[tilespmem:$0x7310] =	vst v12;
	v12 =	vmul.u32 $0x90, v17;
	v14 =	vmul.u32 $0xC, v20;
	v15 =	vperm.xlane v11, v0  }
0x113: {  	[tilespmem:$0x7220] =	vst v4;
	v4 =	vadd.s32 v8, v9;
	v8 =	vmul.u32 $0x24, v16;
	v9 =	vmul.u32 $0x6, v10  }
0x114: {  	[tilespmem:$0x72A0] =	vst v5;
	v11 =	vperm.xlane v11, v2;
	v5 =	vadd.s32 v14, v12;
	v10 =	vadd.s32 v1, v15  }
0x115: {  	[tilespmem:$0x7320] =	vst v3;
	v3 =	vadd.s32 v7, v4;
	v4 =	vadd.s32 v6, v5;
	v5 =	vadd.s32 v9, v8  }
0x116: {  	[tilespmem:$0x7230] =	vst v3;
	v3 =	vadd.s32 $0x1E0, v4;
	v4 =	vadd.s32 v13, v5;
	v5 =	vadd.s32 v1, v11  }
0x117: {  	[tilespmem:$0x72B0] =	vst v3;
	v3 =	vadd.s32 $0x420, v4  }
0x118: {  	[tilespmem:$0x7330] =	vst v3  }
0x119: {  	[tilespmem:s17], [sflag:$0x3] =	stream.indirect_vreg.gather [hbm4b:s4+s3], $0x80, v10, vm0, $0xb8;
	[tilespmem:$0x1F380] =	vst v63  }
0x11a: {  	s1 =	simm.s32 $0x13B80  }
0x11b: {  	[tilespmem:s1], [sflag:$0x3] =	stream.indirect_vreg.gather [hbm4b:s4+s3], $0x80, v5, vm0, $0xb8;
	[tilespmem:$0x1F380] =	vst v63  }
0x11c: {  	v3 =	vld [tilespmem:$0x7210];
	_ =	sdelay $0x4  }
0x11d: {  	v4 =	vshll.u32 v3, $0x1  }
0x11e: {  	v3 =	vand.u32 $0x7, v3;
	v4 =	vand.u32 $0xFFFFFFF0, v4  }
0x11f: {  	v3 =	vor.u32 v3, v4  }
0x120: {  	v4 =	vperm.xlane v3, v0;
	_ =	sdelay $0x1  }
0x121: {  	v3 =	vperm.xlane v3, v2;
	v4 =	vadd.s32 v1, v4;
	_ =	sdelay $0x1  }
0x122: {  	v3 =	vadd.s32 v1, v3;
	_ =	sdelay $0x1  }
0x123: {  	s18 =	simm.s32 $0x14380  }
0x124: {  	[tilespmem:s18], [sflag:$0x3] =	stream.indirect_vreg.gather [hbm4b:s4+s3], $0x80, v4, vm0, $0xb8;
	[tilespmem:$0x1F380] =	vst v63  }
0x125: {  	s19 =	simm.s32 $0x14B80  }
0x126: {  	[tilespmem:s19], [sflag:$0x3] =	stream.indirect_vreg.gather [hbm4b:s4+s3], $0x80, v3, vm0, $0xb8;
	[tilespmem:$0x1F380] =	vst v63  }
0x127: {  	v3 =	vld [tilespmem:$0x7220];
	_ =	sdelay $0x4  }
0x128: {  	v4 =	vshll.u32 v3, $0x1  }
0x129: {  	v3 =	vand.u32 $0x7, v3;
	v4 =	vand.u32 $0xFFFFFFF0, v4  }
0x12a: {  	v3 =	vor.u32 v3, v4  }
0x12b: {  	v4 =	vperm.xlane v3, v0;
	_ =	sdelay $0x1  }
0x12c: {  	v3 =	vperm.xlane v3, v2;
	v4 =	vadd.s32 v1, v4;
	_ =	sdelay $0x1  }
0x12d: {  	v3 =	vadd.s32 v1, v3;
	_ =	sdelay $0x1  }
0x12e: {  	s20 =	simm.s32 $0x15380  }
0x12f: {  	[tilespmem:s20], [sflag:$0x3] =	stream.indirect_vreg.gather [hbm4b:s4+s3], $0x80, v4, vm0, $0xb8;
	[tilespmem:$0x1F380] =	vst v63  }
0x130: {  	s30 =	simm.s32 $0x15B80  }
0x131: {  	[tilespmem:s30], [sflag:$0x3] =	stream.indirect_vreg.gather [hbm4b:s4+s3], $0x80, v3, vm0, $0xb8;
	[tilespmem:$0x1F380] =	vst v63  }
0x132: {  	v3 =	vld [tilespmem:$0x7230];
	_ =	sdelay $0x4  }
0x133: {  	v4 =	vshll.u32 v3, $0x1  }
0x134: {  	v3 =	vand.u32 $0x7, v3;
	v4 =	vand.u32 $0xFFFFFFF0, v4  }
0x135: {  	v3 =	vor.u32 v3, v4  }
0x136: {  	v4 =	vperm.xlane v3, v0;
	_ =	sdelay $0x1  }
0x137: {  	v3 =	vperm.xlane v3, v2;
	v4 =	vadd.s32 v1, v4;
	_ =	sdelay $0x1  }
0x138: {  	v3 =	vadd.s32 v1, v3;
	_ =	sdelay $0x1  }
0x139: {  	s31 =	simm.s32 $0x16380  }
0x13a: {  	[tilespmem:s31], [sflag:$0x3] =	stream.indirect_vreg.gather [hbm4b:s4+s3], $0x80, v4, vm0, $0xb8;
	[tilespmem:$0x1F380] =	vst v63  }
0x13b: {  	s1 =	simm.s32 $0x16B80  }
0x13c: {  	[tilespmem:s1], [sflag:$0x3] =	stream.indirect_vreg.gather [hbm4b:s4+s3], $0x80, v3, vm0, $0xb8;
	[tilespmem:$0x1F380] =	vst v63  }
0x13d: {  	v3 =	vld [tilespmem:$0x7280];
	_ =	sdelay $0x4  }
0x13e: {  	v4 =	vshll.u32 v3, $0x1  }
0x13f: {  	v3 =	vand.u32 $0x7, v3;
	v4 =	vand.u32 $0xFFFFFFF0, v4  }
0x140: {  	v3 =	vor.u32 v3, v4  }
0x141: {  	v4 =	vperm.xlane v3, v0;
	_ =	sdelay $0x1  }
0x142: {  	v3 =	vperm.xlane v3, v2;
	v4 =	vadd.s32 v1, v4;
	_ =	sdelay $0x1  }
0x143: {  	v3 =	vadd.s32 v1, v3;
	_ =	sdelay $0x1  }
0x144: {  	s18 =	simm.s32 $0x17380  }
0x145: {  	[tilespmem:s18], [sflag:$0x3] =	stream.indirect_vreg.gather [hbm4b:s4+s3], $0x80, v4, vm0, $0xb8;
	[tilespmem:$0x1F380] =	vst v63  }
0x146: {  	s19 =	simm.s32 $0x17B80  }
0x147: {  	[tilespmem:s19], [sflag:$0x3] =	stream.indirect_vreg.gather [hbm4b:s4+s3], $0x80, v3, vm0, $0xb8;
	[tilespmem:$0x1F380] =	vst v63  }
0x148: {  	v3 =	vld [tilespmem:$0x7290];
	_ =	sdelay $0x4  }
0x149: {  	v4 =	vshll.u32 v3, $0x1  }
0x14a: {  	v3 =	vand.u32 $0x7, v3;
	v4 =	vand.u32 $0xFFFFFFF0, v4  }
0x14b: {  	v3 =	vor.u32 v3, v4  }
0x14c: {  	v4 =	vperm.xlane v3, v0;
	_ =	sdelay $0x1  }
0x14d: {  	v3 =	vperm.xlane v3, v2;
	v4 =	vadd.s32 v1, v4;
	_ =	sdelay $0x1  }
0x14e: {  	v3 =	vadd.s32 v1, v3;
	_ =	sdelay $0x1  }
0x14f: {  	s20 =	simm.s32 $0x18380  }
0x150: {  	[tilespmem:s20], [sflag:$0x3] =	stream.indirect_vreg.gather [hbm4b:s4+s3], $0x80, v4, vm0, $0xb8;
	[tilespmem:$0x1F380] =	vst v63  }
0x151: {  	_ = 	snop  }
0x152: {  	[tilespmem:s21], [sflag:$0x3] =	stream.indirect_vreg.gather [hbm4b:s4+s3], $0x80, v3, vm0, $0xb8;
	[tilespmem:$0x1F380] =	vst v63  }
0x153: {  	v3 =	vld [tilespmem:$0x72A0];
	_ =	sdelay $0x4  }
0x154: {  	v4 =	vshll.u32 v3, $0x1  }
0x155: {  	v3 =	vand.u32 $0x7, v3;
	v4 =	vand.u32 $0xFFFFFFF0, v4  }
0x156: {  	v3 =	vor.u32 v3, v4  }
0x157: {  	v4 =	vperm.xlane v3, v0;
	_ =	sdelay $0x1  }
0x158: {  	v3 =	vperm.xlane v3, v2;
	v4 =	vadd.s32 v1, v4;
	_ =	sdelay $0x1  }
0x159: {  	v3 =	vadd.s32 v1, v3;
	_ =	sdelay $0x2  }
0x15a: {  	[tilespmem:s22], [sflag:$0x3] =	stream.indirect_vreg.gather [hbm4b:s4+s3], $0x80, v4, vm0, $0xb8;
	[tilespmem:$0x1F380] =	vst v63  }
0x15b: {  	_ = 	snop  }
0x15c: {  	[tilespmem:s23], [sflag:$0x3] =	stream.indirect_vreg.gather [hbm4b:s4+s3], $0x80, v3, vm0, $0xb8;
	[tilespmem:$0x1F380] =	vst v63  }
0x15d: {  	v3 =	vld [tilespmem:$0x72B0];
	_ =	sdelay $0x4  }
0x15e: {  	v4 =	vshll.u32 v3, $0x1  }
0x15f: {  	v3 =	vand.u32 $0x7, v3;
	v4 =	vand.u32 $0xFFFFFFF0, v4  }
0x160: {  	v3 =	vor.u32 v3, v4  }
0x161: {  	v4 =	vperm.xlane v3, v0;
	_ =	sdelay $0x1  }
0x162: {  	v3 =	vperm.xlane v3, v2;
	v4 =	vadd.s32 v1, v4;
	_ =	sdelay $0x1  }
0x163: {  	v3 =	vadd.s32 v1, v3;
	_ =	sdelay $0x2  }
0x164: {  	[tilespmem:s24], [sflag:$0x3] =	stream.indirect_vreg.gather [hbm4b:s4+s3], $0x80, v4, vm0, $0xb8;
	[tilespmem:$0x1F380] =	vst v63  }
0x165: {  	_ = 	snop  }
0x166: {  	[tilespmem:s25], [sflag:$0x3] =	stream.indirect_vreg.gather [hbm4b:s4+s3], $0x80, v3, vm0, $0xb8;
	[tilespmem:$0x1F380] =	vst v63  }
0x167: {  	v3 =	vld [tilespmem:$0x7300];
	_ =	sdelay $0x4  }
0x168: {  	v4 =	vshll.u32 v3, $0x1  }
0x169: {  	v3 =	vand.u32 $0x7, v3;
	v4 =	vand.u32 $0xFFFFFFF0, v4  }
0x16a: {  	v3 =	vor.u32 v3, v4  }
0x16b: {  	v4 =	vperm.xlane v3, v0;
	_ =	sdelay $0x1  }
0x16c: {  	v3 =	vperm.xlane v3, v2;
	v4 =	vadd.s32 v1, v4;
	_ =	sdelay $0x1  }
0x16d: {  	v3 =	vadd.s32 v1, v3;
	_ =	sdelay $0x2  }
0x16e: {  	[tilespmem:s5], [sflag:$0x3] =	stream.indirect_vreg.gather [hbm4b:s4+s3], $0x80, v4, vm0, $0xb8;
	[tilespmem:$0x1F380] =	vst v63  }
0x16f: {  	_ = 	snop  }
0x170: {  	[tilespmem:s6], [sflag:$0x3] =	stream.indirect_vreg.gather [hbm4b:s4+s3], $0x80, v3, vm0, $0xb8;
	[tilespmem:$0x1F380] =	vst v63  }
0x171: {  	v3 =	vld [tilespmem:$0x7310];
	_ =	sdelay $0x4  }
0x172: {  	v4 =	vshll.u32 v3, $0x1  }
0x173: {  	v3 =	vand.u32 $0x7, v3;
	v4 =	vand.u32 $0xFFFFFFF0, v4  }
0x174: {  	v3 =	vor.u32 v3, v4  }
0x175: {  	v4 =	vperm.xlane v3, v0;
	_ =	sdelay $0x1  }
0x176: {  	v3 =	vperm.xlane v3, v2;
	v4 =	vadd.s32 v1, v4;
	_ =	sdelay $0x1  }
0x177: {  	v3 =	vadd.s32 v1, v3;
	_ =	sdelay $0x2  }
0x178: {  	[tilespmem:s7], [sflag:$0x3] =	stream.indirect_vreg.gather [hbm4b:s4+s3], $0x80, v4, vm0, $0xb8;
	[tilespmem:$0x1F380] =	vst v63  }
0x179: {  	_ = 	snop  }
0x17a: {  	[tilespmem:s8], [sflag:$0x3] =	stream.indirect_vreg.gather [hbm4b:s4+s3], $0x80, v3, vm0, $0xb8;
	[tilespmem:$0x1F380] =	vst v63  }
0x17b: {  	v3 =	vld [tilespmem:$0x7320];
	_ =	sdelay $0x4  }
0x17c: {  	v4 =	vshll.u32 v3, $0x1  }
0x17d: {  	v3 =	vand.u32 $0x7, v3;
	v4 =	vand.u32 $0xFFFFFFF0, v4  }
0x17e: {  	v3 =	vor.u32 v3, v4  }
0x17f: {  	v4 =	vperm.xlane v3, v0;
	_ =	sdelay $0x1  }
0x180: {  	v3 =	vperm.xlane v3, v2;
	v4 =	vadd.s32 v1, v4;
	_ =	sdelay $0x1  }
0x181: {  	v3 =	vadd.s32 v1, v3;
	_ =	sdelay $0x2  }
0x182: {  	[tilespmem:s9], [sflag:$0x3] =	stream.indirect_vreg.gather [hbm4b:s4+s3], $0x80, v4, vm0, $0xb8;
	[tilespmem:$0x1F380] =	vst v63  }
0x183: {  	_ = 	snop  }
0x184: {  	[tilespmem:s10], [sflag:$0x3] =	stream.indirect_vreg.gather [hbm4b:s4+s3], $0x80, v3, vm0, $0xb8;
	[tilespmem:$0x1F380] =	vst v63  }
0x185: {  	v3 =	vld [tilespmem:$0x7330];
	_ =	sdelay $0x4  }
0x186: {  	v4 =	vshll.u32 v3, $0x1  }
0x187: {  	v3 =	vand.u32 $0x7, v3;
	v4 =	vand.u32 $0xFFFFFFF0, v4  }
0x188: {  	v3 =	vor.u32 v3, v4  }
0x189: {  	v4 =	vperm.xlane v3, v0;
	_ =	sdelay $0x1  }
0x18a: {  	v3 =	vperm.xlane v3, v2;
	v4 =	vadd.s32 v1, v4;
	_ =	sdelay $0x1  }
0x18b: {  	v3 =	vadd.s32 v1, v3;
	_ =	sdelay $0x2  }
0x18c: {  	[tilespmem:s11], [sflag:$0x3] =	stream.indirect_vreg.gather [hbm4b:s4+s3], $0x80, v4, vm0, $0xb8;
	[tilespmem:$0x1F380] =	vst v63  }
0x18d: {  	_ = 	snop  }
0x18e: {  	[tilespmem:s12], [sflag:$0x3] =	stream.indirect_vreg.gather [hbm4b:s4+s3], $0x80, v3, vm0, $0xb8;
	[tilespmem:$0x1F380] =	vst v63  }
0x18f: {  	_ =	swait.ge [sflag:s14], $0x4000  }
0x190: {  	[sflag:s14] =	ssyncset.done $0x0  }
0x191: {  	[sflag:s14] =	ssyncadd.s32 $0xFFFFC000  }
0x192: {  	_ =	swait.ge [sflag:s14], $0x4000  }
0x193: {  	[sflag:s14] =	ssyncset.done $0x0  }
0x194: {  	[sflag:s14] =	ssyncadd.s32 $0xFFFFC000  }
0x195: {  	_ =	swait.ge [sflag:s14], $0x4000  }
0x196: {  	s30 =	sand.u32 $0x3800, s3;
	s31 =	sand.u32 $0x380, s3;
	[sflag:s14] =	ssyncset.done $0x0  }
0x197: {  	s1 =	sor.u32 s31, s30;
	[sflag:s14] =	ssyncadd.s32 $0xFFFFC000  }
0x198: {  	v17 =	vld [tilespmem:s1+$0xF380]  }
0x199: {  	v18 =	vld [tilespmem:s1+$0xF390]  }
0x19a: {  	v19 =	vld [tilespmem:s1+$0xF3A0]  }
0x19b: {  	v21 =	vld [tilespmem:s1+$0xF3B0]  }
0x19c: {  	v22 =	vld [tilespmem:s1+$0xF3C0]  }
0x19d: {  	v23 =	vld [tilespmem:s1+$0xF3D0]  }
0x19e: {  	v24 =	vld [tilespmem:s1+$0xF3E0]  }
0x19f: {  	v9 =	vld [tilespmem:s1+$0xF3F0]  }
0x1a0: {  	v8 =	vld [tilespmem:s1+$0xF780]  }
0x1a1: {  	v7 =	vld [tilespmem:s1+$0xF790]  }
0x1a2: {  	v6 =	vld [tilespmem:s1+$0xF7A0]  }
0x1a3: {  	v5 =	vld [tilespmem:s1+$0xF7B0]  }
0x1a4: {  	v4 =	vld [tilespmem:s1+$0xF7C0]  }
0x1a5: {  	v3 =	vld [tilespmem:s1+$0xF7D0]  }
0x1a6: {  	v20 =	vld [tilespmem:s1+$0xB380]  }
0x1a7: {  	v25 =	vld [tilespmem:s1+$0xB390]  }
0x1a8: {  	v26 =	vld [tilespmem:s1+$0xB3A0]  }
0x1a9: {  	v27 =	vld [tilespmem:s1+$0xB3B0]  }
0x1aa: {  	v28 =	vld [tilespmem:s1+$0xB3C0]  }
0x1ab: {  	v29 =	vld [tilespmem:s1+$0xB3D0]  }
0x1ac: {  	v30 =	vld [tilespmem:s1+$0xB3E0]  }
0x1ad: {  	v31 =	vld [tilespmem:s1+$0xB3F0]  }
0x1ae: {  	v32 =	vld [tilespmem:s1+$0xB780]  }
0x1af: {  	v16 =	vld [tilespmem:s1+$0xB790]  }
0x1b0: {  	v15 =	vld [tilespmem:s1+$0xB7A0]  }
0x1b1: {  	v14 =	vld [tilespmem:s1+$0xB7B0]  }
0x1b2: {  	v13 =	vld [tilespmem:s1+$0xB7C0]  }
0x1b3: {  	v12 =	vld [tilespmem:s1+$0xB7D0]  }
0x1b4: {  	v11 =	vld [tilespmem:s1+$0xB7E0]  }
0x1b5: {  	v10 =	vld [tilespmem:s1+$0xB7F0]  }
0x1b6: {  	v33 =	vld [tilespmem:s1+$0x7380]  }
0x1b7: {  	v34 =	vld [tilespmem:s1+$0x7390]  }
0x1b8: {  	v35 =	vld [tilespmem:s1+$0x73A0]  }
0x1b9: {  	v36 =	vld [tilespmem:s1+$0x73B0]  }
0x1ba: {  	v37 =	vld [tilespmem:s1+$0x73C0]  }
0x1bb: {  	v60 =	vld [tilespmem:s1+$0x73D0];
	v20 =	vadd.f32 v20, v33  }
0x1bc: {  	v61 =	vld [tilespmem:s1+$0x73E0];
	v25 =	vadd.f32 v25, v34  }
0x1bd: {  	v17 =	vadd.f32 v17, v20;
	v20 =	vadd.f32 v26, v35;
	v26 =	vld [tilespmem:s1+$0x73F0]  }
0x1be: {  	v18 =	vadd.f32 v18, v25;
	v25 =	vadd.f32 v27, v36;
	v27 =	vld [tilespmem:s1+$0x7780]  }
0x1bf: {  	[tilespmem:s1+$0x7380] =	vst v17;
	v17 =	vadd.f32 v19, v20;
	v19 =	vadd.f32 v28, v37;
	v20 =	vld [tilespmem:s1+$0x7790]  }
0x1c0: {  	v62 =	vadd.f32 v29, v60;
	[tilespmem:s1+$0x7390] =	vst v18;
	v25 =	vadd.f32 v21, v25;
	v21 =	vld [tilespmem:s1+$0x77A0]  }
0x1c1: {  	v63 =	vadd.f32 v30, v61;
	v18 =	vld [tilespmem:s1+$0x77B0];
	[tilespmem:s1+$0x73A0] =	vst v17;
	v17 =	vadd.f32 v22, v19  }
0x1c2: {  	[tilespmem:s1+$0x73B0] =	vst v25;
	v22 =	vadd.f32 v23, v62;
	v19 =	vld [tilespmem:s1+$0x77C0];
	v23 =	vadd.f32 v31, v26  }
0x1c3: {  	s29 =	simm.s32 $0x0;
	s0 =	simm.s32 $0x100;
	v25 =	vadd.f32 v24, v63;
	v24 =	vadd.f32 v32, v27;
	[tilespmem:s1+$0x73C0] =	vst v17;
	v17 =	vld [tilespmem:s1+$0x77D0]  }
.LBB2_2:
0x1c4: {  	p0 =	sne.s32 s0, $0x3F00;
	[tilespmem:s1+$0x73D0] =	vst v22;
	v9 =	vadd.f32 v9, v23;
	v16 =	vadd.f32 v16, v20;
	v20 =	vld [tilespmem:s1+$0x77E0]  }
0x1c5: {  	s29 =	sadd.s32 $0x80, s29;
	[tilespmem:s1+$0x73E0] =	vst v25;
	v8 =	vadd.f32 v8, v24;
	v15 =	vadd.f32 v15, v21;
	v21 =	vld [tilespmem:s1+$0x77F0]  }
0x1c6: {  	s18 =	sand.u32 $0x3800, s0;
	s30 =	sand.u32 $0x380, s29;
	[tilespmem:s1+$0x73F0] =	vst v9;
	v7 =	vadd.f32 v7, v16;
	v9 =	vadd.f32 v14, v18;
	v14 =	vld [tilespmem:s1+$0xF7E0]  }
0x1c7: {  	s18 =	sor.u32 s30, s18;
	[tilespmem:s1+$0x7780] =	vst v8;
	v6 =	vadd.f32 v6, v15;
	v8 =	vadd.f32 v13, v19;
	v13 =	vld [tilespmem:s1+$0xF7F0]  }
0x1c8: {  	v18 =	vld [tilespmem:s18+$0xF380];
	[tilespmem:s1+$0x7790] =	vst v7;
	v5 =	vadd.f32 v5, v9;
	v7 =	vadd.f32 v12, v17  }
0x1c9: {  	v17 =	vld [tilespmem:s18+$0xF390];
	[tilespmem:s1+$0x77A0] =	vst v6;
	v4 =	vadd.f32 v4, v8;
	v6 =	vadd.f32 v11, v20  }
0x1ca: {  	v19 =	vld [tilespmem:s18+$0xF3A0];
	[tilespmem:s1+$0x77B0] =	vst v5;
	v3 =	vadd.f32 v3, v7;
	v5 =	vadd.f32 v10, v21  }
0x1cb: {  	v21 =	vld [tilespmem:s18+$0xF3B0];
	[tilespmem:s1+$0x77C0] =	vst v4;
	v4 =	vadd.f32 v14, v6  }
0x1cc: {  	v22 =	vld [tilespmem:s18+$0xF3C0];
	[tilespmem:s1+$0x77D0] =	vst v3;
	v3 =	vadd.f32 v13, v5  }
0x1cd: {  	v23 =	vld [tilespmem:s18+$0xF3D0];
	[tilespmem:s1+$0x77E0] =	vst v4  }
0x1ce: {  	v24 =	vld [tilespmem:s18+$0xF3E0];
	[tilespmem:s1+$0x77F0] =	vst v3;
	s1 =	smov.u32 s18  }
0x1cf: {  	v9 =	vld [tilespmem:s1+$0xF3F0]  }
0x1d0: {  	v8 =	vld [tilespmem:s1+$0xF780]  }
0x1d1: {  	v7 =	vld [tilespmem:s1+$0xF790]  }
0x1d2: {  	v6 =	vld [tilespmem:s1+$0xF7A0]  }
0x1d3: {  	v5 =	vld [tilespmem:s1+$0xF7B0]  }
0x1d4: {  	v4 =	vld [tilespmem:s1+$0xF7C0]  }
0x1d5: {  	v3 =	vld [tilespmem:s1+$0xF7D0]  }
0x1d6: {  	v20 =	vld [tilespmem:s1+$0xB380]  }
0x1d7: {  	v25 =	vld [tilespmem:s1+$0xB390]  }
0x1d8: {  	v26 =	vld [tilespmem:s1+$0xB3A0]  }
0x1d9: {  	v27 =	vld [tilespmem:s1+$0xB3B0]  }
0x1da: {  	v28 =	vld [tilespmem:s1+$0xB3C0]  }
0x1db: {  	v29 =	vld [tilespmem:s1+$0xB3D0]  }
0x1dc: {  	v30 =	vld [tilespmem:s1+$0xB3E0]  }
0x1dd: {  	v31 =	vld [tilespmem:s1+$0xB3F0]  }
0x1de: {  	v32 =	vld [tilespmem:s1+$0xB780]  }
0x1df: {  	v16 =	vld [tilespmem:s1+$0xB790]  }
0x1e0: {  	v15 =	vld [tilespmem:s1+$0xB7A0]  }
0x1e1: {  	v14 =	vld [tilespmem:s1+$0xB7B0]  }
0x1e2: {  	v13 =	vld [tilespmem:s1+$0xB7C0]  }
0x1e3: {  	v12 =	vld [tilespmem:s1+$0xB7D0]  }
0x1e4: {  	v11 =	vld [tilespmem:s1+$0xB7E0]  }
0x1e5: {  	v10 =	vld [tilespmem:s1+$0xB7F0]  }
0x1e6: {  	v33 =	vld [tilespmem:s1+$0x7380]  }
0x1e7: {  	v34 =	vld [tilespmem:s1+$0x7390]  }
0x1e8: {  	v35 =	vld [tilespmem:s1+$0x73A0]  }
0x1e9: {  	v36 =	vld [tilespmem:s1+$0x73B0]  }
0x1ea: {  	v37 =	vld [tilespmem:s1+$0x73C0]  }
0x1eb: {  	v20 =	vadd.f32 v20, v33;
	v33 =	vld [tilespmem:s1+$0x73D0]  }
0x1ec: {  	v25 =	vadd.f32 v25, v34;
	v34 =	vld [tilespmem:s1+$0x73E0]  }
0x1ed: {  	v18 =	vadd.f32 v18, v20;
	v20 =	vadd.f32 v26, v35;
	v26 =	vld [tilespmem:s1+$0x73F0]  }
0x1ee: {  	v17 =	vadd.f32 v17, v25;
	v25 =	vadd.f32 v27, v36;
	v27 =	vld [tilespmem:s1+$0x7780]  }
.Ltmp0:
0x1ef: {  	[tilespmem:s1+$0x7380] =	vst v18;
	v18 =	vadd.f32 v19, v20;
	v19 =	vadd.f32 v28, v37;
	v20 =	vld [tilespmem:s1+$0x7790];
	(pc) =	sbr.rel @p0 .LBB2_2-.Ltmp0, $4  }
0x1f0: {  	[tilespmem:s1+$0x7390] =	vst v17;
	v17 =	vadd.f32 v21, v25;
	v25 =	vadd.f32 v29, v33;
	v21 =	vld [tilespmem:s1+$0x77A0]  }
0x1f1: {  	[tilespmem:s1+$0x73A0] =	vst v18;
	v28 =	vadd.f32 v22, v19;
	v29 =	vadd.f32 v30, v34;
	v18 =	vld [tilespmem:s1+$0x77B0]  }
0x1f2: {  	[tilespmem:s1+$0x73B0] =	vst v17;
	v22 =	vadd.f32 v23, v25;
	v23 =	vadd.f32 v31, v26;
	v19 =	vld [tilespmem:s1+$0x77C0]  }
0x1f3: {  	s0 =	sadd.s32 $0x100, s0;
	[tilespmem:s1+$0x73C0] =	vst v28;
	v25 =	vadd.f32 v24, v29;
	v24 =	vadd.f32 v32, v27;
	v17 =	vld [tilespmem:s1+$0x77D0]  }
0x1f4: {  	[tilespmem:s1+$0x73D0] =	vst v22;
	v9 =	vadd.f32 v9, v23;
	v54 =	vld [tilespmem:s1+$0x77E0];
	v16 =	vadd.f32 v16, v20  }
0x1f5: {  	v55 =	vld [tilespmem:s1+$0x77F0];
	[tilespmem:s1+$0x73E0] =	vst v25;
	v8 =	vadd.f32 v8, v24;
	v56 =	vadd.f32 v15, v21  }
0x1f6: {  	v57 =	vld [tilespmem:s1+$0xF7E0];
	[tilespmem:s1+$0x73F0] =	vst v9;
	v7 =	vadd.f32 v7, v16;
	v14 =	vadd.f32 v14, v18  }
0x1f7: {  	v59 =	vld [tilespmem:s1+$0xF7F0];
	[tilespmem:s1+$0x7780] =	vst v8;
	v6 =	vadd.f32 v6, v56;
	v58 =	vadd.f32 v13, v19  }
0x1f8: {  	[tilespmem:s1+$0x7790] =	vst v7;
	v5 =	vadd.f32 v5, v14;
	v60 =	vadd.f32 v12, v17  }
0x1f9: {  	[tilespmem:s1+$0x77A0] =	vst v6;
	v4 =	vadd.f32 v4, v58;
	v61 =	vadd.f32 v11, v54  }
0x1fa: {  	v62 =	vadd.f32 v10, v55;
	[tilespmem:s1+$0x77B0] =	vst v5;
	v3 =	vadd.f32 v3, v60  }
0x1fb: {  	[tilespmem:s1+$0x77C0] =	vst v4;
	v63 =	vadd.f32 v57, v61  }
0x1fc: {  	[tilespmem:s1+$0x77D0] =	vst v3;
	v3 =	vadd.f32 v59, v62  }
0x1fd: {  	[tilespmem:s1+$0x77E0] =	vst v63  }
0x1fe: {  	s29 =	simm.s32 $0x0;
	s30 =	simm.s32 $0x0;
	[tilespmem:s1+$0x77F0] =	vst v3  }
0x1ff: {  	[hbm4b:s13+s29] =	stream.linear.scatter [tilespmem:s28], [sflag:$0x4], $0x4000, $0x38;
	[tilespmem:$0x1F380] =	vst v63  }
.LBB2_4:
0x200: {  	s0 =	sshll.u32 s30, $0x1;
	_ =	swait.ge [sflag:s16], $0x4000  }
0x201: {  	[sflag:s16] =	ssyncset.done $0x0;
	s31 =	sadd.s32 $0x2, s0  }
0x202: {  	[sflag:s16] =	ssyncadd.s32 $0xFFFFC000;
	s0 =	sshll.u32 s31, $0x6  }
0x203: {  	v3 =	vld [tilespmem:s0+$0x0]  }
0x204: {  	v4 =	vld [tilespmem:s0+$0x5780];
	_ =	sdelay $0x1  }
0x205: {  	v5 =	vld [tilespmem:s0+$0x6400];
	_ =	sdelay $0x2  }
0x206: {  	v3 =	vshll.u32 v3, $0x2;
	v4 =	vshll.u32 v4, $0x1  }
0x207: {  	v3 =	vadd.s32 v3, v4  }
0x208: {  	v3 =	vadd.s32 v5, v3  }
0x209: {  	[tilespmem:$0x7080] =	vst v3  }
0x20a: {  	v3 =	vld [tilespmem:s0+$0xC80]  }
0x20b: {  	v4 =	vld [tilespmem:s0+$0x1900];
	_ =	sdelay $0x2  }
0x20c: {  	v5 =	vld [tilespmem:s0+$0x2580];
	_ =	sdelay $0x1  }
0x20d: {  	v3 =	vmul.u32 $0x90, v3;
	v4 =	vmul.u32 $0xC, v4;
	_ =	sdelay $0x1  }
0x20e: {  	v3 =	vadd.s32 v4, v3  }
0x20f: {  	v3 =	vadd.s32 v5, v3  }
0x210: {  	v3 =	vadd.s32 $0x1E0, v3  }
0x211: {  	[tilespmem:$0x7100] =	vst v3  }
0x212: {  	v3 =	vld [tilespmem:s0+$0x3200]  }
0x213: {  	v4 =	vld [tilespmem:s0+$0x3E80];
	_ =	sdelay $0x2  }
0x214: {  	v5 =	vld [tilespmem:s0+$0x4B00];
	_ =	sdelay $0x1  }
0x215: {  	v3 =	vmul.u32 $0x24, v3;
	v4 =	vmul.u32 $0x6, v4;
	_ =	sdelay $0x1  }
0x216: {  	v3 =	vadd.s32 v4, v3  }
0x217: {  	v3 =	vadd.s32 v5, v3  }
0x218: {  	v3 =	vadd.s32 $0x420, v3  }
0x219: {  	[tilespmem:$0x7180] =	vst v3  }
0x21a: {  	v3 =	vld [tilespmem:s0+$0x10]  }
0x21b: {  	v4 =	vld [tilespmem:s0+$0x5790];
	_ =	sdelay $0x1  }
0x21c: {  	v5 =	vld [tilespmem:s0+$0x6410];
	_ =	sdelay $0x2  }
0x21d: {  	v3 =	vshll.u32 v3, $0x2;
	v4 =	vshll.u32 v4, $0x1  }
0x21e: {  	v3 =	vadd.s32 v3, v4  }
0x21f: {  	v3 =	vadd.s32 v5, v3  }
0x220: {  	[tilespmem:$0x7090] =	vst v3  }
0x221: {  	v3 =	vld [tilespmem:s0+$0xC90]  }
0x222: {  	v4 =	vld [tilespmem:s0+$0x1910];
	_ =	sdelay $0x2  }
0x223: {  	v5 =	vld [tilespmem:s0+$0x2590];
	_ =	sdelay $0x1  }
0x224: {  	v3 =	vmul.u32 $0x90, v3;
	v4 =	vmul.u32 $0xC, v4;
	_ =	sdelay $0x1  }
0x225: {  	v3 =	vadd.s32 v4, v3  }
0x226: {  	v3 =	vadd.s32 v5, v3  }
0x227: {  	v3 =	vadd.s32 $0x1E0, v3  }
0x228: {  	[tilespmem:$0x7110] =	vst v3  }
0x229: {  	v3 =	vld [tilespmem:s0+$0x3210]  }
0x22a: {  	v4 =	vld [tilespmem:s0+$0x3E90];
	_ =	sdelay $0x2  }
0x22b: {  	v5 =	vld [tilespmem:s0+$0x4B10];
	_ =	sdelay $0x1  }
0x22c: {  	v3 =	vmul.u32 $0x24, v3;
	v4 =	vmul.u32 $0x6, v4;
	_ =	sdelay $0x1  }
0x22d: {  	v3 =	vadd.s32 v4, v3  }
0x22e: {  	v3 =	vadd.s32 v5, v3  }
0x22f: {  	v3 =	vadd.s32 $0x420, v3  }
0x230: {  	[tilespmem:$0x7190] =	vst v3  }
0x231: {  	v3 =	vld [tilespmem:s0+$0x20]  }
0x232: {  	v4 =	vld [tilespmem:s0+$0x57A0];
	_ =	sdelay $0x1  }
0x233: {  	v5 =	vld [tilespmem:s0+$0x6420];
	_ =	sdelay $0x2  }
0x234: {  	v3 =	vshll.u32 v3, $0x2;
	v4 =	vshll.u32 v4, $0x1  }
0x235: {  	v3 =	vadd.s32 v3, v4  }
0x236: {  	v3 =	vadd.s32 v5, v3  }
0x237: {  	[tilespmem:$0x70A0] =	vst v3  }
0x238: {  	v3 =	vld [tilespmem:s0+$0xCA0]  }
0x239: {  	v4 =	vld [tilespmem:s0+$0x1920];
	_ =	sdelay $0x2  }
0x23a: {  	v5 =	vld [tilespmem:s0+$0x25A0];
	_ =	sdelay $0x1  }
0x23b: {  	v3 =	vmul.u32 $0x90, v3;
	v4 =	vmul.u32 $0xC, v4;
	_ =	sdelay $0x1  }
0x23c: {  	v3 =	vadd.s32 v4, v3  }
0x23d: {  	v3 =	vadd.s32 v5, v3  }
0x23e: {  	v3 =	vadd.s32 $0x1E0, v3  }
0x23f: {  	[tilespmem:$0x7120] =	vst v3  }
0x240: {  	v3 =	vld [tilespmem:s0+$0x3220]  }
0x241: {  	v4 =	vld [tilespmem:s0+$0x3EA0];
	_ =	sdelay $0x2  }
0x242: {  	v5 =	vld [tilespmem:s0+$0x4B20];
	_ =	sdelay $0x1  }
0x243: {  	v3 =	vmul.u32 $0x24, v3;
	v4 =	vmul.u32 $0x6, v4;
	_ =	sdelay $0x1  }
0x244: {  	v3 =	vadd.s32 v4, v3  }
0x245: {  	v3 =	vadd.s32 v5, v3  }
0x246: {  	v3 =	vadd.s32 $0x420, v3  }
0x247: {  	[tilespmem:$0x71A0] =	vst v3  }
0x248: {  	v3 =	vld [tilespmem:s0+$0x30]  }
0x249: {  	v4 =	vld [tilespmem:s0+$0x57B0];
	_ =	sdelay $0x1  }
0x24a: {  	v5 =	vld [tilespmem:s0+$0x6430];
	_ =	sdelay $0x2  }
0x24b: {  	v3 =	vshll.u32 v3, $0x2;
	v4 =	vshll.u32 v4, $0x1  }
0x24c: {  	v3 =	vadd.s32 v3, v4  }
0x24d: {  	v3 =	vadd.s32 v5, v3  }
0x24e: {  	[tilespmem:$0x70B0] =	vst v3  }
0x24f: {  	v3 =	vld [tilespmem:s0+$0xCB0]  }
0x250: {  	v4 =	vld [tilespmem:s0+$0x1930];
	_ =	sdelay $0x2  }
0x251: {  	v5 =	vld [tilespmem:s0+$0x25B0];
	_ =	sdelay $0x1  }
0x252: {  	v3 =	vmul.u32 $0x90, v3;
	v4 =	vmul.u32 $0xC, v4;
	_ =	sdelay $0x1  }
0x253: {  	v3 =	vadd.s32 v4, v3  }
0x254: {  	v4 =	vld [tilespmem:$0x7080];
	v3 =	vadd.s32 v5, v3  }
0x255: {  	v3 =	vadd.s32 $0x1E0, v3  }
0x256: {  	[tilespmem:$0x7130] =	vst v3  }
0x257: {  	v3 =	vld [tilespmem:s0+$0x3230]  }
0x258: {  	v5 =	vld [tilespmem:s0+$0x3EB0]  }
0x259: {  	v6 =	vshll.u32 v4, $0x1  }
0x25a: {  	v4 =	vand.u32 $0x7, v4;
	v6 =	vand.u32 $0xFFFFFFF0, v6  }
0x25b: {  	v7 =	vld [tilespmem:s0+$0x4B30];
	v4 =	vor.u32 v4, v6  }
0x25c: {  	v6 =	vperm.xlane v4, v0  }
0x25d: {  	v3 =	vmul.u32 $0x24, v3;
	v5 =	vmul.u32 $0x6, v5  }
0x25e: {  	v4 =	vperm.xlane v4, v2;
	v6 =	vadd.s32 v1, v6  }
0x25f: {  	v3 =	vadd.s32 v5, v3  }
0x260: {  	v4 =	vadd.s32 v1, v4;
	v3 =	vadd.s32 v7, v3  }
0x261: {  	v3 =	vadd.s32 $0x420, v3  }
0x262: {  	[tilespmem:$0x71B0] =	vst v3  }
0x263: {  	[tilespmem:s28], [sflag:$0x2] =	stream.indirect_vreg.gather [hbm4b:s4+s29], $0x80, v6, vm0, $0xb8;
	[tilespmem:$0x1F380] =	vst v63  }
0x264: {  	s1 =	simm.s32 $0x7B80  }
0x265: {  	[tilespmem:s1], [sflag:$0x2] =	stream.indirect_vreg.gather [hbm4b:s4+s29], $0x80, v4, vm0, $0xb8;
	[tilespmem:$0x1F380] =	vst v63  }
0x266: {  	v3 =	vld [tilespmem:$0x7090];
	_ =	sdelay $0x4  }
0x267: {  	v4 =	vshll.u32 v3, $0x1  }
0x268: {  	v3 =	vand.u32 $0x7, v3;
	v4 =	vand.u32 $0xFFFFFFF0, v4  }
0x269: {  	v3 =	vor.u32 v3, v4  }
0x26a: {  	v4 =	vperm.xlane v3, v0;
	_ =	sdelay $0x1  }
0x26b: {  	v3 =	vperm.xlane v3, v2;
	v4 =	vadd.s32 v1, v4;
	_ =	sdelay $0x1  }
0x26c: {  	v3 =	vadd.s32 v1, v3;
	_ =	sdelay $0x1  }
0x26d: {  	s18 =	simm.s32 $0x8380  }
0x26e: {  	[tilespmem:s18], [sflag:$0x2] =	stream.indirect_vreg.gather [hbm4b:s4+s29], $0x80, v4, vm0, $0xb8;
	[tilespmem:$0x1F380] =	vst v63  }
0x26f: {  	s19 =	simm.s32 $0x8B80  }
0x270: {  	[tilespmem:s19], [sflag:$0x2] =	stream.indirect_vreg.gather [hbm4b:s4+s29], $0x80, v3, vm0, $0xb8;
	[tilespmem:$0x1F380] =	vst v63  }
0x271: {  	v3 =	vld [tilespmem:$0x70A0];
	_ =	sdelay $0x4  }
0x272: {  	v4 =	vshll.u32 v3, $0x1  }
0x273: {  	v3 =	vand.u32 $0x7, v3;
	v4 =	vand.u32 $0xFFFFFFF0, v4  }
0x274: {  	v3 =	vor.u32 v3, v4  }
0x275: {  	v4 =	vperm.xlane v3, v0;
	_ =	sdelay $0x1  }
0x276: {  	v3 =	vperm.xlane v3, v2;
	v4 =	vadd.s32 v1, v4;
	_ =	sdelay $0x1  }
0x277: {  	v3 =	vadd.s32 v1, v3;
	_ =	sdelay $0x1  }
0x278: {  	s20 =	simm.s32 $0x9380  }
0x279: {  	[tilespmem:s20], [sflag:$0x2] =	stream.indirect_vreg.gather [hbm4b:s4+s29], $0x80, v4, vm0, $0xb8;
	[tilespmem:$0x1F380] =	vst v63  }
0x27a: {  	s1 =	simm.s32 $0x9B80  }
0x27b: {  	[tilespmem:s1], [sflag:$0x2] =	stream.indirect_vreg.gather [hbm4b:s4+s29], $0x80, v3, vm0, $0xb8;
	[tilespmem:$0x1F380] =	vst v63  }
0x27c: {  	v3 =	vld [tilespmem:$0x70B0];
	_ =	sdelay $0x4  }
0x27d: {  	v4 =	vshll.u32 v3, $0x1  }
0x27e: {  	v3 =	vand.u32 $0x7, v3;
	v4 =	vand.u32 $0xFFFFFFF0, v4  }
0x27f: {  	v3 =	vor.u32 v3, v4  }
0x280: {  	v4 =	vperm.xlane v3, v0;
	_ =	sdelay $0x1  }
0x281: {  	v3 =	vperm.xlane v3, v2;
	v4 =	vadd.s32 v1, v4;
	_ =	sdelay $0x1  }
0x282: {  	v3 =	vadd.s32 v1, v3;
	_ =	sdelay $0x1  }
0x283: {  	s18 =	simm.s32 $0xA380  }
0x284: {  	[tilespmem:s18], [sflag:$0x2] =	stream.indirect_vreg.gather [hbm4b:s4+s29], $0x80, v4, vm0, $0xb8;
	[tilespmem:$0x1F380] =	vst v63  }
0x285: {  	s19 =	simm.s32 $0xAB80  }
0x286: {  	[tilespmem:s19], [sflag:$0x2] =	stream.indirect_vreg.gather [hbm4b:s4+s29], $0x80, v3, vm0, $0xb8;
	[tilespmem:$0x1F380] =	vst v63  }
0x287: {  	v3 =	vld [tilespmem:$0x7100];
	_ =	sdelay $0x4  }
0x288: {  	v4 =	vshll.u32 v3, $0x1  }
0x289: {  	v3 =	vand.u32 $0x7, v3;
	v4 =	vand.u32 $0xFFFFFFF0, v4  }
0x28a: {  	v3 =	vor.u32 v3, v4  }
0x28b: {  	v4 =	vperm.xlane v3, v0;
	_ =	sdelay $0x1  }
0x28c: {  	v3 =	vperm.xlane v3, v2;
	v4 =	vadd.s32 v1, v4;
	_ =	sdelay $0x1  }
0x28d: {  	v3 =	vadd.s32 v1, v3;
	_ =	sdelay $0x1  }
0x28e: {  	s20 =	simm.s32 $0xB380  }
0x28f: {  	[tilespmem:s20], [sflag:$0x2] =	stream.indirect_vreg.gather [hbm4b:s4+s29], $0x80, v4, vm0, $0xb8;
	[tilespmem:$0x1F380] =	vst v63  }
0x290: {  	s1 =	simm.s32 $0xBB80  }
0x291: {  	[tilespmem:s1], [sflag:$0x2] =	stream.indirect_vreg.gather [hbm4b:s4+s29], $0x80, v3, vm0, $0xb8;
	[tilespmem:$0x1F380] =	vst v63  }
0x292: {  	v3 =	vld [tilespmem:$0x7110];
	_ =	sdelay $0x4  }
0x293: {  	v4 =	vshll.u32 v3, $0x1  }
0x294: {  	v3 =	vand.u32 $0x7, v3;
	v4 =	vand.u32 $0xFFFFFFF0, v4  }
0x295: {  	v3 =	vor.u32 v3, v4  }
0x296: {  	v4 =	vperm.xlane v3, v0;
	_ =	sdelay $0x1  }
0x297: {  	v3 =	vperm.xlane v3, v2;
	v4 =	vadd.s32 v1, v4;
	_ =	sdelay $0x1  }
0x298: {  	v3 =	vadd.s32 v1, v3;
	_ =	sdelay $0x1  }
0x299: {  	s18 =	simm.s32 $0xC380  }
0x29a: {  	[tilespmem:s18], [sflag:$0x2] =	stream.indirect_vreg.gather [hbm4b:s4+s29], $0x80, v4, vm0, $0xb8;
	[tilespmem:$0x1F380] =	vst v63  }
0x29b: {  	s19 =	simm.s32 $0xCB80  }
0x29c: {  	[tilespmem:s19], [sflag:$0x2] =	stream.indirect_vreg.gather [hbm4b:s4+s29], $0x80, v3, vm0, $0xb8;
	[tilespmem:$0x1F380] =	vst v63  }
0x29d: {  	v3 =	vld [tilespmem:$0x7120];
	_ =	sdelay $0x4  }
0x29e: {  	v4 =	vshll.u32 v3, $0x1  }
0x29f: {  	v3 =	vand.u32 $0x7, v3;
	v4 =	vand.u32 $0xFFFFFFF0, v4  }
0x2a0: {  	v3 =	vor.u32 v3, v4  }
0x2a1: {  	v4 =	vperm.xlane v3, v0;
	_ =	sdelay $0x1  }
0x2a2: {  	v3 =	vperm.xlane v3, v2;
	v4 =	vadd.s32 v1, v4;
	_ =	sdelay $0x1  }
0x2a3: {  	v3 =	vadd.s32 v1, v3;
	_ =	sdelay $0x1  }
0x2a4: {  	s20 =	simm.s32 $0xD380  }
0x2a5: {  	[tilespmem:s20], [sflag:$0x2] =	stream.indirect_vreg.gather [hbm4b:s4+s29], $0x80, v4, vm0, $0xb8;
	[tilespmem:$0x1F380] =	vst v63  }
0x2a6: {  	s1 =	simm.s32 $0xDB80  }
0x2a7: {  	[tilespmem:s1], [sflag:$0x2] =	stream.indirect_vreg.gather [hbm4b:s4+s29], $0x80, v3, vm0, $0xb8;
	[tilespmem:$0x1F380] =	vst v63  }
0x2a8: {  	v3 =	vld [tilespmem:$0x7130];
	_ =	sdelay $0x4  }
0x2a9: {  	v4 =	vshll.u32 v3, $0x1  }
0x2aa: {  	v3 =	vand.u32 $0x7, v3;
	v4 =	vand.u32 $0xFFFFFFF0, v4  }
0x2ab: {  	v3 =	vor.u32 v3, v4  }
0x2ac: {  	v4 =	vperm.xlane v3, v0;
	_ =	sdelay $0x1  }
0x2ad: {  	v3 =	vperm.xlane v3, v2;
	v4 =	vadd.s32 v1, v4;
	_ =	sdelay $0x1  }
0x2ae: {  	v3 =	vadd.s32 v1, v3;
	_ =	sdelay $0x1  }
0x2af: {  	s18 =	simm.s32 $0xE380  }
0x2b0: {  	[tilespmem:s18], [sflag:$0x2] =	stream.indirect_vreg.gather [hbm4b:s4+s29], $0x80, v4, vm0, $0xb8;
	[tilespmem:$0x1F380] =	vst v63  }
0x2b1: {  	s19 =	simm.s32 $0xEB80  }
0x2b2: {  	[tilespmem:s19], [sflag:$0x2] =	stream.indirect_vreg.gather [hbm4b:s4+s29], $0x80, v3, vm0, $0xb8;
	[tilespmem:$0x1F380] =	vst v63  }
0x2b3: {  	v3 =	vld [tilespmem:$0x7180];
	_ =	sdelay $0x4  }
0x2b4: {  	v4 =	vshll.u32 v3, $0x1  }
0x2b5: {  	v3 =	vand.u32 $0x7, v3;
	v4 =	vand.u32 $0xFFFFFFF0, v4  }
0x2b6: {  	v3 =	vor.u32 v3, v4  }
0x2b7: {  	v4 =	vperm.xlane v3, v0;
	_ =	sdelay $0x1  }
0x2b8: {  	v3 =	vperm.xlane v3, v2;
	v4 =	vadd.s32 v1, v4;
	_ =	sdelay $0x1  }
0x2b9: {  	v3 =	vadd.s32 v1, v3;
	_ =	sdelay $0x1  }
0x2ba: {  	s20 =	simm.s32 $0xF380  }
0x2bb: {  	[tilespmem:s20], [sflag:$0x2] =	stream.indirect_vreg.gather [hbm4b:s4+s29], $0x80, v4, vm0, $0xb8;
	[tilespmem:$0x1F380] =	vst v63  }
0x2bc: {  	s1 =	simm.s32 $0xFB80  }
0x2bd: {  	[tilespmem:s1], [sflag:$0x2] =	stream.indirect_vreg.gather [hbm4b:s4+s29], $0x80, v3, vm0, $0xb8;
	[tilespmem:$0x1F380] =	vst v63  }
0x2be: {  	v3 =	vld [tilespmem:$0x7190];
	_ =	sdelay $0x4  }
0x2bf: {  	v4 =	vshll.u32 v3, $0x1  }
0x2c0: {  	v3 =	vand.u32 $0x7, v3;
	v4 =	vand.u32 $0xFFFFFFF0, v4  }
0x2c1: {  	v3 =	vor.u32 v3, v4  }
0x2c2: {  	v4 =	vperm.xlane v3, v0;
	_ =	sdelay $0x1  }
0x2c3: {  	v3 =	vperm.xlane v3, v2;
	v4 =	vadd.s32 v1, v4;
	_ =	sdelay $0x1  }
0x2c4: {  	v3 =	vadd.s32 v1, v3;
	_ =	sdelay $0x1  }
0x2c5: {  	s18 =	simm.s32 $0x10380  }
0x2c6: {  	[tilespmem:s18], [sflag:$0x2] =	stream.indirect_vreg.gather [hbm4b:s4+s29], $0x80, v4, vm0, $0xb8;
	[tilespmem:$0x1F380] =	vst v63  }
0x2c7: {  	s19 =	simm.s32 $0x10B80  }
0x2c8: {  	[tilespmem:s19], [sflag:$0x2] =	stream.indirect_vreg.gather [hbm4b:s4+s29], $0x80, v3, vm0, $0xb8;
	[tilespmem:$0x1F380] =	vst v63  }
0x2c9: {  	v3 =	vld [tilespmem:$0x71A0];
	_ =	sdelay $0x4  }
0x2ca: {  	v4 =	vshll.u32 v3, $0x1  }
0x2cb: {  	v3 =	vand.u32 $0x7, v3;
	v4 =	vand.u32 $0xFFFFFFF0, v4  }
0x2cc: {  	v3 =	vor.u32 v3, v4  }
0x2cd: {  	v4 =	vperm.xlane v3, v0;
	_ =	sdelay $0x1  }
0x2ce: {  	v3 =	vperm.xlane v3, v2;
	v4 =	vadd.s32 v1, v4;
	_ =	sdelay $0x1  }
0x2cf: {  	v3 =	vadd.s32 v1, v3;
	_ =	sdelay $0x1  }
0x2d0: {  	s20 =	simm.s32 $0x11380  }
0x2d1: {  	[tilespmem:s20], [sflag:$0x2] =	stream.indirect_vreg.gather [hbm4b:s4+s29], $0x80, v4, vm0, $0xb8;
	[tilespmem:$0x1F380] =	vst v63  }
0x2d2: {  	s1 =	simm.s32 $0x11B80  }
0x2d3: {  	[tilespmem:s1], [sflag:$0x2] =	stream.indirect_vreg.gather [hbm4b:s4+s29], $0x80, v3, vm0, $0xb8;
	[tilespmem:$0x1F380] =	vst v63  }
0x2d4: {  	v3 =	vld [tilespmem:$0x71B0];
	_ =	sdelay $0x4  }
0x2d5: {  	v4 =	vshll.u32 v3, $0x1  }
0x2d6: {  	v3 =	vand.u32 $0x7, v3;
	v4 =	vand.u32 $0xFFFFFFF0, v4  }
0x2d7: {  	v3 =	vor.u32 v3, v4  }
0x2d8: {  	v4 =	vperm.xlane v3, v0;
	_ =	sdelay $0x1  }
0x2d9: {  	v3 =	vperm.xlane v3, v2;
	v4 =	vadd.s32 v1, v4;
	_ =	sdelay $0x1  }
0x2da: {  	v3 =	vadd.s32 v1, v3;
	_ =	sdelay $0x1  }
0x2db: {  	s18 =	simm.s32 $0x12380  }
0x2dc: {  	[tilespmem:s18], [sflag:$0x2] =	stream.indirect_vreg.gather [hbm4b:s4+s29], $0x80, v4, vm0, $0xb8;
	[tilespmem:$0x1F380] =	vst v63  }
0x2dd: {  	s19 =	simm.s32 $0x12B80  }
0x2de: {  	[tilespmem:s19], [sflag:$0x2] =	stream.indirect_vreg.gather [hbm4b:s4+s29], $0x80, v3, vm0, $0xb8;
	[tilespmem:$0x1F380] =	vst v63  }
0x2df: {  	_ =	swait.ge [sflag:s26], $0x4000  }
0x2e0: {  	[sflag:s26] =	ssyncset.done $0x0  }
0x2e1: {  	[sflag:s26] =	ssyncadd.s32 $0xFFFFC000  }
0x2e2: {  	_ =	swait.ge [sflag:s26], $0x4000  }
0x2e3: {  	[sflag:s26] =	ssyncset.done $0x0  }
0x2e4: {  	[sflag:s26] =	ssyncadd.s32 $0xFFFFC000  }
0x2e5: {  	_ =	swait.ge [sflag:s26], $0x4000  }
0x2e6: {  	s20 =	sand.u32 $0x3800, s29;
	s1 =	sand.u32 $0x380, s29;
	[sflag:s26] =	ssyncset.done $0x0  }
0x2e7: {  	s1 =	sor.u32 s1, s20;
	[sflag:s26] =	ssyncadd.s32 $0xFFFFC000  }
0x2e8: {  	v17 =	vld [tilespmem:s1+$0x1B380]  }
0x2e9: {  	v18 =	vld [tilespmem:s1+$0x1B390]  }
0x2ea: {  	v19 =	vld [tilespmem:s1+$0x1B3A0]  }
0x2eb: {  	v21 =	vld [tilespmem:s1+$0x1B3B0]  }
0x2ec: {  	v22 =	vld [tilespmem:s1+$0x1B3C0]  }
0x2ed: {  	v23 =	vld [tilespmem:s1+$0x1B3D0]  }
0x2ee: {  	v24 =	vld [tilespmem:s1+$0x1B3E0]  }
0x2ef: {  	v9 =	vld [tilespmem:s1+$0x1B3F0]  }
0x2f0: {  	v8 =	vld [tilespmem:s1+$0x1B780]  }
0x2f1: {  	v7 =	vld [tilespmem:s1+$0x1B790]  }
0x2f2: {  	v6 =	vld [tilespmem:s1+$0x1B7A0]  }
0x2f3: {  	v5 =	vld [tilespmem:s1+$0x1B7B0]  }
0x2f4: {  	v4 =	vld [tilespmem:s1+$0x1B7C0]  }
0x2f5: {  	v3 =	vld [tilespmem:s1+$0x1B7D0]  }
0x2f6: {  	v20 =	vld [tilespmem:s1+$0x17380]  }
0x2f7: {  	v25 =	vld [tilespmem:s1+$0x17390]  }
0x2f8: {  	v26 =	vld [tilespmem:s1+$0x173A0]  }
0x2f9: {  	v27 =	vld [tilespmem:s1+$0x173B0]  }
0x2fa: {  	v28 =	vld [tilespmem:s1+$0x173C0]  }
0x2fb: {  	v29 =	vld [tilespmem:s1+$0x173D0]  }
0x2fc: {  	v30 =	vld [tilespmem:s1+$0x173E0]  }
0x2fd: {  	v31 =	vld [tilespmem:s1+$0x173F0]  }
0x2fe: {  	v32 =	vld [tilespmem:s1+$0x17780]  }
0x2ff: {  	v16 =	vld [tilespmem:s1+$0x17790]  }
0x300: {  	v15 =	vld [tilespmem:s1+$0x177A0]  }
0x301: {  	v14 =	vld [tilespmem:s1+$0x177B0]  }
0x302: {  	v13 =	vld [tilespmem:s1+$0x177C0]  }
0x303: {  	v12 =	vld [tilespmem:s1+$0x177D0]  }
0x304: {  	v11 =	vld [tilespmem:s1+$0x177E0]  }
0x305: {  	v10 =	vld [tilespmem:s1+$0x177F0]  }
0x306: {  	v33 =	vld [tilespmem:s1+$0x13380]  }
0x307: {  	v34 =	vld [tilespmem:s1+$0x13390]  }
0x308: {  	v35 =	vld [tilespmem:s1+$0x133A0]  }
0x309: {  	v36 =	vld [tilespmem:s1+$0x133B0]  }
0x30a: {  	v37 =	vld [tilespmem:s1+$0x133C0]  }
0x30b: {  	v60 =	vld [tilespmem:s1+$0x133D0];
	v20 =	vadd.f32 v20, v33  }
0x30c: {  	v61 =	vld [tilespmem:s1+$0x133E0];
	v25 =	vadd.f32 v25, v34  }
0x30d: {  	v17 =	vadd.f32 v17, v20;
	v20 =	vadd.f32 v26, v35;
	v26 =	vld [tilespmem:s1+$0x133F0]  }
0x30e: {  	v18 =	vadd.f32 v18, v25;
	v25 =	vadd.f32 v27, v36;
	v27 =	vld [tilespmem:s1+$0x13780]  }
0x30f: {  	[tilespmem:s1+$0x13380] =	vst v17;
	v17 =	vadd.f32 v19, v20;
	v19 =	vadd.f32 v28, v37;
	v20 =	vld [tilespmem:s1+$0x13790]  }
0x310: {  	v62 =	vadd.f32 v29, v60;
	[tilespmem:s1+$0x13390] =	vst v18;
	v25 =	vadd.f32 v21, v25;
	v21 =	vld [tilespmem:s1+$0x137A0]  }
0x311: {  	v63 =	vadd.f32 v30, v61;
	v18 =	vld [tilespmem:s1+$0x137B0];
	[tilespmem:s1+$0x133A0] =	vst v17;
	v17 =	vadd.f32 v22, v19  }
0x312: {  	[tilespmem:s1+$0x133B0] =	vst v25;
	v22 =	vadd.f32 v23, v62;
	v19 =	vld [tilespmem:s1+$0x137C0];
	v23 =	vadd.f32 v31, v26  }
0x313: {  	s0 =	simm.s32 $0x100;
	s18 =	simm.s32 $0x0;
	v25 =	vadd.f32 v24, v63;
	v24 =	vadd.f32 v32, v27;
	[tilespmem:s1+$0x133C0] =	vst v17;
	v17 =	vld [tilespmem:s1+$0x137D0]  }
.LBB2_5:
0x314: {  	p0 =	sne.s32 s0, $0x3F00;
	[tilespmem:s1+$0x133D0] =	vst v22;
	v9 =	vadd.f32 v9, v23;
	v16 =	vadd.f32 v16, v20;
	v20 =	vld [tilespmem:s1+$0x137E0]  }
0x315: {  	s18 =	sadd.s32 $0x80, s18;
	[tilespmem:s1+$0x133E0] =	vst v25;
	v8 =	vadd.f32 v8, v24;
	v15 =	vadd.f32 v15, v21;
	v21 =	vld [tilespmem:s1+$0x137F0]  }
0x316: {  	s19 =	sand.u32 $0x3800, s0;
	s20 =	sand.u32 $0x380, s18;
	[tilespmem:s1+$0x133F0] =	vst v9;
	v7 =	vadd.f32 v7, v16;
	v9 =	vadd.f32 v14, v18;
	v14 =	vld [tilespmem:s1+$0x1B7E0]  }
0x317: {  	s19 =	sor.u32 s20, s19;
	[tilespmem:s1+$0x13780] =	vst v8;
	v6 =	vadd.f32 v6, v15;
	v8 =	vadd.f32 v13, v19;
	v13 =	vld [tilespmem:s1+$0x1B7F0]  }
0x318: {  	v18 =	vld [tilespmem:s19+$0x1B380];
	[tilespmem:s1+$0x13790] =	vst v7;
	v5 =	vadd.f32 v5, v9;
	v7 =	vadd.f32 v12, v17  }
0x319: {  	v17 =	vld [tilespmem:s19+$0x1B390];
	[tilespmem:s1+$0x137A0] =	vst v6;
	v4 =	vadd.f32 v4, v8;
	v6 =	vadd.f32 v11, v20  }
0x31a: {  	v19 =	vld [tilespmem:s19+$0x1B3A0];
	[tilespmem:s1+$0x137B0] =	vst v5;
	v3 =	vadd.f32 v3, v7;
	v5 =	vadd.f32 v10, v21  }
0x31b: {  	v21 =	vld [tilespmem:s19+$0x1B3B0];
	[tilespmem:s1+$0x137C0] =	vst v4;
	v4 =	vadd.f32 v14, v6  }
0x31c: {  	v22 =	vld [tilespmem:s19+$0x1B3C0];
	[tilespmem:s1+$0x137D0] =	vst v3;
	v3 =	vadd.f32 v13, v5  }
0x31d: {  	v23 =	vld [tilespmem:s19+$0x1B3D0];
	[tilespmem:s1+$0x137E0] =	vst v4  }
0x31e: {  	v24 =	vld [tilespmem:s19+$0x1B3E0];
	[tilespmem:s1+$0x137F0] =	vst v3;
	s1 =	smov.u32 s19  }
0x31f: {  	v9 =	vld [tilespmem:s1+$0x1B3F0]  }
0x320: {  	v8 =	vld [tilespmem:s1+$0x1B780]  }
0x321: {  	v7 =	vld [tilespmem:s1+$0x1B790]  }
0x322: {  	v6 =	vld [tilespmem:s1+$0x1B7A0]  }
0x323: {  	v5 =	vld [tilespmem:s1+$0x1B7B0]  }
0x324: {  	v4 =	vld [tilespmem:s1+$0x1B7C0]  }
0x325: {  	v3 =	vld [tilespmem:s1+$0x1B7D0]  }
0x326: {  	v20 =	vld [tilespmem:s1+$0x17380]  }
0x327: {  	v25 =	vld [tilespmem:s1+$0x17390]  }
0x328: {  	v26 =	vld [tilespmem:s1+$0x173A0]  }
0x329: {  	v27 =	vld [tilespmem:s1+$0x173B0]  }
0x32a: {  	v28 =	vld [tilespmem:s1+$0x173C0]  }
0x32b: {  	v29 =	vld [tilespmem:s1+$0x173D0]  }
0x32c: {  	v30 =	vld [tilespmem:s1+$0x173E0]  }
0x32d: {  	v31 =	vld [tilespmem:s1+$0x173F0]  }
0x32e: {  	v32 =	vld [tilespmem:s1+$0x17780]  }
0x32f: {  	v16 =	vld [tilespmem:s1+$0x17790]  }
0x330: {  	v15 =	vld [tilespmem:s1+$0x177A0]  }
0x331: {  	v14 =	vld [tilespmem:s1+$0x177B0]  }
0x332: {  	v13 =	vld [tilespmem:s1+$0x177C0]  }
0x333: {  	v12 =	vld [tilespmem:s1+$0x177D0]  }
0x334: {  	v11 =	vld [tilespmem:s1+$0x177E0]  }
0x335: {  	v10 =	vld [tilespmem:s1+$0x177F0]  }
0x336: {  	v33 =	vld [tilespmem:s1+$0x13380]  }
0x337: {  	v34 =	vld [tilespmem:s1+$0x13390]  }
0x338: {  	v35 =	vld [tilespmem:s1+$0x133A0]  }
0x339: {  	v36 =	vld [tilespmem:s1+$0x133B0]  }
0x33a: {  	v37 =	vld [tilespmem:s1+$0x133C0]  }
0x33b: {  	v20 =	vadd.f32 v20, v33;
	v33 =	vld [tilespmem:s1+$0x133D0]  }
0x33c: {  	v25 =	vadd.f32 v25, v34;
	v34 =	vld [tilespmem:s1+$0x133E0]  }
0x33d: {  	v18 =	vadd.f32 v18, v20;
	v20 =	vadd.f32 v26, v35;
	v26 =	vld [tilespmem:s1+$0x133F0]  }
0x33e: {  	v17 =	vadd.f32 v17, v25;
	v25 =	vadd.f32 v27, v36;
	v27 =	vld [tilespmem:s1+$0x13780]  }
.Ltmp1:
0x33f: {  	[tilespmem:s1+$0x13380] =	vst v18;
	v18 =	vadd.f32 v19, v20;
	v19 =	vadd.f32 v28, v37;
	v20 =	vld [tilespmem:s1+$0x13790];
	(pc) =	sbr.rel @p0 .LBB2_5-.Ltmp1, $4  }
0x340: {  	[tilespmem:s1+$0x13390] =	vst v17;
	v17 =	vadd.f32 v21, v25;
	v25 =	vadd.f32 v29, v33;
	v21 =	vld [tilespmem:s1+$0x137A0]  }
0x341: {  	[tilespmem:s1+$0x133A0] =	vst v18;
	v28 =	vadd.f32 v22, v19;
	v29 =	vadd.f32 v30, v34;
	v18 =	vld [tilespmem:s1+$0x137B0]  }
0x342: {  	[tilespmem:s1+$0x133B0] =	vst v17;
	v22 =	vadd.f32 v23, v25;
	v23 =	vadd.f32 v31, v26;
	v19 =	vld [tilespmem:s1+$0x137C0]  }
0x343: {  	s0 =	sadd.s32 $0x100, s0;
	[tilespmem:s1+$0x133C0] =	vst v28;
	v25 =	vadd.f32 v24, v29;
	v24 =	vadd.f32 v32, v27;
	v17 =	vld [tilespmem:s1+$0x137D0]  }
0x344: {  	v9 =	vadd.f32 v9, v23  }
0x345: {  	[tilespmem:s1+$0x133D0] =	vst v22;
	v22 =	vld [tilespmem:s1+$0x137E0];
	v16 =	vadd.f32 v16, v20  }
0x346: {  	v20 =	vld [tilespmem:s1+$0x137F0];
	v8 =	vadd.f32 v8, v24;
	[tilespmem:s1+$0x133F0] =	vst v9;
	v9 =	vadd.f32 v15, v21  }
0x347: {  	[tilespmem:s1+$0x133E0] =	vst v25;
	v15 =	vld [tilespmem:s1+$0x1B7E0];
	v7 =	vadd.f32 v7, v16;
	v14 =	vadd.f32 v14, v18  }
0x348: {  	[tilespmem:s1+$0x13780] =	vst v8;
	v8 =	vadd.f32 v13, v19;
	v6 =	vadd.f32 v6, v9;
	v9 =	vld [tilespmem:s1+$0x1B7F0]  }
0x349: {  	[tilespmem:s1+$0x13790] =	vst v7;
	v5 =	vadd.f32 v5, v14;
	v7 =	vadd.f32 v12, v17  }
0x34a: {  	v4 =	vadd.f32 v4, v8;
	[tilespmem:s1+$0x137A0] =	vst v6;
	v6 =	vadd.f32 v11, v22  }
0x34b: {  	[tilespmem:s1+$0x137B0] =	vst v5;
	v3 =	vadd.f32 v3, v7;
	v5 =	vadd.f32 v10, v20  }
0x34c: {  	s0 =	sshll.u32 s30, $0x7;
	[tilespmem:s1+$0x137C0] =	vst v4;
	v4 =	vadd.f32 v15, v6  }
0x34d: {  	s18 =	sadd.s32 s0, s15;
	[tilespmem:s1+$0x137D0] =	vst v3;
	v3 =	vadd.f32 v9, v5  }
0x34e: {  	s20 =	rddreg [dreg:$0x1];
	s18 =	sshll.u32 s18, $0x5;
	[tilespmem:s1+$0x137E0] =	vst v4  }
0x34f: {  	s18 =	sadd.s32 s20, s18;
	[tilespmem:s1+$0x137F0] =	vst v3;
	s1 =	simm.s32 $0x0  }
0x350: {  	[hbm4b:s18+s1] =	stream.linear.scatter [tilespmem:s17], [sflag:$0x5], $0x4000, $0x38;
	[tilespmem:$0x1F380] =	vst v63  }
0x351: {  	_ =	swait.ge [sflag:s2], $0x4000  }
0x352: {  	[sflag:s2] =	ssyncset.done $0x0  }
0x353: {  	[sflag:s2] =	ssyncadd.s32 $0xFFFFC000  }
0x354: {  	v3 =	vld [tilespmem:s0+$0xC0]  }
0x355: {  	v4 =	vld [tilespmem:s0+$0x5840];
	_ =	sdelay $0x1  }
0x356: {  	v5 =	vld [tilespmem:s0+$0x64C0];
	_ =	sdelay $0x2  }
0x357: {  	v3 =	vshll.u32 v3, $0x2;
	v4 =	vshll.u32 v4, $0x1  }
0x358: {  	v3 =	vadd.s32 v3, v4  }
0x359: {  	v3 =	vadd.s32 v5, v3  }
0x35a: {  	[tilespmem:$0x7200] =	vst v3  }
0x35b: {  	v3 =	vld [tilespmem:s0+$0xD40]  }
0x35c: {  	v4 =	vld [tilespmem:s0+$0x19C0];
	_ =	sdelay $0x2  }
0x35d: {  	v5 =	vld [tilespmem:s0+$0x2640];
	_ =	sdelay $0x1  }
0x35e: {  	v3 =	vmul.u32 $0x90, v3;
	v4 =	vmul.u32 $0xC, v4;
	_ =	sdelay $0x1  }
0x35f: {  	v3 =	vadd.s32 v4, v3  }
0x360: {  	v3 =	vadd.s32 v5, v3  }
0x361: {  	v3 =	vadd.s32 $0x1E0, v3  }
0x362: {  	[tilespmem:$0x7280] =	vst v3  }
0x363: {  	v3 =	vld [tilespmem:s0+$0x32C0]  }
0x364: {  	v4 =	vld [tilespmem:s0+$0x3F40];
	_ =	sdelay $0x2  }
0x365: {  	v5 =	vld [tilespmem:s0+$0x4BC0];
	_ =	sdelay $0x1  }
0x366: {  	v3 =	vmul.u32 $0x24, v3;
	v4 =	vmul.u32 $0x6, v4;
	_ =	sdelay $0x1  }
0x367: {  	v3 =	vadd.s32 v4, v3  }
0x368: {  	v3 =	vadd.s32 v5, v3  }
0x369: {  	v3 =	vadd.s32 $0x420, v3  }
0x36a: {  	[tilespmem:$0x7300] =	vst v3  }
0x36b: {  	v3 =	vld [tilespmem:s0+$0xD0]  }
0x36c: {  	v4 =	vld [tilespmem:s0+$0x5850];
	_ =	sdelay $0x1  }
0x36d: {  	v5 =	vld [tilespmem:s0+$0x64D0];
	_ =	sdelay $0x2  }
0x36e: {  	v3 =	vshll.u32 v3, $0x2;
	v4 =	vshll.u32 v4, $0x1  }
0x36f: {  	v3 =	vadd.s32 v3, v4  }
0x370: {  	v3 =	vadd.s32 v5, v3  }
0x371: {  	[tilespmem:$0x7210] =	vst v3  }
0x372: {  	v3 =	vld [tilespmem:s0+$0xD50]  }
0x373: {  	v4 =	vld [tilespmem:s0+$0x19D0];
	_ =	sdelay $0x2  }
0x374: {  	v5 =	vld [tilespmem:s0+$0x2650];
	_ =	sdelay $0x1  }
0x375: {  	v3 =	vmul.u32 $0x90, v3;
	v4 =	vmul.u32 $0xC, v4;
	_ =	sdelay $0x1  }
0x376: {  	v3 =	vadd.s32 v4, v3  }
0x377: {  	v3 =	vadd.s32 v5, v3  }
0x378: {  	v3 =	vadd.s32 $0x1E0, v3  }
0x379: {  	[tilespmem:$0x7290] =	vst v3  }
0x37a: {  	v3 =	vld [tilespmem:s0+$0x32D0]  }
0x37b: {  	v4 =	vld [tilespmem:s0+$0x3F50];
	_ =	sdelay $0x2  }
0x37c: {  	v5 =	vld [tilespmem:s0+$0x4BD0];
	_ =	sdelay $0x1  }
0x37d: {  	v3 =	vmul.u32 $0x24, v3;
	v4 =	vmul.u32 $0x6, v4;
	_ =	sdelay $0x1  }
0x37e: {  	v3 =	vadd.s32 v4, v3  }
0x37f: {  	v3 =	vadd.s32 v5, v3  }
0x380: {  	v3 =	vadd.s32 $0x420, v3  }
0x381: {  	[tilespmem:$0x7310] =	vst v3  }
0x382: {  	v3 =	vld [tilespmem:s0+$0xE0]  }
0x383: {  	v4 =	vld [tilespmem:s0+$0x5860];
	_ =	sdelay $0x1  }
0x384: {  	v5 =	vld [tilespmem:s0+$0x64E0];
	_ =	sdelay $0x2  }
0x385: {  	v3 =	vshll.u32 v3, $0x2;
	v4 =	vshll.u32 v4, $0x1  }
0x386: {  	v3 =	vadd.s32 v3, v4  }
0x387: {  	v3 =	vadd.s32 v5, v3  }
0x388: {  	[tilespmem:$0x7220] =	vst v3  }
0x389: {  	v3 =	vld [tilespmem:s0+$0xD60]  }
0x38a: {  	v4 =	vld [tilespmem:s0+$0x19E0];
	_ =	sdelay $0x2  }
0x38b: {  	v5 =	vld [tilespmem:s0+$0x2660];
	_ =	sdelay $0x1  }
0x38c: {  	v3 =	vmul.u32 $0x90, v3;
	v4 =	vmul.u32 $0xC, v4;
	_ =	sdelay $0x1  }
0x38d: {  	v3 =	vadd.s32 v4, v3  }
0x38e: {  	v3 =	vadd.s32 v5, v3  }
0x38f: {  	v3 =	vadd.s32 $0x1E0, v3  }
0x390: {  	[tilespmem:$0x72A0] =	vst v3  }
0x391: {  	v3 =	vld [tilespmem:s0+$0x32E0]  }
0x392: {  	v4 =	vld [tilespmem:s0+$0x3F60];
	_ =	sdelay $0x2  }
0x393: {  	v5 =	vld [tilespmem:s0+$0x4BE0];
	_ =	sdelay $0x1  }
0x394: {  	v3 =	vmul.u32 $0x24, v3;
	v4 =	vmul.u32 $0x6, v4;
	_ =	sdelay $0x1  }
0x395: {  	v3 =	vadd.s32 v4, v3  }
0x396: {  	v3 =	vadd.s32 v5, v3  }
0x397: {  	v3 =	vadd.s32 $0x420, v3  }
0x398: {  	[tilespmem:$0x7320] =	vst v3  }
0x399: {  	v3 =	vld [tilespmem:s0+$0xF0]  }
0x39a: {  	v4 =	vld [tilespmem:s0+$0x5870];
	_ =	sdelay $0x1  }
0x39b: {  	v5 =	vld [tilespmem:s0+$0x64F0];
	_ =	sdelay $0x2  }
0x39c: {  	v3 =	vshll.u32 v3, $0x2;
	v4 =	vshll.u32 v4, $0x1  }
0x39d: {  	v3 =	vadd.s32 v3, v4  }
0x39e: {  	v3 =	vadd.s32 v5, v3  }
0x39f: {  	[tilespmem:$0x7230] =	vst v3  }
0x3a0: {  	v3 =	vld [tilespmem:s0+$0xD70]  }
0x3a1: {  	v4 =	vld [tilespmem:s0+$0x19F0];
	_ =	sdelay $0x2  }
0x3a2: {  	v5 =	vld [tilespmem:s0+$0x2670];
	_ =	sdelay $0x1  }
0x3a3: {  	v3 =	vmul.u32 $0x90, v3;
	v4 =	vmul.u32 $0xC, v4;
	_ =	sdelay $0x1  }
0x3a4: {  	v3 =	vadd.s32 v4, v3  }
0x3a5: {  	v4 =	vld [tilespmem:$0x7200];
	v3 =	vadd.s32 v5, v3  }
0x3a6: {  	v3 =	vadd.s32 $0x1E0, v3  }
0x3a7: {  	[tilespmem:$0x72B0] =	vst v3  }
0x3a8: {  	v3 =	vld [tilespmem:s0+$0x32F0]  }
0x3a9: {  	v5 =	vld [tilespmem:s0+$0x3F70]  }
0x3aa: {  	v6 =	vshll.u32 v4, $0x1  }
0x3ab: {  	v4 =	vand.u32 $0x7, v4;
	v6 =	vand.u32 $0xFFFFFFF0, v6  }
0x3ac: {  	v7 =	vld [tilespmem:s0+$0x4BF0];
	v4 =	vor.u32 v4, v6  }
0x3ad: {  	v6 =	vperm.xlane v4, v0  }
0x3ae: {  	v3 =	vmul.u32 $0x24, v3;
	v5 =	vmul.u32 $0x6, v5  }
0x3af: {  	v4 =	vperm.xlane v4, v2;
	v6 =	vadd.s32 v1, v6  }
0x3b0: {  	v3 =	vadd.s32 v5, v3  }
0x3b1: {  	v4 =	vadd.s32 v1, v4;
	v3 =	vadd.s32 v7, v3  }
0x3b2: {  	v3 =	vadd.s32 $0x420, v3  }
0x3b3: {  	[tilespmem:$0x7330] =	vst v3  }
0x3b4: {  	[tilespmem:s17], [sflag:$0x3] =	stream.indirect_vreg.gather [hbm4b:s4+s1], $0x80, v6, vm0, $0xb8;
	[tilespmem:$0x1F380] =	vst v63  }
0x3b5: {  	s18 =	simm.s32 $0x13B80  }
0x3b6: {  	[tilespmem:s18], [sflag:$0x3] =	stream.indirect_vreg.gather [hbm4b:s4+s1], $0x80, v4, vm0, $0xb8;
	[tilespmem:$0x1F380] =	vst v63  }
0x3b7: {  	v3 =	vld [tilespmem:$0x7210];
	_ =	sdelay $0x4  }
0x3b8: {  	v4 =	vshll.u32 v3, $0x1  }
0x3b9: {  	v3 =	vand.u32 $0x7, v3;
	v4 =	vand.u32 $0xFFFFFFF0, v4  }
0x3ba: {  	v3 =	vor.u32 v3, v4  }
0x3bb: {  	v4 =	vperm.xlane v3, v0;
	_ =	sdelay $0x1  }
0x3bc: {  	v3 =	vperm.xlane v3, v2;
	v4 =	vadd.s32 v1, v4;
	_ =	sdelay $0x1  }
0x3bd: {  	v3 =	vadd.s32 v1, v3;
	_ =	sdelay $0x1  }
0x3be: {  	s19 =	simm.s32 $0x14380  }
0x3bf: {  	[tilespmem:s19], [sflag:$0x3] =	stream.indirect_vreg.gather [hbm4b:s4+s1], $0x80, v4, vm0, $0xb8;
	[tilespmem:$0x1F380] =	vst v63  }
0x3c0: {  	s20 =	simm.s32 $0x14B80  }
0x3c1: {  	[tilespmem:s20], [sflag:$0x3] =	stream.indirect_vreg.gather [hbm4b:s4+s1], $0x80, v3, vm0, $0xb8;
	[tilespmem:$0x1F380] =	vst v63  }
0x3c2: {  	v3 =	vld [tilespmem:$0x7220];
	_ =	sdelay $0x4  }
0x3c3: {  	v4 =	vshll.u32 v3, $0x1  }
0x3c4: {  	v3 =	vand.u32 $0x7, v3;
	v4 =	vand.u32 $0xFFFFFFF0, v4  }
0x3c5: {  	v3 =	vor.u32 v3, v4  }
0x3c6: {  	v4 =	vperm.xlane v3, v0;
	_ =	sdelay $0x1  }
0x3c7: {  	v3 =	vperm.xlane v3, v2;
	v4 =	vadd.s32 v1, v4;
	_ =	sdelay $0x1  }
0x3c8: {  	v3 =	vadd.s32 v1, v3;
	_ =	sdelay $0x1  }
0x3c9: {  	s18 =	simm.s32 $0x15380  }
0x3ca: {  	[tilespmem:s18], [sflag:$0x3] =	stream.indirect_vreg.gather [hbm4b:s4+s1], $0x80, v4, vm0, $0xb8;
	[tilespmem:$0x1F380] =	vst v63  }
0x3cb: {  	s19 =	simm.s32 $0x15B80  }
0x3cc: {  	[tilespmem:s19], [sflag:$0x3] =	stream.indirect_vreg.gather [hbm4b:s4+s1], $0x80, v3, vm0, $0xb8;
	[tilespmem:$0x1F380] =	vst v63  }
0x3cd: {  	v3 =	vld [tilespmem:$0x7230];
	_ =	sdelay $0x4  }
0x3ce: {  	v4 =	vshll.u32 v3, $0x1  }
0x3cf: {  	v3 =	vand.u32 $0x7, v3;
	v4 =	vand.u32 $0xFFFFFFF0, v4  }
0x3d0: {  	v3 =	vor.u32 v3, v4  }
0x3d1: {  	v4 =	vperm.xlane v3, v0;
	_ =	sdelay $0x1  }
0x3d2: {  	v3 =	vperm.xlane v3, v2;
	v4 =	vadd.s32 v1, v4;
	_ =	sdelay $0x1  }
0x3d3: {  	v3 =	vadd.s32 v1, v3;
	_ =	sdelay $0x1  }
0x3d4: {  	s20 =	simm.s32 $0x16380  }
0x3d5: {  	[tilespmem:s20], [sflag:$0x3] =	stream.indirect_vreg.gather [hbm4b:s4+s1], $0x80, v4, vm0, $0xb8;
	[tilespmem:$0x1F380] =	vst v63  }
0x3d6: {  	s18 =	simm.s32 $0x16B80  }
0x3d7: {  	[tilespmem:s18], [sflag:$0x3] =	stream.indirect_vreg.gather [hbm4b:s4+s1], $0x80, v3, vm0, $0xb8;
	[tilespmem:$0x1F380] =	vst v63  }
0x3d8: {  	v3 =	vld [tilespmem:$0x7280];
	_ =	sdelay $0x4  }
0x3d9: {  	v4 =	vshll.u32 v3, $0x1  }
0x3da: {  	v3 =	vand.u32 $0x7, v3;
	v4 =	vand.u32 $0xFFFFFFF0, v4  }
0x3db: {  	v3 =	vor.u32 v3, v4  }
0x3dc: {  	v4 =	vperm.xlane v3, v0;
	_ =	sdelay $0x1  }
0x3dd: {  	v3 =	vperm.xlane v3, v2;
	v4 =	vadd.s32 v1, v4;
	_ =	sdelay $0x1  }
0x3de: {  	v3 =	vadd.s32 v1, v3;
	_ =	sdelay $0x1  }
0x3df: {  	s19 =	simm.s32 $0x17380  }
0x3e0: {  	[tilespmem:s19], [sflag:$0x3] =	stream.indirect_vreg.gather [hbm4b:s4+s1], $0x80, v4, vm0, $0xb8;
	[tilespmem:$0x1F380] =	vst v63  }
0x3e1: {  	s20 =	simm.s32 $0x17B80  }
0x3e2: {  	[tilespmem:s20], [sflag:$0x3] =	stream.indirect_vreg.gather [hbm4b:s4+s1], $0x80, v3, vm0, $0xb8;
	[tilespmem:$0x1F380] =	vst v63  }
0x3e3: {  	v3 =	vld [tilespmem:$0x7290];
	_ =	sdelay $0x4  }
0x3e4: {  	v4 =	vshll.u32 v3, $0x1  }
0x3e5: {  	v3 =	vand.u32 $0x7, v3;
	v4 =	vand.u32 $0xFFFFFFF0, v4  }
0x3e6: {  	v3 =	vor.u32 v3, v4  }
0x3e7: {  	v4 =	vperm.xlane v3, v0;
	_ =	sdelay $0x1  }
0x3e8: {  	v3 =	vperm.xlane v3, v2;
	v4 =	vadd.s32 v1, v4;
	_ =	sdelay $0x1  }
0x3e9: {  	v3 =	vadd.s32 v1, v3;
	_ =	sdelay $0x1  }
0x3ea: {  	s18 =	simm.s32 $0x18380  }
0x3eb: {  	[tilespmem:s18], [sflag:$0x3] =	stream.indirect_vreg.gather [hbm4b:s4+s1], $0x80, v4, vm0, $0xb8;
	[tilespmem:$0x1F380] =	vst v63  }
0x3ec: {  	_ = 	snop  }
0x3ed: {  	[tilespmem:s21], [sflag:$0x3] =	stream.indirect_vreg.gather [hbm4b:s4+s1], $0x80, v3, vm0, $0xb8;
	[tilespmem:$0x1F380] =	vst v63  }
0x3ee: {  	v3 =	vld [tilespmem:$0x72A0];
	_ =	sdelay $0x4  }
0x3ef: {  	v4 =	vshll.u32 v3, $0x1  }
0x3f0: {  	v3 =	vand.u32 $0x7, v3;
	v4 =	vand.u32 $0xFFFFFFF0, v4  }
0x3f1: {  	v3 =	vor.u32 v3, v4  }
0x3f2: {  	v4 =	vperm.xlane v3, v0;
	_ =	sdelay $0x1  }
0x3f3: {  	v3 =	vperm.xlane v3, v2;
	v4 =	vadd.s32 v1, v4;
	_ =	sdelay $0x1  }
0x3f4: {  	v3 =	vadd.s32 v1, v3;
	_ =	sdelay $0x2  }
0x3f5: {  	[tilespmem:s22], [sflag:$0x3] =	stream.indirect_vreg.gather [hbm4b:s4+s1], $0x80, v4, vm0, $0xb8;
	[tilespmem:$0x1F380] =	vst v63  }
0x3f6: {  	_ = 	snop  }
0x3f7: {  	[tilespmem:s23], [sflag:$0x3] =	stream.indirect_vreg.gather [hbm4b:s4+s1], $0x80, v3, vm0, $0xb8;
	[tilespmem:$0x1F380] =	vst v63  }
0x3f8: {  	v3 =	vld [tilespmem:$0x72B0];
	_ =	sdelay $0x4  }
0x3f9: {  	v4 =	vshll.u32 v3, $0x1  }
0x3fa: {  	v3 =	vand.u32 $0x7, v3;
	v4 =	vand.u32 $0xFFFFFFF0, v4  }
0x3fb: {  	v3 =	vor.u32 v3, v4  }
0x3fc: {  	v4 =	vperm.xlane v3, v0;
	_ =	sdelay $0x1  }
0x3fd: {  	v3 =	vperm.xlane v3, v2;
	v4 =	vadd.s32 v1, v4;
	_ =	sdelay $0x1  }
0x3fe: {  	v3 =	vadd.s32 v1, v3;
	_ =	sdelay $0x2  }
0x3ff: {  	[tilespmem:s24], [sflag:$0x3] =	stream.indirect_vreg.gather [hbm4b:s4+s1], $0x80, v4, vm0, $0xb8;
	[tilespmem:$0x1F380] =	vst v63  }
0x400: {  	_ = 	snop  }
0x401: {  	[tilespmem:s25], [sflag:$0x3] =	stream.indirect_vreg.gather [hbm4b:s4+s1], $0x80, v3, vm0, $0xb8;
	[tilespmem:$0x1F380] =	vst v63  }
0x402: {  	v3 =	vld [tilespmem:$0x7300];
	_ =	sdelay $0x4  }
0x403: {  	v4 =	vshll.u32 v3, $0x1  }
0x404: {  	v3 =	vand.u32 $0x7, v3;
	v4 =	vand.u32 $0xFFFFFFF0, v4  }
0x405: {  	v3 =	vor.u32 v3, v4  }
0x406: {  	v4 =	vperm.xlane v3, v0;
	_ =	sdelay $0x1  }
0x407: {  	v3 =	vperm.xlane v3, v2;
	v4 =	vadd.s32 v1, v4;
	_ =	sdelay $0x1  }
0x408: {  	v3 =	vadd.s32 v1, v3;
	_ =	sdelay $0x2  }
0x409: {  	[tilespmem:s5], [sflag:$0x3] =	stream.indirect_vreg.gather [hbm4b:s4+s1], $0x80, v4, vm0, $0xb8;
	[tilespmem:$0x1F380] =	vst v63  }
0x40a: {  	_ = 	snop  }
0x40b: {  	[tilespmem:s6], [sflag:$0x3] =	stream.indirect_vreg.gather [hbm4b:s4+s1], $0x80, v3, vm0, $0xb8;
	[tilespmem:$0x1F380] =	vst v63  }
0x40c: {  	v3 =	vld [tilespmem:$0x7310];
	_ =	sdelay $0x4  }
0x40d: {  	v4 =	vshll.u32 v3, $0x1  }
0x40e: {  	v3 =	vand.u32 $0x7, v3;
	v4 =	vand.u32 $0xFFFFFFF0, v4  }
0x40f: {  	v3 =	vor.u32 v3, v4  }
0x410: {  	v4 =	vperm.xlane v3, v0;
	_ =	sdelay $0x1  }
0x411: {  	v3 =	vperm.xlane v3, v2;
	v4 =	vadd.s32 v1, v4;
	_ =	sdelay $0x1  }
0x412: {  	v3 =	vadd.s32 v1, v3;
	_ =	sdelay $0x2  }
0x413: {  	[tilespmem:s7], [sflag:$0x3] =	stream.indirect_vreg.gather [hbm4b:s4+s1], $0x80, v4, vm0, $0xb8;
	[tilespmem:$0x1F380] =	vst v63  }
0x414: {  	_ = 	snop  }
0x415: {  	[tilespmem:s8], [sflag:$0x3] =	stream.indirect_vreg.gather [hbm4b:s4+s1], $0x80, v3, vm0, $0xb8;
	[tilespmem:$0x1F380] =	vst v63  }
0x416: {  	v3 =	vld [tilespmem:$0x7320];
	_ =	sdelay $0x4  }
0x417: {  	v4 =	vshll.u32 v3, $0x1  }
0x418: {  	v3 =	vand.u32 $0x7, v3;
	v4 =	vand.u32 $0xFFFFFFF0, v4  }
0x419: {  	v3 =	vor.u32 v3, v4  }
0x41a: {  	v4 =	vperm.xlane v3, v0;
	_ =	sdelay $0x1  }
0x41b: {  	v3 =	vperm.xlane v3, v2;
	v4 =	vadd.s32 v1, v4;
	_ =	sdelay $0x1  }
0x41c: {  	v3 =	vadd.s32 v1, v3;
	_ =	sdelay $0x2  }
0x41d: {  	[tilespmem:s9], [sflag:$0x3] =	stream.indirect_vreg.gather [hbm4b:s4+s1], $0x80, v4, vm0, $0xb8;
	[tilespmem:$0x1F380] =	vst v63  }
0x41e: {  	_ = 	snop  }
0x41f: {  	[tilespmem:s10], [sflag:$0x3] =	stream.indirect_vreg.gather [hbm4b:s4+s1], $0x80, v3, vm0, $0xb8;
	[tilespmem:$0x1F380] =	vst v63  }
0x420: {  	v3 =	vld [tilespmem:$0x7330];
	_ =	sdelay $0x4  }
0x421: {  	v4 =	vshll.u32 v3, $0x1  }
0x422: {  	v3 =	vand.u32 $0x7, v3;
	v4 =	vand.u32 $0xFFFFFFF0, v4  }
0x423: {  	v3 =	vor.u32 v3, v4  }
0x424: {  	v4 =	vperm.xlane v3, v0;
	_ =	sdelay $0x1  }
0x425: {  	v3 =	vperm.xlane v3, v2;
	v4 =	vadd.s32 v1, v4;
	_ =	sdelay $0x1  }
0x426: {  	v3 =	vadd.s32 v1, v3;
	_ =	sdelay $0x2  }
0x427: {  	[tilespmem:s11], [sflag:$0x3] =	stream.indirect_vreg.gather [hbm4b:s4+s1], $0x80, v4, vm0, $0xb8;
	[tilespmem:$0x1F380] =	vst v63  }
0x428: {  	_ = 	snop  }
0x429: {  	[tilespmem:s12], [sflag:$0x3] =	stream.indirect_vreg.gather [hbm4b:s4+s1], $0x80, v3, vm0, $0xb8;
	[tilespmem:$0x1F380] =	vst v63  }
0x42a: {  	_ =	swait.ge [sflag:s14], $0x4000  }
0x42b: {  	[sflag:s14] =	ssyncset.done $0x0  }
0x42c: {  	[sflag:s14] =	ssyncadd.s32 $0xFFFFC000  }
0x42d: {  	_ =	swait.ge [sflag:s14], $0x4000  }
0x42e: {  	[sflag:s14] =	ssyncset.done $0x0  }
0x42f: {  	[sflag:s14] =	ssyncadd.s32 $0xFFFFC000  }
0x430: {  	_ =	swait.ge [sflag:s14], $0x4000  }
0x431: {  	s19 =	sand.u32 $0x3800, s1;
	s20 =	sand.u32 $0x380, s1;
	[sflag:s14] =	ssyncset.done $0x0  }
0x432: {  	s0 =	sor.u32 s20, s19;
	[sflag:s14] =	ssyncadd.s32 $0xFFFFC000  }
0x433: {  	v17 =	vld [tilespmem:s0+$0xF380]  }
0x434: {  	v18 =	vld [tilespmem:s0+$0xF390]  }
0x435: {  	v19 =	vld [tilespmem:s0+$0xF3A0]  }
0x436: {  	v21 =	vld [tilespmem:s0+$0xF3B0]  }
0x437: {  	v22 =	vld [tilespmem:s0+$0xF3C0]  }
0x438: {  	v23 =	vld [tilespmem:s0+$0xF3D0]  }
0x439: {  	v24 =	vld [tilespmem:s0+$0xF3E0]  }
0x43a: {  	v9 =	vld [tilespmem:s0+$0xF3F0]  }
0x43b: {  	v8 =	vld [tilespmem:s0+$0xF780]  }
0x43c: {  	v7 =	vld [tilespmem:s0+$0xF790]  }
0x43d: {  	v6 =	vld [tilespmem:s0+$0xF7A0]  }
0x43e: {  	v5 =	vld [tilespmem:s0+$0xF7B0]  }
0x43f: {  	v4 =	vld [tilespmem:s0+$0xF7C0]  }
0x440: {  	v3 =	vld [tilespmem:s0+$0xF7D0]  }
0x441: {  	v20 =	vld [tilespmem:s0+$0xB380]  }
0x442: {  	v25 =	vld [tilespmem:s0+$0xB390]  }
0x443: {  	v26 =	vld [tilespmem:s0+$0xB3A0]  }
0x444: {  	v27 =	vld [tilespmem:s0+$0xB3B0]  }
0x445: {  	v28 =	vld [tilespmem:s0+$0xB3C0]  }
0x446: {  	v29 =	vld [tilespmem:s0+$0xB3D0]  }
0x447: {  	v30 =	vld [tilespmem:s0+$0xB3E0]  }
0x448: {  	v31 =	vld [tilespmem:s0+$0xB3F0]  }
0x449: {  	v32 =	vld [tilespmem:s0+$0xB780]  }
0x44a: {  	v16 =	vld [tilespmem:s0+$0xB790]  }
0x44b: {  	v15 =	vld [tilespmem:s0+$0xB7A0]  }
0x44c: {  	v14 =	vld [tilespmem:s0+$0xB7B0]  }
0x44d: {  	v13 =	vld [tilespmem:s0+$0xB7C0]  }
0x44e: {  	v12 =	vld [tilespmem:s0+$0xB7D0]  }
0x44f: {  	v11 =	vld [tilespmem:s0+$0xB7E0]  }
0x450: {  	v10 =	vld [tilespmem:s0+$0xB7F0]  }
0x451: {  	v33 =	vld [tilespmem:s0+$0x7380]  }
0x452: {  	v34 =	vld [tilespmem:s0+$0x7390]  }
0x453: {  	v35 =	vld [tilespmem:s0+$0x73A0]  }
0x454: {  	v36 =	vld [tilespmem:s0+$0x73B0]  }
0x455: {  	v37 =	vld [tilespmem:s0+$0x73C0]  }
0x456: {  	v60 =	vld [tilespmem:s0+$0x73D0];
	v20 =	vadd.f32 v20, v33  }
0x457: {  	v61 =	vld [tilespmem:s0+$0x73E0];
	v25 =	vadd.f32 v25, v34  }
0x458: {  	v17 =	vadd.f32 v17, v20;
	v20 =	vadd.f32 v26, v35;
	v26 =	vld [tilespmem:s0+$0x73F0]  }
0x459: {  	v18 =	vadd.f32 v18, v25;
	v25 =	vadd.f32 v27, v36;
	v27 =	vld [tilespmem:s0+$0x7780]  }
0x45a: {  	[tilespmem:s0+$0x7380] =	vst v17;
	v17 =	vadd.f32 v19, v20;
	v19 =	vadd.f32 v28, v37;
	v20 =	vld [tilespmem:s0+$0x7790]  }
0x45b: {  	v62 =	vadd.f32 v29, v60;
	[tilespmem:s0+$0x7390] =	vst v18;
	v25 =	vadd.f32 v21, v25;
	v21 =	vld [tilespmem:s0+$0x77A0]  }
0x45c: {  	v63 =	vadd.f32 v30, v61;
	v18 =	vld [tilespmem:s0+$0x77B0];
	[tilespmem:s0+$0x73A0] =	vst v17;
	v17 =	vadd.f32 v22, v19  }
0x45d: {  	[tilespmem:s0+$0x73B0] =	vst v25;
	v22 =	vadd.f32 v23, v62;
	v19 =	vld [tilespmem:s0+$0x77C0];
	v23 =	vadd.f32 v31, v26  }
0x45e: {  	s18 =	simm.s32 $0x100;
	v25 =	vadd.f32 v24, v63;
	v24 =	vadd.f32 v32, v27;
	[tilespmem:s0+$0x73C0] =	vst v17;
	v17 =	vld [tilespmem:s0+$0x77D0]  }
.LBB2_7:
0x45f: {  	p0 =	sne.s32 s18, $0x3F00;
	[tilespmem:s0+$0x73D0] =	vst v22;
	v9 =	vadd.f32 v9, v23;
	v16 =	vadd.f32 v16, v20;
	v20 =	vld [tilespmem:s0+$0x77E0]  }
0x460: {  	s1 =	sadd.s32 $0x80, s1;
	[tilespmem:s0+$0x73E0] =	vst v25;
	v8 =	vadd.f32 v8, v24;
	v15 =	vadd.f32 v15, v21;
	v21 =	vld [tilespmem:s0+$0x77F0]  }
0x461: {  	s19 =	sand.u32 $0x3800, s18;
	s20 =	sand.u32 $0x380, s1;
	[tilespmem:s0+$0x73F0] =	vst v9;
	v7 =	vadd.f32 v7, v16;
	v9 =	vadd.f32 v14, v18;
	v14 =	vld [tilespmem:s0+$0xF7E0]  }
0x462: {  	s19 =	sor.u32 s20, s19;
	[tilespmem:s0+$0x7780] =	vst v8;
	v6 =	vadd.f32 v6, v15;
	v8 =	vadd.f32 v13, v19;
	v13 =	vld [tilespmem:s0+$0xF7F0]  }
0x463: {  	v18 =	vld [tilespmem:s19+$0xF380];
	[tilespmem:s0+$0x7790] =	vst v7;
	v5 =	vadd.f32 v5, v9;
	v7 =	vadd.f32 v12, v17  }
0x464: {  	v17 =	vld [tilespmem:s19+$0xF390];
	[tilespmem:s0+$0x77A0] =	vst v6;
	v4 =	vadd.f32 v4, v8;
	v6 =	vadd.f32 v11, v20  }
0x465: {  	v19 =	vld [tilespmem:s19+$0xF3A0];
	[tilespmem:s0+$0x77B0] =	vst v5;
	v3 =	vadd.f32 v3, v7;
	v5 =	vadd.f32 v10, v21  }
0x466: {  	v21 =	vld [tilespmem:s19+$0xF3B0];
	[tilespmem:s0+$0x77C0] =	vst v4;
	v4 =	vadd.f32 v14, v6  }
0x467: {  	v22 =	vld [tilespmem:s19+$0xF3C0];
	[tilespmem:s0+$0x77D0] =	vst v3;
	v3 =	vadd.f32 v13, v5  }
0x468: {  	v23 =	vld [tilespmem:s19+$0xF3D0];
	[tilespmem:s0+$0x77E0] =	vst v4  }
0x469: {  	v24 =	vld [tilespmem:s19+$0xF3E0];
	[tilespmem:s0+$0x77F0] =	vst v3;
	s0 =	smov.u32 s19  }
0x46a: {  	v9 =	vld [tilespmem:s0+$0xF3F0]  }
0x46b: {  	v8 =	vld [tilespmem:s0+$0xF780]  }
0x46c: {  	v7 =	vld [tilespmem:s0+$0xF790]  }
0x46d: {  	v6 =	vld [tilespmem:s0+$0xF7A0]  }
0x46e: {  	v5 =	vld [tilespmem:s0+$0xF7B0]  }
0x46f: {  	v4 =	vld [tilespmem:s0+$0xF7C0]  }
0x470: {  	v3 =	vld [tilespmem:s0+$0xF7D0]  }
0x471: {  	v20 =	vld [tilespmem:s0+$0xB380]  }
0x472: {  	v25 =	vld [tilespmem:s0+$0xB390]  }
0x473: {  	v26 =	vld [tilespmem:s0+$0xB3A0]  }
0x474: {  	v27 =	vld [tilespmem:s0+$0xB3B0]  }
0x475: {  	v28 =	vld [tilespmem:s0+$0xB3C0]  }
0x476: {  	v29 =	vld [tilespmem:s0+$0xB3D0]  }
0x477: {  	v30 =	vld [tilespmem:s0+$0xB3E0]  }
0x478: {  	v31 =	vld [tilespmem:s0+$0xB3F0]  }
0x479: {  	v32 =	vld [tilespmem:s0+$0xB780]  }
0x47a: {  	v16 =	vld [tilespmem:s0+$0xB790]  }
0x47b: {  	v15 =	vld [tilespmem:s0+$0xB7A0]  }
0x47c: {  	v14 =	vld [tilespmem:s0+$0xB7B0]  }
0x47d: {  	v13 =	vld [tilespmem:s0+$0xB7C0]  }
0x47e: {  	v12 =	vld [tilespmem:s0+$0xB7D0]  }
0x47f: {  	v11 =	vld [tilespmem:s0+$0xB7E0]  }
0x480: {  	v10 =	vld [tilespmem:s0+$0xB7F0]  }
0x481: {  	v33 =	vld [tilespmem:s0+$0x7380]  }
0x482: {  	v34 =	vld [tilespmem:s0+$0x7390]  }
0x483: {  	v35 =	vld [tilespmem:s0+$0x73A0]  }
0x484: {  	v36 =	vld [tilespmem:s0+$0x73B0]  }
0x485: {  	v37 =	vld [tilespmem:s0+$0x73C0]  }
0x486: {  	v20 =	vadd.f32 v20, v33;
	v33 =	vld [tilespmem:s0+$0x73D0]  }
0x487: {  	v25 =	vadd.f32 v25, v34;
	v34 =	vld [tilespmem:s0+$0x73E0]  }
0x488: {  	v18 =	vadd.f32 v18, v20;
	v20 =	vadd.f32 v26, v35;
	v26 =	vld [tilespmem:s0+$0x73F0]  }
0x489: {  	v17 =	vadd.f32 v17, v25;
	v25 =	vadd.f32 v27, v36;
	v27 =	vld [tilespmem:s0+$0x7780]  }
.Ltmp2:
0x48a: {  	[tilespmem:s0+$0x7380] =	vst v18;
	v18 =	vadd.f32 v19, v20;
	v19 =	vadd.f32 v28, v37;
	v20 =	vld [tilespmem:s0+$0x7790];
	(pc) =	sbr.rel @p0 .LBB2_7-.Ltmp2, $4  }
0x48b: {  	[tilespmem:s0+$0x7390] =	vst v17;
	v17 =	vadd.f32 v21, v25;
	v25 =	vadd.f32 v29, v33;
	v21 =	vld [tilespmem:s0+$0x77A0]  }
0x48c: {  	[tilespmem:s0+$0x73A0] =	vst v18;
	v28 =	vadd.f32 v22, v19;
	v29 =	vadd.f32 v30, v34;
	v18 =	vld [tilespmem:s0+$0x77B0]  }
0x48d: {  	[tilespmem:s0+$0x73B0] =	vst v17;
	v22 =	vadd.f32 v23, v25;
	v23 =	vadd.f32 v31, v26;
	v19 =	vld [tilespmem:s0+$0x77C0]  }
0x48e: {  	s18 =	sadd.s32 $0x100, s18;
	[tilespmem:s0+$0x73C0] =	vst v28;
	v25 =	vadd.f32 v24, v29;
	v24 =	vadd.f32 v32, v27;
	v17 =	vld [tilespmem:s0+$0x77D0]  }
0x48f: {  	[tilespmem:s0+$0x73D0] =	vst v22;
	v9 =	vadd.f32 v9, v23;
	v54 =	vld [tilespmem:s0+$0x77E0];
	v16 =	vadd.f32 v16, v20  }
0x490: {  	v55 =	vld [tilespmem:s0+$0x77F0];
	[tilespmem:s0+$0x73E0] =	vst v25;
	v8 =	vadd.f32 v8, v24;
	v56 =	vadd.f32 v15, v21  }
0x491: {  	v57 =	vld [tilespmem:s0+$0xF7E0];
	[tilespmem:s0+$0x73F0] =	vst v9;
	v7 =	vadd.f32 v7, v16;
	v14 =	vadd.f32 v14, v18  }
0x492: {  	v59 =	vld [tilespmem:s0+$0xF7F0];
	[tilespmem:s0+$0x7780] =	vst v8;
	v6 =	vadd.f32 v6, v56;
	v58 =	vadd.f32 v13, v19  }
0x493: {  	[tilespmem:s0+$0x7790] =	vst v7;
	v5 =	vadd.f32 v5, v14;
	v60 =	vadd.f32 v12, v17  }
0x494: {  	s30 =	sadd.s32 $0x1, s30;
	[tilespmem:s0+$0x77A0] =	vst v6;
	v4 =	vadd.f32 v4, v58;
	v61 =	vadd.f32 v11, v54  }
0x495: {  	p0 =	sne.s32 s30, $0x18;
	v62 =	vadd.f32 v10, v55;
	[tilespmem:s0+$0x77B0] =	vst v5;
	v3 =	vadd.f32 v3, v60  }
.Ltmp3:
0x496: {  	[tilespmem:s0+$0x77C0] =	vst v4;
	v63 =	vadd.f32 v57, v61;
	(pc) =	sbr.rel @p0 .LBB2_4-.Ltmp3, $4  }
0x497: {  	[tilespmem:s0+$0x77D0] =	vst v3;
	v3 =	vadd.f32 v59, v62  }
0x498: {  	s1 =	sshll.u32 s31, $0xB;
	[tilespmem:s0+$0x77E0] =	vst v63  }
0x499: {  	s31 =	sadd.s32 s1, s13;
	[tilespmem:s0+$0x77F0] =	vst v3  }
0x49a: {  	[hbm4b:s31+s3] =	stream.linear.scatter [tilespmem:s28], [sflag:$0x4], $0x4000, $0x38;
	[tilespmem:$0x1F380] =	vst v63  }
0x49b: {  	_ =	swait.ge [sflag:s16], $0x4000  }
0x49c: {  	[sflag:s16] =	ssyncset.done $0x0  }
0x49d: {  	[sflag:s16] =	ssyncadd.s32 $0xFFFFC000  }
0x49e: {  	_ =	swait.ge [sflag:s26], $0x4000  }
0x49f: {  	[sflag:s26] =	ssyncset.done $0x0  }
0x4a0: {  	[sflag:s26] =	ssyncadd.s32 $0xFFFFC000  }
0x4a1: {  	_ =	swait.ge [sflag:s26], $0x4000  }
0x4a2: {  	[sflag:s26] =	ssyncset.done $0x0  }
0x4a3: {  	[sflag:s26] =	ssyncadd.s32 $0xFFFFC000  }
0x4a4: {  	s1 =	simm.s32 $0x0;
	_ =	swait.ge [sflag:s26], $0x4000  }
0x4a5: {  	s0 =	sand.u32 $0x3800, s1;
	s18 =	sand.u32 $0x380, s1;
	[sflag:s26] =	ssyncset.done $0x0  }
0x4a6: {  	s0 =	sor.u32 s18, s0;
	[sflag:s26] =	ssyncadd.s32 $0xFFFFC000  }
0x4a7: {  	v17 =	vld [tilespmem:s0+$0x1B380]  }
0x4a8: {  	v18 =	vld [tilespmem:s0+$0x1B390]  }
0x4a9: {  	v19 =	vld [tilespmem:s0+$0x1B3A0]  }
0x4aa: {  	v21 =	vld [tilespmem:s0+$0x1B3B0]  }
0x4ab: {  	v22 =	vld [tilespmem:s0+$0x1B3C0]  }
0x4ac: {  	v23 =	vld [tilespmem:s0+$0x1B3D0]  }
0x4ad: {  	v24 =	vld [tilespmem:s0+$0x1B3E0]  }
0x4ae: {  	v9 =	vld [tilespmem:s0+$0x1B3F0]  }
0x4af: {  	v8 =	vld [tilespmem:s0+$0x1B780]  }
0x4b0: {  	v7 =	vld [tilespmem:s0+$0x1B790]  }
0x4b1: {  	v6 =	vld [tilespmem:s0+$0x1B7A0]  }
0x4b2: {  	v5 =	vld [tilespmem:s0+$0x1B7B0]  }
0x4b3: {  	v4 =	vld [tilespmem:s0+$0x1B7C0]  }
0x4b4: {  	v3 =	vld [tilespmem:s0+$0x1B7D0]  }
0x4b5: {  	v20 =	vld [tilespmem:s0+$0x17380]  }
0x4b6: {  	v25 =	vld [tilespmem:s0+$0x17390]  }
0x4b7: {  	v26 =	vld [tilespmem:s0+$0x173A0]  }
0x4b8: {  	v27 =	vld [tilespmem:s0+$0x173B0]  }
0x4b9: {  	v28 =	vld [tilespmem:s0+$0x173C0]  }
0x4ba: {  	v29 =	vld [tilespmem:s0+$0x173D0]  }
0x4bb: {  	v30 =	vld [tilespmem:s0+$0x173E0]  }
0x4bc: {  	v31 =	vld [tilespmem:s0+$0x173F0]  }
0x4bd: {  	v32 =	vld [tilespmem:s0+$0x17780]  }
0x4be: {  	v16 =	vld [tilespmem:s0+$0x17790]  }
0x4bf: {  	v15 =	vld [tilespmem:s0+$0x177A0]  }
0x4c0: {  	v14 =	vld [tilespmem:s0+$0x177B0]  }
0x4c1: {  	v13 =	vld [tilespmem:s0+$0x177C0]  }
0x4c2: {  	v12 =	vld [tilespmem:s0+$0x177D0]  }
0x4c3: {  	v11 =	vld [tilespmem:s0+$0x177E0]  }
0x4c4: {  	v10 =	vld [tilespmem:s0+$0x177F0]  }
0x4c5: {  	v33 =	vld [tilespmem:s0+$0x13380]  }
0x4c6: {  	v34 =	vld [tilespmem:s0+$0x13390]  }
0x4c7: {  	v35 =	vld [tilespmem:s0+$0x133A0]  }
0x4c8: {  	v36 =	vld [tilespmem:s0+$0x133B0]  }
0x4c9: {  	v37 =	vld [tilespmem:s0+$0x133C0]  }
0x4ca: {  	v60 =	vld [tilespmem:s0+$0x133D0];
	v20 =	vadd.f32 v20, v33  }
0x4cb: {  	v61 =	vld [tilespmem:s0+$0x133E0];
	v25 =	vadd.f32 v25, v34  }
0x4cc: {  	v17 =	vadd.f32 v17, v20;
	v20 =	vadd.f32 v26, v35;
	v26 =	vld [tilespmem:s0+$0x133F0]  }
0x4cd: {  	v18 =	vadd.f32 v18, v25;
	v25 =	vadd.f32 v27, v36;
	v27 =	vld [tilespmem:s0+$0x13780]  }
0x4ce: {  	[tilespmem:s0+$0x13380] =	vst v17;
	v17 =	vadd.f32 v19, v20;
	v19 =	vadd.f32 v28, v37;
	v20 =	vld [tilespmem:s0+$0x13790]  }
0x4cf: {  	v62 =	vadd.f32 v29, v60;
	[tilespmem:s0+$0x13390] =	vst v18;
	v25 =	vadd.f32 v21, v25;
	v21 =	vld [tilespmem:s0+$0x137A0]  }
0x4d0: {  	v63 =	vadd.f32 v30, v61;
	v18 =	vld [tilespmem:s0+$0x137B0];
	[tilespmem:s0+$0x133A0] =	vst v17;
	v17 =	vadd.f32 v22, v19  }
0x4d1: {  	[tilespmem:s0+$0x133B0] =	vst v25;
	v22 =	vadd.f32 v23, v62;
	v19 =	vld [tilespmem:s0+$0x137C0];
	v23 =	vadd.f32 v31, v26  }
0x4d2: {  	s18 =	simm.s32 $0x100;
	v25 =	vadd.f32 v24, v63;
	v24 =	vadd.f32 v32, v27;
	[tilespmem:s0+$0x133C0] =	vst v17;
	v17 =	vld [tilespmem:s0+$0x137D0]  }
.LBB2_10:
0x4d3: {  	p0 =	sne.s32 s18, $0x3F00;
	[tilespmem:s0+$0x133D0] =	vst v22;
	v9 =	vadd.f32 v9, v23;
	v16 =	vadd.f32 v16, v20;
	v20 =	vld [tilespmem:s0+$0x137E0]  }
0x4d4: {  	s1 =	sadd.s32 $0x80, s1;
	[tilespmem:s0+$0x133E0] =	vst v25;
	v8 =	vadd.f32 v8, v24;
	v15 =	vadd.f32 v15, v21;
	v21 =	vld [tilespmem:s0+$0x137F0]  }
0x4d5: {  	s19 =	sand.u32 $0x3800, s18;
	s20 =	sand.u32 $0x380, s1;
	[tilespmem:s0+$0x133F0] =	vst v9;
	v7 =	vadd.f32 v7, v16;
	v9 =	vadd.f32 v14, v18;
	v14 =	vld [tilespmem:s0+$0x1B7E0]  }
0x4d6: {  	s19 =	sor.u32 s20, s19;
	[tilespmem:s0+$0x13780] =	vst v8;
	v6 =	vadd.f32 v6, v15;
	v8 =	vadd.f32 v13, v19;
	v13 =	vld [tilespmem:s0+$0x1B7F0]  }
0x4d7: {  	v18 =	vld [tilespmem:s19+$0x1B380];
	[tilespmem:s0+$0x13790] =	vst v7;
	v5 =	vadd.f32 v5, v9;
	v7 =	vadd.f32 v12, v17  }
0x4d8: {  	v17 =	vld [tilespmem:s19+$0x1B390];
	[tilespmem:s0+$0x137A0] =	vst v6;
	v4 =	vadd.f32 v4, v8;
	v6 =	vadd.f32 v11, v20  }
0x4d9: {  	v19 =	vld [tilespmem:s19+$0x1B3A0];
	[tilespmem:s0+$0x137B0] =	vst v5;
	v3 =	vadd.f32 v3, v7;
	v5 =	vadd.f32 v10, v21  }
0x4da: {  	v21 =	vld [tilespmem:s19+$0x1B3B0];
	[tilespmem:s0+$0x137C0] =	vst v4;
	v4 =	vadd.f32 v14, v6  }
0x4db: {  	v22 =	vld [tilespmem:s19+$0x1B3C0];
	[tilespmem:s0+$0x137D0] =	vst v3;
	v3 =	vadd.f32 v13, v5  }
0x4dc: {  	v23 =	vld [tilespmem:s19+$0x1B3D0];
	[tilespmem:s0+$0x137E0] =	vst v4  }
0x4dd: {  	v24 =	vld [tilespmem:s19+$0x1B3E0];
	[tilespmem:s0+$0x137F0] =	vst v3;
	s0 =	smov.u32 s19  }
0x4de: {  	v9 =	vld [tilespmem:s0+$0x1B3F0]  }
0x4df: {  	v8 =	vld [tilespmem:s0+$0x1B780]  }
0x4e0: {  	v7 =	vld [tilespmem:s0+$0x1B790]  }
0x4e1: {  	v6 =	vld [tilespmem:s0+$0x1B7A0]  }
0x4e2: {  	v5 =	vld [tilespmem:s0+$0x1B7B0]  }
0x4e3: {  	v4 =	vld [tilespmem:s0+$0x1B7C0]  }
0x4e4: {  	v3 =	vld [tilespmem:s0+$0x1B7D0]  }
0x4e5: {  	v20 =	vld [tilespmem:s0+$0x17380]  }
0x4e6: {  	v25 =	vld [tilespmem:s0+$0x17390]  }
0x4e7: {  	v26 =	vld [tilespmem:s0+$0x173A0]  }
0x4e8: {  	v27 =	vld [tilespmem:s0+$0x173B0]  }
0x4e9: {  	v28 =	vld [tilespmem:s0+$0x173C0]  }
0x4ea: {  	v29 =	vld [tilespmem:s0+$0x173D0]  }
0x4eb: {  	v30 =	vld [tilespmem:s0+$0x173E0]  }
0x4ec: {  	v31 =	vld [tilespmem:s0+$0x173F0]  }
0x4ed: {  	v32 =	vld [tilespmem:s0+$0x17780]  }
0x4ee: {  	v16 =	vld [tilespmem:s0+$0x17790]  }
0x4ef: {  	v15 =	vld [tilespmem:s0+$0x177A0]  }
0x4f0: {  	v14 =	vld [tilespmem:s0+$0x177B0]  }
0x4f1: {  	v13 =	vld [tilespmem:s0+$0x177C0]  }
0x4f2: {  	v12 =	vld [tilespmem:s0+$0x177D0]  }
0x4f3: {  	v11 =	vld [tilespmem:s0+$0x177E0]  }
0x4f4: {  	v10 =	vld [tilespmem:s0+$0x177F0]  }
0x4f5: {  	v33 =	vld [tilespmem:s0+$0x13380]  }
0x4f6: {  	v34 =	vld [tilespmem:s0+$0x13390]  }
0x4f7: {  	v35 =	vld [tilespmem:s0+$0x133A0]  }
0x4f8: {  	v36 =	vld [tilespmem:s0+$0x133B0]  }
0x4f9: {  	v37 =	vld [tilespmem:s0+$0x133C0]  }
0x4fa: {  	v20 =	vadd.f32 v20, v33;
	v33 =	vld [tilespmem:s0+$0x133D0]  }
0x4fb: {  	v25 =	vadd.f32 v25, v34;
	v34 =	vld [tilespmem:s0+$0x133E0]  }
0x4fc: {  	v18 =	vadd.f32 v18, v20;
	v20 =	vadd.f32 v26, v35;
	v26 =	vld [tilespmem:s0+$0x133F0]  }
0x4fd: {  	v17 =	vadd.f32 v17, v25;
	v25 =	vadd.f32 v27, v36;
	v27 =	vld [tilespmem:s0+$0x13780]  }
.Ltmp4:
0x4fe: {  	[tilespmem:s0+$0x13380] =	vst v18;
	v18 =	vadd.f32 v19, v20;
	v19 =	vadd.f32 v28, v37;
	v20 =	vld [tilespmem:s0+$0x13790];
	(pc) =	sbr.rel @p0 .LBB2_10-.Ltmp4, $4  }
0x4ff: {  	[tilespmem:s0+$0x13390] =	vst v17;
	v17 =	vadd.f32 v21, v25;
	v25 =	vadd.f32 v29, v33;
	v21 =	vld [tilespmem:s0+$0x137A0]  }
0x500: {  	[tilespmem:s0+$0x133A0] =	vst v18;
	v28 =	vadd.f32 v22, v19;
	v29 =	vadd.f32 v30, v34;
	v18 =	vld [tilespmem:s0+$0x137B0]  }
0x501: {  	[tilespmem:s0+$0x133B0] =	vst v17;
	v22 =	vadd.f32 v23, v25;
	v23 =	vadd.f32 v31, v26;
	v19 =	vld [tilespmem:s0+$0x137C0]  }
0x502: {  	s18 =	sadd.s32 $0x100, s18;
	[tilespmem:s0+$0x133C0] =	vst v28;
	v25 =	vadd.f32 v24, v29;
	v24 =	vadd.f32 v32, v27;
	v17 =	vld [tilespmem:s0+$0x137D0]  }
0x503: {  	[tilespmem:s0+$0x133D0] =	vst v22;
	v9 =	vadd.f32 v9, v23;
	v54 =	vld [tilespmem:s0+$0x137E0];
	v16 =	vadd.f32 v16, v20  }
0x504: {  	v55 =	vld [tilespmem:s0+$0x137F0];
	[tilespmem:s0+$0x133E0] =	vst v25;
	v8 =	vadd.f32 v8, v24;
	v56 =	vadd.f32 v15, v21  }
0x505: {  	v57 =	vld [tilespmem:s0+$0x1B7E0];
	[tilespmem:s0+$0x133F0] =	vst v9;
	v7 =	vadd.f32 v7, v16;
	v14 =	vadd.f32 v14, v18  }
0x506: {  	v59 =	vld [tilespmem:s0+$0x1B7F0];
	[tilespmem:s0+$0x13780] =	vst v8;
	v6 =	vadd.f32 v6, v56;
	v58 =	vadd.f32 v13, v19  }
0x507: {  	[tilespmem:s0+$0x13790] =	vst v7;
	v5 =	vadd.f32 v5, v14;
	v60 =	vadd.f32 v12, v17  }
0x508: {  	[tilespmem:s0+$0x137A0] =	vst v6;
	v4 =	vadd.f32 v4, v58;
	v61 =	vadd.f32 v11, v54  }
0x509: {  	v62 =	vadd.f32 v10, v55;
	[tilespmem:s0+$0x137B0] =	vst v5;
	v3 =	vadd.f32 v3, v60  }
0x50a: {  	[tilespmem:s0+$0x137C0] =	vst v4;
	v63 =	vadd.f32 v57, v61  }
0x50b: {  	[tilespmem:s0+$0x137D0] =	vst v3;
	v3 =	vadd.f32 v59, v62  }
0x50c: {  	[tilespmem:s0+$0x137E0] =	vst v63  }
0x50d: {  	s30 =	rddreg [dreg:$0xc];
	[tilespmem:s0+$0x137F0] =	vst v3  }
0x50e: {  	[hbm4b:s30+s3] =	stream.linear.scatter [tilespmem:s17], [sflag:$0x5], $0x4000, $0x38;
	[tilespmem:$0x1F380] =	vst v63  }
0x50f: {  	_ =	swait.ge [sflag:s2], $0x4000  }
0x510: {  	s1 =	rddreg [dreg:$0xe]  }
0x511: {  	s31 =	rddreg [dreg:$0xd];
	s1 =	sadd.s32 $0x1, s1  }
0x512: {  	p0 =	sne.s32 s1, s31  }
.Ltmp5:
0x513: {  	_ = 	snop;
	(pc) =	sbr.rel @p0 .LBB2_1-.Ltmp5, $3  }
0x514: {  	_ =	sdelay $0x1  }
0x515: {  	[sflag:s2] =	ssyncset.done $0x0  }
0x516: {  	[sflag:s2] =	ssyncadd.s32 $0xFFFFC000  }
0x517: {  	_ =	sfence.sel $0x180000  }
0x518: {  	[bflag:$0x0] =	sbarrier.arrive $0xFFFF  }
0x519: {  	_ =	strace $0x90000047  }
0x51a: {  	s0 =	stileid.u32;
	[bflag:$0x2] =	sbarrier.arrive $0xFFFF  }
0x51b: {  	p0 =	sne.s32 s0, $0x0;
	s0 =	rddreg [dreg:$0x2]  }
0x51c: {  	s0 =	sadd.s32 @!p0 $0x100000, s0  }
0x51d: {  	[sflag:s0] =	ssyncadd.tile.s32 @!p0 $0x1;
	_ =	shalt  }
.Lfunc_end2:
_tile_overlayer_lowered:
.L_overlay_start_2:
0x51e: {  	(tag) =	ssettag $0x2  }
0x51f: {  	s0 =	rddreg [dreg:$0x0];
	s2 =	stileid.u32  }
0x520: {  	s1 =	rddreg [dreg:$0x1];
	p0 =	sne.s32 s2, $0x0  }
0x521: {  	s3 =	rddreg [dreg:$0x2];
	[bflag:$0x3] =	sbarrier.arrive $0xFFFF;
	s2 =	simm.s32 @!p0 $0x1C06  }
0x522: {  	[timem:s3], [sflag:s2] =	dma.local @!p0 [hbm:s0], s1  }
0x523: {  	s0 =	simm.s32 @!p0 $0x6  }
0x524: {  	_ =	swait.ge @!p0 [sflag:s0], s1  }
0x525: {  	s1 =	ssub.s32 @!p0 $0x0, s1;
	[sflag:s0] =	ssyncset.done @!p0 $0x0  }
0x526: {  	[sflag:s0] =	ssyncadd.s32 @!p0 s1  }
0x527: {  	[bflag:$0x3] =	sbarrier.arrive $0xFFFF  }
0x528: {  	_ =	shalt  }

</sc_bundles>
